<compile_context>
chip_gen: v7x
topology: tpu7x:2x2x1
jax: 0.10.2.dev20260603
libtpu: 0.0.44.dev20260713+nightly
codegen_flags: <defaults>
</compile_context>

<pallas_src>
import jax
import jax.numpy as jnp
from jax import lax
from jax.experimental import pallas as pl
from jax.experimental.pallas import tpu as pltpu
from jax.experimental.pallas import tpu_sc as plsc

_NC, _NS = 2, 16
_NW = _NC * _NS


def _bcast(i16, scalar):
    return i16 * 0 + scalar


def _gb_body(tp, idx, out, idxf, ir0, ir1, pb0, pb1, ob0, ob1,
             gs0, gs1, ws0, ws1):
    wid = lax.axis_index("s") * _NC + lax.axis_index("c")
    i16 = lax.iota(jnp.int32, 16)
    irs, pbs, obs = (ir0, ir1), (pb0, pb1), (ob0, ob1)
    gsems, wsems = (gs0, gs1), (ws0, ws1)

    pltpu.sync_copy(idx.at[pl.ds(wid * 6400, 6400)], idxf)
    pat50 = i16 * 50

    def stage_idx(h, b):
        for g in range(8):
            addr = pat50 + (g * 16 * 50 + h)
            irs[b][pl.ds(g * 16, 16)] = plsc.load_gather(idxf, [addr])
        pltpu.async_copy(tp.at[irs[b]], pbs[b], gsems[b])

    def wait_gather(b):
        pltpu.make_async_copy(tp.at[pl.ds(0, 128), :], pbs[b], gsems[b]).wait()

    def shuffle_out(b):
        @plsc.parallel_loop(0, 64, unroll=8)
        def row(d):
            col = _bcast(i16, d)
            for g in range(8):
                x = plsc.load_gather(pbs[b], [i16 + g * 16, col])
                obs[b][d, pl.ds(g * 16, 16)] = x

    def start_write(h, b):
        pltpu.async_copy(obs[b], out.at[h, :, pl.ds(wid * 128, 128)], wsems[b])

    def wait_write(b):
        pltpu.make_async_copy(tp.at[pl.ds(0, 64), :], obs[b], wsems[b]).wait()

    stage_idx(0, 0)
    stage_idx(1, 1)
    for b in range(2):
        wait_gather(b)
        shuffle_out(b)
        start_write(b, b)
        stage_idx(b + 2, b)

    def step(h2, carry):
        for b in range(2):
            h = 2 * h2 + b
            wait_gather(b)
            wait_write(b)
            shuffle_out(b)
            start_write(h, b)
            stage_idx(h + 2, b)
        return carry

    lax.fori_loop(1, 24, step, 0)

    for b in range(2):
        wait_gather(b)
        wait_write(b)
        shuffle_out(b)
        start_write(48 + b, b)
    for b in range(2):
        wait_write(b)


def kernel(x, embed_weight):
    B, H = x.shape
    V, D = embed_weight.shape
    mesh = plsc.VectorSubcoreMesh(core_axis_name="c", subcore_axis_name="s")
    params = pltpu.CompilerParams(
        use_tc_tiling_on_sc=True, needs_layout_passes=False
    )

    tp = jnp.zeros((V, 128), jnp.float32).at[:, :D].set(embed_weight)
    idx = x.reshape(B * H).astype(jnp.int32)

    gather_fn = pl.kernel(
        _gb_body,
        out_type=jax.ShapeDtypeStruct((H, D, B), jnp.float32),
        mesh=mesh,
        compiler_params=params,
        scratch_types=[
            pltpu.VMEM((6400,), jnp.int32),
            pltpu.VMEM((128,), jnp.int32),
            pltpu.VMEM((128,), jnp.int32),
            pltpu.VMEM((128, 128), jnp.float32),
            pltpu.VMEM((128, 128), jnp.float32),
            pltpu.VMEM((64, 128), jnp.float32),
            pltpu.VMEM((64, 128), jnp.float32),
            pltpu.SemaphoreType.DMA,
            pltpu.SemaphoreType.DMA,
            pltpu.SemaphoreType.DMA,
            pltpu.SemaphoreType.DMA,
        ],
    )
    outb = gather_fn(tp, idx)
    return jnp.transpose(outb, (2, 0, 1))

# --- scband reference (transcript-rebuilt; emitter-appended) ---
"""Pipeline reference for scband-embedder-17703855194655 (READ-ONLY COPY).

The authoritative reference and input builder live on the scoring server;
editing this copy changes nothing except your own understanding.
"""

import jax, jax.numpy as jnp
import numpy as np

VOCAB = 1000000
D_MODEL = 64
BATCH = 4096
HIST = 50

def setup_inputs(seed: int = 0) -> dict:
    key = jax.random.key(seed)
    k1, k2 = jax.random.split(key)
    x = jax.random.randint(k1, (BATCH, HIST), 0, VOCAB, dtype=jnp.int64 if jax.config.jax_enable_x64 else jnp.int32)
    # embedding table, default nn.Embedding init ~ N(0,1)
    embed_weight = jax.random.normal(k2, (VOCAB, D_MODEL), dtype=jnp.float32)
    return {"x": x, "embed_weight": embed_weight}

def reference(x, embed_weight):
    # Embedder.forward with is_encoder=None (no LSTM branch): plain embedding lookup
    out = jnp.take(embed_weight, x, axis=0)
    return out

if __name__ == "__main__":
    import jax
    _d = setup_inputs()
    print(jax.jit(kernel)(*tuple(_d.values())))

</pallas_src>

<mosaic_0001>
#map = affine_map<(d0, d1) -> (0, 0)>
#map1 = affine_map<(d0, d1) -> (0)>
#map2 = affine_map<(d0, d1) -> (0, 0, 0)>
module attributes {stable_mosaic.version = 14 : i64} {
  func.func @_gb_body(%arg0: i32, %arg1: i32, %arg2: memref<1000000x128xf32, #tpu.memory_space<hbm>>, %arg3: memref<204800xi32, #tpu.memory_space<hbm>>, %arg4: memref<50x64x4096xf32, #tpu.memory_space<hbm>>, %arg5: memref<6400xi32, #tpu.memory_space<vmem>>, %arg6: memref<128xi32, #tpu.memory_space<vmem>>, %arg7: memref<128xi32, #tpu.memory_space<vmem>>, %arg8: memref<128x128xf32, #tpu.memory_space<vmem>>, %arg9: memref<128x128xf32, #tpu.memory_space<vmem>>, %arg10: memref<64x128xf32, #tpu.memory_space<vmem>>, %arg11: memref<64x128xf32, #tpu.memory_space<vmem>>, %arg12: memref<!tpu.dma_semaphore, #tpu.memory_space<semaphore_mem>>, %arg13: memref<!tpu.dma_semaphore, #tpu.memory_space<semaphore_mem>>, %arg14: memref<!tpu.dma_semaphore, #tpu.memory_space<semaphore_mem>>, %arg15: memref<!tpu.dma_semaphore, #tpu.memory_space<semaphore_mem>>) attributes {dimension_semantics = [#tpu.dimension_semantics<core_parallel>, #tpu.dimension_semantics<subcore_parallel>], iteration_bounds = array<i64: 2, 16>, scalar_prefetch = 0 : i64, scratch_operands = 11 : i64, tpu.core_type = #tpu.core_type<sc_vector_subcore>, window_params = [{transform_indices = #map}, {transform_indices = #map1}, {transform_indices = #map2}]} {
    %mul3A = arith.constant 2 : i32
    %mul3A_0 = arith.muli %arg1, %mul3A : i32
    %add3A = arith.addi %mul3A_0, %arg0 : i32
    %iota3A = tpu.iota {dimensions = array<i32: 0>} : vector<16xi32>
    %mul3A_1 = arith.constant 6400 : i32
    %mul3A_2 = arith.muli %add3A, %mul3A_1 : i32
    "tpu.region"() ({
      %run_scoped3A = tpu.sem_alloc : memref<!tpu.dma_semaphore, #tpu.memory_space<semaphore_mem>>
      %dma_start3A_306 = tpu.memref_slice %arg3[%mul3A_2] : memref<204800xi32, #tpu.memory_space<hbm>> -> memref<6400xi32, #tpu.memory_space<hbm>>
      %dma_start3A_307 = tpu.memref_slice %arg3[%mul3A_2] : memref<204800xi32, #tpu.memory_space<hbm>> -> memref<6400xi32, #tpu.memory_space<hbm>>
      tpu.enqueue_dma source(%dma_start3A_307 : memref<6400xi32, #tpu.memory_space<hbm>>) target(%arg5 : memref<6400xi32, #tpu.memory_space<vmem>>) target_semaphore(%run_scoped3A : memref<!tpu.dma_semaphore, #tpu.memory_space<semaphore_mem>>)
      %dma_wait3A_308 = tpu.memref_slice %arg3[%mul3A_2] : memref<204800xi32, #tpu.memory_space<hbm>> -> memref<6400xi32, #tpu.memory_space<hbm>>
      %dma_wait3A_309 = tpu.memref_slice %arg3[%mul3A_2] : memref<204800xi32, #tpu.memory_space<hbm>> -> memref<6400xi32, #tpu.memory_space<hbm>>
      tpu.wait_dma2 semaphore(%run_scoped3A : memref<!tpu.dma_semaphore, #tpu.memory_space<semaphore_mem>>) src(%dma_wait3A_309 : memref<6400xi32, #tpu.memory_space<hbm>>) dst(%arg5 : memref<6400xi32, #tpu.memory_space<vmem>>)
      tpu.yield
    }) : () -> ()
    %mul3A_3 = arith.constant 50 : i32
    %mul3A_4 = vector.broadcast %mul3A_3 : i32 to vector<16xi32>
    %mul3A_5 = arith.muli %iota3A, %mul3A_4 : vector<16xi32>
    %add3A_6 = arith.constant 0 : i32
    %add3A_7 = vector.broadcast %add3A_6 : i32 to vector<16xi32>
    %add3A_8 = arith.addi %mul3A_5, %add3A_7 : vector<16xi32>
    %gather3A = tpu.vector_load_idx %arg5[%add3A_8] : memref<6400xi32, #tpu.memory_space<vmem>>[vector<16xi32>], vector<16xi32>,
    %swap3A = arith.constant 0 : index
    %swap3A_9 = tpu.vector_load %arg6[%swap3A] {strides = array<i32>} : memref<128xi32, #tpu.memory_space<vmem>>, vector<16xi32>,
    tpu.vector_store %arg6[%swap3A], %gather3A {strides = array<i32>} : memref<128xi32, #tpu.memory_space<vmem>>, vector<16xi32>,
    %add3A_10 = arith.constant 800 : i32
    %add3A_11 = vector.broadcast %add3A_10 : i32 to vector<16xi32>
    %add3A_12 = arith.addi %mul3A_5, %add3A_11 : vector<16xi32>
    %gather3A_13 = tpu.vector_load_idx %arg5[%add3A_12] : memref<6400xi32, #tpu.memory_space<vmem>>[vector<16xi32>], vector<16xi32>,
    %swap3A_14 = arith.constant 16 : index
    %swap3A_15 = tpu.vector_load %arg6[%swap3A_14] {strides = array<i32>} : memref<128xi32, #tpu.memory_space<vmem>>, vector<16xi32>,
    tpu.vector_store %arg6[%swap3A_14], %gather3A_13 {strides = array<i32>} : memref<128xi32, #tpu.memory_space<vmem>>, vector<16xi32>,
    %add3A_16 = arith.constant 1600 : i32
    %add3A_17 = vector.broadcast %add3A_16 : i32 to vector<16xi32>
    %add3A_18 = arith.addi %mul3A_5, %add3A_17 : vector<16xi32>
    %gather3A_19 = tpu.vector_load_idx %arg5[%add3A_18] : memref<6400xi32, #tpu.memory_space<vmem>>[vector<16xi32>], vector<16xi32>,
    %swap3A_20 = arith.constant 32 : index
    %swap3A_21 = tpu.vector_load %arg6[%swap3A_20] {strides = array<i32>} : memref<128xi32, #tpu.memory_space<vmem>>, vector<16xi32>,
    tpu.vector_store %arg6[%swap3A_20], %gather3A_19 {strides = array<i32>} : memref<128xi32, #tpu.memory_space<vmem>>, vector<16xi32>,
    %add3A_22 = arith.constant 2400 : i32
    %add3A_23 = vector.broadcast %add3A_22 : i32 to vector<16xi32>
    %add3A_24 = arith.addi %mul3A_5, %add3A_23 : vector<16xi32>
    %gather3A_25 = tpu.vector_load_idx %arg5[%add3A_24] : memref<6400xi32, #tpu.memory_space<vmem>>[vector<16xi32>], vector<16xi32>,
    %swap3A_26 = arith.constant 48 : index
    %swap3A_27 = tpu.vector_load %arg6[%swap3A_26] {strides = array<i32>} : memref<128xi32, #tpu.memory_space<vmem>>, vector<16xi32>,
    tpu.vector_store %arg6[%swap3A_26], %gather3A_25 {strides = array<i32>} : memref<128xi32, #tpu.memory_space<vmem>>, vector<16xi32>,
    %add3A_28 = arith.constant 3200 : i32
    %add3A_29 = vector.broadcast %add3A_28 : i32 to vector<16xi32>
    %add3A_30 = arith.addi %mul3A_5, %add3A_29 : vector<16xi32>
    %gather3A_31 = tpu.vector_load_idx %arg5[%add3A_30] : memref<6400xi32, #tpu.memory_space<vmem>>[vector<16xi32>], vector<16xi32>,
    %swap3A_32 = arith.constant 64 : index
    %swap3A_33 = tpu.vector_load %arg6[%swap3A_32] {strides = array<i32>} : memref<128xi32, #tpu.memory_space<vmem>>, vector<16xi32>,
    tpu.vector_store %arg6[%swap3A_32], %gather3A_31 {strides = array<i32>} : memref<128xi32, #tpu.memory_space<vmem>>, vector<16xi32>,
    %add3A_34 = arith.constant 4000 : i32
    %add3A_35 = vector.broadcast %add3A_34 : i32 to vector<16xi32>
    %add3A_36 = arith.addi %mul3A_5, %add3A_35 : vector<16xi32>
    %gather3A_37 = tpu.vector_load_idx %arg5[%add3A_36] : memref<6400xi32, #tpu.memory_space<vmem>>[vector<16xi32>], vector<16xi32>,
    %swap3A_38 = arith.constant 80 : index
    %swap3A_39 = tpu.vector_load %arg6[%swap3A_38] {strides = array<i32>} : memref<128xi32, #tpu.memory_space<vmem>>, vector<16xi32>,
    tpu.vector_store %arg6[%swap3A_38], %gather3A_37 {strides = array<i32>} : memref<128xi32, #tpu.memory_space<vmem>>, vector<16xi32>,
    %add3A_40 = arith.constant 4800 : i32
    %add3A_41 = vector.broadcast %add3A_40 : i32 to vector<16xi32>
    %add3A_42 = arith.addi %mul3A_5, %add3A_41 : vector<16xi32>
    %gather3A_43 = tpu.vector_load_idx %arg5[%add3A_42] : memref<6400xi32, #tpu.memory_space<vmem>>[vector<16xi32>], vector<16xi32>,
    %swap3A_44 = arith.constant 96 : index
    %swap3A_45 = tpu.vector_load %arg6[%swap3A_44] {strides = array<i32>} : memref<128xi32, #tpu.memory_space<vmem>>, vector<16xi32>,
    tpu.vector_store %arg6[%swap3A_44], %gather3A_43 {strides = array<i32>} : memref<128xi32, #tpu.memory_space<vmem>>, vector<16xi32>,
    %add3A_46 = arith.constant 5600 : i32
    %add3A_47 = vector.broadcast %add3A_46 : i32 to vector<16xi32>
    %add3A_48 = arith.addi %mul3A_5, %add3A_47 : vector<16xi32>
    %gather3A_49 = tpu.vector_load_idx %arg5[%add3A_48] : memref<6400xi32, #tpu.memory_space<vmem>>[vector<16xi32>], vector<16xi32>,
    %swap3A_50 = arith.constant 112 : index
    %swap3A_51 = tpu.vector_load %arg6[%swap3A_50] {strides = array<i32>} : memref<128xi32, #tpu.memory_space<vmem>>, vector<16xi32>,
    tpu.vector_store %arg6[%swap3A_50], %gather3A_49 {strides = array<i32>} : memref<128xi32, #tpu.memory_space<vmem>>, vector<16xi32>,
    %dma_start3A = arith.constant 0 : i32
    %dma_start3A_52 = arith.constant 0 : i32
    %dma_start3A_53 = tpu.memref_slice %arg2[%dma_start3A, %dma_start3A_52] : memref<1000000x128xf32, #tpu.memory_space<hbm>> -> memref<1000000x128xf32, #tpu.memory_space<hbm>>
    tpu.enqueue_indirect_dma source(%dma_start3A_53 : memref<1000000x128xf32, #tpu.memory_space<hbm>>) target(%arg8 : memref<128x128xf32, #tpu.memory_space<vmem>>) offsets(%arg6 : memref<128xi32, #tpu.memory_space<vmem>>) semaphore(%arg12 : memref<!tpu.dma_semaphore, #tpu.memory_space<semaphore_mem>>)
    %add3A_54 = arith.constant 1 : i32
    %add3A_55 = vector.broadcast %add3A_54 : i32 to vector<16xi32>
    %add3A_56 = arith.addi %mul3A_5, %add3A_55 : vector<16xi32>
    %gather3A_57 = tpu.vector_load_idx %arg5[%add3A_56] : memref<6400xi32, #tpu.memory_space<vmem>>[vector<16xi32>], vector<16xi32>,
    %swap3A_58 = arith.constant 0 : index
    %swap3A_59 = tpu.vector_load %arg7[%swap3A_58] {strides = array<i32>} : memref<128xi32, #tpu.memory_space<vmem>>, vector<16xi32>,
    tpu.vector_store %arg7[%swap3A_58], %gather3A_57 {strides = array<i32>} : memref<128xi32, #tpu.memory_space<vmem>>, vector<16xi32>,
    %add3A_60 = arith.constant 801 : i32
    %add3A_61 = vector.broadcast %add3A_60 : i32 to vector<16xi32>
    %add3A_62 = arith.addi %mul3A_5, %add3A_61 : vector<16xi32>
    %gather3A_63 = tpu.vector_load_idx %arg5[%add3A_62] : memref<6400xi32, #tpu.memory_space<vmem>>[vector<16xi32>], vector<16xi32>,
    %swap3A_64 = arith.constant 16 : index
    %swap3A_65 = tpu.vector_load %arg7[%swap3A_64] {strides = array<i32>} : memref<128xi32, #tpu.memory_space<vmem>>, vector<16xi32>,
    tpu.vector_store %arg7[%swap3A_64], %gather3A_63 {strides = array<i32>} : memref<128xi32, #tpu.memory_space<vmem>>, vector<16xi32>,
    %add3A_66 = arith.constant 1601 : i32
    %add3A_67 = vector.broadcast %add3A_66 : i32 to vector<16xi32>
    %add3A_68 = arith.addi %mul3A_5, %add3A_67 : vector<16xi32>
    %gather3A_69 = tpu.vector_load_idx %arg5[%add3A_68] : memref<6400xi32, #tpu.memory_space<vmem>>[vector<16xi32>], vector<16xi32>,
    %swap3A_70 = arith.constant 32 : index
    %swap3A_71 = tpu.vector_load %arg7[%swap3A_70] {strides = array<i32>} : memref<128xi32, #tpu.memory_space<vmem>>, vector<16xi32>,
    tpu.vector_store %arg7[%swap3A_70], %gather3A_69 {strides = array<i32>} : memref<128xi32, #tpu.memory_space<vmem>>, vector<16xi32>,
    %add3A_72 = arith.constant 2401 : i32
    %add3A_73 = vector.broadcast %add3A_72 : i32 to vector<16xi32>
    %add3A_74 = arith.addi %mul3A_5, %add3A_73 : vector<16xi32>
    %gather3A_75 = tpu.vector_load_idx %arg5[%add3A_74] : memref<6400xi32, #tpu.memory_space<vmem>>[vector<16xi32>], vector<16xi32>,
    %swap3A_76 = arith.constant 48 : index
    %swap3A_77 = tpu.vector_load %arg7[%swap3A_76] {strides = array<i32>} : memref<128xi32, #tpu.memory_space<vmem>>, vector<16xi32>,
    tpu.vector_store %arg7[%swap3A_76], %gather3A_75 {strides = array<i32>} : memref<128xi32, #tpu.memory_space<vmem>>, vector<16xi32>,
    %add3A_78 = arith.constant 3201 : i32
    %add3A_79 = vector.broadcast %add3A_78 : i32 to vector<16xi32>
    %add3A_80 = arith.addi %mul3A_5, %add3A_79 : vector<16xi32>
    %gather3A_81 = tpu.vector_load_idx %arg5[%add3A_80] : memref<6400xi32, #tpu.memory_space<vmem>>[vector<16xi32>], vector<16xi32>,
    %swap3A_82 = arith.constant 64 : index
    %swap3A_83 = tpu.vector_load %arg7[%swap3A_82] {strides = array<i32>} : memref<128xi32, #tpu.memory_space<vmem>>, vector<16xi32>,
    tpu.vector_store %arg7[%swap3A_82], %gather3A_81 {strides = array<i32>} : memref<128xi32, #tpu.memory_space<vmem>>, vector<16xi32>,
    %add3A_84 = arith.constant 4001 : i32
    %add3A_85 = vector.broadcast %add3A_84 : i32 to vector<16xi32>
    %add3A_86 = arith.addi %mul3A_5, %add3A_85 : vector<16xi32>
    %gather3A_87 = tpu.vector_load_idx %arg5[%add3A_86] : memref<6400xi32, #tpu.memory_space<vmem>>[vector<16xi32>], vector<16xi32>,
    %swap3A_88 = arith.constant 80 : index
    %swap3A_89 = tpu.vector_load %arg7[%swap3A_88] {strides = array<i32>} : memref<128xi32, #tpu.memory_space<vmem>>, vector<16xi32>,
    tpu.vector_store %arg7[%swap3A_88], %gather3A_87 {strides = array<i32>} : memref<128xi32, #tpu.memory_space<vmem>>, vector<16xi32>,
    %add3A_90 = arith.constant 4801 : i32
    %add3A_91 = vector.broadcast %add3A_90 : i32 to vector<16xi32>
    %add3A_92 = arith.addi %mul3A_5, %add3A_91 : vector<16xi32>
    %gather3A_93 = tpu.vector_load_idx %arg5[%add3A_92] : memref<6400xi32, #tpu.memory_space<vmem>>[vector<16xi32>], vector<16xi32>,
    %swap3A_94 = arith.constant 96 : index
    %swap3A_95 = tpu.vector_load %arg7[%swap3A_94] {strides = array<i32>} : memref<128xi32, #tpu.memory_space<vmem>>, vector<16xi32>,
    tpu.vector_store %arg7[%swap3A_94], %gather3A_93 {strides = array<i32>} : memref<128xi32, #tpu.memory_space<vmem>>, vector<16xi32>,
    %add3A_96 = arith.constant 5601 : i32
    %add3A_97 = vector.broadcast %add3A_96 : i32 to vector<16xi32>
    %add3A_98 = arith.addi %mul3A_5, %add3A_97 : vector<16xi32>
    %gather3A_99 = tpu.vector_load_idx %arg5[%add3A_98] : memref<6400xi32, #tpu.memory_space<vmem>>[vector<16xi32>], vector<16xi32>,
    %swap3A_100 = arith.constant 112 : index
    %swap3A_101 = tpu.vector_load %arg7[%swap3A_100] {strides = array<i32>} : memref<128xi32, #tpu.memory_space<vmem>>, vector<16xi32>,
    tpu.vector_store %arg7[%swap3A_100], %gather3A_99 {strides = array<i32>} : memref<128xi32, #tpu.memory_space<vmem>>, vector<16xi32>,
    %dma_start3A_102 = arith.constant 0 : i32
    %dma_start3A_103 = arith.constant 0 : i32
    %dma_start3A_104 = tpu.memref_slice %arg2[%dma_start3A_102, %dma_start3A_103] : memref<1000000x128xf32, #tpu.memory_space<hbm>> -> memref<1000000x128xf32, #tpu.memory_space<hbm>>
    tpu.enqueue_indirect_dma source(%dma_start3A_104 : memref<1000000x128xf32, #tpu.memory_space<hbm>>) target(%arg9 : memref<128x128xf32, #tpu.memory_space<vmem>>) offsets(%arg7 : memref<128xi32, #tpu.memory_space<vmem>>) semaphore(%arg13 : memref<!tpu.dma_semaphore, #tpu.memory_space<semaphore_mem>>)
    %dma_wait3A = arith.constant 0 : i32
    %dma_wait3A_105 = arith.constant 0 : i32
    %dma_wait3A_106 = tpu.memref_slice %arg2[%dma_wait3A, %dma_wait3A_105] : memref<1000000x128xf32, #tpu.memory_space<hbm>> -> memref<128x128xf32, #tpu.memory_space<hbm>>
    %dma_wait3A_107 = arith.constant 0 : i32
    %dma_wait3A_108 = arith.constant 0 : i32
    %dma_wait3A_109 = tpu.memref_slice %arg2[%dma_wait3A_107, %dma_wait3A_108] : memref<1000000x128xf32, #tpu.memory_space<hbm>> -> memref<128x128xf32, #tpu.memory_space<hbm>>
    tpu.wait_dma2 semaphore(%arg12 : memref<!tpu.dma_semaphore, #tpu.memory_space<semaphore_mem>>) src(%dma_wait3A_109 : memref<128x128xf32, #tpu.memory_space<hbm>>) dst(%arg8 : memref<128x128xf32, #tpu.memory_space<vmem>>)
    %parallel_loop3A = arith.constant 0 : i32
    %parallel_loop3A_110 = arith.constant 64 : i32
    %parallel_loop3A_111 = arith.constant 1 : i32
    scf.for %parallel_loop3A_306 = %parallel_loop3A to %parallel_loop3A_110 step %parallel_loop3A_111  : i32 {
      %parallel_loop3A_307 = arith.constant 0 : i32
      %parallel_loop3A_308 = vector.broadcast %parallel_loop3A_307 : i32 to vector<16xi32>
      %parallel_loop3A_309 = arith.muli %iota3A, %parallel_loop3A_308 : vector<16xi32>
      %parallel_loop3A_310 = vector.broadcast %parallel_loop3A_306 : i32 to vector<16xi32>
      %parallel_loop3A_311 = arith.addi %parallel_loop3A_309, %parallel_loop3A_310 : vector<16xi32>
      %parallel_loop3A_312 = arith.constant 0 : i32
      %parallel_loop3A_313 = vector.broadcast %parallel_loop3A_312 : i32 to vector<16xi32>
      %parallel_loop3A_314 = arith.addi %iota3A, %parallel_loop3A_313 : vector<16xi32>
      %parallel_loop3A_315 = tpu.vector_load_idx %arg8[%parallel_loop3A_314, %parallel_loop3A_311] : memref<128x128xf32, #tpu.memory_space<vmem>>[vector<16xi32>, vector<16xi32>], vector<16xf32>,
      %parallel_loop3A_316 = arith.index_cast %parallel_loop3A_306 : i32 to index
      %parallel_loop3A_317 = arith.constant 0 : index
      %parallel_loop3A_318 = tpu.vector_load %arg10[%parallel_loop3A_316, %parallel_loop3A_317] {strides = array<i32>} : memref<64x128xf32, #tpu.memory_space<vmem>>, vector<16xf32>,
      tpu.vector_store %arg10[%parallel_loop3A_316, %parallel_loop3A_317], %parallel_loop3A_315 {strides = array<i32>} : memref<64x128xf32, #tpu.memory_space<vmem>>, vector<16xf32>,
      %parallel_loop3A_319 = arith.constant 16 : i32
      %parallel_loop3A_320 = vector.broadcast %parallel_loop3A_319 : i32 to vector<16xi32>
      %parallel_loop3A_321 = arith.addi %iota3A, %parallel_loop3A_320 : vector<16xi32>
      %parallel_loop3A_322 = tpu.vector_load_idx %arg8[%parallel_loop3A_321, %parallel_loop3A_311] : memref<128x128xf32, #tpu.memory_space<vmem>>[vector<16xi32>, vector<16xi32>], vector<16xf32>,
      %parallel_loop3A_323 = arith.index_cast %parallel_loop3A_306 : i32 to index
      %parallel_loop3A_324 = arith.constant 16 : index
      %parallel_loop3A_325 = tpu.vector_load %arg10[%parallel_loop3A_323, %parallel_loop3A_324] {strides = array<i32>} : memref<64x128xf32, #tpu.memory_space<vmem>>, vector<16xf32>,
      tpu.vector_store %arg10[%parallel_loop3A_323, %parallel_loop3A_324], %parallel_loop3A_322 {strides = array<i32>} : memref<64x128xf32, #tpu.memory_space<vmem>>, vector<16xf32>,
      %parallel_loop3A_326 = arith.constant 32 : i32
      %parallel_loop3A_327 = vector.broadcast %parallel_loop3A_326 : i32 to vector<16xi32>
      %parallel_loop3A_328 = arith.addi %iota3A, %parallel_loop3A_327 : vector<16xi32>
      %parallel_loop3A_329 = tpu.vector_load_idx %arg8[%parallel_loop3A_328, %parallel_loop3A_311] : memref<128x128xf32, #tpu.memory_space<vmem>>[vector<16xi32>, vector<16xi32>], vector<16xf32>,
      %parallel_loop3A_330 = arith.index_cast %parallel_loop3A_306 : i32 to index
      %parallel_loop3A_331 = arith.constant 32 : index
      %parallel_loop3A_332 = tpu.vector_load %arg10[%parallel_loop3A_330, %parallel_loop3A_331] {strides = array<i32>} : memref<64x128xf32, #tpu.memory_space<vmem>>, vector<16xf32>,
      tpu.vector_store %arg10[%parallel_loop3A_330, %parallel_loop3A_331], %parallel_loop3A_329 {strides = array<i32>} : memref<64x128xf32, #tpu.memory_space<vmem>>, vector<16xf32>,
      %parallel_loop3A_333 = arith.constant 48 : i32
      %parallel_loop3A_334 = vector.broadcast %parallel_loop3A_333 : i32 to vector<16xi32>
      %parallel_loop3A_335 = arith.addi %iota3A, %parallel_loop3A_334 : vector<16xi32>
      %parallel_loop3A_336 = tpu.vector_load_idx %arg8[%parallel_loop3A_335, %parallel_loop3A_311] : memref<128x128xf32, #tpu.memory_space<vmem>>[vector<16xi32>, vector<16xi32>], vector<16xf32>,
      %parallel_loop3A_337 = arith.index_cast %parallel_loop3A_306 : i32 to index
      %parallel_loop3A_338 = arith.constant 48 : index
      %parallel_loop3A_339 = tpu.vector_load %arg10[%parallel_loop3A_337, %parallel_loop3A_338] {strides = array<i32>} : memref<64x128xf32, #tpu.memory_space<vmem>>, vector<16xf32>,
      tpu.vector_store %arg10[%parallel_loop3A_337, %parallel_loop3A_338], %parallel_loop3A_336 {strides = array<i32>} : memref<64x128xf32, #tpu.memory_space<vmem>>, vector<16xf32>,
      %parallel_loop3A_340 = arith.constant 64 : i32
      %parallel_loop3A_341 = vector.broadcast %parallel_loop3A_340 : i32 to vector<16xi32>
      %parallel_loop3A_342 = arith.addi %iota3A, %parallel_loop3A_341 : vector<16xi32>
      %parallel_loop3A_343 = tpu.vector_load_idx %arg8[%parallel_loop3A_342, %parallel_loop3A_311] : memref<128x128xf32, #tpu.memory_space<vmem>>[vector<16xi32>, vector<16xi32>], vector<16xf32>,
      %parallel_loop3A_344 = arith.index_cast %parallel_loop3A_306 : i32 to index
      %parallel_loop3A_345 = arith.constant 64 : index
      %parallel_loop3A_346 = tpu.vector_load %arg10[%parallel_loop3A_344, %parallel_loop3A_345] {strides = array<i32>} : memref<64x128xf32, #tpu.memory_space<vmem>>, vector<16xf32>,
      tpu.vector_store %arg10[%parallel_loop3A_344, %parallel_loop3A_345], %parallel_loop3A_343 {strides = array<i32>} : memref<64x128xf32, #tpu.memory_space<vmem>>, vector<16xf32>,
      %parallel_loop3A_347 = arith.constant 80 : i32
      %parallel_loop3A_348 = vector.broadcast %parallel_loop3A_347 : i32 to vector<16xi32>
      %parallel_loop3A_349 = arith.addi %iota3A, %parallel_loop3A_348 : vector<16xi32>
      %parallel_loop3A_350 = tpu.vector_load_idx %arg8[%parallel_loop3A_349, %parallel_loop3A_311] : memref<128x128xf32, #tpu.memory_space<vmem>>[vector<16xi32>, vector<16xi32>], vector<16xf32>,
      %parallel_loop3A_351 = arith.index_cast %parallel_loop3A_306 : i32 to index
      %parallel_loop3A_352 = arith.constant 80 : index
      %parallel_loop3A_353 = tpu.vector_load %arg10[%parallel_loop3A_351, %parallel_loop3A_352] {strides = array<i32>} : memref<64x128xf32, #tpu.memory_space<vmem>>, vector<16xf32>,
      tpu.vector_store %arg10[%parallel_loop3A_351, %parallel_loop3A_352], %parallel_loop3A_350 {strides = array<i32>} : memref<64x128xf32, #tpu.memory_space<vmem>>, vector<16xf32>,
      %parallel_loop3A_354 = arith.constant 96 : i32
      %parallel_loop3A_355 = vector.broadcast %parallel_loop3A_354 : i32 to vector<16xi32>
      %parallel_loop3A_356 = arith.addi %iota3A, %parallel_loop3A_355 : vector<16xi32>
      %parallel_loop3A_357 = tpu.vector_load_idx %arg8[%parallel_loop3A_356, %parallel_loop3A_311] : memref<128x128xf32, #tpu.memory_space<vmem>>[vector<16xi32>, vector<16xi32>], vector<16xf32>,
      %parallel_loop3A_358 = arith.index_cast %parallel_loop3A_306 : i32 to index
      %parallel_loop3A_359 = arith.constant 96 : index
      %parallel_loop3A_360 = tpu.vector_load %arg10[%parallel_loop3A_358, %parallel_loop3A_359] {strides = array<i32>} : memref<64x128xf32, #tpu.memory_space<vmem>>, vector<16xf32>,
      tpu.vector_store %arg10[%parallel_loop3A_358, %parallel_loop3A_359], %parallel_loop3A_357 {strides = array<i32>} : memref<64x128xf32, #tpu.memory_space<vmem>>, vector<16xf32>,
      %parallel_loop3A_361 = arith.constant 112 : i32
      %parallel_loop3A_362 = vector.broadcast %parallel_loop3A_361 : i32 to vector<16xi32>
      %parallel_loop3A_363 = arith.addi %iota3A, %parallel_loop3A_362 : vector<16xi32>
      %parallel_loop3A_364 = tpu.vector_load_idx %arg8[%parallel_loop3A_363, %parallel_loop3A_311] : memref<128x128xf32, #tpu.memory_space<vmem>>[vector<16xi32>, vector<16xi32>], vector<16xf32>,
      %parallel_loop3A_365 = arith.index_cast %parallel_loop3A_306 : i32 to index
      %parallel_loop3A_366 = arith.constant 112 : index
      %parallel_loop3A_367 = tpu.vector_load %arg10[%parallel_loop3A_365, %parallel_loop3A_366] {strides = array<i32>} : memref<64x128xf32, #tpu.memory_space<vmem>>, vector<16xf32>,
      tpu.vector_store %arg10[%parallel_loop3A_365, %parallel_loop3A_366], %parallel_loop3A_364 {strides = array<i32>} : memref<64x128xf32, #tpu.memory_space<vmem>>, vector<16xf32>,
    } {sc.loop_unroll_factor = 8 : i64, sc.parallel_access}
    %mul3A_112 = arith.constant 128 : i32
    %mul3A_113 = arith.muli %add3A, %mul3A_112 : i32
    %dma_start3A_114 = arith.constant 0 : i32
    %dma_start3A_115 = arith.constant 0 : i32
    %dma_start3A_116 = tpu.memref_slice %arg4[%dma_start3A_114, %dma_start3A_115, %mul3A_113] : memref<50x64x4096xf32, #tpu.memory_space<hbm>> -> memref<1x64x128xf32, #tpu.memory_space<hbm>>
    %dma_start3A_117 = tpu.memref_squeeze %dma_start3A_116 : memref<1x64x128xf32, #tpu.memory_space<hbm>> -> memref<64x128xf32, #tpu.memory_space<hbm>>
    %dma_start3A_118 = arith.constant 0 : i32
    %dma_start3A_119 = tpu.memref_slice %arg4[%dma_start3A_114, %dma_start3A_118, %mul3A_113] : memref<50x64x4096xf32, #tpu.memory_space<hbm>> -> memref<1x64x128xf32, #tpu.memory_space<hbm>>
    %dma_start3A_120 = tpu.memref_squeeze %dma_start3A_119 : memref<1x64x128xf32, #tpu.memory_space<hbm>> -> memref<64x128xf32, #tpu.memory_space<hbm>>
    tpu.enqueue_dma source(%arg10 : memref<64x128xf32, #tpu.memory_space<vmem>>) target(%dma_start3A_120 : memref<64x128xf32, #tpu.memory_space<hbm>>) target_semaphore(%arg14 : memref<!tpu.dma_semaphore, #tpu.memory_space<semaphore_mem>>)
    %add3A_121 = arith.constant 2 : i32
    %add3A_122 = vector.broadcast %add3A_121 : i32 to vector<16xi32>
    %add3A_123 = arith.addi %mul3A_5, %add3A_122 : vector<16xi32>
    %gather3A_124 = tpu.vector_load_idx %arg5[%add3A_123] : memref<6400xi32, #tpu.memory_space<vmem>>[vector<16xi32>], vector<16xi32>,
    %swap3A_125 = arith.constant 0 : index
    %swap3A_126 = tpu.vector_load %arg6[%swap3A_125] {strides = array<i32>} : memref<128xi32, #tpu.memory_space<vmem>>, vector<16xi32>,
    tpu.vector_store %arg6[%swap3A_125], %gather3A_124 {strides = array<i32>} : memref<128xi32, #tpu.memory_space<vmem>>, vector<16xi32>,
    %add3A_127 = arith.constant 802 : i32
    %add3A_128 = vector.broadcast %add3A_127 : i32 to vector<16xi32>
    %add3A_129 = arith.addi %mul3A_5, %add3A_128 : vector<16xi32>
    %gather3A_130 = tpu.vector_load_idx %arg5[%add3A_129] : memref<6400xi32, #tpu.memory_space<vmem>>[vector<16xi32>], vector<16xi32>,
    %swap3A_131 = arith.constant 16 : index
    %swap3A_132 = tpu.vector_load %arg6[%swap3A_131] {strides = array<i32>} : memref<128xi32, #tpu.memory_space<vmem>>, vector<16xi32>,
    tpu.vector_store %arg6[%swap3A_131], %gather3A_130 {strides = array<i32>} : memref<128xi32, #tpu.memory_space<vmem>>, vector<16xi32>,
    %add3A_133 = arith.constant 1602 : i32
    %add3A_134 = vector.broadcast %add3A_133 : i32 to vector<16xi32>
    %add3A_135 = arith.addi %mul3A_5, %add3A_134 : vector<16xi32>
    %gather3A_136 = tpu.vector_load_idx %arg5[%add3A_135] : memref<6400xi32, #tpu.memory_space<vmem>>[vector<16xi32>], vector<16xi32>,
    %swap3A_137 = arith.constant 32 : index
    %swap3A_138 = tpu.vector_load %arg6[%swap3A_137] {strides = array<i32>} : memref<128xi32, #tpu.memory_space<vmem>>, vector<16xi32>,
    tpu.vector_store %arg6[%swap3A_137], %gather3A_136 {strides = array<i32>} : memref<128xi32, #tpu.memory_space<vmem>>, vector<16xi32>,
    %add3A_139 = arith.constant 2402 : i32
    %add3A_140 = vector.broadcast %add3A_139 : i32 to vector<16xi32>
    %add3A_141 = arith.addi %mul3A_5, %add3A_140 : vector<16xi32>
    %gather3A_142 = tpu.vector_load_idx %arg5[%add3A_141] : memref<6400xi32, #tpu.memory_space<vmem>>[vector<16xi32>], vector<16xi32>,
    %swap3A_143 = arith.constant 48 : index
    %swap3A_144 = tpu.vector_load %arg6[%swap3A_143] {strides = array<i32>} : memref<128xi32, #tpu.memory_space<vmem>>, vector<16xi32>,
    tpu.vector_store %arg6[%swap3A_143], %gather3A_142 {strides = array<i32>} : memref<128xi32, #tpu.memory_space<vmem>>, vector<16xi32>,
    %add3A_145 = arith.constant 3202 : i32
    %add3A_146 = vector.broadcast %add3A_145 : i32 to vector<16xi32>
    %add3A_147 = arith.addi %mul3A_5, %add3A_146 : vector<16xi32>
    %gather3A_148 = tpu.vector_load_idx %arg5[%add3A_147] : memref<6400xi32, #tpu.memory_space<vmem>>[vector<16xi32>], vector<16xi32>,
    %swap3A_149 = arith.constant 64 : index
    %swap3A_150 = tpu.vector_load %arg6[%swap3A_149] {strides = array<i32>} : memref<128xi32, #tpu.memory_space<vmem>>, vector<16xi32>,
    tpu.vector_store %arg6[%swap3A_149], %gather3A_148 {strides = array<i32>} : memref<128xi32, #tpu.memory_space<vmem>>, vector<16xi32>,
    %add3A_151 = arith.constant 4002 : i32
    %add3A_152 = vector.broadcast %add3A_151 : i32 to vector<16xi32>
    %add3A_153 = arith.addi %mul3A_5, %add3A_152 : vector<16xi32>
    %gather3A_154 = tpu.vector_load_idx %arg5[%add3A_153] : memref<6400xi32, #tpu.memory_space<vmem>>[vector<16xi32>], vector<16xi32>,
    %swap3A_155 = arith.constant 80 : index
    %swap3A_156 = tpu.vector_load %arg6[%swap3A_155] {strides = array<i32>} : memref<128xi32, #tpu.memory_space<vmem>>, vector<16xi32>,
    tpu.vector_store %arg6[%swap3A_155], %gather3A_154 {strides = array<i32>} : memref<128xi32, #tpu.memory_space<vmem>>, vector<16xi32>,
    %add3A_157 = arith.constant 4802 : i32
    %add3A_158 = vector.broadcast %add3A_157 : i32 to vector<16xi32>
    %add3A_159 = arith.addi %mul3A_5, %add3A_158 : vector<16xi32>
    %gather3A_160 = tpu.vector_load_idx %arg5[%add3A_159] : memref<6400xi32, #tpu.memory_space<vmem>>[vector<16xi32>], vector<16xi32>,
    %swap3A_161 = arith.constant 96 : index
    %swap3A_162 = tpu.vector_load %arg6[%swap3A_161] {strides = array<i32>} : memref<128xi32, #tpu.memory_space<vmem>>, vector<16xi32>,
    tpu.vector_store %arg6[%swap3A_161], %gather3A_160 {strides = array<i32>} : memref<128xi32, #tpu.memory_space<vmem>>, vector<16xi32>,
    %add3A_163 = arith.constant 5602 : i32
    %add3A_164 = vector.broadcast %add3A_163 : i32 to vector<16xi32>
    %add3A_165 = arith.addi %mul3A_5, %add3A_164 : vector<16xi32>
    %gather3A_166 = tpu.vector_load_idx %arg5[%add3A_165] : memref<6400xi32, #tpu.memory_space<vmem>>[vector<16xi32>], vector<16xi32>,
    %swap3A_167 = arith.constant 112 : index
    %swap3A_168 = tpu.vector_load %arg6[%swap3A_167] {strides = array<i32>} : memref<128xi32, #tpu.memory_space<vmem>>, vector<16xi32>,
    tpu.vector_store %arg6[%swap3A_167], %gather3A_166 {strides = array<i32>} : memref<128xi32, #tpu.memory_space<vmem>>, vector<16xi32>,
    %dma_start3A_169 = arith.constant 0 : i32
    %dma_start3A_170 = arith.constant 0 : i32
    %dma_start3A_171 = tpu.memref_slice %arg2[%dma_start3A_169, %dma_start3A_170] : memref<1000000x128xf32, #tpu.memory_space<hbm>> -> memref<1000000x128xf32, #tpu.memory_space<hbm>>
    tpu.enqueue_indirect_dma source(%dma_start3A_171 : memref<1000000x128xf32, #tpu.memory_space<hbm>>) target(%arg8 : memref<128x128xf32, #tpu.memory_space<vmem>>) offsets(%arg6 : memref<128xi32, #tpu.memory_space<vmem>>) semaphore(%arg12 : memref<!tpu.dma_semaphore, #tpu.memory_space<semaphore_mem>>)
    %dma_wait3A_172 = arith.constant 0 : i32
    %dma_wait3A_173 = arith.constant 0 : i32
    %dma_wait3A_174 = tpu.memref_slice %arg2[%dma_wait3A_172, %dma_wait3A_173] : memref<1000000x128xf32, #tpu.memory_space<hbm>> -> memref<128x128xf32, #tpu.memory_space<hbm>>
    %dma_wait3A_175 = arith.constant 0 : i32
    %dma_wait3A_176 = arith.constant 0 : i32
    %dma_wait3A_177 = tpu.memref_slice %arg2[%dma_wait3A_175, %dma_wait3A_176] : memref<1000000x128xf32, #tpu.memory_space<hbm>> -> memref<128x128xf32, #tpu.memory_space<hbm>>
    tpu.wait_dma2 semaphore(%arg13 : memref<!tpu.dma_semaphore, #tpu.memory_space<semaphore_mem>>) src(%dma_wait3A_177 : memref<128x128xf32, #tpu.memory_space<hbm>>) dst(%arg9 : memref<128x128xf32, #tpu.memory_space<vmem>>)
    %parallel_loop3A_178 = arith.constant 0 : i32
    %parallel_loop3A_179 = arith.constant 64 : i32
    %parallel_loop3A_180 = arith.constant 1 : i32
    scf.for %parallel_loop3A_306 = %parallel_loop3A_178 to %parallel_loop3A_179 step %parallel_loop3A_180  : i32 {
      %parallel_loop3A_307 = arith.constant 0 : i32
      %parallel_loop3A_308 = vector.broadcast %parallel_loop3A_307 : i32 to vector<16xi32>
      %parallel_loop3A_309 = arith.muli %iota3A, %parallel_loop3A_308 : vector<16xi32>
      %parallel_loop3A_310 = vector.broadcast %parallel_loop3A_306 : i32 to vector<16xi32>
      %parallel_loop3A_311 = arith.addi %parallel_loop3A_309, %parallel_loop3A_310 : vector<16xi32>
      %parallel_loop3A_312 = arith.constant 0 : i32
      %parallel_loop3A_313 = vector.broadcast %parallel_loop3A_312 : i32 to vector<16xi32>
      %parallel_loop3A_314 = arith.addi %iota3A, %parallel_loop3A_313 : vector<16xi32>
      %parallel_loop3A_315 = tpu.vector_load_idx %arg9[%parallel_loop3A_314, %parallel_loop3A_311] : memref<128x128xf32, #tpu.memory_space<vmem>>[vector<16xi32>, vector<16xi32>], vector<16xf32>,
      %parallel_loop3A_316 = arith.index_cast %parallel_loop3A_306 : i32 to index
      %parallel_loop3A_317 = arith.constant 0 : index
      %parallel_loop3A_318 = tpu.vector_load %arg11[%parallel_loop3A_316, %parallel_loop3A_317] {strides = array<i32>} : memref<64x128xf32, #tpu.memory_space<vmem>>, vector<16xf32>,
      tpu.vector_store %arg11[%parallel_loop3A_316, %parallel_loop3A_317], %parallel_loop3A_315 {strides = array<i32>} : memref<64x128xf32, #tpu.memory_space<vmem>>, vector<16xf32>,
      %parallel_loop3A_319 = arith.constant 16 : i32
      %parallel_loop3A_320 = vector.broadcast %parallel_loop3A_319 : i32 to vector<16xi32>
      %parallel_loop3A_321 = arith.addi %iota3A, %parallel_loop3A_320 : vector<16xi32>
      %parallel_loop3A_322 = tpu.vector_load_idx %arg9[%parallel_loop3A_321, %parallel_loop3A_311] : memref<128x128xf32, #tpu.memory_space<vmem>>[vector<16xi32>, vector<16xi32>], vector<16xf32>,
      %parallel_loop3A_323 = arith.index_cast %parallel_loop3A_306 : i32 to index
      %parallel_loop3A_324 = arith.constant 16 : index
      %parallel_loop3A_325 = tpu.vector_load %arg11[%parallel_loop3A_323, %parallel_loop3A_324] {strides = array<i32>} : memref<64x128xf32, #tpu.memory_space<vmem>>, vector<16xf32>,
      tpu.vector_store %arg11[%parallel_loop3A_323, %parallel_loop3A_324], %parallel_loop3A_322 {strides = array<i32>} : memref<64x128xf32, #tpu.memory_space<vmem>>, vector<16xf32>,
      %parallel_loop3A_326 = arith.constant 32 : i32
      %parallel_loop3A_327 = vector.broadcast %parallel_loop3A_326 : i32 to vector<16xi32>
      %parallel_loop3A_328 = arith.addi %iota3A, %parallel_loop3A_327 : vector<16xi32>
      %parallel_loop3A_329 = tpu.vector_load_idx %arg9[%parallel_loop3A_328, %parallel_loop3A_311] : memref<128x128xf32, #tpu.memory_space<vmem>>[vector<16xi32>, vector<16xi32>], vector<16xf32>,
      %parallel_loop3A_330 = arith.index_cast %parallel_loop3A_306 : i32 to index
      %parallel_loop3A_331 = arith.constant 32 : index
      %parallel_loop3A_332 = tpu.vector_load %arg11[%parallel_loop3A_330, %parallel_loop3A_331] {strides = array<i32>} : memref<64x128xf32, #tpu.memory_space<vmem>>, vector<16xf32>,
      tpu.vector_store %arg11[%parallel_loop3A_330, %parallel_loop3A_331], %parallel_loop3A_329 {strides = array<i32>} : memref<64x128xf32, #tpu.memory_space<vmem>>, vector<16xf32>,
      %parallel_loop3A_333 = arith.constant 48 : i32
      %parallel_loop3A_334 = vector.broadcast %parallel_loop3A_333 : i32 to vector<16xi32>
      %parallel_loop3A_335 = arith.addi %iota3A, %parallel_loop3A_334 : vector<16xi32>
      %parallel_loop3A_336 = tpu.vector_load_idx %arg9[%parallel_loop3A_335, %parallel_loop3A_311] : memref<128x128xf32, #tpu.memory_space<vmem>>[vector<16xi32>, vector<16xi32>], vector<16xf32>,
      %parallel_loop3A_337 = arith.index_cast %parallel_loop3A_306 : i32 to index
      %parallel_loop3A_338 = arith.constant 48 : index
      %parallel_loop3A_339 = tpu.vector_load %arg11[%parallel_loop3A_337, %parallel_loop3A_338] {strides = array<i32>} : memref<64x128xf32, #tpu.memory_space<vmem>>, vector<16xf32>,
      tpu.vector_store %arg11[%parallel_loop3A_337, %parallel_loop3A_338], %parallel_loop3A_336 {strides = array<i32>} : memref<64x128xf32, #tpu.memory_space<vmem>>, vector<16xf32>,
      %parallel_loop3A_340 = arith.constant 64 : i32
      %parallel_loop3A_341 = vector.broadcast %parallel_loop3A_340 : i32 to vector<16xi32>
      %parallel_loop3A_342 = arith.addi %iota3A, %parallel_loop3A_341 : vector<16xi32>
      %parallel_loop3A_343 = tpu.vector_load_idx %arg9[%parallel_loop3A_342, %parallel_loop3A_311] : memref<128x128xf32, #tpu.memory_space<vmem>>[vector<16xi32>, vector<16xi32>], vector<16xf32>,
      %parallel_loop3A_344 = arith.index_cast %parallel_loop3A_306 : i32 to index
      %parallel_loop3A_345 = arith.constant 64 : index
      %parallel_loop3A_346 = tpu.vector_load %arg11[%parallel_loop3A_344, %parallel_loop3A_345] {strides = array<i32>} : memref<64x128xf32, #tpu.memory_space<vmem>>, vector<16xf32>,
      tpu.vector_store %arg11[%parallel_loop3A_344, %parallel_loop3A_345], %parallel_loop3A_343 {strides = array<i32>} : memref<64x128xf32, #tpu.memory_space<vmem>>, vector<16xf32>,
      %parallel_loop3A_347 = arith.constant 80 : i32
      %parallel_loop3A_348 = vector.broadcast %parallel_loop3A_347 : i32 to vector<16xi32>
      %parallel_loop3A_349 = arith.addi %iota3A, %parallel_loop3A_348 : vector<16xi32>
      %parallel_loop3A_350 = tpu.vector_load_idx %arg9[%parallel_loop3A_349, %parallel_loop3A_311] : memref<128x128xf32, #tpu.memory_space<vmem>>[vector<16xi32>, vector<16xi32>], vector<16xf32>,
      %parallel_loop3A_351 = arith.index_cast %parallel_loop3A_306 : i32 to index
      %parallel_loop3A_352 = arith.constant 80 : index
      %parallel_loop3A_353 = tpu.vector_load %arg11[%parallel_loop3A_351, %parallel_loop3A_352] {strides = array<i32>} : memref<64x128xf32, #tpu.memory_space<vmem>>, vector<16xf32>,
      tpu.vector_store %arg11[%parallel_loop3A_351, %parallel_loop3A_352], %parallel_loop3A_350 {strides = array<i32>} : memref<64x128xf32, #tpu.memory_space<vmem>>, vector<16xf32>,
      %parallel_loop3A_354 = arith.constant 96 : i32
      %parallel_loop3A_355 = vector.broadcast %parallel_loop3A_354 : i32 to vector<16xi32>
      %parallel_loop3A_356 = arith.addi %iota3A, %parallel_loop3A_355 : vector<16xi32>
      %parallel_loop3A_357 = tpu.vector_load_idx %arg9[%parallel_loop3A_356, %parallel_loop3A_311] : memref<128x128xf32, #tpu.memory_space<vmem>>[vector<16xi32>, vector<16xi32>], vector<16xf32>,
      %parallel_loop3A_358 = arith.index_cast %parallel_loop3A_306 : i32 to index
      %parallel_loop3A_359 = arith.constant 96 : index
      %parallel_loop3A_360 = tpu.vector_load %arg11[%parallel_loop3A_358, %parallel_loop3A_359] {strides = array<i32>} : memref<64x128xf32, #tpu.memory_space<vmem>>, vector<16xf32>,
      tpu.vector_store %arg11[%parallel_loop3A_358, %parallel_loop3A_359], %parallel_loop3A_357 {strides = array<i32>} : memref<64x128xf32, #tpu.memory_space<vmem>>, vector<16xf32>,
      %parallel_loop3A_361 = arith.constant 112 : i32
      %parallel_loop3A_362 = vector.broadcast %parallel_loop3A_361 : i32 to vector<16xi32>
      %parallel_loop3A_363 = arith.addi %iota3A, %parallel_loop3A_362 : vector<16xi32>
      %parallel_loop3A_364 = tpu.vector_load_idx %arg9[%parallel_loop3A_363, %parallel_loop3A_311] : memref<128x128xf32, #tpu.memory_space<vmem>>[vector<16xi32>, vector<16xi32>], vector<16xf32>,
      %parallel_loop3A_365 = arith.index_cast %parallel_loop3A_306 : i32 to index
      %parallel_loop3A_366 = arith.constant 112 : index
      %parallel_loop3A_367 = tpu.vector_load %arg11[%parallel_loop3A_365, %parallel_loop3A_366] {strides = array<i32>} : memref<64x128xf32, #tpu.memory_space<vmem>>, vector<16xf32>,
      tpu.vector_store %arg11[%parallel_loop3A_365, %parallel_loop3A_366], %parallel_loop3A_364 {strides = array<i32>} : memref<64x128xf32, #tpu.memory_space<vmem>>, vector<16xf32>,
    } {sc.loop_unroll_factor = 8 : i64, sc.parallel_access}
    %mul3A_181 = arith.constant 128 : i32
    %mul3A_182 = arith.muli %add3A, %mul3A_181 : i32
    %dma_start3A_183 = arith.constant 1 : i32
    %dma_start3A_184 = arith.constant 0 : i32
    %dma_start3A_185 = tpu.memref_slice %arg4[%dma_start3A_183, %dma_start3A_184, %mul3A_182] : memref<50x64x4096xf32, #tpu.memory_space<hbm>> -> memref<1x64x128xf32, #tpu.memory_space<hbm>>
    %dma_start3A_186 = tpu.memref_squeeze %dma_start3A_185 : memref<1x64x128xf32, #tpu.memory_space<hbm>> -> memref<64x128xf32, #tpu.memory_space<hbm>>
    %dma_start3A_187 = arith.constant 0 : i32
    %dma_start3A_188 = tpu.memref_slice %arg4[%dma_start3A_183, %dma_start3A_187, %mul3A_182] : memref<50x64x4096xf32, #tpu.memory_space<hbm>> -> memref<1x64x128xf32, #tpu.memory_space<hbm>>
    %dma_start3A_189 = tpu.memref_squeeze %dma_start3A_188 : memref<1x64x128xf32, #tpu.memory_space<hbm>> -> memref<64x128xf32, #tpu.memory_space<hbm>>
    tpu.enqueue_dma source(%arg11 : memref<64x128xf32, #tpu.memory_space<vmem>>) target(%dma_start3A_189 : memref<64x128xf32, #tpu.memory_space<hbm>>) target_semaphore(%arg15 : memref<!tpu.dma_semaphore, #tpu.memory_space<semaphore_mem>>)
    %add3A_190 = arith.constant 3 : i32
    %add3A_191 = vector.broadcast %add3A_190 : i32 to vector<16xi32>
    %add3A_192 = arith.addi %mul3A_5, %add3A_191 : vector<16xi32>
    %gather3A_193 = tpu.vector_load_idx %arg5[%add3A_192] : memref<6400xi32, #tpu.memory_space<vmem>>[vector<16xi32>], vector<16xi32>,
    %swap3A_194 = arith.constant 0 : index
    %swap3A_195 = tpu.vector_load %arg7[%swap3A_194] {strides = array<i32>} : memref<128xi32, #tpu.memory_space<vmem>>, vector<16xi32>,
    tpu.vector_store %arg7[%swap3A_194], %gather3A_193 {strides = array<i32>} : memref<128xi32, #tpu.memory_space<vmem>>, vector<16xi32>,
    %add3A_196 = arith.constant 803 : i32
    %add3A_197 = vector.broadcast %add3A_196 : i32 to vector<16xi32>
    %add3A_198 = arith.addi %mul3A_5, %add3A_197 : vector<16xi32>
    %gather3A_199 = tpu.vector_load_idx %arg5[%add3A_198] : memref<6400xi32, #tpu.memory_space<vmem>>[vector<16xi32>], vector<16xi32>,
    %swap3A_200 = arith.constant 16 : index
    %swap3A_201 = tpu.vector_load %arg7[%swap3A_200] {strides = array<i32>} : memref<128xi32, #tpu.memory_space<vmem>>, vector<16xi32>,
    tpu.vector_store %arg7[%swap3A_200], %gather3A_199 {strides = array<i32>} : memref<128xi32, #tpu.memory_space<vmem>>, vector<16xi32>,
    %add3A_202 = arith.constant 1603 : i32
    %add3A_203 = vector.broadcast %add3A_202 : i32 to vector<16xi32>
    %add3A_204 = arith.addi %mul3A_5, %add3A_203 : vector<16xi32>
    %gather3A_205 = tpu.vector_load_idx %arg5[%add3A_204] : memref<6400xi32, #tpu.memory_space<vmem>>[vector<16xi32>], vector<16xi32>,
    %swap3A_206 = arith.constant 32 : index
    %swap3A_207 = tpu.vector_load %arg7[%swap3A_206] {strides = array<i32>} : memref<128xi32, #tpu.memory_space<vmem>>, vector<16xi32>,
    tpu.vector_store %arg7[%swap3A_206], %gather3A_205 {strides = array<i32>} : memref<128xi32, #tpu.memory_space<vmem>>, vector<16xi32>,
    %add3A_208 = arith.constant 2403 : i32
    %add3A_209 = vector.broadcast %add3A_208 : i32 to vector<16xi32>
    %add3A_210 = arith.addi %mul3A_5, %add3A_209 : vector<16xi32>
    %gather3A_211 = tpu.vector_load_idx %arg5[%add3A_210] : memref<6400xi32, #tpu.memory_space<vmem>>[vector<16xi32>], vector<16xi32>,
    %swap3A_212 = arith.constant 48 : index
    %swap3A_213 = tpu.vector_load %arg7[%swap3A_212] {strides = array<i32>} : memref<128xi32, #tpu.memory_space<vmem>>, vector<16xi32>,
    tpu.vector_store %arg7[%swap3A_212], %gather3A_211 {strides = array<i32>} : memref<128xi32, #tpu.memory_space<vmem>>, vector<16xi32>,
    %add3A_214 = arith.constant 3203 : i32
    %add3A_215 = vector.broadcast %add3A_214 : i32 to vector<16xi32>
    %add3A_216 = arith.addi %mul3A_5, %add3A_215 : vector<16xi32>
    %gather3A_217 = tpu.vector_load_idx %arg5[%add3A_216] : memref<6400xi32, #tpu.memory_space<vmem>>[vector<16xi32>], vector<16xi32>,
    %swap3A_218 = arith.constant 64 : index
    %swap3A_219 = tpu.vector_load %arg7[%swap3A_218] {strides = array<i32>} : memref<128xi32, #tpu.memory_space<vmem>>, vector<16xi32>,
    tpu.vector_store %arg7[%swap3A_218], %gather3A_217 {strides = array<i32>} : memref<128xi32, #tpu.memory_space<vmem>>, vector<16xi32>,
    %add3A_220 = arith.constant 4003 : i32
    %add3A_221 = vector.broadcast %add3A_220 : i32 to vector<16xi32>
    %add3A_222 = arith.addi %mul3A_5, %add3A_221 : vector<16xi32>
    %gather3A_223 = tpu.vector_load_idx %arg5[%add3A_222] : memref<6400xi32, #tpu.memory_space<vmem>>[vector<16xi32>], vector<16xi32>,
    %swap3A_224 = arith.constant 80 : index
    %swap3A_225 = tpu.vector_load %arg7[%swap3A_224] {strides = array<i32>} : memref<128xi32, #tpu.memory_space<vmem>>, vector<16xi32>,
    tpu.vector_store %arg7[%swap3A_224], %gather3A_223 {strides = array<i32>} : memref<128xi32, #tpu.memory_space<vmem>>, vector<16xi32>,
    %add3A_226 = arith.constant 4803 : i32
    %add3A_227 = vector.broadcast %add3A_226 : i32 to vector<16xi32>
    %add3A_228 = arith.addi %mul3A_5, %add3A_227 : vector<16xi32>
    %gather3A_229 = tpu.vector_load_idx %arg5[%add3A_228] : memref<6400xi32, #tpu.memory_space<vmem>>[vector<16xi32>], vector<16xi32>,
    %swap3A_230 = arith.constant 96 : index
    %swap3A_231 = tpu.vector_load %arg7[%swap3A_230] {strides = array<i32>} : memref<128xi32, #tpu.memory_space<vmem>>, vector<16xi32>,
    tpu.vector_store %arg7[%swap3A_230], %gather3A_229 {strides = array<i32>} : memref<128xi32, #tpu.memory_space<vmem>>, vector<16xi32>,
    %add3A_232 = arith.constant 5603 : i32
    %add3A_233 = vector.broadcast %add3A_232 : i32 to vector<16xi32>
    %add3A_234 = arith.addi %mul3A_5, %add3A_233 : vector<16xi32>
    %gather3A_235 = tpu.vector_load_idx %arg5[%add3A_234] : memref<6400xi32, #tpu.memory_space<vmem>>[vector<16xi32>], vector<16xi32>,
    %swap3A_236 = arith.constant 112 : index
    %swap3A_237 = tpu.vector_load %arg7[%swap3A_236] {strides = array<i32>} : memref<128xi32, #tpu.memory_space<vmem>>, vector<16xi32>,
    tpu.vector_store %arg7[%swap3A_236], %gather3A_235 {strides = array<i32>} : memref<128xi32, #tpu.memory_space<vmem>>, vector<16xi32>,
    %dma_start3A_238 = arith.constant 0 : i32
    %dma_start3A_239 = arith.constant 0 : i32
    %dma_start3A_240 = tpu.memref_slice %arg2[%dma_start3A_238, %dma_start3A_239] : memref<1000000x128xf32, #tpu.memory_space<hbm>> -> memref<1000000x128xf32, #tpu.memory_space<hbm>>
    tpu.enqueue_indirect_dma source(%dma_start3A_240 : memref<1000000x128xf32, #tpu.memory_space<hbm>>) target(%arg9 : memref<128x128xf32, #tpu.memory_space<vmem>>) offsets(%arg7 : memref<128xi32, #tpu.memory_space<vmem>>) semaphore(%arg13 : memref<!tpu.dma_semaphore, #tpu.memory_space<semaphore_mem>>)
    %scan3A = arith.constant 0 : i32
    %scan3A_241 = arith.constant 1 : i32
    %scan3A_242 = arith.constant 23 : i32
    %scan3A_243 = arith.addi %scan3A_241, %scan3A_242 : i32
    %scan3A_244 = arith.constant 1 : i32
    scf.for %scan3A_306 = %scan3A_241 to %scan3A_243 step %scan3A_244  : i32 {
      %mul3A_307 = arith.constant 2 : i32
      %mul3A_308 = arith.muli %mul3A_307, %scan3A_306 : i32
      %add3A_309 = arith.constant 0 : i32
      %add3A_310 = arith.addi %mul3A_308, %add3A_309 : i32
      %dma_wait3A_311 = arith.constant 0 : i32
      %dma_wait3A_312 = arith.constant 0 : i32
      %dma_wait3A_313 = tpu.memref_slice %arg2[%dma_wait3A_311, %dma_wait3A_312] : memref<1000000x128xf32, #tpu.memory_space<hbm>> -> memref<128x128xf32, #tpu.memory_space<hbm>>
      %dma_wait3A_314 = arith.constant 0 : i32
      %dma_wait3A_315 = arith.constant 0 : i32
      %dma_wait3A_316 = tpu.memref_slice %arg2[%dma_wait3A_314, %dma_wait3A_315] : memref<1000000x128xf32, #tpu.memory_space<hbm>> -> memref<128x128xf32, #tpu.memory_space<hbm>>
      tpu.wait_dma2 semaphore(%arg12 : memref<!tpu.dma_semaphore, #tpu.memory_space<semaphore_mem>>) src(%dma_wait3A_316 : memref<128x128xf32, #tpu.memory_space<hbm>>) dst(%arg8 : memref<128x128xf32, #tpu.memory_space<vmem>>)
      %dma_wait3A_317 = arith.constant 0 : i32
      %dma_wait3A_318 = arith.constant 0 : i32
      %dma_wait3A_319 = tpu.memref_slice %arg2[%dma_wait3A_317, %dma_wait3A_318] : memref<1000000x128xf32, #tpu.memory_space<hbm>> -> memref<64x128xf32, #tpu.memory_space<hbm>>
      %dma_wait3A_320 = arith.constant 0 : i32
      %dma_wait3A_321 = arith.constant 0 : i32
      %dma_wait3A_322 = tpu.memref_slice %arg2[%dma_wait3A_320, %dma_wait3A_321] : memref<1000000x128xf32, #tpu.memory_space<hbm>> -> memref<64x128xf32, #tpu.memory_space<hbm>>
      tpu.wait_dma2 semaphore(%arg14 : memref<!tpu.dma_semaphore, #tpu.memory_space<semaphore_mem>>) src(%dma_wait3A_322 : memref<64x128xf32, #tpu.memory_space<hbm>>) dst(%arg10 : memref<64x128xf32, #tpu.memory_space<vmem>>)
      %parallel_loop3A_323 = arith.constant 0 : i32
      %parallel_loop3A_324 = arith.constant 64 : i32
      %parallel_loop3A_325 = arith.constant 1 : i32
      scf.for %parallel_loop3A_483 = %parallel_loop3A_323 to %parallel_loop3A_324 step %parallel_loop3A_325  : i32 {
        %parallel_loop3A_484 = arith.constant 0 : i32
        %parallel_loop3A_485 = vector.broadcast %parallel_loop3A_484 : i32 to vector<16xi32>
        %parallel_loop3A_486 = arith.muli %iota3A, %parallel_loop3A_485 : vector<16xi32>
        %parallel_loop3A_487 = vector.broadcast %parallel_loop3A_483 : i32 to vector<16xi32>
        %parallel_loop3A_488 = arith.addi %parallel_loop3A_486, %parallel_loop3A_487 : vector<16xi32>
        %parallel_loop3A_489 = arith.constant 0 : i32
        %parallel_loop3A_490 = vector.broadcast %parallel_loop3A_489 : i32 to vector<16xi32>
        %parallel_loop3A_491 = arith.addi %iota3A, %parallel_loop3A_490 : vector<16xi32>
        %parallel_loop3A_492 = tpu.vector_load_idx %arg8[%parallel_loop3A_491, %parallel_loop3A_488] : memref<128x128xf32, #tpu.memory_space<vmem>>[vector<16xi32>, vector<16xi32>], vector<16xf32>,
        %parallel_loop3A_493 = arith.index_cast %parallel_loop3A_483 : i32 to index
        %parallel_loop3A_494 = arith.constant 0 : index
        %parallel_loop3A_495 = tpu.vector_load %arg10[%parallel_loop3A_493, %parallel_loop3A_494] {strides = array<i32>} : memref<64x128xf32, #tpu.memory_space<vmem>>, vector<16xf32>,
        tpu.vector_store %arg10[%parallel_loop3A_493, %parallel_loop3A_494], %parallel_loop3A_492 {strides = array<i32>} : memref<64x128xf32, #tpu.memory_space<vmem>>, vector<16xf32>,
        %parallel_loop3A_496 = arith.constant 16 : i32
        %parallel_loop3A_497 = vector.broadcast %parallel_loop3A_496 : i32 to vector<16xi32>
        %parallel_loop3A_498 = arith.addi %iota3A, %parallel_loop3A_497 : vector<16xi32>
        %parallel_loop3A_499 = tpu.vector_load_idx %arg8[%parallel_loop3A_498, %parallel_loop3A_488] : memref<128x128xf32, #tpu.memory_space<vmem>>[vector<16xi32>, vector<16xi32>], vector<16xf32>,
        %parallel_loop3A_500 = arith.index_cast %parallel_loop3A_483 : i32 to index
        %parallel_loop3A_501 = arith.constant 16 : index
        %parallel_loop3A_502 = tpu.vector_load %arg10[%parallel_loop3A_500, %parallel_loop3A_501] {strides = array<i32>} : memref<64x128xf32, #tpu.memory_space<vmem>>, vector<16xf32>,
        tpu.vector_store %arg10[%parallel_loop3A_500, %parallel_loop3A_501], %parallel_loop3A_499 {strides = array<i32>} : memref<64x128xf32, #tpu.memory_space<vmem>>, vector<16xf32>,
        %parallel_loop3A_503 = arith.constant 32 : i32
        %parallel_loop3A_504 = vector.broadcast %parallel_loop3A_503 : i32 to vector<16xi32>
        %parallel_loop3A_505 = arith.addi %iota3A, %parallel_loop3A_504 : vector<16xi32>
        %parallel_loop3A_506 = tpu.vector_load_idx %arg8[%parallel_loop3A_505, %parallel_loop3A_488] : memref<128x128xf32, #tpu.memory_space<vmem>>[vector<16xi32>, vector<16xi32>], vector<16xf32>,
        %parallel_loop3A_507 = arith.index_cast %parallel_loop3A_483 : i32 to index
        %parallel_loop3A_508 = arith.constant 32 : index
        %parallel_loop3A_509 = tpu.vector_load %arg10[%parallel_loop3A_507, %parallel_loop3A_508] {strides = array<i32>} : memref<64x128xf32, #tpu.memory_space<vmem>>, vector<16xf32>,
        tpu.vector_store %arg10[%parallel_loop3A_507, %parallel_loop3A_508], %parallel_loop3A_506 {strides = array<i32>} : memref<64x128xf32, #tpu.memory_space<vmem>>, vector<16xf32>,
        %parallel_loop3A_510 = arith.constant 48 : i32
        %parallel_loop3A_511 = vector.broadcast %parallel_loop3A_510 : i32 to vector<16xi32>
        %parallel_loop3A_512 = arith.addi %iota3A, %parallel_loop3A_511 : vector<16xi32>
        %parallel_loop3A_513 = tpu.vector_load_idx %arg8[%parallel_loop3A_512, %parallel_loop3A_488] : memref<128x128xf32, #tpu.memory_space<vmem>>[vector<16xi32>, vector<16xi32>], vector<16xf32>,
        %parallel_loop3A_514 = arith.index_cast %parallel_loop3A_483 : i32 to index
        %parallel_loop3A_515 = arith.constant 48 : index
        %parallel_loop3A_516 = tpu.vector_load %arg10[%parallel_loop3A_514, %parallel_loop3A_515] {strides = array<i32>} : memref<64x128xf32, #tpu.memory_space<vmem>>, vector<16xf32>,
        tpu.vector_store %arg10[%parallel_loop3A_514, %parallel_loop3A_515], %parallel_loop3A_513 {strides = array<i32>} : memref<64x128xf32, #tpu.memory_space<vmem>>, vector<16xf32>,
        %parallel_loop3A_517 = arith.constant 64 : i32
        %parallel_loop3A_518 = vector.broadcast %parallel_loop3A_517 : i32 to vector<16xi32>
        %parallel_loop3A_519 = arith.addi %iota3A, %parallel_loop3A_518 : vector<16xi32>
        %parallel_loop3A_520 = tpu.vector_load_idx %arg8[%parallel_loop3A_519, %parallel_loop3A_488] : memref<128x128xf32, #tpu.memory_space<vmem>>[vector<16xi32>, vector<16xi32>], vector<16xf32>,
        %parallel_loop3A_521 = arith.index_cast %parallel_loop3A_483 : i32 to index
        %parallel_loop3A_522 = arith.constant 64 : index
        %parallel_loop3A_523 = tpu.vector_load %arg10[%parallel_loop3A_521, %parallel_loop3A_522] {strides = array<i32>} : memref<64x128xf32, #tpu.memory_space<vmem>>, vector<16xf32>,
        tpu.vector_store %arg10[%parallel_loop3A_521, %parallel_loop3A_522], %parallel_loop3A_520 {strides = array<i32>} : memref<64x128xf32, #tpu.memory_space<vmem>>, vector<16xf32>,
        %parallel_loop3A_524 = arith.constant 80 : i32
        %parallel_loop3A_525 = vector.broadcast %parallel_loop3A_524 : i32 to vector<16xi32>
        %parallel_loop3A_526 = arith.addi %iota3A, %parallel_loop3A_525 : vector<16xi32>
        %parallel_loop3A_527 = tpu.vector_load_idx %arg8[%parallel_loop3A_526, %parallel_loop3A_488] : memref<128x128xf32, #tpu.memory_space<vmem>>[vector<16xi32>, vector<16xi32>], vector<16xf32>,
        %parallel_loop3A_528 = arith.index_cast %parallel_loop3A_483 : i32 to index
        %parallel_loop3A_529 = arith.constant 80 : index
        %parallel_loop3A_530 = tpu.vector_load %arg10[%parallel_loop3A_528, %parallel_loop3A_529] {strides = array<i32>} : memref<64x128xf32, #tpu.memory_space<vmem>>, vector<16xf32>,
        tpu.vector_store %arg10[%parallel_loop3A_528, %parallel_loop3A_529], %parallel_loop3A_527 {strides = array<i32>} : memref<64x128xf32, #tpu.memory_space<vmem>>, vector<16xf32>,
        %parallel_loop3A_531 = arith.constant 96 : i32
        %parallel_loop3A_532 = vector.broadcast %parallel_loop3A_531 : i32 to vector<16xi32>
        %parallel_loop3A_533 = arith.addi %iota3A, %parallel_loop3A_532 : vector<16xi32>
        %parallel_loop3A_534 = tpu.vector_load_idx %arg8[%parallel_loop3A_533, %parallel_loop3A_488] : memref<128x128xf32, #tpu.memory_space<vmem>>[vector<16xi32>, vector<16xi32>], vector<16xf32>,
        %parallel_loop3A_535 = arith.index_cast %parallel_loop3A_483 : i32 to index
        %parallel_loop3A_536 = arith.constant 96 : index
        %parallel_loop3A_537 = tpu.vector_load %arg10[%parallel_loop3A_535, %parallel_loop3A_536] {strides = array<i32>} : memref<64x128xf32, #tpu.memory_space<vmem>>, vector<16xf32>,
        tpu.vector_store %arg10[%parallel_loop3A_535, %parallel_loop3A_536], %parallel_loop3A_534 {strides = array<i32>} : memref<64x128xf32, #tpu.memory_space<vmem>>, vector<16xf32>,
        %parallel_loop3A_538 = arith.constant 112 : i32
        %parallel_loop3A_539 = vector.broadcast %parallel_loop3A_538 : i32 to vector<16xi32>
        %parallel_loop3A_540 = arith.addi %iota3A, %parallel_loop3A_539 : vector<16xi32>
        %parallel_loop3A_541 = tpu.vector_load_idx %arg8[%parallel_loop3A_540, %parallel_loop3A_488] : memref<128x128xf32, #tpu.memory_space<vmem>>[vector<16xi32>, vector<16xi32>], vector<16xf32>,
        %parallel_loop3A_542 = arith.index_cast %parallel_loop3A_483 : i32 to index
        %parallel_loop3A_543 = arith.constant 112 : index
        %parallel_loop3A_544 = tpu.vector_load %arg10[%parallel_loop3A_542, %parallel_loop3A_543] {strides = array<i32>} : memref<64x128xf32, #tpu.memory_space<vmem>>, vector<16xf32>,
        tpu.vector_store %arg10[%parallel_loop3A_542, %parallel_loop3A_543], %parallel_loop3A_541 {strides = array<i32>} : memref<64x128xf32, #tpu.memory_space<vmem>>, vector<16xf32>,
      } {sc.loop_unroll_factor = 8 : i64, sc.parallel_access}
      %mul3A_326 = arith.constant 128 : i32
      %mul3A_327 = arith.muli %add3A, %mul3A_326 : i32
      %dma_start3A_328 = arith.constant 0 : i32
      %dma_start3A_329 = tpu.memref_slice %arg4[%add3A_310, %dma_start3A_328, %mul3A_327] : memref<50x64x4096xf32, #tpu.memory_space<hbm>> -> memref<1x64x128xf32, #tpu.memory_space<hbm>>
      %dma_start3A_330 = tpu.memref_squeeze %dma_start3A_329 : memref<1x64x128xf32, #tpu.memory_space<hbm>> -> memref<64x128xf32, #tpu.memory_space<hbm>>
      %dma_start3A_331 = arith.constant 0 : i32
      %dma_start3A_332 = tpu.memref_slice %arg4[%add3A_310, %dma_start3A_331, %mul3A_327] : memref<50x64x4096xf32, #tpu.memory_space<hbm>> -> memref<1x64x128xf32, #tpu.memory_space<hbm>>
      %dma_start3A_333 = tpu.memref_squeeze %dma_start3A_332 : memref<1x64x128xf32, #tpu.memory_space<hbm>> -> memref<64x128xf32, #tpu.memory_space<hbm>>
      tpu.enqueue_dma source(%arg10 : memref<64x128xf32, #tpu.memory_space<vmem>>) target(%dma_start3A_333 : memref<64x128xf32, #tpu.memory_space<hbm>>) target_semaphore(%arg14 : memref<!tpu.dma_semaphore, #tpu.memory_space<semaphore_mem>>)
      %add3A_334 = arith.constant 2 : i32
      %add3A_335 = arith.addi %add3A_310, %add3A_334 : i32
      %add3A_336 = arith.constant 0 : i32
      %add3A_337 = arith.addi %add3A_336, %add3A_335 : i32
      %add3A_338 = vector.broadcast %add3A_337 : i32 to vector<16xi32>
      %add3A_339 = arith.addi %mul3A_5, %add3A_338 : vector<16xi32>
      %gather3A_340 = tpu.vector_load_idx %arg5[%add3A_339] : memref<6400xi32, #tpu.memory_space<vmem>>[vector<16xi32>], vector<16xi32>,
      %swap3A_341 = arith.constant 0 : index
      %swap3A_342 = tpu.vector_load %arg6[%swap3A_341] {strides = array<i32>} : memref<128xi32, #tpu.memory_space<vmem>>, vector<16xi32>,
      tpu.vector_store %arg6[%swap3A_341], %gather3A_340 {strides = array<i32>} : memref<128xi32, #tpu.memory_space<vmem>>, vector<16xi32>,
      %add3A_343 = arith.constant 800 : i32
      %add3A_344 = arith.addi %add3A_343, %add3A_335 : i32
      %add3A_345 = vector.broadcast %add3A_344 : i32 to vector<16xi32>
      %add3A_346 = arith.addi %mul3A_5, %add3A_345 : vector<16xi32>
      %gather3A_347 = tpu.vector_load_idx %arg5[%add3A_346] : memref<6400xi32, #tpu.memory_space<vmem>>[vector<16xi32>], vector<16xi32>,
      %swap3A_348 = arith.constant 16 : index
      %swap3A_349 = tpu.vector_load %arg6[%swap3A_348] {strides = array<i32>} : memref<128xi32, #tpu.memory_space<vmem>>, vector<16xi32>,
      tpu.vector_store %arg6[%swap3A_348], %gather3A_347 {strides = array<i32>} : memref<128xi32, #tpu.memory_space<vmem>>, vector<16xi32>,
      %add3A_350 = arith.constant 1600 : i32
      %add3A_351 = arith.addi %add3A_350, %add3A_335 : i32
      %add3A_352 = vector.broadcast %add3A_351 : i32 to vector<16xi32>
      %add3A_353 = arith.addi %mul3A_5, %add3A_352 : vector<16xi32>
      %gather3A_354 = tpu.vector_load_idx %arg5[%add3A_353] : memref<6400xi32, #tpu.memory_space<vmem>>[vector<16xi32>], vector<16xi32>,
      %swap3A_355 = arith.constant 32 : index
      %swap3A_356 = tpu.vector_load %arg6[%swap3A_355] {strides = array<i32>} : memref<128xi32, #tpu.memory_space<vmem>>, vector<16xi32>,
      tpu.vector_store %arg6[%swap3A_355], %gather3A_354 {strides = array<i32>} : memref<128xi32, #tpu.memory_space<vmem>>, vector<16xi32>,
      %add3A_357 = arith.constant 2400 : i32
      %add3A_358 = arith.addi %add3A_357, %add3A_335 : i32
      %add3A_359 = vector.broadcast %add3A_358 : i32 to vector<16xi32>
      %add3A_360 = arith.addi %mul3A_5, %add3A_359 : vector<16xi32>
      %gather3A_361 = tpu.vector_load_idx %arg5[%add3A_360] : memref<6400xi32, #tpu.memory_space<vmem>>[vector<16xi32>], vector<16xi32>,
      %swap3A_362 = arith.constant 48 : index
      %swap3A_363 = tpu.vector_load %arg6[%swap3A_362] {strides = array<i32>} : memref<128xi32, #tpu.memory_space<vmem>>, vector<16xi32>,
      tpu.vector_store %arg6[%swap3A_362], %gather3A_361 {strides = array<i32>} : memref<128xi32, #tpu.memory_space<vmem>>, vector<16xi32>,
      %add3A_364 = arith.constant 3200 : i32
      %add3A_365 = arith.addi %add3A_364, %add3A_335 : i32
      %add3A_366 = vector.broadcast %add3A_365 : i32 to vector<16xi32>
      %add3A_367 = arith.addi %mul3A_5, %add3A_366 : vector<16xi32>
      %gather3A_368 = tpu.vector_load_idx %arg5[%add3A_367] : memref<6400xi32, #tpu.memory_space<vmem>>[vector<16xi32>], vector<16xi32>,
      %swap3A_369 = arith.constant 64 : index
      %swap3A_370 = tpu.vector_load %arg6[%swap3A_369] {strides = array<i32>} : memref<128xi32, #tpu.memory_space<vmem>>, vector<16xi32>,
      tpu.vector_store %arg6[%swap3A_369], %gather3A_368 {strides = array<i32>} : memref<128xi32, #tpu.memory_space<vmem>>, vector<16xi32>,
      %add3A_371 = arith.constant 4000 : i32
      %add3A_372 = arith.addi %add3A_371, %add3A_335 : i32
      %add3A_373 = vector.broadcast %add3A_372 : i32 to vector<16xi32>
      %add3A_374 = arith.addi %mul3A_5, %add3A_373 : vector<16xi32>
      %gather3A_375 = tpu.vector_load_idx %arg5[%add3A_374] : memref<6400xi32, #tpu.memory_space<vmem>>[vector<16xi32>], vector<16xi32>,
      %swap3A_376 = arith.constant 80 : index
      %swap3A_377 = tpu.vector_load %arg6[%swap3A_376] {strides = array<i32>} : memref<128xi32, #tpu.memory_space<vmem>>, vector<16xi32>,
      tpu.vector_store %arg6[%swap3A_376], %gather3A_375 {strides = array<i32>} : memref<128xi32, #tpu.memory_space<vmem>>, vector<16xi32>,
      %add3A_378 = arith.constant 4800 : i32
      %add3A_379 = arith.addi %add3A_378, %add3A_335 : i32
      %add3A_380 = vector.broadcast %add3A_379 : i32 to vector<16xi32>
      %add3A_381 = arith.addi %mul3A_5, %add3A_380 : vector<16xi32>
      %gather3A_382 = tpu.vector_load_idx %arg5[%add3A_381] : memref<6400xi32, #tpu.memory_space<vmem>>[vector<16xi32>], vector<16xi32>,
      %swap3A_383 = arith.constant 96 : index
      %swap3A_384 = tpu.vector_load %arg6[%swap3A_383] {strides = array<i32>} : memref<128xi32, #tpu.memory_space<vmem>>, vector<16xi32>,
      tpu.vector_store %arg6[%swap3A_383], %gather3A_382 {strides = array<i32>} : memref<128xi32, #tpu.memory_space<vmem>>, vector<16xi32>,
      %add3A_385 = arith.constant 5600 : i32
      %add3A_386 = arith.addi %add3A_385, %add3A_335 : i32
      %add3A_387 = vector.broadcast %add3A_386 : i32 to vector<16xi32>
      %add3A_388 = arith.addi %mul3A_5, %add3A_387 : vector<16xi32>
      %gather3A_389 = tpu.vector_load_idx %arg5[%add3A_388] : memref<6400xi32, #tpu.memory_space<vmem>>[vector<16xi32>], vector<16xi32>,
      %swap3A_390 = arith.constant 112 : index
      %swap3A_391 = tpu.vector_load %arg6[%swap3A_390] {strides = array<i32>} : memref<128xi32, #tpu.memory_space<vmem>>, vector<16xi32>,
      tpu.vector_store %arg6[%swap3A_390], %gather3A_389 {strides = array<i32>} : memref<128xi32, #tpu.memory_space<vmem>>, vector<16xi32>,
      %dma_start3A_392 = arith.constant 0 : i32
      %dma_start3A_393 = arith.constant 0 : i32
      %dma_start3A_394 = tpu.memref_slice %arg2[%dma_start3A_392, %dma_start3A_393] : memref<1000000x128xf32, #tpu.memory_space<hbm>> -> memref<1000000x128xf32, #tpu.memory_space<hbm>>
      tpu.enqueue_indirect_dma source(%dma_start3A_394 : memref<1000000x128xf32, #tpu.memory_space<hbm>>) target(%arg8 : memref<128x128xf32, #tpu.memory_space<vmem>>) offsets(%arg6 : memref<128xi32, #tpu.memory_space<vmem>>) semaphore(%arg12 : memref<!tpu.dma_semaphore, #tpu.memory_space<semaphore_mem>>)
      %mul3A_395 = arith.constant 2 : i32
      %mul3A_396 = arith.muli %mul3A_395, %scan3A_306 : i32
      %add3A_397 = arith.constant 1 : i32
      %add3A_398 = arith.addi %mul3A_396, %add3A_397 : i32
      %dma_wait3A_399 = arith.constant 0 : i32
      %dma_wait3A_400 = arith.constant 0 : i32
      %dma_wait3A_401 = tpu.memref_slice %arg2[%dma_wait3A_399, %dma_wait3A_400] : memref<1000000x128xf32, #tpu.memory_space<hbm>> -> memref<128x128xf32, #tpu.memory_space<hbm>>
      %dma_wait3A_402 = arith.constant 0 : i32
      %dma_wait3A_403 = arith.constant 0 : i32
      %dma_wait3A_404 = tpu.memref_slice %arg2[%dma_wait3A_402, %dma_wait3A_403] : memref<1000000x128xf32, #tpu.memory_space<hbm>> -> memref<128x128xf32, #tpu.memory_space<hbm>>
      tpu.wait_dma2 semaphore(%arg13 : memref<!tpu.dma_semaphore, #tpu.memory_space<semaphore_mem>>) src(%dma_wait3A_404 : memref<128x128xf32, #tpu.memory_space<hbm>>) dst(%arg9 : memref<128x128xf32, #tpu.memory_space<vmem>>)
      %dma_wait3A_405 = arith.constant 0 : i32
      %dma_wait3A_406 = arith.constant 0 : i32
      %dma_wait3A_407 = tpu.memref_slice %arg2[%dma_wait3A_405, %dma_wait3A_406] : memref<1000000x128xf32, #tpu.memory_space<hbm>> -> memref<64x128xf32, #tpu.memory_space<hbm>>
      %dma_wait3A_408 = arith.constant 0 : i32
      %dma_wait3A_409 = arith.constant 0 : i32
      %dma_wait3A_410 = tpu.memref_slice %arg2[%dma_wait3A_408, %dma_wait3A_409] : memref<1000000x128xf32, #tpu.memory_space<hbm>> -> memref<64x128xf32, #tpu.memory_space<hbm>>
      tpu.wait_dma2 semaphore(%arg15 : memref<!tpu.dma_semaphore, #tpu.memory_space<semaphore_mem>>) src(%dma_wait3A_410 : memref<64x128xf32, #tpu.memory_space<hbm>>) dst(%arg11 : memref<64x128xf32, #tpu.memory_space<vmem>>)
      %parallel_loop3A_411 = arith.constant 0 : i32
      %parallel_loop3A_412 = arith.constant 64 : i32
      %parallel_loop3A_413 = arith.constant 1 : i32
      scf.for %parallel_loop3A_483 = %parallel_loop3A_411 to %parallel_loop3A_412 step %parallel_loop3A_413  : i32 {
        %parallel_loop3A_484 = arith.constant 0 : i32
        %parallel_loop3A_485 = vector.broadcast %parallel_loop3A_484 : i32 to vector<16xi32>
        %parallel_loop3A_486 = arith.muli %iota3A, %parallel_loop3A_485 : vector<16xi32>
        %parallel_loop3A_487 = vector.broadcast %parallel_loop3A_483 : i32 to vector<16xi32>
        %parallel_loop3A_488 = arith.addi %parallel_loop3A_486, %parallel_loop3A_487 : vector<16xi32>
        %parallel_loop3A_489 = arith.constant 0 : i32
        %parallel_loop3A_490 = vector.broadcast %parallel_loop3A_489 : i32 to vector<16xi32>
        %parallel_loop3A_491 = arith.addi %iota3A, %parallel_loop3A_490 : vector<16xi32>
        %parallel_loop3A_492 = tpu.vector_load_idx %arg9[%parallel_loop3A_491, %parallel_loop3A_488] : memref<128x128xf32, #tpu.memory_space<vmem>>[vector<16xi32>, vector<16xi32>], vector<16xf32>,
        %parallel_loop3A_493 = arith.index_cast %parallel_loop3A_483 : i32 to index
        %parallel_loop3A_494 = arith.constant 0 : index
        %parallel_loop3A_495 = tpu.vector_load %arg11[%parallel_loop3A_493, %parallel_loop3A_494] {strides = array<i32>} : memref<64x128xf32, #tpu.memory_space<vmem>>, vector<16xf32>,
        tpu.vector_store %arg11[%parallel_loop3A_493, %parallel_loop3A_494], %parallel_loop3A_492 {strides = array<i32>} : memref<64x128xf32, #tpu.memory_space<vmem>>, vector<16xf32>,
        %parallel_loop3A_496 = arith.constant 16 : i32
        %parallel_loop3A_497 = vector.broadcast %parallel_loop3A_496 : i32 to vector<16xi32>
        %parallel_loop3A_498 = arith.addi %iota3A, %parallel_loop3A_497 : vector<16xi32>
        %parallel_loop3A_499 = tpu.vector_load_idx %arg9[%parallel_loop3A_498, %parallel_loop3A_488] : memref<128x128xf32, #tpu.memory_space<vmem>>[vector<16xi32>, vector<16xi32>], vector<16xf32>,
        %parallel_loop3A_500 = arith.index_cast %parallel_loop3A_483 : i32 to index
        %parallel_loop3A_501 = arith.constant 16 : index
        %parallel_loop3A_502 = tpu.vector_load %arg11[%parallel_loop3A_500, %parallel_loop3A_501] {strides = array<i32>} : memref<64x128xf32, #tpu.memory_space<vmem>>, vector<16xf32>,
        tpu.vector_store %arg11[%parallel_loop3A_500, %parallel_loop3A_501], %parallel_loop3A_499 {strides = array<i32>} : memref<64x128xf32, #tpu.memory_space<vmem>>, vector<16xf32>,
        %parallel_loop3A_503 = arith.constant 32 : i32
        %parallel_loop3A_504 = vector.broadcast %parallel_loop3A_503 : i32 to vector<16xi32>
        %parallel_loop3A_505 = arith.addi %iota3A, %parallel_loop3A_504 : vector<16xi32>
        %parallel_loop3A_506 = tpu.vector_load_idx %arg9[%parallel_loop3A_505, %parallel_loop3A_488] : memref<128x128xf32, #tpu.memory_space<vmem>>[vector<16xi32>, vector<16xi32>], vector<16xf32>,
        %parallel_loop3A_507 = arith.index_cast %parallel_loop3A_483 : i32 to index
        %parallel_loop3A_508 = arith.constant 32 : index
        %parallel_loop3A_509 = tpu.vector_load %arg11[%parallel_loop3A_507, %parallel_loop3A_508] {strides = array<i32>} : memref<64x128xf32, #tpu.memory_space<vmem>>, vector<16xf32>,
        tpu.vector_store %arg11[%parallel_loop3A_507, %parallel_loop3A_508], %parallel_loop3A_506 {strides = array<i32>} : memref<64x128xf32, #tpu.memory_space<vmem>>, vector<16xf32>,
        %parallel_loop3A_510 = arith.constant 48 : i32
        %parallel_loop3A_511 = vector.broadcast %parallel_loop3A_510 : i32 to vector<16xi32>
        %parallel_loop3A_512 = arith.addi %iota3A, %parallel_loop3A_511 : vector<16xi32>
        %parallel_loop3A_513 = tpu.vector_load_idx %arg9[%parallel_loop3A_512, %parallel_loop3A_488] : memref<128x128xf32, #tpu.memory_space<vmem>>[vector<16xi32>, vector<16xi32>], vector<16xf32>,
        %parallel_loop3A_514 = arith.index_cast %parallel_loop3A_483 : i32 to index
        %parallel_loop3A_515 = arith.constant 48 : index
        %parallel_loop3A_516 = tpu.vector_load %arg11[%parallel_loop3A_514, %parallel_loop3A_515] {strides = array<i32>} : memref<64x128xf32, #tpu.memory_space<vmem>>, vector<16xf32>,
        tpu.vector_store %arg11[%parallel_loop3A_514, %parallel_loop3A_515], %parallel_loop3A_513 {strides = array<i32>} : memref<64x128xf32, #tpu.memory_space<vmem>>, vector<16xf32>,
        %parallel_loop3A_517 = arith.constant 64 : i32
        %parallel_loop3A_518 = vector.broadcast %parallel_loop3A_517 : i32 to vector<16xi32>
        %parallel_loop3A_519 = arith.addi %iota3A, %parallel_loop3A_518 : vector<16xi32>
        %parallel_loop3A_520 = tpu.vector_load_idx %arg9[%parallel_loop3A_519, %parallel_loop3A_488] : memref<128x128xf32, #tpu.memory_space<vmem>>[vector<16xi32>, vector<16xi32>], vector<16xf32>,
        %parallel_loop3A_521 = arith.index_cast %parallel_loop3A_483 : i32 to index
        %parallel_loop3A_522 = arith.constant 64 : index
        %parallel_loop3A_523 = tpu.vector_load %arg11[%parallel_loop3A_521, %parallel_loop3A_522] {strides = array<i32>} : memref<64x128xf32, #tpu.memory_space<vmem>>, vector<16xf32>,
        tpu.vector_store %arg11[%parallel_loop3A_521, %parallel_loop3A_522], %parallel_loop3A_520 {strides = array<i32>} : memref<64x128xf32, #tpu.memory_space<vmem>>, vector<16xf32>,
        %parallel_loop3A_524 = arith.constant 80 : i32
        %parallel_loop3A_525 = vector.broadcast %parallel_loop3A_524 : i32 to vector<16xi32>
        %parallel_loop3A_526 = arith.addi %iota3A, %parallel_loop3A_525 : vector<16xi32>
        %parallel_loop3A_527 = tpu.vector_load_idx %arg9[%parallel_loop3A_526, %parallel_loop3A_488] : memref<128x128xf32, #tpu.memory_space<vmem>>[vector<16xi32>, vector<16xi32>], vector<16xf32>,
        %parallel_loop3A_528 = arith.index_cast %parallel_loop3A_483 : i32 to index
        %parallel_loop3A_529 = arith.constant 80 : index
        %parallel_loop3A_530 = tpu.vector_load %arg11[%parallel_loop3A_528, %parallel_loop3A_529] {strides = array<i32>} : memref<64x128xf32, #tpu.memory_space<vmem>>, vector<16xf32>,
        tpu.vector_store %arg11[%parallel_loop3A_528, %parallel_loop3A_529], %parallel_loop3A_527 {strides = array<i32>} : memref<64x128xf32, #tpu.memory_space<vmem>>, vector<16xf32>,
        %parallel_loop3A_531 = arith.constant 96 : i32
        %parallel_loop3A_532 = vector.broadcast %parallel_loop3A_531 : i32 to vector<16xi32>
        %parallel_loop3A_533 = arith.addi %iota3A, %parallel_loop3A_532 : vector<16xi32>
        %parallel_loop3A_534 = tpu.vector_load_idx %arg9[%parallel_loop3A_533, %parallel_loop3A_488] : memref<128x128xf32, #tpu.memory_space<vmem>>[vector<16xi32>, vector<16xi32>], vector<16xf32>,
        %parallel_loop3A_535 = arith.index_cast %parallel_loop3A_483 : i32 to index
        %parallel_loop3A_536 = arith.constant 96 : index
        %parallel_loop3A_537 = tpu.vector_load %arg11[%parallel_loop3A_535, %parallel_loop3A_536] {strides = array<i32>} : memref<64x128xf32, #tpu.memory_space<vmem>>, vector<16xf32>,
        tpu.vector_store %arg11[%parallel_loop3A_535, %parallel_loop3A_536], %parallel_loop3A_534 {strides = array<i32>} : memref<64x128xf32, #tpu.memory_space<vmem>>, vector<16xf32>,
        %parallel_loop3A_538 = arith.constant 112 : i32
        %parallel_loop3A_539 = vector.broadcast %parallel_loop3A_538 : i32 to vector<16xi32>
        %parallel_loop3A_540 = arith.addi %iota3A, %parallel_loop3A_539 : vector<16xi32>
        %parallel_loop3A_541 = tpu.vector_load_idx %arg9[%parallel_loop3A_540, %parallel_loop3A_488] : memref<128x128xf32, #tpu.memory_space<vmem>>[vector<16xi32>, vector<16xi32>], vector<16xf32>,
        %parallel_loop3A_542 = arith.index_cast %parallel_loop3A_483 : i32 to index
        %parallel_loop3A_543 = arith.constant 112 : index
        %parallel_loop3A_544 = tpu.vector_load %arg11[%parallel_loop3A_542, %parallel_loop3A_543] {strides = array<i32>} : memref<64x128xf32, #tpu.memory_space<vmem>>, vector<16xf32>,
        tpu.vector_store %arg11[%parallel_loop3A_542, %parallel_loop3A_543], %parallel_loop3A_541 {strides = array<i32>} : memref<64x128xf32, #tpu.memory_space<vmem>>, vector<16xf32>,
      } {sc.loop_unroll_factor = 8 : i64, sc.parallel_access}
      %mul3A_414 = arith.constant 128 : i32
      %mul3A_415 = arith.muli %add3A, %mul3A_414 : i32
      %dma_start3A_416 = arith.constant 0 : i32
      %dma_start3A_417 = tpu.memref_slice %arg4[%add3A_398, %dma_start3A_416, %mul3A_415] : memref<50x64x4096xf32, #tpu.memory_space<hbm>> -> memref<1x64x128xf32, #tpu.memory_space<hbm>>
      %dma_start3A_418 = tpu.memref_squeeze %dma_start3A_417 : memref<1x64x128xf32, #tpu.memory_space<hbm>> -> memref<64x128xf32, #tpu.memory_space<hbm>>
      %dma_start3A_419 = arith.constant 0 : i32
      %dma_start3A_420 = tpu.memref_slice %arg4[%add3A_398, %dma_start3A_419, %mul3A_415] : memref<50x64x4096xf32, #tpu.memory_space<hbm>> -> memref<1x64x128xf32, #tpu.memory_space<hbm>>
      %dma_start3A_421 = tpu.memref_squeeze %dma_start3A_420 : memref<1x64x128xf32, #tpu.memory_space<hbm>> -> memref<64x128xf32, #tpu.memory_space<hbm>>
      tpu.enqueue_dma source(%arg11 : memref<64x128xf32, #tpu.memory_space<vmem>>) target(%dma_start3A_421 : memref<64x128xf32, #tpu.memory_space<hbm>>) target_semaphore(%arg15 : memref<!tpu.dma_semaphore, #tpu.memory_space<semaphore_mem>>)
      %add3A_422 = arith.constant 2 : i32
      %add3A_423 = arith.addi %add3A_398, %add3A_422 : i32
      %add3A_424 = arith.constant 0 : i32
      %add3A_425 = arith.addi %add3A_424, %add3A_423 : i32
      %add3A_426 = vector.broadcast %add3A_425 : i32 to vector<16xi32>
      %add3A_427 = arith.addi %mul3A_5, %add3A_426 : vector<16xi32>
      %gather3A_428 = tpu.vector_load_idx %arg5[%add3A_427] : memref<6400xi32, #tpu.memory_space<vmem>>[vector<16xi32>], vector<16xi32>,
      %swap3A_429 = arith.constant 0 : index
      %swap3A_430 = tpu.vector_load %arg7[%swap3A_429] {strides = array<i32>} : memref<128xi32, #tpu.memory_space<vmem>>, vector<16xi32>,
      tpu.vector_store %arg7[%swap3A_429], %gather3A_428 {strides = array<i32>} : memref<128xi32, #tpu.memory_space<vmem>>, vector<16xi32>,
      %add3A_431 = arith.constant 800 : i32
      %add3A_432 = arith.addi %add3A_431, %add3A_423 : i32
      %add3A_433 = vector.broadcast %add3A_432 : i32 to vector<16xi32>
      %add3A_434 = arith.addi %mul3A_5, %add3A_433 : vector<16xi32>
      %gather3A_435 = tpu.vector_load_idx %arg5[%add3A_434] : memref<6400xi32, #tpu.memory_space<vmem>>[vector<16xi32>], vector<16xi32>,
      %swap3A_436 = arith.constant 16 : index
      %swap3A_437 = tpu.vector_load %arg7[%swap3A_436] {strides = array<i32>} : memref<128xi32, #tpu.memory_space<vmem>>, vector<16xi32>,
      tpu.vector_store %arg7[%swap3A_436], %gather3A_435 {strides = array<i32>} : memref<128xi32, #tpu.memory_space<vmem>>, vector<16xi32>,
      %add3A_438 = arith.constant 1600 : i32
      %add3A_439 = arith.addi %add3A_438, %add3A_423 : i32
      %add3A_440 = vector.broadcast %add3A_439 : i32 to vector<16xi32>
      %add3A_441 = arith.addi %mul3A_5, %add3A_440 : vector<16xi32>
      %gather3A_442 = tpu.vector_load_idx %arg5[%add3A_441] : memref<6400xi32, #tpu.memory_space<vmem>>[vector<16xi32>], vector<16xi32>,
      %swap3A_443 = arith.constant 32 : index
      %swap3A_444 = tpu.vector_load %arg7[%swap3A_443] {strides = array<i32>} : memref<128xi32, #tpu.memory_space<vmem>>, vector<16xi32>,
      tpu.vector_store %arg7[%swap3A_443], %gather3A_442 {strides = array<i32>} : memref<128xi32, #tpu.memory_space<vmem>>, vector<16xi32>,
      %add3A_445 = arith.constant 2400 : i32
      %add3A_446 = arith.addi %add3A_445, %add3A_423 : i32
      %add3A_447 = vector.broadcast %add3A_446 : i32 to vector<16xi32>
      %add3A_448 = arith.addi %mul3A_5, %add3A_447 : vector<16xi32>
      %gather3A_449 = tpu.vector_load_idx %arg5[%add3A_448] : memref<6400xi32, #tpu.memory_space<vmem>>[vector<16xi32>], vector<16xi32>,
      %swap3A_450 = arith.constant 48 : index
      %swap3A_451 = tpu.vector_load %arg7[%swap3A_450] {strides = array<i32>} : memref<128xi32, #tpu.memory_space<vmem>>, vector<16xi32>,
      tpu.vector_store %arg7[%swap3A_450], %gather3A_449 {strides = array<i32>} : memref<128xi32, #tpu.memory_space<vmem>>, vector<16xi32>,
      %add3A_452 = arith.constant 3200 : i32
      %add3A_453 = arith.addi %add3A_452, %add3A_423 : i32
      %add3A_454 = vector.broadcast %add3A_453 : i32 to vector<16xi32>
      %add3A_455 = arith.addi %mul3A_5, %add3A_454 : vector<16xi32>
      %gather3A_456 = tpu.vector_load_idx %arg5[%add3A_455] : memref<6400xi32, #tpu.memory_space<vmem>>[vector<16xi32>], vector<16xi32>,
      %swap3A_457 = arith.constant 64 : index
      %swap3A_458 = tpu.vector_load %arg7[%swap3A_457] {strides = array<i32>} : memref<128xi32, #tpu.memory_space<vmem>>, vector<16xi32>,
      tpu.vector_store %arg7[%swap3A_457], %gather3A_456 {strides = array<i32>} : memref<128xi32, #tpu.memory_space<vmem>>, vector<16xi32>,
      %add3A_459 = arith.constant 4000 : i32
      %add3A_460 = arith.addi %add3A_459, %add3A_423 : i32
      %add3A_461 = vector.broadcast %add3A_460 : i32 to vector<16xi32>
      %add3A_462 = arith.addi %mul3A_5, %add3A_461 : vector<16xi32>
      %gather3A_463 = tpu.vector_load_idx %arg5[%add3A_462] : memref<6400xi32, #tpu.memory_space<vmem>>[vector<16xi32>], vector<16xi32>,
      %swap3A_464 = arith.constant 80 : index
      %swap3A_465 = tpu.vector_load %arg7[%swap3A_464] {strides = array<i32>} : memref<128xi32, #tpu.memory_space<vmem>>, vector<16xi32>,
      tpu.vector_store %arg7[%swap3A_464], %gather3A_463 {strides = array<i32>} : memref<128xi32, #tpu.memory_space<vmem>>, vector<16xi32>,
      %add3A_466 = arith.constant 4800 : i32
      %add3A_467 = arith.addi %add3A_466, %add3A_423 : i32
      %add3A_468 = vector.broadcast %add3A_467 : i32 to vector<16xi32>
      %add3A_469 = arith.addi %mul3A_5, %add3A_468 : vector<16xi32>
      %gather3A_470 = tpu.vector_load_idx %arg5[%add3A_469] : memref<6400xi32, #tpu.memory_space<vmem>>[vector<16xi32>], vector<16xi32>,
      %swap3A_471 = arith.constant 96 : index
      %swap3A_472 = tpu.vector_load %arg7[%swap3A_471] {strides = array<i32>} : memref<128xi32, #tpu.memory_space<vmem>>, vector<16xi32>,
      tpu.vector_store %arg7[%swap3A_471], %gather3A_470 {strides = array<i32>} : memref<128xi32, #tpu.memory_space<vmem>>, vector<16xi32>,
      %add3A_473 = arith.constant 5600 : i32
      %add3A_474 = arith.addi %add3A_473, %add3A_423 : i32
      %add3A_475 = vector.broadcast %add3A_474 : i32 to vector<16xi32>
      %add3A_476 = arith.addi %mul3A_5, %add3A_475 : vector<16xi32>
      %gather3A_477 = tpu.vector_load_idx %arg5[%add3A_476] : memref<6400xi32, #tpu.memory_space<vmem>>[vector<16xi32>], vector<16xi32>,
      %swap3A_478 = arith.constant 112 : index
      %swap3A_479 = tpu.vector_load %arg7[%swap3A_478] {strides = array<i32>} : memref<128xi32, #tpu.memory_space<vmem>>, vector<16xi32>,
      tpu.vector_store %arg7[%swap3A_478], %gather3A_477 {strides = array<i32>} : memref<128xi32, #tpu.memory_space<vmem>>, vector<16xi32>,
      %dma_start3A_480 = arith.constant 0 : i32
      %dma_start3A_481 = arith.constant 0 : i32
      %dma_start3A_482 = tpu.memref_slice %arg2[%dma_start3A_480, %dma_start3A_481] : memref<1000000x128xf32, #tpu.memory_space<hbm>> -> memref<1000000x128xf32, #tpu.memory_space<hbm>>
      tpu.enqueue_indirect_dma source(%dma_start3A_482 : memref<1000000x128xf32, #tpu.memory_space<hbm>>) target(%arg9 : memref<128x128xf32, #tpu.memory_space<vmem>>) offsets(%arg7 : memref<128xi32, #tpu.memory_space<vmem>>) semaphore(%arg13 : memref<!tpu.dma_semaphore, #tpu.memory_space<semaphore_mem>>)
    }
    %scan3A_245 = arith.constant 23 : i32
    %dma_wait3A_246 = arith.constant 0 : i32
    %dma_wait3A_247 = arith.constant 0 : i32
    %dma_wait3A_248 = tpu.memref_slice %arg2[%dma_wait3A_246, %dma_wait3A_247] : memref<1000000x128xf32, #tpu.memory_space<hbm>> -> memref<128x128xf32, #tpu.memory_space<hbm>>
    %dma_wait3A_249 = arith.constant 0 : i32
    %dma_wait3A_250 = arith.constant 0 : i32
    %dma_wait3A_251 = tpu.memref_slice %arg2[%dma_wait3A_249, %dma_wait3A_250] : memref<1000000x128xf32, #tpu.memory_space<hbm>> -> memref<128x128xf32, #tpu.memory_space<hbm>>
    tpu.wait_dma2 semaphore(%arg12 : memref<!tpu.dma_semaphore, #tpu.memory_space<semaphore_mem>>) src(%dma_wait3A_251 : memref<128x128xf32, #tpu.memory_space<hbm>>) dst(%arg8 : memref<128x128xf32, #tpu.memory_space<vmem>>)
    %dma_wait3A_252 = arith.constant 0 : i32
    %dma_wait3A_253 = arith.constant 0 : i32
    %dma_wait3A_254 = tpu.memref_slice %arg2[%dma_wait3A_252, %dma_wait3A_253] : memref<1000000x128xf32, #tpu.memory_space<hbm>> -> memref<64x128xf32, #tpu.memory_space<hbm>>
    %dma_wait3A_255 = arith.constant 0 : i32
    %dma_wait3A_256 = arith.constant 0 : i32
    %dma_wait3A_257 = tpu.memref_slice %arg2[%dma_wait3A_255, %dma_wait3A_256] : memref<1000000x128xf32, #tpu.memory_space<hbm>> -> memref<64x128xf32, #tpu.memory_space<hbm>>
    tpu.wait_dma2 semaphore(%arg14 : memref<!tpu.dma_semaphore, #tpu.memory_space<semaphore_mem>>) src(%dma_wait3A_257 : memref<64x128xf32, #tpu.memory_space<hbm>>) dst(%arg10 : memref<64x128xf32, #tpu.memory_space<vmem>>)
    %parallel_loop3A_258 = arith.constant 0 : i32
    %parallel_loop3A_259 = arith.constant 64 : i32
    %parallel_loop3A_260 = arith.constant 1 : i32
    scf.for %parallel_loop3A_306 = %parallel_loop3A_258 to %parallel_loop3A_259 step %parallel_loop3A_260  : i32 {
      %parallel_loop3A_307 = arith.constant 0 : i32
      %parallel_loop3A_308 = vector.broadcast %parallel_loop3A_307 : i32 to vector<16xi32>
      %parallel_loop3A_309 = arith.muli %iota3A, %parallel_loop3A_308 : vector<16xi32>
      %parallel_loop3A_310 = vector.broadcast %parallel_loop3A_306 : i32 to vector<16xi32>
      %parallel_loop3A_311 = arith.addi %parallel_loop3A_309, %parallel_loop3A_310 : vector<16xi32>
      %parallel_loop3A_312 = arith.constant 0 : i32
      %parallel_loop3A_313 = vector.broadcast %parallel_loop3A_312 : i32 to vector<16xi32>
      %parallel_loop3A_314 = arith.addi %iota3A, %parallel_loop3A_313 : vector<16xi32>
      %parallel_loop3A_315 = tpu.vector_load_idx %arg8[%parallel_loop3A_314, %parallel_loop3A_311] : memref<128x128xf32, #tpu.memory_space<vmem>>[vector<16xi32>, vector<16xi32>], vector<16xf32>,
      %parallel_loop3A_316 = arith.index_cast %parallel_loop3A_306 : i32 to index
      %parallel_loop3A_317 = arith.constant 0 : index
      %parallel_loop3A_318 = tpu.vector_load %arg10[%parallel_loop3A_316, %parallel_loop3A_317] {strides = array<i32>} : memref<64x128xf32, #tpu.memory_space<vmem>>, vector<16xf32>,
      tpu.vector_store %arg10[%parallel_loop3A_316, %parallel_loop3A_317], %parallel_loop3A_315 {strides = array<i32>} : memref<64x128xf32, #tpu.memory_space<vmem>>, vector<16xf32>,
      %parallel_loop3A_319 = arith.constant 16 : i32
      %parallel_loop3A_320 = vector.broadcast %parallel_loop3A_319 : i32 to vector<16xi32>
      %parallel_loop3A_321 = arith.addi %iota3A, %parallel_loop3A_320 : vector<16xi32>
      %parallel_loop3A_322 = tpu.vector_load_idx %arg8[%parallel_loop3A_321, %parallel_loop3A_311] : memref<128x128xf32, #tpu.memory_space<vmem>>[vector<16xi32>, vector<16xi32>], vector<16xf32>,
      %parallel_loop3A_323 = arith.index_cast %parallel_loop3A_306 : i32 to index
      %parallel_loop3A_324 = arith.constant 16 : index
      %parallel_loop3A_325 = tpu.vector_load %arg10[%parallel_loop3A_323, %parallel_loop3A_324] {strides = array<i32>} : memref<64x128xf32, #tpu.memory_space<vmem>>, vector<16xf32>,
      tpu.vector_store %arg10[%parallel_loop3A_323, %parallel_loop3A_324], %parallel_loop3A_322 {strides = array<i32>} : memref<64x128xf32, #tpu.memory_space<vmem>>, vector<16xf32>,
      %parallel_loop3A_326 = arith.constant 32 : i32
      %parallel_loop3A_327 = vector.broadcast %parallel_loop3A_326 : i32 to vector<16xi32>
      %parallel_loop3A_328 = arith.addi %iota3A, %parallel_loop3A_327 : vector<16xi32>
      %parallel_loop3A_329 = tpu.vector_load_idx %arg8[%parallel_loop3A_328, %parallel_loop3A_311] : memref<128x128xf32, #tpu.memory_space<vmem>>[vector<16xi32>, vector<16xi32>], vector<16xf32>,
      %parallel_loop3A_330 = arith.index_cast %parallel_loop3A_306 : i32 to index
      %parallel_loop3A_331 = arith.constant 32 : index
      %parallel_loop3A_332 = tpu.vector_load %arg10[%parallel_loop3A_330, %parallel_loop3A_331] {strides = array<i32>} : memref<64x128xf32, #tpu.memory_space<vmem>>, vector<16xf32>,
      tpu.vector_store %arg10[%parallel_loop3A_330, %parallel_loop3A_331], %parallel_loop3A_329 {strides = array<i32>} : memref<64x128xf32, #tpu.memory_space<vmem>>, vector<16xf32>,
      %parallel_loop3A_333 = arith.constant 48 : i32
      %parallel_loop3A_334 = vector.broadcast %parallel_loop3A_333 : i32 to vector<16xi32>
      %parallel_loop3A_335 = arith.addi %iota3A, %parallel_loop3A_334 : vector<16xi32>
      %parallel_loop3A_336 = tpu.vector_load_idx %arg8[%parallel_loop3A_335, %parallel_loop3A_311] : memref<128x128xf32, #tpu.memory_space<vmem>>[vector<16xi32>, vector<16xi32>], vector<16xf32>,
      %parallel_loop3A_337 = arith.index_cast %parallel_loop3A_306 : i32 to index
      %parallel_loop3A_338 = arith.constant 48 : index
      %parallel_loop3A_339 = tpu.vector_load %arg10[%parallel_loop3A_337, %parallel_loop3A_338] {strides = array<i32>} : memref<64x128xf32, #tpu.memory_space<vmem>>, vector<16xf32>,
      tpu.vector_store %arg10[%parallel_loop3A_337, %parallel_loop3A_338], %parallel_loop3A_336 {strides = array<i32>} : memref<64x128xf32, #tpu.memory_space<vmem>>, vector<16xf32>,
      %parallel_loop3A_340 = arith.constant 64 : i32
      %parallel_loop3A_341 = vector.broadcast %parallel_loop3A_340 : i32 to vector<16xi32>
      %parallel_loop3A_342 = arith.addi %iota3A, %parallel_loop3A_341 : vector<16xi32>
      %parallel_loop3A_343 = tpu.vector_load_idx %arg8[%parallel_loop3A_342, %parallel_loop3A_311] : memref<128x128xf32, #tpu.memory_space<vmem>>[vector<16xi32>, vector<16xi32>], vector<16xf32>,
      %parallel_loop3A_344 = arith.index_cast %parallel_loop3A_306 : i32 to index
      %parallel_loop3A_345 = arith.constant 64 : index
      %parallel_loop3A_346 = tpu.vector_load %arg10[%parallel_loop3A_344, %parallel_loop3A_345] {strides = array<i32>} : memref<64x128xf32, #tpu.memory_space<vmem>>, vector<16xf32>,
      tpu.vector_store %arg10[%parallel_loop3A_344, %parallel_loop3A_345], %parallel_loop3A_343 {strides = array<i32>} : memref<64x128xf32, #tpu.memory_space<vmem>>, vector<16xf32>,
      %parallel_loop3A_347 = arith.constant 80 : i32
      %parallel_loop3A_348 = vector.broadcast %parallel_loop3A_347 : i32 to vector<16xi32>
      %parallel_loop3A_349 = arith.addi %iota3A, %parallel_loop3A_348 : vector<16xi32>
      %parallel_loop3A_350 = tpu.vector_load_idx %arg8[%parallel_loop3A_349, %parallel_loop3A_311] : memref<128x128xf32, #tpu.memory_space<vmem>>[vector<16xi32>, vector<16xi32>], vector<16xf32>,
      %parallel_loop3A_351 = arith.index_cast %parallel_loop3A_306 : i32 to index
      %parallel_loop3A_352 = arith.constant 80 : index
      %parallel_loop3A_353 = tpu.vector_load %arg10[%parallel_loop3A_351, %parallel_loop3A_352] {strides = array<i32>} : memref<64x128xf32, #tpu.memory_space<vmem>>, vector<16xf32>,
      tpu.vector_store %arg10[%parallel_loop3A_351, %parallel_loop3A_352], %parallel_loop3A_350 {strides = array<i32>} : memref<64x128xf32, #tpu.memory_space<vmem>>, vector<16xf32>,
      %parallel_loop3A_354 = arith.constant 96 : i32
      %parallel_loop3A_355 = vector.broadcast %parallel_loop3A_354 : i32 to vector<16xi32>
      %parallel_loop3A_356 = arith.addi %iota3A, %parallel_loop3A_355 : vector<16xi32>
      %parallel_loop3A_357 = tpu.vector_load_idx %arg8[%parallel_loop3A_356, %parallel_loop3A_311] : memref<128x128xf32, #tpu.memory_space<vmem>>[vector<16xi32>, vector<16xi32>], vector<16xf32>,
      %parallel_loop3A_358 = arith.index_cast %parallel_loop3A_306 : i32 to index
      %parallel_loop3A_359 = arith.constant 96 : index
      %parallel_loop3A_360 = tpu.vector_load %arg10[%parallel_loop3A_358, %parallel_loop3A_359] {strides = array<i32>} : memref<64x128xf32, #tpu.memory_space<vmem>>, vector<16xf32>,
      tpu.vector_store %arg10[%parallel_loop3A_358, %parallel_loop3A_359], %parallel_loop3A_357 {strides = array<i32>} : memref<64x128xf32, #tpu.memory_space<vmem>>, vector<16xf32>,
      %parallel_loop3A_361 = arith.constant 112 : i32
      %parallel_loop3A_362 = vector.broadcast %parallel_loop3A_361 : i32 to vector<16xi32>
      %parallel_loop3A_363 = arith.addi %iota3A, %parallel_loop3A_362 : vector<16xi32>
      %parallel_loop3A_364 = tpu.vector_load_idx %arg8[%parallel_loop3A_363, %parallel_loop3A_311] : memref<128x128xf32, #tpu.memory_space<vmem>>[vector<16xi32>, vector<16xi32>], vector<16xf32>,
      %parallel_loop3A_365 = arith.index_cast %parallel_loop3A_306 : i32 to index
      %parallel_loop3A_366 = arith.constant 112 : index
      %parallel_loop3A_367 = tpu.vector_load %arg10[%parallel_loop3A_365, %parallel_loop3A_366] {strides = array<i32>} : memref<64x128xf32, #tpu.memory_space<vmem>>, vector<16xf32>,
      tpu.vector_store %arg10[%parallel_loop3A_365, %parallel_loop3A_366], %parallel_loop3A_364 {strides = array<i32>} : memref<64x128xf32, #tpu.memory_space<vmem>>, vector<16xf32>,
    } {sc.loop_unroll_factor = 8 : i64, sc.parallel_access}
    %mul3A_261 = arith.constant 128 : i32
    %mul3A_262 = arith.muli %add3A, %mul3A_261 : i32
    %dma_start3A_263 = arith.constant 48 : i32
    %dma_start3A_264 = arith.constant 0 : i32
    %dma_start3A_265 = tpu.memref_slice %arg4[%dma_start3A_263, %dma_start3A_264, %mul3A_262] : memref<50x64x4096xf32, #tpu.memory_space<hbm>> -> memref<1x64x128xf32, #tpu.memory_space<hbm>>
    %dma_start3A_266 = tpu.memref_squeeze %dma_start3A_265 : memref<1x64x128xf32, #tpu.memory_space<hbm>> -> memref<64x128xf32, #tpu.memory_space<hbm>>
    %dma_start3A_267 = arith.constant 0 : i32
    %dma_start3A_268 = tpu.memref_slice %arg4[%dma_start3A_263, %dma_start3A_267, %mul3A_262] : memref<50x64x4096xf32, #tpu.memory_space<hbm>> -> memref<1x64x128xf32, #tpu.memory_space<hbm>>
    %dma_start3A_269 = tpu.memref_squeeze %dma_start3A_268 : memref<1x64x128xf32, #tpu.memory_space<hbm>> -> memref<64x128xf32, #tpu.memory_space<hbm>>
    tpu.enqueue_dma source(%arg10 : memref<64x128xf32, #tpu.memory_space<vmem>>) target(%dma_start3A_269 : memref<64x128xf32, #tpu.memory_space<hbm>>) target_semaphore(%arg14 : memref<!tpu.dma_semaphore, #tpu.memory_space<semaphore_mem>>)
    %dma_wait3A_270 = arith.constant 0 : i32
    %dma_wait3A_271 = arith.constant 0 : i32
    %dma_wait3A_272 = tpu.memref_slice %arg2[%dma_wait3A_270, %dma_wait3A_271] : memref<1000000x128xf32, #tpu.memory_space<hbm>> -> memref<128x128xf32, #tpu.memory_space<hbm>>
    %dma_wait3A_273 = arith.constant 0 : i32
    %dma_wait3A_274 = arith.constant 0 : i32
    %dma_wait3A_275 = tpu.memref_slice %arg2[%dma_wait3A_273, %dma_wait3A_274] : memref<1000000x128xf32, #tpu.memory_space<hbm>> -> memref<128x128xf32, #tpu.memory_space<hbm>>
    tpu.wait_dma2 semaphore(%arg13 : memref<!tpu.dma_semaphore, #tpu.memory_space<semaphore_mem>>) src(%dma_wait3A_275 : memref<128x128xf32, #tpu.memory_space<hbm>>) dst(%arg9 : memref<128x128xf32, #tpu.memory_space<vmem>>)
    %dma_wait3A_276 = arith.constant 0 : i32
    %dma_wait3A_277 = arith.constant 0 : i32
    %dma_wait3A_278 = tpu.memref_slice %arg2[%dma_wait3A_276, %dma_wait3A_277] : memref<1000000x128xf32, #tpu.memory_space<hbm>> -> memref<64x128xf32, #tpu.memory_space<hbm>>
    %dma_wait3A_279 = arith.constant 0 : i32
    %dma_wait3A_280 = arith.constant 0 : i32
    %dma_wait3A_281 = tpu.memref_slice %arg2[%dma_wait3A_279, %dma_wait3A_280] : memref<1000000x128xf32, #tpu.memory_space<hbm>> -> memref<64x128xf32, #tpu.memory_space<hbm>>
    tpu.wait_dma2 semaphore(%arg15 : memref<!tpu.dma_semaphore, #tpu.memory_space<semaphore_mem>>) src(%dma_wait3A_281 : memref<64x128xf32, #tpu.memory_space<hbm>>) dst(%arg11 : memref<64x128xf32, #tpu.memory_space<vmem>>)
    %parallel_loop3A_282 = arith.constant 0 : i32
    %parallel_loop3A_283 = arith.constant 64 : i32
    %parallel_loop3A_284 = arith.constant 1 : i32
    scf.for %parallel_loop3A_306 = %parallel_loop3A_282 to %parallel_loop3A_283 step %parallel_loop3A_284  : i32 {
      %parallel_loop3A_307 = arith.constant 0 : i32
      %parallel_loop3A_308 = vector.broadcast %parallel_loop3A_307 : i32 to vector<16xi32>
      %parallel_loop3A_309 = arith.muli %iota3A, %parallel_loop3A_308 : vector<16xi32>
      %parallel_loop3A_310 = vector.broadcast %parallel_loop3A_306 : i32 to vector<16xi32>
      %parallel_loop3A_311 = arith.addi %parallel_loop3A_309, %parallel_loop3A_310 : vector<16xi32>
      %parallel_loop3A_312 = arith.constant 0 : i32
      %parallel_loop3A_313 = vector.broadcast %parallel_loop3A_312 : i32 to vector<16xi32>
      %parallel_loop3A_314 = arith.addi %iota3A, %parallel_loop3A_313 : vector<16xi32>
      %parallel_loop3A_315 = tpu.vector_load_idx %arg9[%parallel_loop3A_314, %parallel_loop3A_311] : memref<128x128xf32, #tpu.memory_space<vmem>>[vector<16xi32>, vector<16xi32>], vector<16xf32>,
      %parallel_loop3A_316 = arith.index_cast %parallel_loop3A_306 : i32 to index
      %parallel_loop3A_317 = arith.constant 0 : index
      %parallel_loop3A_318 = tpu.vector_load %arg11[%parallel_loop3A_316, %parallel_loop3A_317] {strides = array<i32>} : memref<64x128xf32, #tpu.memory_space<vmem>>, vector<16xf32>,
      tpu.vector_store %arg11[%parallel_loop3A_316, %parallel_loop3A_317], %parallel_loop3A_315 {strides = array<i32>} : memref<64x128xf32, #tpu.memory_space<vmem>>, vector<16xf32>,
      %parallel_loop3A_319 = arith.constant 16 : i32
      %parallel_loop3A_320 = vector.broadcast %parallel_loop3A_319 : i32 to vector<16xi32>
      %parallel_loop3A_321 = arith.addi %iota3A, %parallel_loop3A_320 : vector<16xi32>
      %parallel_loop3A_322 = tpu.vector_load_idx %arg9[%parallel_loop3A_321, %parallel_loop3A_311] : memref<128x128xf32, #tpu.memory_space<vmem>>[vector<16xi32>, vector<16xi32>], vector<16xf32>,
      %parallel_loop3A_323 = arith.index_cast %parallel_loop3A_306 : i32 to index
      %parallel_loop3A_324 = arith.constant 16 : index
      %parallel_loop3A_325 = tpu.vector_load %arg11[%parallel_loop3A_323, %parallel_loop3A_324] {strides = array<i32>} : memref<64x128xf32, #tpu.memory_space<vmem>>, vector<16xf32>,
      tpu.vector_store %arg11[%parallel_loop3A_323, %parallel_loop3A_324], %parallel_loop3A_322 {strides = array<i32>} : memref<64x128xf32, #tpu.memory_space<vmem>>, vector<16xf32>,
      %parallel_loop3A_326 = arith.constant 32 : i32
      %parallel_loop3A_327 = vector.broadcast %parallel_loop3A_326 : i32 to vector<16xi32>
      %parallel_loop3A_328 = arith.addi %iota3A, %parallel_loop3A_327 : vector<16xi32>
      %parallel_loop3A_329 = tpu.vector_load_idx %arg9[%parallel_loop3A_328, %parallel_loop3A_311] : memref<128x128xf32, #tpu.memory_space<vmem>>[vector<16xi32>, vector<16xi32>], vector<16xf32>,
      %parallel_loop3A_330 = arith.index_cast %parallel_loop3A_306 : i32 to index
      %parallel_loop3A_331 = arith.constant 32 : index
      %parallel_loop3A_332 = tpu.vector_load %arg11[%parallel_loop3A_330, %parallel_loop3A_331] {strides = array<i32>} : memref<64x128xf32, #tpu.memory_space<vmem>>, vector<16xf32>,
      tpu.vector_store %arg11[%parallel_loop3A_330, %parallel_loop3A_331], %parallel_loop3A_329 {strides = array<i32>} : memref<64x128xf32, #tpu.memory_space<vmem>>, vector<16xf32>,
      %parallel_loop3A_333 = arith.constant 48 : i32
      %parallel_loop3A_334 = vector.broadcast %parallel_loop3A_333 : i32 to vector<16xi32>
      %parallel_loop3A_335 = arith.addi %iota3A, %parallel_loop3A_334 : vector<16xi32>
      %parallel_loop3A_336 = tpu.vector_load_idx %arg9[%parallel_loop3A_335, %parallel_loop3A_311] : memref<128x128xf32, #tpu.memory_space<vmem>>[vector<16xi32>, vector<16xi32>], vector<16xf32>,
      %parallel_loop3A_337 = arith.index_cast %parallel_loop3A_306 : i32 to index
      %parallel_loop3A_338 = arith.constant 48 : index
      %parallel_loop3A_339 = tpu.vector_load %arg11[%parallel_loop3A_337, %parallel_loop3A_338] {strides = array<i32>} : memref<64x128xf32, #tpu.memory_space<vmem>>, vector<16xf32>,
      tpu.vector_store %arg11[%parallel_loop3A_337, %parallel_loop3A_338], %parallel_loop3A_336 {strides = array<i32>} : memref<64x128xf32, #tpu.memory_space<vmem>>, vector<16xf32>,
      %parallel_loop3A_340 = arith.constant 64 : i32
      %parallel_loop3A_341 = vector.broadcast %parallel_loop3A_340 : i32 to vector<16xi32>
      %parallel_loop3A_342 = arith.addi %iota3A, %parallel_loop3A_341 : vector<16xi32>
      %parallel_loop3A_343 = tpu.vector_load_idx %arg9[%parallel_loop3A_342, %parallel_loop3A_311] : memref<128x128xf32, #tpu.memory_space<vmem>>[vector<16xi32>, vector<16xi32>], vector<16xf32>,
      %parallel_loop3A_344 = arith.index_cast %parallel_loop3A_306 : i32 to index
      %parallel_loop3A_345 = arith.constant 64 : index
      %parallel_loop3A_346 = tpu.vector_load %arg11[%parallel_loop3A_344, %parallel_loop3A_345] {strides = array<i32>} : memref<64x128xf32, #tpu.memory_space<vmem>>, vector<16xf32>,
      tpu.vector_store %arg11[%parallel_loop3A_344, %parallel_loop3A_345], %parallel_loop3A_343 {strides = array<i32>} : memref<64x128xf32, #tpu.memory_space<vmem>>, vector<16xf32>,
      %parallel_loop3A_347 = arith.constant 80 : i32
      %parallel_loop3A_348 = vector.broadcast %parallel_loop3A_347 : i32 to vector<16xi32>
      %parallel_loop3A_349 = arith.addi %iota3A, %parallel_loop3A_348 : vector<16xi32>
      %parallel_loop3A_350 = tpu.vector_load_idx %arg9[%parallel_loop3A_349, %parallel_loop3A_311] : memref<128x128xf32, #tpu.memory_space<vmem>>[vector<16xi32>, vector<16xi32>], vector<16xf32>,
      %parallel_loop3A_351 = arith.index_cast %parallel_loop3A_306 : i32 to index
      %parallel_loop3A_352 = arith.constant 80 : index
      %parallel_loop3A_353 = tpu.vector_load %arg11[%parallel_loop3A_351, %parallel_loop3A_352] {strides = array<i32>} : memref<64x128xf32, #tpu.memory_space<vmem>>, vector<16xf32>,
      tpu.vector_store %arg11[%parallel_loop3A_351, %parallel_loop3A_352], %parallel_loop3A_350 {strides = array<i32>} : memref<64x128xf32, #tpu.memory_space<vmem>>, vector<16xf32>,
      %parallel_loop3A_354 = arith.constant 96 : i32
      %parallel_loop3A_355 = vector.broadcast %parallel_loop3A_354 : i32 to vector<16xi32>
      %parallel_loop3A_356 = arith.addi %iota3A, %parallel_loop3A_355 : vector<16xi32>
      %parallel_loop3A_357 = tpu.vector_load_idx %arg9[%parallel_loop3A_356, %parallel_loop3A_311] : memref<128x128xf32, #tpu.memory_space<vmem>>[vector<16xi32>, vector<16xi32>], vector<16xf32>,
      %parallel_loop3A_358 = arith.index_cast %parallel_loop3A_306 : i32 to index
      %parallel_loop3A_359 = arith.constant 96 : index
      %parallel_loop3A_360 = tpu.vector_load %arg11[%parallel_loop3A_358, %parallel_loop3A_359] {strides = array<i32>} : memref<64x128xf32, #tpu.memory_space<vmem>>, vector<16xf32>,
      tpu.vector_store %arg11[%parallel_loop3A_358, %parallel_loop3A_359], %parallel_loop3A_357 {strides = array<i32>} : memref<64x128xf32, #tpu.memory_space<vmem>>, vector<16xf32>,
      %parallel_loop3A_361 = arith.constant 112 : i32
      %parallel_loop3A_362 = vector.broadcast %parallel_loop3A_361 : i32 to vector<16xi32>
      %parallel_loop3A_363 = arith.addi %iota3A, %parallel_loop3A_362 : vector<16xi32>
      %parallel_loop3A_364 = tpu.vector_load_idx %arg9[%parallel_loop3A_363, %parallel_loop3A_311] : memref<128x128xf32, #tpu.memory_space<vmem>>[vector<16xi32>, vector<16xi32>], vector<16xf32>,
      %parallel_loop3A_365 = arith.index_cast %parallel_loop3A_306 : i32 to index
      %parallel_loop3A_366 = arith.constant 112 : index
      %parallel_loop3A_367 = tpu.vector_load %arg11[%parallel_loop3A_365, %parallel_loop3A_366] {strides = array<i32>} : memref<64x128xf32, #tpu.memory_space<vmem>>, vector<16xf32>,
      tpu.vector_store %arg11[%parallel_loop3A_365, %parallel_loop3A_366], %parallel_loop3A_364 {strides = array<i32>} : memref<64x128xf32, #tpu.memory_space<vmem>>, vector<16xf32>,
    } {sc.loop_unroll_factor = 8 : i64, sc.parallel_access}
    %mul3A_285 = arith.constant 128 : i32
    %mul3A_286 = arith.muli %add3A, %mul3A_285 : i32
    %dma_start3A_287 = arith.constant 49 : i32
    %dma_start3A_288 = arith.constant 0 : i32
    %dma_start3A_289 = tpu.memref_slice %arg4[%dma_start3A_287, %dma_start3A_288, %mul3A_286] : memref<50x64x4096xf32, #tpu.memory_space<hbm>> -> memref<1x64x128xf32, #tpu.memory_space<hbm>>
    %dma_start3A_290 = tpu.memref_squeeze %dma_start3A_289 : memref<1x64x128xf32, #tpu.memory_space<hbm>> -> memref<64x128xf32, #tpu.memory_space<hbm>>
    %dma_start3A_291 = arith.constant 0 : i32
    %dma_start3A_292 = tpu.memref_slice %arg4[%dma_start3A_287, %dma_start3A_291, %mul3A_286] : memref<50x64x4096xf32, #tpu.memory_space<hbm>> -> memref<1x64x128xf32, #tpu.memory_space<hbm>>
    %dma_start3A_293 = tpu.memref_squeeze %dma_start3A_292 : memref<1x64x128xf32, #tpu.memory_space<hbm>> -> memref<64x128xf32, #tpu.memory_space<hbm>>
    tpu.enqueue_dma source(%arg11 : memref<64x128xf32, #tpu.memory_space<vmem>>) target(%dma_start3A_293 : memref<64x128xf32, #tpu.memory_space<hbm>>) target_semaphore(%arg15 : memref<!tpu.dma_semaphore, #tpu.memory_space<semaphore_mem>>)
    %dma_wait3A_294 = arith.constant 0 : i32
    %dma_wait3A_295 = arith.constant 0 : i32
    %dma_wait3A_296 = tpu.memref_slice %arg2[%dma_wait3A_294, %dma_wait3A_295] : memref<1000000x128xf32, #tpu.memory_space<hbm>> -> memref<64x128xf32, #tpu.memory_space<hbm>>
    %dma_wait3A_297 = arith.constant 0 : i32
    %dma_wait3A_298 = arith.constant 0 : i32
    %dma_wait3A_299 = tpu.memref_slice %arg2[%dma_wait3A_297, %dma_wait3A_298] : memref<1000000x128xf32, #tpu.memory_space<hbm>> -> memref<64x128xf32, #tpu.memory_space<hbm>>
    tpu.wait_dma2 semaphore(%arg14 : memref<!tpu.dma_semaphore, #tpu.memory_space<semaphore_mem>>) src(%dma_wait3A_299 : memref<64x128xf32, #tpu.memory_space<hbm>>) dst(%arg10 : memref<64x128xf32, #tpu.memory_space<vmem>>)
    %dma_wait3A_300 = arith.constant 0 : i32
    %dma_wait3A_301 = arith.constant 0 : i32
    %dma_wait3A_302 = tpu.memref_slice %arg2[%dma_wait3A_300, %dma_wait3A_301] : memref<1000000x128xf32, #tpu.memory_space<hbm>> -> memref<64x128xf32, #tpu.memory_space<hbm>>
    %dma_wait3A_303 = arith.constant 0 : i32
    %dma_wait3A_304 = arith.constant 0 : i32
    %dma_wait3A_305 = tpu.memref_slice %arg2[%dma_wait3A_303, %dma_wait3A_304] : memref<1000000x128xf32, #tpu.memory_space<hbm>> -> memref<64x128xf32, #tpu.memory_space<hbm>>
    tpu.wait_dma2 semaphore(%arg15 : memref<!tpu.dma_semaphore, #tpu.memory_space<semaphore_mem>>) src(%dma_wait3A_305 : memref<64x128xf32, #tpu.memory_space<hbm>>) dst(%arg11 : memref<64x128xf32, #tpu.memory_space<vmem>>)
    return
  }
}

</mosaic_0001>

<sc_bundles>
// kernel: kernel.3.cloned.1.call-start
scs
__scs_entry_jumppad:
0x0: {  	(pc) =	sbr.rel $0x88, $3  }
0x1: {  	(tag) =	ssettag $0x0;
	lr =	simm.s32 $0x1  }
0x2: {  	[smem:$0x3F9F] =	sst lr;
	_ =	strace $0xD0000000  }
0x3: {  	_ = 	snop  }
0x4: {  	_ = 	snop  }
0x5: {  	_ = 	snop  }
0x6: {  	_ = 	snop  }
0x7: {  	_ = 	snop  }
__scs_overlays_trampoline_lowered:
0x8: {  	[smem:$0x3FAE] =	sst s0  }
0x9: {  	[smem:$0x3FAF] =	sst s1  }
0xa: {  	[smem:$0x3FB0] =	sst s2  }
0xb: {  	[smem:$0x3FB1] =	sst s3  }
0xc: {  	[smem:$0x3FB2] =	sst s4  }
0xd: {  	[smem:$0x3FB3] =	sst s5  }
0xe: {  	[smem:$0x3FB4] =	sst s6  }
0xf: {  	[smem:$0x3FB5] =	sst s7  }
0x10: {  	[smem:$0x3FB6] =	sst s8  }
0x11: {  	[smem:$0x3FB7] =	sst s9;
	s0 =	simm.s32 @!p0 $0x0  }
0x12: {  	s1 =	sld [smem:$0x3F9D];
	s0 =	simm.s32 @p0 $0x1  }
0x13: {  	[smem:$0x3FB8] =	sst s0;
	s0 =	simm.s32 @!p1 $0x0  }
0x14: {  	s2 =	sld [smem:$0x3F9C];
	s0 =	simm.s32 @p1 $0x1  }
0x15: {  	[smem:$0x3FB9] =	sst s0;
	s0 =	simm.s32 @!p2 $0x0  }
0x16: {  	s3 =	sld [smem:$0x3FDB];
	s0 =	simm.s32 @p2 $0x1  }
0x17: {  	s4 =	simm.s32 $0x1BF5;
	[smem:$0x3FBB] =	sst s0  }
0x18: {  	s0 =	sld [smem:$0x3F9E];
	_ =	swait.ge [sflag:s4], $0x0  }
0x19: {  	s7 =	sld [smem:$0x3F9F]  }
0x1a: {  	s8 =	sadd.s32 $0xFFFFE003, lr  }
0x1b: {  	s9 =	sadd.s32 $0xFFFFFEF7, lr;
	s5 =	simm.s32 $0xFFFFFFFF;
	p2 =	slt.u32 s8, $0xFFFFF086  }
0x1c: {  	p1 =	slt.u32 s9, $0xF7A;
	s5 =	simm.s32 @!p2 $0x0  }
0x1d: {  	s5 =	simm.s32 @p1 $0x1;
	p0 =	seq.s32 s7, s2  }
0x1e: {  	s7 =	smul.u32 @!p0 $0xF7A, s2;
	p2 =	seq.s32 @!p0 s5, $0x0  }
0x1f: {  	s9 =	smul.u32 $0xF7A, s1;
	s8 =	simm.s32 @!p0 $0x1BF5;
	p2 =	por !p2, p0  }
0x20: {  	[sflag:s8] =	ssyncset.s32 @!p0 $0xFFFFF086;
	s6 =	sadd.s32 @!p0 s3, s7;
	s7 =	simm.s32 @!p0 $0x108  }
0x21: {  	s3 =	sadd.s32 s3, s9;
	s6 =	sadd.s32 @!p0 $0x88, s6;
	s7 =	simm.s32 @p2 $0x1082  }
0x22: {  	[simem:s7], [sflag:s8] =	dma.local @!p0 [hbm:s6], $0xF7A  }
0x23: {  	s9 =	sor.u32 $0xD0000000, s2;
	s6 =	simm.s32 $0x108;
	_ =	swait.ge @!p0 [sflag:s8], $0x0  }
0x24: {  	s3 =	sadd.s32 $0x88, s3;
	s6 =	simm.s32 @!p1 $0x1082;
	[sflag:s4] =	ssyncset.s32 $0xFFFFF086  }
0x25: {  	[simem:s6], [sflag:s4] =	dma.local [hbm:s3], $0xF7A  }
0x26: {  	[smem:$0x3F9F] =	sst s1;
	(tag) =	ssettag s2;
	_ =	strace s9  }
0x27: {  	s1 =	sld [smem:$0x3FAF]  }
0x28: {  	s2 =	sld [smem:$0x3FB0]  }
0x29: {  	s4 =	sld [smem:$0x3FB2]  }
0x2a: {  	p0 =	seq.s32 s5, $0x0;
	s5 =	sld [smem:$0x3FB3]  }
0x2b: {  	s6 =	sld [smem:$0x3FB4]  }
0x2c: {  	s7 =	sld [smem:$0x3FB5]  }
0x2d: {  	s3 =	simm.s32 $0x108;
	s8 =	sld [smem:$0x3FB6]  }
0x2e: {  	s3 =	simm.s32 @!p0 $0x1082;
	s9 =	sld [smem:$0x3FB7]  }
0x2f: {  	lr =	sadd.s32 s0, s3;
	s0 =	sld [smem:$0x3FAE]  }
0x30: {  	s3 =	sld [smem:$0x3FB1]  }
0x31: {  	[smem:$0x3FBA] =	sst s10  }
0x32: {  	s10 =	sld [smem:$0x3FB8];
	_ =	sdelay $0x3  }
0x33: {  	p0 =	seq.s32 s10, $0x1;
	s10 =	sld [smem:$0x3FBA];
	_ =	sdelay $0x3  }
0x34: {  	[smem:$0x3FBA] =	sst s10  }
0x35: {  	s10 =	sld [smem:$0x3FB9];
	_ =	sdelay $0x3  }
0x36: {  	p1 =	seq.s32 s10, $0x1;
	s10 =	sld [smem:$0x3FBA];
	_ =	sdelay $0x3  }
0x37: {  	[smem:$0x3FBA] =	sst s10  }
0x38: {  	s10 =	sld [smem:$0x3FBB]  }
0x39: {  	_ = 	snop;
	(pc) =	sbr.ind lr, $3  }
0x3a: {  	_ = 	snop  }
0x3b: {  	_ = 	snop  }
0x3c: {  	p2 =	seq.s32 s10, $0x1;
	s10 =	sld [smem:$0x3FBA]  }
0x3d: {  	_ =	shalt  }
0x3e: {  	_ =	shalt  }
0x3f: {  	_ =	shalt  }
0x40: {  	_ =	shalt  }
0x41: {  	_ =	shalt  }
0x42: {  	_ =	shalt  }
0x43: {  	_ =	shalt  }
0x44: {  	_ =	shalt  }
0x45: {  	_ =	shalt  }
0x46: {  	_ =	shalt  }
0x47: {  	_ =	shalt  }
0x48: {  	_ =	shalt  }
0x49: {  	_ =	shalt  }
0x4a: {  	_ =	shalt  }
0x4b: {  	_ =	shalt  }
0x4c: {  	_ =	shalt  }
0x4d: {  	_ =	shalt  }
0x4e: {  	_ =	shalt  }
0x4f: {  	_ =	shalt  }
0x50: {  	_ =	shalt  }
0x51: {  	_ =	shalt  }
0x52: {  	_ =	shalt  }
0x53: {  	_ =	shalt  }
0x54: {  	_ =	shalt  }
0x55: {  	_ =	shalt  }
0x56: {  	_ =	shalt  }
0x57: {  	_ =	shalt  }
0x58: {  	_ =	shalt  }
0x59: {  	_ =	shalt  }
0x5a: {  	_ =	shalt  }
0x5b: {  	_ =	shalt  }
0x5c: {  	_ =	shalt  }
0x5d: {  	_ =	shalt  }
0x5e: {  	_ =	shalt  }
0x5f: {  	_ =	shalt  }
0x60: {  	_ =	shalt  }
0x61: {  	_ =	shalt  }
0x62: {  	_ =	shalt  }
0x63: {  	_ =	shalt  }
0x64: {  	_ =	shalt  }
0x65: {  	_ =	shalt  }
0x66: {  	_ =	shalt  }
0x67: {  	_ =	shalt  }
0x68: {  	_ =	shalt  }
0x69: {  	_ =	shalt  }
0x6a: {  	_ =	shalt  }
0x6b: {  	_ =	shalt  }
0x6c: {  	_ =	shalt  }
0x6d: {  	_ =	shalt  }
0x6e: {  	_ =	shalt  }
0x6f: {  	_ =	shalt  }
0x70: {  	_ =	shalt  }
0x71: {  	_ =	shalt  }
0x72: {  	_ =	shalt  }
0x73: {  	_ =	shalt  }
0x74: {  	_ =	shalt  }
0x75: {  	_ =	shalt  }
0x76: {  	_ =	shalt  }
0x77: {  	_ =	shalt  }
0x78: {  	_ =	shalt  }
0x79: {  	_ =	shalt  }
0x7a: {  	_ =	shalt  }
0x7b: {  	_ =	shalt  }
0x7c: {  	_ =	shalt  }
0x7d: {  	_ =	shalt  }
0x7e: {  	_ =	shalt  }
0x7f: {  	_ =	shalt  }
0x80: {  	_ =	shalt  }
0x81: {  	_ =	shalt  }
0x82: {  	_ =	shalt  }
0x83: {  	_ =	shalt  }
0x84: {  	_ =	shalt  }
0x85: {  	_ =	shalt  }
0x86: {  	_ =	shalt  }
0x87: {  	_ =	shalt  }
.Lfunc_end0:
.L_simem_size_0:
called_computation_lowered:
.L_overlay_start_0:
0x88: {  	s2 =	sld [smem:$0x3FD9]  }
0x89: {  	s3 =	sld [smem:$0x3FFE];
	_ =	sdelay $0x1  }
0x8a: {  	s1 =	srdreg.scid  }
0x8b: {  	s0 =	sand.u32 $0x1, s1  }
0x8c: {  	s17 =	sshll.u32 s0, $0xA;
	s2 =	sadd.s32 s3, s2  }
0x8d: {  	s2 =	sadd.s32 s2, s17  }
0x8e: {  	[smem:$0x3FC6] =	sst s2  }
0x8f: {  	_ = 	snop  }
0x90: {  	s2 =	sld [smem:$0x3FD0];
	(tm) =	ssettm $0x1  }
0x91: {  	s18 =	sld [smem:$0x3FFB];
	_ =	sdelay $0x3  }
0x92: {  	_ =	strace s18  }
0x93: {  	s3 =	sld [smem:$0x3FFC];
	_ =	sdelay $0x3  }
0x94: {  	_ =	strace s3  }
0x95: {  	s3 =	sld [smem:$0x3FFD];
	_ =	sdelay $0x3  }
0x96: {  	_ =	strace s3  }
0x97: {  	_ =	strace $0x8FFFFFFF  }
0x98: {  	s19 =	sld [smem:$0x3FDB];
	_ =	sdelay $0x1  }
0x99: {  	s4 =	simm.s32 $_scs_section_size  }
0x9a: {  	s5 =	simm.s32 $_size__tile_overlayer_lowered;
	s6 =	simm.s32 $_tile_overlayer_lowered  }
0x9b: {  	s22 =	simm.s32 $0x1BFF;
	s21 =	sshll.u32 s6, $0x1;
	s3 =	sadd.s32 s4, s19  }
0x9c: {  	s7 =	simm.s32 $0x0;
	s20 =	sshll.u32 s5, $0x1;
	s5 =	sadd.s32 s21, s3  }
0x9d: {  	[timem:s7], [sflag:s22] =	dma.local [hbm:s5], s20  }
0x9e: {  	_ =	swait.ge [sflag:s22], s20  }
0x9f: {  	s4 =	ssub.s32 $0x0, s20;
	[sflag:s22] =	ssyncset.done $0x0  }
0xa0: {  	[sflag:s22] =	ssyncadd.s32 s4;
	_ =	sdelay $0x1  }
0xa1: {  	s23 =	simm.s32 $0x1B8B  }
0xa2: {  	_ =	swait.ge [sflag:s23], $0x1  }
0xa3: {  	[sflag:s23] =	ssyncset.done $0x0  }
0xa4: {  	s25 =	simm.s32 $0x1B8E;
	s24 =	sld [smem:$0x3FFE];
	[sflag:s23] =	ssyncadd.s32 $0xFFFFFFFF  }
0xa5: {  	s26 =	simm.s32 $execute0_lowered;
	[smem:$0x3FD2] =	sst s25  }
0xa6: {  	s5 =	sshll.u32 s26, $0x1;
	_ =	strace $0x80000046;
	[dreg:$0x1] =	wrdreg $0xFFFFFFFF  }
0xa7: {  	s28 =	simm.s32 $_size_execute0_lowered;
	s3 =	sadd.s32 s3, s5;
	[dreg:$0x0] =	wrdreg $0x0  }
0xa8: {  	s5 =	sshll.u32 s28, $0x1;
	[dreg:$0x2] =	wrdreg s3  }
0xa9: {  	[dreg:$0x3] =	wrdreg s5  }
0xaa: {  	[dreg:$0x4] =	wrdreg $0xC0  }
0xab: {  	_ =	task [dreg:s7], $0x5FFFF  }
0xac: {  	[dreg:$0x1] =	wrdreg $0xFFFFFFFF  }
0xad: {  	[dreg:$0x0] =	wrdreg $0x60  }
0xae: {  	[dreg:$0x2] =	wrdreg s24  }
0xaf: {  	[dreg:$0x3] =	wrdreg s2  }
0xb0: {  	[dreg:$0x4] =	wrdreg $0x9  }
0xb1: {  	_ =	task.clear_ibuf [dreg:s7], $0x5FFFF;
	_ =	strace $0x90000046  }
0xb2: {  	s29 =	simm.s32 $0x9;
	_ =	strace $0x80000048  }
0xb3: {  	_ =	swait.ge [sflag:s29], $0x1  }
0xb4: {  	[sflag:s29] =	ssyncadd.s32 $0xFFFFFFFF  }
0xb5: {  	_ =	strace $0x90000048  }
0xb6: {  	_ =	sfence  }
0xb7: {  	s30 =	sld [smem:$0x0];
	_ =	sdelay $0x2  }
0xb8: {  	s31 =	sshll.u32 s1, $0xD;
	s1 =	sshrl.u32 s1, $0x2  }
0xb9: {  	s3 =	sand.u32 $0x4000, s31;
	s1 =	sadd.s32 s1, s30  }
0xba: {  	s0 =	sor.u32 s3, s0;
	s1 =	sshll.u32 s1, $0x11  }
0xbb: {  	s0 =	sor.u32 s1, s0  }
0xbc: {  	s0 =	sadd.s32 $0x8F2B, s0  }
0xbd: {  	[sflag:s0] =	ssyncadd.remote.s32 $0x1  }
0xbe: {  	_ =	sfence.sel $0xFFFF  }
0xbf: {  	[dreg:$0x0] =	wrdreg $0xFFFFFFFF;
	(pc) =	sbr.abs _section_cstart, $3  }
0xc0: {  	[dreg:$0x1] =	wrdreg $0xFFFFFFFF  }
0xc1: {  	_ =	task.clear_ibuf [dreg:s7], $0x2FFFF;
	_ =	strace $0x9FFFFFFF  }
0xc2: {  	(tm) =	ssettm $0x7FFFFFFF  }
0xc3: {  	_ =	shalt  }
tec
execute0_lowered:
.L_overlay_start_1:
0x0: {  	(tag) =	ssettag $0x1  }
0x1: {  	v12 =	vlaneseq.u32  }
0x2: {  	s0 =	rddreg [dreg:$0x0];
	v0 =	vmul.u32 $0x32, v12  }
0x3: {  	s1 =	srdreg.scid;
	s3 =	stileid.u32  }
0x4: {  	s2 =	rddreg [dreg:$0x1];
	s13 =	simm.s32 $0x5;
	s14 =	simm.s32 $0x80;
	v12 =	vmul.u32 $0x80, v12;
	v1 =	vadd.s32 $0x320, v0;
	v3 =	vadd.s32 $0x960, v0  }
0x5: {  	s15 =	simm.s32 $0x1900;
	s16 =	simm.s32 $0x1A00;
	s17 =	simm.s32 $0x1980;
	v4 =	vadd.s32 $0xC80, v0;
	v5 =	vadd.s32 $0xFA0, v0;
	v6 =	vadd.s32 $0x12C0, v0  }
0x6: {  	s18 =	simm.s32 $0x5A00;
	s19 =	simm.s32 $0x1;
	s20 =	simm.s32 $0x400;
	v7 =	vadd.s32 $0x15E0, v0;
	v8 =	vor.u32 $0x1, v0;
	v9 =	vadd.s32 $0x321, v0  }
0x7: {  	s21 =	simm.s32 $0x8000;
	s22 =	simm.s32 $0x9A00;
	s23 =	simm.s32 $0x2;
	v10 =	vadd.s32 $0x641, v0;
	v11 =	vadd.s32 $0x961, v0;
	v13 =	vadd.s32 $0xC81, v0  }
0x8: {  	s24 =	simm.s32 $0xBA00;
	s25 =	simm.s32 $0x3;
	s26 =	simm.s32 $0x4;
	v14 =	vadd.s32 $0xFA1, v0;
	v15 =	vadd.s32 $0x12C1, v0;
	v16 =	vadd.s32 $0x15E1, v0  }
0x9: {  	s1 =	sand.u32 $0x1, s1;
	s4 =	sshll.u32 s3, $0x1;
	s3 =	simm.s32 $0x0;
	v17 =	vor.u32 $0x800, v12;
	v18 =	vor.u32 $0x1000, v12;
	v19 =	vor.u32 $0x1800, v12  }
0xa: {  	s28 =	simm.s32 $0x0;
	s5 =	sor.u32 s1, s4;
	[smem:$0x7FF] =	sst s3;
	v20 =	vor.u32 $0x2000, v12;
	v21 =	vor.u32 $0x2800, v12;
	v22 =	vor.u32 $0x3000, v12  }
0xb: {  	s1 =	ssub.s32 $0x2, s1;
	s6 =	smul.u32 $0x320, s5;
	s5 =	sshll.u32 s5, $0x7;
	v23 =	vor.u32 $0x3800, v12;
	v24 =	vadd.s32 $0x2, v0;
	v25 =	vadd.s32 $0x322, v0  }
0xc: {  	s4 =	sadd.s32 $0xF48A00, s0;
	s29 =	sshrl.u32 s1, $0x1;
	v26 =	vadd.s32 $0x642, v0;
	v27 =	vadd.s32 $0x962, v0;
	[tilespmem:$0x1FFE0] =	vst v1;
	v1 =	vadd.s32 $0x640, v0;
	s8 =	sadd.s32 s2, s5  }
0xd: {  	v28 =	vadd.s32 $0xC82, v0;
	v29 =	vadd.s32 $0xFA2, v0;
	v30 =	vadd.s32 $0x12C2, v0;
	[tilespmem:$0x1FFF0] =	vst v1;
	s0 =	sadd.s32 s6, s0;
	s6 =	sadd.s32 $0x8000, s2;
	s31 =	sadd.s32 $0x180000, s8  }
0xe: {  	v31 =	vadd.s32 $0x15E2, v0;
	v32 =	vadd.s32 $0x3, v0;
	v33 =	vadd.s32 $0x323, v0;
	_ =	strace $0x80000047;
	s0 =	sadd.s32 $0xF42600, s0;
	[dreg:$0x5] =	wrdreg s31  }
0xf: {  	v34 =	vadd.s32 $0x643, v0;
	v35 =	vadd.s32 $0x963, v0;
	v36 =	vadd.s32 $0xC83, v0;
	s1 =	ssub.s32 s1, s29;
	s30 =	sadd.s32 s5, s6;
	[dreg:$0x3] =	wrdreg s0  }
0x10: {  	v37 =	vadd.s32 $0xFA3, v0;
	v38 =	vadd.s32 $0x12C3, v0;
	v39 =	vadd.s32 $0x15E3, v0;
	s11 =	sadd.s32 $0x188000, s8;
	s12 =	smax.u32 s1, $0x1;
	[dreg:$0x4] =	wrdreg s30  }
.LBB2_1:
0x11: {  	s0 =	rddreg [dreg:$0x3]  }
0x12: {  	[tilespmem:s3], [sflag:$0x5] =	stream.linear.gather [hbm4b:s0+s3], $0x1900, $0x38;
	[tilespmem:$0xDA00] =	vst v63  }
0x13: {  	_ =	swait.ge [sflag:s13], $0x1900  }
0x14: {  	[sflag:s13] =	ssyncset.done $0x0;
	v1 =	vld [tilespmem:$0x1FFE0]  }
0x15: {  	[sflag:s13] =	ssyncadd.s32 $0xFFFFE700  }
0x16: {  	v40 =	vld.idx.msk [tilespmem:v0+s3+$0x0], $0xffff;
	_ =	sdelay $0x4  }
0x17: {  	[tilespmem:$0x1900] =	vst v40  }
0x18: {  	v40 =	vld.idx.msk [tilespmem:v1+s3+$0x0], $0xffff  }
0x19: {  	v1 =	vld [tilespmem:$0x1FFF0];
	_ =	sdelay $0x6  }
0x1a: {  	[tilespmem:$0x1910] =	vst v40  }
0x1b: {  	v40 =	vld.idx.msk [tilespmem:v1+s3+$0x0], $0xffff;
	_ =	sdelay $0x4  }
0x1c: {  	[tilespmem:$0x1920] =	vst v40  }
0x1d: {  	v40 =	vld.idx.msk [tilespmem:v3+s3+$0x0], $0xffff;
	_ =	sdelay $0x4  }
0x1e: {  	[tilespmem:$0x1930] =	vst v40  }
0x1f: {  	v40 =	vld.idx.msk [tilespmem:v4+s3+$0x0], $0xffff;
	_ =	sdelay $0x4  }
0x20: {  	[tilespmem:$0x1940] =	vst v40  }
0x21: {  	v40 =	vld.idx.msk [tilespmem:v5+s3+$0x0], $0xffff;
	_ =	sdelay $0x4  }
0x22: {  	[tilespmem:$0x1950] =	vst v40  }
0x23: {  	v40 =	vld.idx.msk [tilespmem:v6+s3+$0x0], $0xffff;
	_ =	sdelay $0x4  }
0x24: {  	[tilespmem:$0x1960] =	vst v40  }
0x25: {  	v40 =	vld.idx.msk [tilespmem:v7+s3+$0x0], $0xffff;
	_ =	sdelay $0x4  }
0x26: {  	[tilespmem:$0x1970] =	vst v40  }
0x27: {  	[tilespmem:s16], [sflag:$0x1] =	stream.indirect.gather [hbm4b:s4+s14], $0x80, s15, s14, $0xb8;
	[tilespmem:$0xDA00] =	vst v63  }
0x28: {  	v40 =	vld.idx.msk [tilespmem:v8+s3+$0x0], $0xffff;
	_ =	sdelay $0x4  }
0x29: {  	[tilespmem:$0x1980] =	vst v40  }
0x2a: {  	v40 =	vld.idx.msk [tilespmem:v9+s3+$0x0], $0xffff;
	_ =	sdelay $0x4  }
0x2b: {  	[tilespmem:$0x1990] =	vst v40  }
0x2c: {  	v40 =	vld.idx.msk [tilespmem:v10+s3+$0x0], $0xffff;
	_ =	sdelay $0x4  }
0x2d: {  	[tilespmem:$0x19A0] =	vst v40  }
0x2e: {  	v40 =	vld.idx.msk [tilespmem:v11+s3+$0x0], $0xffff;
	_ =	sdelay $0x4  }
0x2f: {  	[tilespmem:$0x19B0] =	vst v40  }
0x30: {  	v40 =	vld.idx.msk [tilespmem:v13+s3+$0x0], $0xffff;
	_ =	sdelay $0x4  }
0x31: {  	[tilespmem:$0x19C0] =	vst v40  }
0x32: {  	v40 =	vld.idx.msk [tilespmem:v14+s3+$0x0], $0xffff;
	_ =	sdelay $0x4  }
0x33: {  	[tilespmem:$0x19D0] =	vst v40  }
0x34: {  	v40 =	vld.idx.msk [tilespmem:v15+s3+$0x0], $0xffff;
	_ =	sdelay $0x4  }
0x35: {  	[tilespmem:$0x19E0] =	vst v40  }
0x36: {  	v41 =	vmov s3;
	s10 =	simm.s32 $0x1;
	s1 =	simm.s32 $0x2;
	v55 =	vld.idx.msk [tilespmem:v16+s3+$0x0], $0xffff  }
0x37: {  	s7 =	simm.s32 $0x7;
	s30 =	simm.s32 $0x3;
	s31 =	simm.s32 $0x4;
	v41 =	vand.u32 $0x78, v41;
	v42 =	vmov s10;
	v43 =	vmov s1  }
0x38: {  	v44 =	vmov s7;
	v45 =	vmov s30;
	v49 =	vmov s31;
	s1 =	simm.s32 $0x5  }
0x39: {  	s7 =	simm.s32 $0x6;
	v44 =	vand.u32 $0x7F, v44;
	v50 =	vmov s1;
	v40 =	vbroadcast v41, $0x0  }
0x3a: {  	v42 =	vand.u32 $0x79, v42;
	v56 =	vmov s7;
	v44 =	vbroadcast v44, $0x0  }
0x3b: {  	v57 =	vand.u32 $0x7A, v43;
	v47 =	vbroadcast v42, $0x0;
	v48 =	vor.u32 v12, v40;
	[tilespmem:$0x19F0] =	vst v55  }
0x3c: {  	v58 =	vand.u32 $0x7B, v45;
	v46 =	vbroadcast v57, $0x0;
	v51 =	vor.u32 v12, v44;
	[tilespmem:s18], [sflag:$0x2] =	stream.indirect.gather [hbm4b:s4+s14], $0x80, s17, s14, $0xb8;
	[tilespmem:$0xDA00] =	vst v63  }
0x3d: {  	v59 =	vand.u32 $0x7C, v49;
	v45 =	vbroadcast v58, $0x0;
	v52 =	vor.u32 v12, v47;
	_ =	swait.ge [sflag:s19], $0x4000  }
0x3e: {  	v43 =	vbroadcast v59, $0x0;
	v61 =	vand.u32 $0x7D, v50;
	v60 =	vor.u32 v12, v46;
	[sflag:s19] =	ssyncset.done $0x0  }
0x3f: {  	v42 =	vbroadcast v61, $0x0;
	v62 =	vor.u32 v12, v45;
	v41 =	vand.u32 $0x7E, v56;
	[sflag:s19] =	ssyncadd.s32 $0xFFFFC000  }
0x40: {  	v53 =	vor.u32 v12, v43;
	v41 =	vbroadcast v41, $0x0;
	v48 =	vld.idx.msk [tilespmem:v48+s16+$0x0], $0xffff  }
0x41: {  	v54 =	vor.u32 v12, v42;
	v51 =	vld.idx.msk [tilespmem:v51+s16+$0x0], $0xffff  }
0x42: {  	v55 =	vor.u32 v12, v41;
	v52 =	vld.idx.msk [tilespmem:v52+s16+$0x0], $0xffff  }
0x43: {  	v56 =	vor.u32 v17, v44;
	v49 =	vld.idx.msk [tilespmem:v60+s16+$0x0], $0xffff  }
0x44: {  	v57 =	vor.u32 v17, v47;
	v50 =	vld.idx.msk [tilespmem:v62+s16+$0x0], $0xffff  }
0x45: {  	s29 =	simm.s32 $0x9C00;
	v58 =	vor.u32 v17, v46;
	v53 =	vld.idx.msk [tilespmem:v53+s16+$0x0], $0xffff  }
0x46: {  	v59 =	vor.u32 v17, v45;
	v54 =	vld.idx.msk [tilespmem:v54+s16+$0x0], $0xffff;
	[tilespmem:s29+$0x180] =	vst v51  }
0x47: {  	v60 =	vor.u32 v17, v43;
	v55 =	vld.idx.msk [tilespmem:v55+s16+$0x0], $0xffff;
	[tilespmem:s29+$0xFFFFFE80] =	vst v52  }
0x48: {  	v51 =	vor.u32 v17, v42;
	[tilespmem:s29+$0xFFFFFF00] =	vst v49;
	v52 =	vld.idx.msk [tilespmem:v56+s16+$0x0], $0xffff  }
0x49: {  	v49 =	vor.u32 v17, v41;
	[tilespmem:s29+$0xFFFFFF80] =	vst v50;
	v56 =	vld.idx.msk [tilespmem:v57+s16+$0x0], $0xffff  }
0x4a: {  	[tilespmem:s29+$0x0] =	vst v53;
	v57 =	vld.idx.msk [tilespmem:v58+s16+$0x0], $0xffff;
	v58 =	vor.u32 v17, v40  }
0x4b: {  	v50 =	vor.u32 v18, v44;
	[tilespmem:s29+$0x80] =	vst v54;
	v59 =	vld.idx.msk [tilespmem:v59+s16+$0x0], $0xffff  }
0x4c: {  	v53 =	vor.u32 v18, v47;
	[tilespmem:s29+$0x100] =	vst v55;
	v60 =	vld.idx.msk [tilespmem:v60+s16+$0x0], $0xffff  }
0x4d: {  	v63 =	vor.u32 v18, v46;
	[tilespmem:s29+$0xFFFFFE00] =	vst v48;
	v51 =	vld.idx.msk [tilespmem:v51+s16+$0x0], $0xffff  }
0x4e: {  	v61 =	vor.u32 v18, v45;
	v49 =	vld.idx.msk [tilespmem:v49+s16+$0x0], $0xffff;
	[tilespmem:s29+$0x190] =	vst v52  }
0x4f: {  	v48 =	vor.u32 v18, v43;
	v52 =	vld.idx.msk [tilespmem:v58+s16+$0x0], $0xffff;
	[tilespmem:s29+$0xFFFFFE90] =	vst v56  }
0x50: {  	v56 =	vor.u32 v18, v42;
	[tilespmem:s29+$0xFFFFFF10] =	vst v57;
	v50 =	vld.idx.msk [tilespmem:v50+s16+$0x0], $0xffff  }
0x51: {  	v57 =	vor.u32 v19, v44;
	[tilespmem:s29+$0xFFFFFF90] =	vst v59;
	v53 =	vld.idx.msk [tilespmem:v53+s16+$0x0], $0xffff  }
0x52: {  	v58 =	vor.u32 v18, v41;
	[tilespmem:s29+$0x10] =	vst v60;
	v54 =	vld.idx.msk [tilespmem:v63+s16+$0x0], $0xffff  }
0x53: {  	v59 =	vor.u32 v18, v40;
	v55 =	vld.idx.msk [tilespmem:v61+s16+$0x0], $0xffff;
	[tilespmem:s29+$0x90] =	vst v51  }
0x54: {  	v60 =	vor.u32 v19, v47;
	v48 =	vld.idx.msk [tilespmem:v48+s16+$0x0], $0xffff;
	[tilespmem:s29+$0x110] =	vst v49  }
0x55: {  	v62 =	vor.u32 v19, v46;
	v56 =	vld.idx.msk [tilespmem:v56+s16+$0x0], $0xffff;
	[tilespmem:s29+$0x1A0] =	vst v50  }
0x56: {  	[tilespmem:s29+$0xFFFFFE10] =	vst v52;
	v52 =	vor.u32 v19, v43;
	v49 =	vld.idx.msk [tilespmem:v57+s16+$0x0], $0xffff  }
0x57: {  	v50 =	vor.u32 v19, v45;
	[tilespmem:s29+$0xFFFFFEA0] =	vst v53;
	v57 =	vld.idx.msk [tilespmem:v58+s16+$0x0], $0xffff  }
0x58: {  	[tilespmem:s29+$0xFFFFFF20] =	vst v54;
	v54 =	vor.u32 v19, v42;
	v58 =	vld.idx.msk [tilespmem:v59+s16+$0x0], $0xffff  }
0x59: {  	v53 =	vor.u32 v20, v44;
	[tilespmem:s29+$0xFFFFFFA0] =	vst v55;
	v59 =	vld.idx.msk [tilespmem:v60+s16+$0x0], $0xffff  }
0x5a: {  	v55 =	vor.u32 v19, v41;
	[tilespmem:s29+$0x20] =	vst v48;
	v51 =	vld.idx.msk [tilespmem:v62+s16+$0x0], $0xffff  }
0x5b: {  	v60 =	vor.u32 v19, v40;
	v52 =	vld.idx.msk [tilespmem:v52+s16+$0x0], $0xffff;
	[tilespmem:s29+$0xA0] =	vst v56  }
0x5c: {  	v63 =	vor.u32 v20, v47;
	v50 =	vld.idx.msk [tilespmem:v50+s16+$0x0], $0xffff;
	[tilespmem:s29+$0x1B0] =	vst v49  }
0x5d: {  	v61 =	vor.u32 v20, v46;
	v54 =	vld.idx.msk [tilespmem:v54+s16+$0x0], $0xffff;
	[tilespmem:s29+$0x120] =	vst v57  }
0x5e: {  	v56 =	vor.u32 v20, v45;
	[tilespmem:s29+$0xFFFFFE20] =	vst v58;
	v53 =	vld.idx.msk [tilespmem:v53+s16+$0x0], $0xffff  }
0x5f: {  	[tilespmem:s29+$0xFFFFFEB0] =	vst v59;
	v59 =	vor.u32 v20, v43;
	v55 =	vld.idx.msk [tilespmem:v55+s16+$0x0], $0xffff  }
0x60: {  	[tilespmem:s29+$0xFFFFFF30] =	vst v51;
	v51 =	vor.u32 v20, v42;
	v58 =	vld.idx.msk [tilespmem:v60+s16+$0x0], $0xffff  }
0x61: {  	v57 =	vor.u32 v21, v44;
	v48 =	vld.idx.msk [tilespmem:v63+s16+$0x0], $0xffff;
	[tilespmem:s29+$0x30] =	vst v52  }
0x62: {  	v49 =	vld.idx.msk [tilespmem:v61+s16+$0x0], $0xffff;
	v60 =	vor.u32 v20, v40;
	[tilespmem:s29+$0xFFFFFFB0] =	vst v50  }
0x63: {  	v62 =	vor.u32 v21, v47;
	[tilespmem:s29+$0xB0] =	vst v54;
	v56 =	vld.idx.msk [tilespmem:v56+s16+$0x0], $0xffff  }
0x64: {  	v50 =	vor.u32 v20, v41;
	v59 =	vld.idx.msk [tilespmem:v59+s16+$0x0], $0xffff;
	[tilespmem:s29+$0x1C0] =	vst v53  }
0x65: {  	v63 =	vor.u32 v21, v46;
	v51 =	vld.idx.msk [tilespmem:v51+s16+$0x0], $0xffff;
	[tilespmem:s29+$0x130] =	vst v55  }
0x66: {  	[tilespmem:s29+$0xFFFFFE30] =	vst v58;
	v55 =	vor.u32 v21, v45;
	v52 =	vld.idx.msk [tilespmem:v57+s16+$0x0], $0xffff  }
0x67: {  	v54 =	vor.u32 v22, v44;
	[tilespmem:s29+$0xFFFFFEC0] =	vst v48;
	v58 =	vld.idx.msk [tilespmem:v60+s16+$0x0], $0xffff  }
0x68: {  	v48 =	vor.u32 v21, v43;
	[tilespmem:s29+$0xFFFFFF40] =	vst v49;
	v53 =	vld.idx.msk [tilespmem:v62+s16+$0x0], $0xffff  }
0x69: {  	v49 =	vor.u32 v21, v42;
	v50 =	vld.idx.msk [tilespmem:v50+s16+$0x0], $0xffff;
	[tilespmem:s29+$0xFFFFFFC0] =	vst v56  }
0x6a: {  	v57 =	vld.idx.msk [tilespmem:v63+s16+$0x0], $0xffff;
	v60 =	vor.u32 v21, v41;
	[tilespmem:s29+$0x40] =	vst v59  }
0x6b: {  	v56 =	vor.u32 v22, v47;
	v55 =	vld.idx.msk [tilespmem:v55+s16+$0x0], $0xffff;
	[tilespmem:s29+$0x1D0] =	vst v52  }
0x6c: {  	[tilespmem:s29+$0xC0] =	vst v51;
	v52 =	vor.u32 v21, v40;
	v54 =	vld.idx.msk [tilespmem:v54+s16+$0x0], $0xffff  }
0x6d: {  	v44 =	vor.u32 v23, v44;
	v48 =	vld.idx.msk [tilespmem:v48+s16+$0x0], $0xffff;
	[tilespmem:s29+$0xFFFFFE40] =	vst v58  }
0x6e: {  	v51 =	vor.u32 v22, v46;
	v61 =	vld.idx.msk [tilespmem:v49+s16+$0x0], $0xffff;
	[tilespmem:s29+$0x140] =	vst v50  }
0x6f: {  	s1 =	simm.s32 $0x8;
	[tilespmem:s29+$0xFFFFFED0] =	vst v53;
	v50 =	vor.u32 v22, v45;
	v58 =	vld.idx.msk [tilespmem:v60+s16+$0x0], $0xffff  }
0x70: {  	v1 =	vor.u32 v22, v41;
	v59 =	vmov s1;
	[tilespmem:s29+$0xFFFFFF50] =	vst v57;
	v49 =	vld.idx.msk [tilespmem:v56+s16+$0x0], $0xffff  }
0x71: {  	v53 =	vand.u32 $0x78, v59;
	v62 =	vld.idx.msk [tilespmem:v52+s16+$0x0], $0xffff;
	v52 =	vor.u32 v22, v43;
	[tilespmem:s29+$0x1E0] =	vst v54  }
0x72: {  	v63 =	vor.u32 v22, v42;
	[tilespmem:s29+$0xFFFFFFD0] =	vst v55;
	v59 =	vld.idx.msk [tilespmem:v44+s16+$0x0], $0xffff;
	v44 =	vbroadcast v53, $0x0  }
0x73: {  	v60 =	vor.u32 v22, v40;
	[tilespmem:s29+$0x50] =	vst v48;
	v53 =	vld.idx.msk [tilespmem:v51+s16+$0x0], $0xffff  }
0x74: {  	v50 =	vld.idx.msk [tilespmem:v50+s16+$0x0], $0xffff;
	[tilespmem:s29+$0x150] =	vst v58;
	v48 =	vor.u32 v12, v44  }
0x75: {  	s9 =	simm.s32 $0x9;
	s10 =	simm.s32 $0xA;
	v56 =	vor.u32 v23, v47;
	v55 =	vld.idx.msk [tilespmem:v1+s16+$0x0], $0xffff  }
0x76: {  	s30 =	simm.s32 $0xB;
	s31 =	simm.s32 $0xC;
	v46 =	vor.u32 v23, v46;
	v57 =	vmov s10;
	v47 =	vmov s9;
	[tilespmem:s29+$0xD0] =	vst v61;
	v51 =	vld.idx.msk [tilespmem:v52+s16+$0x0], $0xffff  }
0x77: {  	s0 =	simm.s32 $0x10;
	s7 =	simm.s32 $0xF;
	v45 =	vor.u32 v23, v45;
	s9 =	simm.s32 $0xD;
	v54 =	vmov s31;
	v58 =	vmov s30;
	v52 =	vld.idx.msk [tilespmem:v63+s16+$0x0], $0xffff;
	[tilespmem:s29+$0xFFFFFE50] =	vst v62  }
.LBB2_2:
0x78: {  	p0 =	slt.u32 s0, $0x38;
	v1 =	vmov s9;
	s9 =	sadd.s32 $0x6, s1;
	v61 =	vmov s7;
	v60 =	vld.idx.msk [tilespmem:v60+s16+$0x0], $0xffff;
	v43 =	vor.u32 v23, v43;
	[tilespmem:s29+$0x1F0] =	vst v59;
	s1 =	smov.u32 s0  }
0x79: {  	v42 =	vor.u32 v23, v42;
	v59 =	vld.idx.msk [tilespmem:v48+s16+$0x0], $0xffff;
	v62 =	vmov s9;
	v48 =	vand.u32 $0x7F, v61;
	[tilespmem:s29+$0xFFFFFEE0] =	vst v49  }
0x7a: {  	v47 =	vand.u32 $0x79, v47;
	v41 =	vor.u32 v23, v41;
	v48 =	vbroadcast v48, $0x0;
	v49 =	vld.idx.msk [tilespmem:v56+s16+$0x0], $0xffff;
	[tilespmem:s29+$0xFFFFFF60] =	vst v53  }
0x7b: {  	v47 =	vbroadcast v47, $0x0;
	v53 =	vand.u32 $0x7A, v57;
	v56 =	vor.u32 v23, v40;
	v40 =	vmovc v44;
	v57 =	vld.idx.msk [tilespmem:v46+s16+$0x0], $0xffff;
	[tilespmem:s29+$0xFFFFFFE0] =	vst v50  }
0x7c: {  	v44 =	vand.u32 $0x7B, v58;
	v46 =	vbroadcast v53, $0x0;
	v50 =	vor.u32 v12, v48;
	v53 =	vld.idx.msk [tilespmem:v45+s16+$0x0], $0xffff;
	[tilespmem:s29+$0x60] =	vst v51  }
0x7d: {  	v51 =	vor.u32 v12, v47;
	v45 =	vbroadcast v44, $0x0;
	v44 =	vand.u32 $0x7C, v54;
	v54 =	vld.idx.msk [tilespmem:v43+s16+$0x0], $0xffff;
	[tilespmem:s29+$0xE0] =	vst v52  }
0x7e: {  	v1 =	vand.u32 $0x7D, v1;
	v52 =	vor.u32 v12, v46;
	v43 =	vbroadcast v44, $0x0;
	v44 =	vld.idx.msk [tilespmem:v42+s16+$0x0], $0xffff;
	[tilespmem:s29+$0x160] =	vst v55  }
0x7f: {  	v55 =	vor.u32 v12, v45;
	v42 =	vbroadcast v1, $0x0;
	v1 =	vand.u32 $0x7E, v62;
	[tilespmem:s29+$0xFFFFFE60] =	vst v60;
	v58 =	vld.idx.msk [tilespmem:v41+s16+$0x0], $0xffff  }
0x80: {  	v60 =	vor.u32 v12, v43;
	v41 =	vbroadcast v1, $0x0;
	v1 =	vld.idx.msk [tilespmem:v56+s16+$0x0], $0xffff;
	[tilespmem:s29+$0xFFFFFEF0] =	vst v49  }
0x81: {  	v49 =	vor.u32 v12, v42;
	v50 =	vld.idx.msk [tilespmem:v50+s16+$0x0], $0xffff;
	[tilespmem:s29+$0xFFFFFF70] =	vst v57  }
0x82: {  	v56 =	vor.u32 v12, v41;
	v51 =	vld.idx.msk [tilespmem:v51+s16+$0x0], $0xffff;
	[tilespmem:s29+$0xFFFFFFF0] =	vst v53  }
0x83: {  	v53 =	vor.u32 v17, v48;
	v52 =	vld.idx.msk [tilespmem:v52+s16+$0x0], $0xffff;
	[tilespmem:s29+$0x70] =	vst v54  }
0x84: {  	v54 =	vor.u32 v17, v47;
	v55 =	vld.idx.msk [tilespmem:v55+s16+$0x0], $0xffff;
	[tilespmem:s29+$0xF0] =	vst v44  }
0x85: {  	v44 =	vor.u32 v17, v46;
	v57 =	vld.idx.msk [tilespmem:v60+s16+$0x0], $0xffff;
	[tilespmem:s29+$0x170] =	vst v58  }
0x86: {  	v58 =	vor.u32 v17, v45;
	v49 =	vld.idx.msk [tilespmem:v49+s16+$0x0], $0xffff;
	[tilespmem:s29+$0xFFFFFE70] =	vst v1;
	s29 =	sadd.s32 $0x400, s29  }
0x87: {  	v1 =	vor.u32 v17, v43;
	v56 =	vld.idx.msk [tilespmem:v56+s16+$0x0], $0xffff;
	[tilespmem:s29+$0x180] =	vst v50  }
0x88: {  	v50 =	vor.u32 v17, v42;
	[tilespmem:s29+$0xFFFFFE80] =	vst v51;
	v51 =	vld.idx.msk [tilespmem:v53+s16+$0x0], $0xffff  }
0x89: {  	v53 =	vld.idx.msk [tilespmem:v54+s16+$0x0], $0xffff;
	[tilespmem:s29+$0xFFFFFF00] =	vst v52;
	v52 =	vor.u32 v17, v41  }
0x8a: {  	v54 =	vor.u32 v18, v48;
	v44 =	vld.idx.msk [tilespmem:v44+s16+$0x0], $0xffff;
	[tilespmem:s29+$0xFFFFFF80] =	vst v55  }
0x8b: {  	v55 =	vor.u32 v17, v40;
	v58 =	vld.idx.msk [tilespmem:v58+s16+$0x0], $0xffff;
	[tilespmem:s29+$0x0] =	vst v57  }
0x8c: {  	v57 =	vor.u32 v18, v47;
	v1 =	vld.idx.msk [tilespmem:v1+s16+$0x0], $0xffff;
	[tilespmem:s29+$0x80] =	vst v49  }
0x8d: {  	v49 =	vor.u32 v18, v46;
	v50 =	vld.idx.msk [tilespmem:v50+s16+$0x0], $0xffff;
	[tilespmem:s29+$0x100] =	vst v56  }
0x8e: {  	v56 =	vor.u32 v18, v45;
	v52 =	vld.idx.msk [tilespmem:v52+s16+$0x0], $0xffff;
	[tilespmem:s29+$0x190] =	vst v51  }
0x8f: {  	v51 =	vor.u32 v18, v43;
	[tilespmem:s29+$0xFFFFFE00] =	vst v59;
	v54 =	vld.idx.msk [tilespmem:v54+s16+$0x0], $0xffff  }
0x90: {  	v55 =	vld.idx.msk [tilespmem:v55+s16+$0x0], $0xffff;
	[tilespmem:s29+$0xFFFFFE90] =	vst v53;
	v53 =	vor.u32 v18, v42  }
0x91: {  	v57 =	vld.idx.msk [tilespmem:v57+s16+$0x0], $0xffff;
	[tilespmem:s29+$0xFFFFFF10] =	vst v44;
	v44 =	vor.u32 v19, v48  }
0x92: {  	v49 =	vld.idx.msk [tilespmem:v49+s16+$0x0], $0xffff;
	[tilespmem:s29+$0xFFFFFF90] =	vst v58;
	v58 =	vor.u32 v18, v41  }
0x93: {  	v59 =	vor.u32 v18, v40;
	v56 =	vld.idx.msk [tilespmem:v56+s16+$0x0], $0xffff;
	[tilespmem:s29+$0x10] =	vst v1  }
0x94: {  	v1 =	vor.u32 v19, v47;
	v51 =	vld.idx.msk [tilespmem:v51+s16+$0x0], $0xffff;
	[tilespmem:s29+$0x90] =	vst v50  }
0x95: {  	v50 =	vor.u32 v19, v46;
	v53 =	vld.idx.msk [tilespmem:v53+s16+$0x0], $0xffff;
	[tilespmem:s29+$0x1A0] =	vst v54  }
0x96: {  	v54 =	vor.u32 v19, v45;
	[tilespmem:s29+$0x110] =	vst v52;
	v44 =	vld.idx.msk [tilespmem:v44+s16+$0x0], $0xffff  }
0x97: {  	v52 =	vor.u32 v19, v43;
	[tilespmem:s29+$0xFFFFFE10] =	vst v55;
	v55 =	vld.idx.msk [tilespmem:v58+s16+$0x0], $0xffff  }
0x98: {  	v58 =	vld.idx.msk [tilespmem:v59+s16+$0x0], $0xffff;
	[tilespmem:s29+$0xFFFFFEA0] =	vst v57;
	v57 =	vor.u32 v20, v48  }
0x99: {  	v1 =	vld.idx.msk [tilespmem:v1+s16+$0x0], $0xffff;
	[tilespmem:s29+$0xFFFFFF20] =	vst v49;
	v49 =	vor.u32 v19, v42  }
0x9a: {  	v50 =	vld.idx.msk [tilespmem:v50+s16+$0x0], $0xffff;
	[tilespmem:s29+$0xFFFFFFA0] =	vst v56;
	v56 =	vor.u32 v19, v41  }
0x9b: {  	v59 =	vor.u32 v19, v40;
	v54 =	vld.idx.msk [tilespmem:v54+s16+$0x0], $0xffff;
	[tilespmem:s29+$0x20] =	vst v51  }
0x9c: {  	v51 =	vor.u32 v20, v47;
	v52 =	vld.idx.msk [tilespmem:v52+s16+$0x0], $0xffff;
	[tilespmem:s29+$0x1B0] =	vst v44  }
0x9d: {  	v44 =	vor.u32 v20, v46;
	[tilespmem:s29+$0xA0] =	vst v53;
	v53 =	vld.idx.msk [tilespmem:v57+s16+$0x0], $0xffff  }
0x9e: {  	v57 =	vor.u32 v20, v45;
	v49 =	vld.idx.msk [tilespmem:v49+s16+$0x0], $0xffff;
	[tilespmem:s29+$0x120] =	vst v55  }
0x9f: {  	[tilespmem:s29+$0xFFFFFE20] =	vst v58;
	v55 =	vld.idx.msk [tilespmem:v56+s16+$0x0], $0xffff;
	v56 =	vor.u32 v21, v48  }
0xa0: {  	v58 =	vld.idx.msk [tilespmem:v59+s16+$0x0], $0xffff;
	[tilespmem:s29+$0xFFFFFEB0] =	vst v1;
	v1 =	vor.u32 v20, v43  }
0xa1: {  	v51 =	vld.idx.msk [tilespmem:v51+s16+$0x0], $0xffff;
	[tilespmem:s29+$0xFFFFFF30] =	vst v50;
	v50 =	vor.u32 v20, v42  }
0xa2: {  	v44 =	vld.idx.msk [tilespmem:v44+s16+$0x0], $0xffff;
	[tilespmem:s29+$0xFFFFFFB0] =	vst v54;
	v54 =	vor.u32 v20, v41  }
0xa3: {  	v59 =	vor.u32 v20, v40;
	v57 =	vld.idx.msk [tilespmem:v57+s16+$0x0], $0xffff;
	[tilespmem:s29+$0x1C0] =	vst v53  }
0xa4: {  	v53 =	vor.u32 v21, v47;
	[tilespmem:s29+$0x30] =	vst v52;
	v52 =	vld.idx.msk [tilespmem:v56+s16+$0x0], $0xffff  }
0xa5: {  	v56 =	vor.u32 v21, v46;
	v1 =	vld.idx.msk [tilespmem:v1+s16+$0x0], $0xffff;
	[tilespmem:s29+$0xB0] =	vst v49  }
0xa6: {  	v49 =	vld.idx.msk [tilespmem:v50+s16+$0x0], $0xffff;
	[tilespmem:s29+$0x130] =	vst v55;
	v50 =	vor.u32 v22, v48  }
0xa7: {  	v55 =	vor.u32 v21, v45;
	[tilespmem:s29+$0xFFFFFE30] =	vst v58;
	v54 =	vld.idx.msk [tilespmem:v54+s16+$0x0], $0xffff  }
0xa8: {  	v58 =	vld.idx.msk [tilespmem:v59+s16+$0x0], $0xffff;
	[tilespmem:s29+$0xFFFFFEC0] =	vst v51;
	v51 =	vor.u32 v21, v43  }
0xa9: {  	v53 =	vld.idx.msk [tilespmem:v53+s16+$0x0], $0xffff;
	[tilespmem:s29+$0xFFFFFF40] =	vst v44;
	v44 =	vor.u32 v21, v42  }
0xaa: {  	v59 =	vor.u32 v21, v41;
	v56 =	vld.idx.msk [tilespmem:v56+s16+$0x0], $0xffff;
	[tilespmem:s29+$0x1D0] =	vst v52  }
0xab: {  	v52 =	vor.u32 v21, v40;
	[tilespmem:s29+$0xFFFFFFC0] =	vst v57;
	v50 =	vld.idx.msk [tilespmem:v50+s16+$0x0], $0xffff  }
0xac: {  	v57 =	vor.u32 v22, v47;
	v55 =	vld.idx.msk [tilespmem:v55+s16+$0x0], $0xffff;
	[tilespmem:s29+$0x40] =	vst v1  }
0xad: {  	v48 =	vor.u32 v23, v48;
	v1 =	vld.idx.msk [tilespmem:v51+s16+$0x0], $0xffff;
	[tilespmem:s29+$0xC0] =	vst v49  }
0xae: {  	v51 =	vor.u32 v22, v46;
	v61 =	vld.idx.msk [tilespmem:v44+s16+$0x0], $0xffff;
	[tilespmem:s29+$0x140] =	vst v54  }
0xaf: {  	v54 =	vor.u32 v22, v45;
	[tilespmem:s29+$0xFFFFFE40] =	vst v58;
	v58 =	vld.idx.msk [tilespmem:v59+s16+$0x0], $0xffff  }
0xb0: {  	v44 =	vmov s0;
	v62 =	vld.idx.msk [tilespmem:v52+s16+$0x0], $0xffff;
	[tilespmem:s29+$0xFFFFFED0] =	vst v53;
	v52 =	vor.u32 v22, v43  }
0xb1: {  	v63 =	vor.u32 v22, v42;
	v44 =	vand.u32 $0x78, v44;
	v49 =	vld.idx.msk [tilespmem:v57+s16+$0x0], $0xffff;
	[tilespmem:s29+$0x1E0] =	vst v50  }
0xb2: {  	v2 =	vor.u32 v22, v41;
	v44 =	vbroadcast v44, $0x0;
	[tilespmem:s29+$0xFFFFFF50] =	vst v56;
	v59 =	vld.idx.msk [tilespmem:v48+s16+$0x0], $0xffff  }
.Ltmp0:
0xb3: {  	v60 =	vor.u32 v22, v40;
	v53 =	vld.idx.msk [tilespmem:v51+s16+$0x0], $0xffff;
	[tilespmem:s29+$0xFFFFFFD0] =	vst v55;
	(pc) =	sbr.rel @p0 .LBB2_2-.Ltmp0, $4  }
0xb4: {  	v48 =	vor.u32 v12, v44;
	v50 =	vld.idx.msk [tilespmem:v54+s16+$0x0], $0xffff;
	[tilespmem:s29+$0x50] =	vst v1  }
0xb5: {  	s7 =	sadd.s32 $0x1, s0;
	s9 =	sadd.s32 $0x2, s0;
	v56 =	vor.u32 v23, v47;
	v51 =	vld.idx.msk [tilespmem:v52+s16+$0x0], $0xffff;
	[tilespmem:s29+$0xD0] =	vst v61  }
0xb6: {  	v46 =	vor.u32 v23, v46;
	v57 =	vmov s9;
	s9 =	sadd.s32 $0x4, s0;
	v47 =	vmov s7;
	s7 =	sadd.s32 $0x3, s0;
	v52 =	vld.idx.msk [tilespmem:v63+s16+$0x0], $0xffff;
	[tilespmem:s29+$0x150] =	vst v58  }
0xb7: {  	v45 =	vor.u32 v23, v45;
	s0 =	sadd.s32 $0x8, s0;
	v54 =	vmov s9;
	s9 =	sadd.s32 $0x5, s1;
	v58 =	vmov s7;
	s7 =	sadd.s32 $0x7, s1;
	[tilespmem:s29+$0xFFFFFE50] =	vst v62;
	v55 =	vld.idx.msk [tilespmem:v2+s16+$0x0], $0xffff  }
0xb8: {  	_ =	sdelay $0x2  }
0xb9: {  	[tilespmem:s29+$0x1F0] =	vst v59;
	v1 =	vmov s9  }
0xba: {  	v2 =	vmov s7;
	v43 =	vor.u32 v23, v43;
	[tilespmem:s29+$0xFFFFFEE0] =	vst v49;
	v49 =	vld.idx.msk [tilespmem:v60+s16+$0x0], $0xffff;
	v60 =	vor.u32 v23, v42  }
0xbb: {  	[tilespmem:s29+$0xFFFFFF60] =	vst v53;
	v63 =	vand.u32 $0x79, v47;
	v53 =	vor.u32 v23, v41;
	v48 =	vld.idx.msk [tilespmem:v48+s16+$0x0], $0xffff;
	v2 =	vand.u32 $0x7F, v2  }
0xbc: {  	v62 =	vand.u32 $0x7B, v58;
	[tilespmem:s29+$0xFFFFFFE0] =	vst v50;
	v41 =	vbroadcast v63, $0x0;
	v47 =	vbroadcast v2, $0x0;
	v2 =	vld.idx.msk [tilespmem:v56+s16+$0x0], $0xffff  }
0xbd: {  	v61 =	vand.u32 $0x7A, v57;
	v50 =	vor.u32 v23, v40;
	v42 =	vbroadcast v62, $0x0;
	v56 =	vld.idx.msk [tilespmem:v46+s16+$0x0], $0xffff;
	[tilespmem:s29+$0x60] =	vst v51  }
0xbe: {  	v58 =	vand.u32 $0x7C, v54;
	v1 =	vand.u32 $0x7D, v1;
	v57 =	vld.idx.msk [tilespmem:v45+s16+$0x0], $0xffff;
	[tilespmem:s29+$0xE0] =	vst v52;
	v63 =	vor.u32 v12, v41  }
0xbf: {  	s0 =	sadd.s32 $0x6, s1;
	v40 =	vbroadcast v61, $0x0;
	v45 =	vbroadcast v1, $0x0;
	v61 =	vor.u32 v12, v42;
	[tilespmem:s29+$0x160] =	vst v55;
	v54 =	vld.idx.msk [tilespmem:v43+s16+$0x0], $0xffff  }
0xc0: {  	s31 =	sadd.s32 $0x400, s29;
	v59 =	vmov s0;
	v51 =	vor.u32 v12, v47;
	v43 =	vbroadcast v58, $0x0;
	v58 =	vld.idx.msk [tilespmem:v60+s16+$0x0], $0xffff;
	[tilespmem:s29+$0xFFFFFE60] =	vst v49  }
0xc1: {  	v1 =	vand.u32 $0x7E, v59;
	v62 =	vor.u32 v12, v45;
	v53 =	vld.idx.msk [tilespmem:v53+s16+$0x0], $0xffff;
	[tilespmem:s31+$0xFFFFFE00] =	vst v48  }
0xc2: {  	v46 =	vbroadcast v1, $0x0;
	v55 =	vor.u32 v12, v40;
	v1 =	vld.idx.msk [tilespmem:v50+s16+$0x0], $0xffff;
	[tilespmem:s29+$0xFFFFFEF0] =	vst v2  }
0xc3: {  	v2 =	vor.u32 v12, v43;
	[tilespmem:s29+$0xFFFFFF70] =	vst v56;
	v52 =	vld.idx.msk [tilespmem:v63+s16+$0x0], $0xffff  }
0xc4: {  	[tilespmem:s29+$0xFFFFFFF0] =	vst v57;
	v63 =	vor.u32 v12, v46;
	v49 =	vld.idx.msk [tilespmem:v61+s16+$0x0], $0xffff  }
0xc5: {  	v61 =	vor.u32 v17, v41;
	v51 =	vld.idx.msk [tilespmem:v51+s16+$0x0], $0xffff;
	[tilespmem:s29+$0x70] =	vst v54  }
0xc6: {  	v60 =	vor.u32 v17, v47;
	v50 =	vld.idx.msk [tilespmem:v62+s16+$0x0], $0xffff;
	[tilespmem:s29+$0xF0] =	vst v58  }
0xc7: {  	v62 =	vor.u32 v17, v42;
	v54 =	vld.idx.msk [tilespmem:v55+s16+$0x0], $0xffff;
	[tilespmem:s29+$0xFFFFFE70] =	vst v1  }
0xc8: {  	v2 =	vld.idx.msk [tilespmem:v2+s16+$0x0], $0xffff;
	[tilespmem:s31+$0xFFFFFE80] =	vst v52  }
0xc9: {  	v1 =	vor.u32 v17, v40;
	v56 =	vld.idx.msk [tilespmem:v63+s16+$0x0], $0xffff;
	[tilespmem:s31+$0xFFFFFF80] =	vst v49  }
0xca: {  	v63 =	vor.u32 v17, v43;
	[tilespmem:s31+$0x180] =	vst v51;
	v49 =	vld.idx.msk [tilespmem:v61+s16+$0x0], $0xffff  }
0xcb: {  	[tilespmem:s29+$0x170] =	vst v53;
	v55 =	vld.idx.msk [tilespmem:v60+s16+$0x0], $0xffff;
	v60 =	vor.u32 v17, v45  }
0xcc: {  	[tilespmem:s31+$0x80] =	vst v50;
	v51 =	vld.idx.msk [tilespmem:v62+s16+$0x0], $0xffff;
	v62 =	vor.u32 v18, v41  }
0xcd: {  	v53 =	vor.u32 v18, v47;
	[tilespmem:s31+$0xFFFFFF00] =	vst v54  }
0xce: {  	v61 =	vor.u32 v17, v44;
	v1 =	vld.idx.msk [tilespmem:v1+s16+$0x0], $0xffff;
	[tilespmem:s31+$0x0] =	vst v2  }
0xcf: {  	v2 =	vor.u32 v17, v46;
	[tilespmem:s31+$0x100] =	vst v56;
	v52 =	vld.idx.msk [tilespmem:v63+s16+$0x0], $0xffff  }
0xd0: {  	v63 =	vor.u32 v18, v40;
	[tilespmem:s31+$0xFFFFFE90] =	vst v49;
	v54 =	vld.idx.msk [tilespmem:v60+s16+$0x0], $0xffff  }
0xd1: {  	v49 =	vor.u32 v18, v43;
	[tilespmem:s31+$0x190] =	vst v55;
	v56 =	vld.idx.msk [tilespmem:v62+s16+$0x0], $0xffff  }
0xd2: {  	[tilespmem:s31+$0xFFFFFF90] =	vst v51;
	v60 =	vor.u32 v18, v42;
	v53 =	vld.idx.msk [tilespmem:v53+s16+$0x0], $0xffff  }
0xd3: {  	v51 =	vor.u32 v18, v45;
	[tilespmem:s31+$0xFFFFFF10] =	vst v1;
	v1 =	vld.idx.msk [tilespmem:v61+s16+$0x0], $0xffff  }
0xd4: {  	v50 =	vor.u32 v19, v47;
	v2 =	vld.idx.msk [tilespmem:v2+s16+$0x0], $0xffff;
	[tilespmem:s31+$0x10] =	vst v52  }
0xd5: {  	v62 =	vor.u32 v18, v46;
	v61 =	vld.idx.msk [tilespmem:v63+s16+$0x0], $0xffff;
	[tilespmem:s31+$0x90] =	vst v54  }
0xd6: {  	v63 =	vor.u32 v18, v44;
	v49 =	vld.idx.msk [tilespmem:v49+s16+$0x0], $0xffff;
	[tilespmem:s31+$0xFFFFFEA0] =	vst v56  }
0xd7: {  	v48 =	vld.idx.msk [tilespmem:v60+s16+$0x0], $0xffff;
	v60 =	vor.u32 v19, v41;
	[tilespmem:s31+$0x1A0] =	vst v53  }
0xd8: {  	[tilespmem:s31+$0xFFFFFE10] =	vst v1;
	v1 =	vld.idx.msk [tilespmem:v51+s16+$0x0], $0xffff;
	v51 =	vor.u32 v19, v42  }
0xd9: {  	[tilespmem:s31+$0x110] =	vst v2;
	v2 =	vor.u32 v19, v40;
	v50 =	vld.idx.msk [tilespmem:v50+s16+$0x0], $0xffff  }
0xda: {  	v56 =	vor.u32 v20, v47;
	v55 =	vld.idx.msk [tilespmem:v62+s16+$0x0], $0xffff;
	[tilespmem:s31+$0xFFFFFF20] =	vst v61  }
0xdb: {  	v61 =	vor.u32 v19, v43;
	v54 =	vld.idx.msk [tilespmem:v63+s16+$0x0], $0xffff;
	[tilespmem:s31+$0x20] =	vst v49  }
0xdc: {  	v62 =	vor.u32 v19, v45;
	[tilespmem:s31+$0xFFFFFFA0] =	vst v48;
	v48 =	vld.idx.msk [tilespmem:v60+s16+$0x0], $0xffff  }
0xdd: {  	v63 =	vor.u32 v19, v46;
	v51 =	vld.idx.msk [tilespmem:v51+s16+$0x0], $0xffff;
	[tilespmem:s31+$0xA0] =	vst v1  }
0xde: {  	v1 =	vor.u32 v20, v41;
	v2 =	vld.idx.msk [tilespmem:v2+s16+$0x0], $0xffff;
	[tilespmem:s31+$0x1B0] =	vst v50  }
0xdf: {  	v60 =	vor.u32 v19, v44;
	v56 =	vld.idx.msk [tilespmem:v56+s16+$0x0], $0xffff;
	[tilespmem:s31+$0x120] =	vst v55  }
0xe0: {  	v52 =	vld.idx.msk [tilespmem:v61+s16+$0x0], $0xffff;
	v61 =	vor.u32 v20, v40;
	[tilespmem:s31+$0xFFFFFE20] =	vst v54  }
0xe1: {  	v53 =	vld.idx.msk [tilespmem:v62+s16+$0x0], $0xffff;
	v62 =	vor.u32 v20, v42;
	[tilespmem:s31+$0xFFFFFEB0] =	vst v48  }
0xe2: {  	v54 =	vor.u32 v21, v47;
	v49 =	vld.idx.msk [tilespmem:v63+s16+$0x0], $0xffff;
	[tilespmem:s31+$0xFFFFFFB0] =	vst v51  }
0xe3: {  	v63 =	vor.u32 v20, v43;
	v1 =	vld.idx.msk [tilespmem:v1+s16+$0x0], $0xffff;
	[tilespmem:s31+$0xFFFFFF30] =	vst v2  }
0xe4: {  	v51 =	vor.u32 v20, v45;
	v2 =	vld.idx.msk [tilespmem:v60+s16+$0x0], $0xffff;
	[tilespmem:s31+$0x1C0] =	vst v56  }
0xe5: {  	v60 =	vor.u32 v20, v46;
	v55 =	vld.idx.msk [tilespmem:v61+s16+$0x0], $0xffff;
	[tilespmem:s31+$0x30] =	vst v52  }
0xe6: {  	v61 =	vor.u32 v20, v44;
	[tilespmem:s31+$0xB0] =	vst v53;
	v48 =	vld.idx.msk [tilespmem:v62+s16+$0x0], $0xffff  }
0xe7: {  	v62 =	vor.u32 v21, v41;
	v54 =	vld.idx.msk [tilespmem:v54+s16+$0x0], $0xffff;
	[tilespmem:s31+$0x130] =	vst v49  }
0xe8: {  	v49 =	vld.idx.msk [tilespmem:v63+s16+$0x0], $0xffff;
	v63 =	vor.u32 v22, v47;
	[tilespmem:s31+$0xFFFFFEC0] =	vst v1  }
0xe9: {  	v51 =	vld.idx.msk [tilespmem:v51+s16+$0x0], $0xffff;
	v1 =	vor.u32 v21, v42;
	[tilespmem:s31+$0xFFFFFE30] =	vst v2  }
0xea: {  	v2 =	vor.u32 v21, v40;
	v56 =	vld.idx.msk [tilespmem:v60+s16+$0x0], $0xffff;
	[tilespmem:s31+$0xFFFFFF40] =	vst v55  }
0xeb: {  	v60 =	vor.u32 v21, v43;
	v52 =	vld.idx.msk [tilespmem:v61+s16+$0x0], $0xffff;
	[tilespmem:s31+$0xFFFFFFC0] =	vst v48  }
0xec: {  	v53 =	vld.idx.msk [tilespmem:v62+s16+$0x0], $0xffff;
	v61 =	vor.u32 v21, v45;
	[tilespmem:s31+$0x1D0] =	vst v54  }
0xed: {  	v62 =	vor.u32 v21, v46;
	[tilespmem:s31+$0x40] =	vst v49;
	v50 =	vld.idx.msk [tilespmem:v63+s16+$0x0], $0xffff  }
0xee: {  	v63 =	vor.u32 v21, v44;
	[tilespmem:s31+$0xC0] =	vst v51;
	v1 =	vld.idx.msk [tilespmem:v1+s16+$0x0], $0xffff  }
0xef: {  	v47 =	vor.u32 v23, v47;
	v2 =	vld.idx.msk [tilespmem:v2+s16+$0x0], $0xffff;
	[tilespmem:s31+$0x140] =	vst v56  }
0xf0: {  	v57 =	vor.u32 v22, v41;
	v55 =	vld.idx.msk [tilespmem:v60+s16+$0x0], $0xffff;
	[tilespmem:s31+$0xFFFFFE40] =	vst v52  }
0xf1: {  	v59 =	vor.u32 v22, v42;
	v54 =	vld.idx.msk [tilespmem:v61+s16+$0x0], $0xffff;
	[tilespmem:s31+$0xFFFFFED0] =	vst v53  }
0xf2: {  	v58 =	vor.u32 v22, v40;
	v48 =	vld.idx.msk [tilespmem:v62+s16+$0x0], $0xffff;
	[tilespmem:s31+$0x1E0] =	vst v50  }
0xf3: {  	v60 =	vor.u32 v22, v43;
	v49 =	vld.idx.msk [tilespmem:v63+s16+$0x0], $0xffff;
	[tilespmem:s31+$0xFFFFFFD0] =	vst v1  }
0xf4: {  	v61 =	vor.u32 v22, v46;
	v47 =	vld.idx.msk [tilespmem:v47+s16+$0x0], $0xffff;
	[tilespmem:s31+$0xFFFFFF50] =	vst v2  }
0xf5: {  	v62 =	vor.u32 v22, v44;
	v1 =	vld.idx.msk [tilespmem:v57+s16+$0x0], $0xffff;
	[tilespmem:s31+$0x50] =	vst v55  }
0xf6: {  	v2 =	vor.u32 v22, v45;
	v53 =	vld.idx.msk [tilespmem:v59+s16+$0x0], $0xffff;
	[tilespmem:s31+$0xD0] =	vst v54  }
0xf7: {  	v41 =	vor.u32 v23, v41;
	v52 =	vld.idx.msk [tilespmem:v58+s16+$0x0], $0xffff;
	[tilespmem:s31+$0x150] =	vst v48  }
0xf8: {  	v42 =	vor.u32 v23, v42;
	v63 =	vld.idx.msk [tilespmem:v60+s16+$0x0], $0xffff;
	[tilespmem:s31+$0xFFFFFE50] =	vst v49  }
0xf9: {  	v40 =	vor.u32 v23, v40;
	v51 =	vld.idx.msk [tilespmem:v61+s16+$0x0], $0xffff;
	[tilespmem:s31+$0x1F0] =	vst v47  }
0xfa: {  	v46 =	vor.u32 v23, v46;
	[tilespmem:s31+$0xFFFFFEE0] =	vst v1;
	v1 =	vld.idx.msk [tilespmem:v62+s16+$0x0], $0xffff  }
0xfb: {  	v43 =	vor.u32 v23, v43;
	v2 =	vld.idx.msk [tilespmem:v2+s16+$0x0], $0xffff;
	[tilespmem:s31+$0xFFFFFFE0] =	vst v53  }
0xfc: {  	v45 =	vor.u32 v23, v45;
	v41 =	vld.idx.msk [tilespmem:v41+s16+$0x0], $0xffff;
	[tilespmem:s31+$0xFFFFFF60] =	vst v52  }
0xfd: {  	v52 =	vor.u32 v23, v44;
	[tilespmem:s31+$0x60] =	vst v63;
	v42 =	vld.idx.msk [tilespmem:v42+s16+$0x0], $0xffff  }
0xfe: {  	v40 =	vld.idx.msk [tilespmem:v40+s16+$0x0], $0xffff;
	[tilespmem:s31+$0x160] =	vst v51  }
0xff: {  	[tilespmem:s31+$0xFFFFFE60] =	vst v1;
	v1 =	vld.idx.msk [tilespmem:v46+s16+$0x0], $0xffff  }
0x100: {  	[tilespmem:s31+$0xE0] =	vst v2;
	v2 =	vld.idx.msk [tilespmem:v43+s16+$0x0], $0xffff  }
0x101: {  	[tilespmem:s31+$0xFFFFFEF0] =	vst v41;
	v53 =	vld.idx.msk [tilespmem:v45+s16+$0x0], $0xffff  }
0x102: {  	v54 =	vld.idx.msk [tilespmem:v52+s16+$0x0], $0xffff;
	[tilespmem:s31+$0xFFFFFFF0] =	vst v42  }
0x103: {  	[tilespmem:s31+$0xFFFFFF70] =	vst v40  }
0x104: {  	[tilespmem:s31+$0x170] =	vst v1  }
0x105: {  	[tilespmem:s31+$0x70] =	vst v2  }
0x106: {  	[tilespmem:s31+$0xF0] =	vst v53  }
0x107: {  	s1 =	simm.s32 $0x0;
	[tilespmem:s31+$0xFFFFFE70] =	vst v54  }
0x108: {  	[hbm4b:s8+s20] =	stream.strided.scatter [tilespmem:s22], [sflag:$0x3], $0x2000, s21, s20, $0x38;
	[tilespmem:$0xDA00] =	vst v63  }
0x109: {  	v1 =	vld.idx.msk [tilespmem:v24+s1+$0x0], $0xffff;
	_ =	sdelay $0x4  }
0x10a: {  	[tilespmem:$0x1900] =	vst v1  }
0x10b: {  	v1 =	vld.idx.msk [tilespmem:v25+s1+$0x0], $0xffff;
	_ =	sdelay $0x4  }
0x10c: {  	[tilespmem:$0x1910] =	vst v1  }
0x10d: {  	v1 =	vld.idx.msk [tilespmem:v26+s1+$0x0], $0xffff;
	_ =	sdelay $0x4  }
0x10e: {  	[tilespmem:$0x1920] =	vst v1  }
0x10f: {  	v1 =	vld.idx.msk [tilespmem:v27+s1+$0x0], $0xffff;
	_ =	sdelay $0x4  }
0x110: {  	[tilespmem:$0x1930] =	vst v1  }
0x111: {  	v1 =	vld.idx.msk [tilespmem:v28+s1+$0x0], $0xffff;
	_ =	sdelay $0x4  }
0x112: {  	[tilespmem:$0x1940] =	vst v1  }
0x113: {  	v1 =	vld.idx.msk [tilespmem:v29+s1+$0x0], $0xffff;
	_ =	sdelay $0x4  }
0x114: {  	[tilespmem:$0x1950] =	vst v1  }
0x115: {  	v1 =	vld.idx.msk [tilespmem:v30+s1+$0x0], $0xffff;
	_ =	sdelay $0x4  }
0x116: {  	s9 =	simm.s32 $0x2;
	[tilespmem:$0x1960] =	vst v1  }
0x117: {  	s7 =	simm.s32 $0x1;
	s10 =	simm.s32 $0x7;
	v56 =	vmov s9;
	v1 =	vld.idx.msk [tilespmem:v31+s1+$0x0], $0xffff  }
0x118: {  	s30 =	simm.s32 $0x3;
	v57 =	vmov s10;
	v55 =	vmov s7;
	v2 =	vmov s1  }
0x119: {  	v58 =	vmov s30;
	v61 =	vand.u32 $0x7A, v56;
	v2 =	vand.u32 $0x78, v2  }
0x11a: {  	v62 =	vand.u32 $0x7B, v58;
	v43 =	vand.u32 $0x7F, v57;
	v40 =	vbroadcast v2, $0x0  }
0x11b: {  	v46 =	vbroadcast v61, $0x0;
	v41 =	vand.u32 $0x79, v55;
	v44 =	vbroadcast v43, $0x0  }
0x11c: {  	v47 =	vbroadcast v41, $0x0;
	v45 =	vbroadcast v62, $0x0;
	s31 =	simm.s32 $0x4;
	v2 =	vor.u32 v12, v40;
	s1 =	simm.s32 $0x5;
	[tilespmem:$0x1970] =	vst v1  }
0x11d: {  	v58 =	vor.u32 v12, v46;
	v63 =	vor.u32 v12, v44;
	v59 =	vmov s31;
	[tilespmem:s16], [sflag:$0x1] =	stream.indirect.gather [hbm4b:s4+s14], $0x80, s15, s14, $0xb8;
	[tilespmem:$0xDA00] =	vst v63  }
0x11e: {  	s7 =	simm.s32 $0x6;
	v56 =	vor.u32 v12, v47;
	v57 =	vand.u32 $0x7C, v59;
	v60 =	vmov s1;
	_ =	swait.ge [sflag:s23], $0x4000  }
0x11f: {  	v43 =	vbroadcast v57, $0x0;
	v59 =	vand.u32 $0x7D, v60;
	v1 =	vmov s7;
	[sflag:s23] =	ssyncset.done $0x0  }
0x120: {  	v60 =	vor.u32 v12, v45;
	v42 =	vbroadcast v59, $0x0;
	v1 =	vand.u32 $0x7E, v1;
	[sflag:s23] =	ssyncadd.s32 $0xFFFFC000  }
0x121: {  	v61 =	vor.u32 v12, v43;
	v41 =	vbroadcast v1, $0x0;
	v2 =	vld.idx.msk [tilespmem:v2+s18+$0x0], $0xffff  }
0x122: {  	v1 =	vor.u32 v12, v42;
	v50 =	vld.idx.msk [tilespmem:v63+s18+$0x0], $0xffff  }
0x123: {  	v62 =	vor.u32 v12, v41;
	v51 =	vld.idx.msk [tilespmem:v56+s18+$0x0], $0xffff  }
0x124: {  	v54 =	vor.u32 v17, v44;
	v48 =	vld.idx.msk [tilespmem:v58+s18+$0x0], $0xffff  }
0x125: {  	v63 =	vor.u32 v17, v47;
	v49 =	vld.idx.msk [tilespmem:v60+s18+$0x0], $0xffff  }
0x126: {  	s29 =	simm.s32 $0xBC00;
	v60 =	vor.u32 v17, v46;
	v52 =	vld.idx.msk [tilespmem:v61+s18+$0x0], $0xffff  }
0x127: {  	v61 =	vor.u32 v17, v45;
	v1 =	vld.idx.msk [tilespmem:v1+s18+$0x0], $0xffff;
	[tilespmem:s29+$0x180] =	vst v50  }
0x128: {  	v58 =	vor.u32 v17, v43;
	v53 =	vld.idx.msk [tilespmem:v62+s18+$0x0], $0xffff;
	[tilespmem:s29+$0xFFFFFE80] =	vst v51  }
0x129: {  	v62 =	vor.u32 v17, v42;
	[tilespmem:s29+$0xFFFFFF00] =	vst v48;
	v51 =	vld.idx.msk [tilespmem:v54+s18+$0x0], $0xffff  }
0x12a: {  	v48 =	vor.u32 v17, v41;
	[tilespmem:s29+$0xFFFFFF80] =	vst v49;
	v54 =	vld.idx.msk [tilespmem:v63+s18+$0x0], $0xffff  }
0x12b: {  	[tilespmem:s29+$0x0] =	vst v52;
	v55 =	vld.idx.msk [tilespmem:v60+s18+$0x0], $0xffff;
	v60 =	vor.u32 v17, v40  }
0x12c: {  	[tilespmem:s29+$0xFFFFFE00] =	vst v2;
	v63 =	vor.u32 v18, v44;
	v57 =	vld.idx.msk [tilespmem:v61+s18+$0x0], $0xffff  }
0x12d: {  	v61 =	vor.u32 v18, v47;
	v58 =	vld.idx.msk [tilespmem:v58+s18+$0x0], $0xffff;
	[tilespmem:s29+$0x80] =	vst v1  }
0x12e: {  	v1 =	vor.u32 v18, v46;
	v50 =	vld.idx.msk [tilespmem:v62+s18+$0x0], $0xffff;
	[tilespmem:s29+$0x100] =	vst v53  }
0x12f: {  	v2 =	vor.u32 v18, v43;
	v48 =	vld.idx.msk [tilespmem:v48+s18+$0x0], $0xffff;
	[tilespmem:s29+$0x190] =	vst v51  }
0x130: {  	v62 =	vor.u32 v18, v45;
	v51 =	vld.idx.msk [tilespmem:v60+s18+$0x0], $0xffff;
	[tilespmem:s29+$0xFFFFFE90] =	vst v54  }
0x131: {  	v54 =	vor.u32 v18, v42;
	[tilespmem:s29+$0xFFFFFF10] =	vst v55;
	v49 =	vld.idx.msk [tilespmem:v63+s18+$0x0], $0xffff  }
0x132: {  	v56 =	vor.u32 v18, v41;
	[tilespmem:s29+$0xFFFFFF90] =	vst v57;
	v52 =	vld.idx.msk [tilespmem:v61+s18+$0x0], $0xffff  }
0x133: {  	v60 =	vor.u32 v18, v40;
	[tilespmem:s29+$0x10] =	vst v58;
	v1 =	vld.idx.msk [tilespmem:v1+s18+$0x0], $0xffff  }
0x134: {  	v63 =	vor.u32 v19, v44;
	v2 =	vld.idx.msk [tilespmem:v2+s18+$0x0], $0xffff;
	[tilespmem:s29+$0x90] =	vst v50  }
0x135: {  	v61 =	vor.u32 v19, v47;
	v53 =	vld.idx.msk [tilespmem:v62+s18+$0x0], $0xffff;
	[tilespmem:s29+$0x110] =	vst v48  }
0x136: {  	v62 =	vor.u32 v19, v46;
	v54 =	vld.idx.msk [tilespmem:v54+s18+$0x0], $0xffff;
	[tilespmem:s29+$0xFFFFFE10] =	vst v51  }
0x137: {  	v55 =	vld.idx.msk [tilespmem:v56+s18+$0x0], $0xffff;
	[tilespmem:s29+$0x1A0] =	vst v49;
	v49 =	vor.u32 v19, v45  }
0x138: {  	v56 =	vld.idx.msk [tilespmem:v60+s18+$0x0], $0xffff;
	[tilespmem:s29+$0xFFFFFF20] =	vst v1;
	v1 =	vor.u32 v19, v42  }
0x139: {  	[tilespmem:s29+$0xFFFFFEA0] =	vst v52;
	v48 =	vld.idx.msk [tilespmem:v63+s18+$0x0], $0xffff;
	v63 =	vor.u32 v19, v43  }
0x13a: {  	[tilespmem:s29+$0x20] =	vst v2;
	v57 =	vld.idx.msk [tilespmem:v61+s18+$0x0], $0xffff;
	v61 =	vor.u32 v19, v41  }
0x13b: {  	v60 =	vor.u32 v20, v44;
	v50 =	vld.idx.msk [tilespmem:v62+s18+$0x0], $0xffff;
	[tilespmem:s29+$0xFFFFFFA0] =	vst v53  }
0x13c: {  	v62 =	vor.u32 v19, v40;
	[tilespmem:s29+$0xA0] =	vst v54;
	v49 =	vld.idx.msk [tilespmem:v49+s18+$0x0], $0xffff  }
0x13d: {  	v2 =	vor.u32 v20, v47;
	[tilespmem:s29+$0x120] =	vst v55;
	v1 =	vld.idx.msk [tilespmem:v1+s18+$0x0], $0xffff  }
0x13e: {  	v51 =	vld.idx.msk [tilespmem:v63+s18+$0x0], $0xffff;
	[tilespmem:s29+$0x1B0] =	vst v48;
	v48 =	vor.u32 v20, v46  }
0x13f: {  	[tilespmem:s29+$0xFFFFFE20] =	vst v56;
	v63 =	vor.u32 v20, v45;
	v53 =	vld.idx.msk [tilespmem:v61+s18+$0x0], $0xffff  }
0x140: {  	[tilespmem:s29+$0xFFFFFEB0] =	vst v57;
	v61 =	vor.u32 v20, v43;
	v52 =	vld.idx.msk [tilespmem:v60+s18+$0x0], $0xffff  }
0x141: {  	v60 =	vor.u32 v21, v44;
	v56 =	vld.idx.msk [tilespmem:v62+s18+$0x0], $0xffff;
	[tilespmem:s29+$0xFFFFFF30] =	vst v50  }
0x142: {  	v2 =	vld.idx.msk [tilespmem:v2+s18+$0x0], $0xffff;
	v62 =	vor.u32 v20, v42;
	[tilespmem:s29+$0xFFFFFFB0] =	vst v49  }
0x143: {  	v58 =	vor.u32 v20, v40;
	[tilespmem:s29+$0xB0] =	vst v1;
	v48 =	vld.idx.msk [tilespmem:v48+s18+$0x0], $0xffff  }
0x144: {  	v49 =	vor.u32 v20, v41;
	v54 =	vld.idx.msk [tilespmem:v63+s18+$0x0], $0xffff;
	[tilespmem:s29+$0x30] =	vst v51  }
0x145: {  	[tilespmem:s29+$0x1C0] =	vst v52;
	v52 =	vor.u32 v21, v47;
	v57 =	vld.idx.msk [tilespmem:v61+s18+$0x0], $0xffff  }
0x146: {  	[tilespmem:s29+$0x130] =	vst v53;
	v63 =	vld.idx.msk [tilespmem:v60+s18+$0x0], $0xffff;
	v60 =	vor.u32 v21, v46  }
0x147: {  	v1 =	vld.idx.msk [tilespmem:v62+s18+$0x0], $0xffff;
	[tilespmem:s29+$0xFFFFFE30] =	vst v56;
	v62 =	vor.u32 v21, v45  }
0x148: {  	[tilespmem:s29+$0xFFFFFEC0] =	vst v2;
	v2 =	vor.u32 v21, v43;
	v56 =	vld.idx.msk [tilespmem:v58+s18+$0x0], $0xffff  }
0x149: {  	v61 =	vor.u32 v22, v44;
	v49 =	vld.idx.msk [tilespmem:v49+s18+$0x0], $0xffff  }
0x14a: {  	v51 =	vor.u32 v21, v40;
	[tilespmem:s29+$0xFFFFFF40] =	vst v48;
	v52 =	vld.idx.msk [tilespmem:v52+s18+$0x0], $0xffff  }
0x14b: {  	v48 =	vor.u32 v21, v42;
	[tilespmem:s29+$0xFFFFFFC0] =	vst v54;
	v55 =	vld.idx.msk [tilespmem:v60+s18+$0x0], $0xffff  }
0x14c: {  	v58 =	vor.u32 v21, v41;
	[tilespmem:s29+$0x40] =	vst v57;
	v60 =	vld.idx.msk [tilespmem:v62+s18+$0x0], $0xffff  }
0x14d: {  	v54 =	vor.u32 v22, v47;
	[tilespmem:s29+$0x1D0] =	vst v63;
	v2 =	vld.idx.msk [tilespmem:v2+s18+$0x0], $0xffff  }
0x14e: {  	v53 =	vor.u32 v22, v46;
	[tilespmem:s29+$0xFFFFFE40] =	vst v56;
	v50 =	vld.idx.msk [tilespmem:v61+s18+$0x0], $0xffff  }
0x14f: {  	[tilespmem:s29+$0xC0] =	vst v1;
	v1 =	vor.u32 v23, v44;
	v61 =	vld.idx.msk [tilespmem:v51+s18+$0x0], $0xffff  }
0x150: {  	s1 =	simm.s32 $0x8;
	[tilespmem:s29+$0x140] =	vst v49;
	v57 =	vld.idx.msk [tilespmem:v48+s18+$0x0], $0xffff;
	v48 =	vor.u32 v22, v45  }
0x151: {  	v63 =	vmov s1;
	v51 =	vor.u32 v22, v43;
	v58 =	vld.idx.msk [tilespmem:v58+s18+$0x0], $0xffff;
	[tilespmem:s29+$0xFFFFFED0] =	vst v52  }
0x152: {  	v44 =	vand.u32 $0x78, v63;
	v52 =	vor.u32 v22, v42;
	v49 =	vld.idx.msk [tilespmem:v54+s18+$0x0], $0xffff;
	[tilespmem:s29+$0xFFFFFF50] =	vst v55  }
0x153: {  	v44 =	vbroadcast v44, $0x0;
	v55 =	vor.u32 v22, v41;
	[tilespmem:s29+$0x1E0] =	vst v50;
	v53 =	vld.idx.msk [tilespmem:v53+s18+$0x0], $0xffff  }
0x154: {  	[tilespmem:s29+$0xFFFFFFD0] =	vst v60;
	v60 =	vor.u32 v22, v40;
	v59 =	vld.idx.msk [tilespmem:v1+s18+$0x0], $0xffff  }
0x155: {  	[tilespmem:s29+$0x50] =	vst v2;
	v50 =	vld.idx.msk [tilespmem:v48+s18+$0x0], $0xffff;
	v48 =	vor.u32 v12, v44  }
0x156: {  	s9 =	simm.s32 $0x9;
	s31 =	simm.s32 $0xC;
	v56 =	vor.u32 v23, v47;
	v51 =	vld.idx.msk [tilespmem:v51+s18+$0x0], $0xffff;
	[tilespmem:s29+$0xD0] =	vst v57  }
0x157: {  	s10 =	simm.s32 $0xA;
	s30 =	simm.s32 $0xB;
	v46 =	vor.u32 v23, v46;
	v47 =	vmov s9;
	v54 =	vmov s31;
	[tilespmem:s29+$0x150] =	vst v58;
	v52 =	vld.idx.msk [tilespmem:v52+s18+$0x0], $0xffff  }
0x158: {  	s0 =	simm.s32 $0x10;
	s7 =	simm.s32 $0xF;
	s9 =	simm.s32 $0xD;
	v45 =	vor.u32 v23, v45;
	[tilespmem:s29+$0xFFFFFE50] =	vst v61;
	v57 =	vmov s10;
	v58 =	vmov s30;
	v55 =	vld.idx.msk [tilespmem:v55+s18+$0x0], $0xffff  }
.LBB2_4:
0x159: {  	p0 =	slt.u32 s0, $0x38;
	v1 =	vmov s9;
	s9 =	sadd.s32 $0x6, s1;
	v2 =	vmov s7;
	v60 =	vld.idx.msk [tilespmem:v60+s18+$0x0], $0xffff;
	v43 =	vor.u32 v23, v43;
	[tilespmem:s29+$0x1F0] =	vst v59;
	s1 =	smov.u32 s0  }
0x15a: {  	v42 =	vor.u32 v23, v42;
	v59 =	vld.idx.msk [tilespmem:v48+s18+$0x0], $0xffff;
	v61 =	vmov s9;
	v2 =	vand.u32 $0x7F, v2;
	[tilespmem:s29+$0xFFFFFEE0] =	vst v49  }
0x15b: {  	v47 =	vand.u32 $0x79, v47;
	v41 =	vor.u32 v23, v41;
	v48 =	vbroadcast v2, $0x0;
	v2 =	vld.idx.msk [tilespmem:v56+s18+$0x0], $0xffff;
	[tilespmem:s29+$0xFFFFFF60] =	vst v53  }
0x15c: {  	v47 =	vbroadcast v47, $0x0;
	v49 =	vand.u32 $0x7A, v57;
	v53 =	vor.u32 v23, v40;
	v40 =	vmovc v44;
	v56 =	vld.idx.msk [tilespmem:v46+s18+$0x0], $0xffff;
	[tilespmem:s29+$0xFFFFFFE0] =	vst v50  }
0x15d: {  	v44 =	vand.u32 $0x7B, v58;
	v46 =	vbroadcast v49, $0x0;
	v49 =	vor.u32 v12, v48;
	v50 =	vld.idx.msk [tilespmem:v45+s18+$0x0], $0xffff;
	[tilespmem:s29+$0x60] =	vst v51  }
0x15e: {  	v51 =	vor.u32 v12, v47;
	v45 =	vbroadcast v44, $0x0;
	v44 =	vand.u32 $0x7C, v54;
	v54 =	vld.idx.msk [tilespmem:v43+s18+$0x0], $0xffff;
	[tilespmem:s29+$0xE0] =	vst v52  }
0x15f: {  	v1 =	vand.u32 $0x7D, v1;
	v52 =	vor.u32 v12, v46;
	v43 =	vbroadcast v44, $0x0;
	v44 =	vld.idx.msk [tilespmem:v42+s18+$0x0], $0xffff;
	[tilespmem:s29+$0x160] =	vst v55  }
0x160: {  	v55 =	vor.u32 v12, v45;
	v42 =	vbroadcast v1, $0x0;
	v1 =	vand.u32 $0x7E, v61;
	[tilespmem:s29+$0xFFFFFE60] =	vst v60;
	v57 =	vld.idx.msk [tilespmem:v41+s18+$0x0], $0xffff  }
0x161: {  	v58 =	vor.u32 v12, v43;
	v41 =	vbroadcast v1, $0x0;
	v1 =	vld.idx.msk [tilespmem:v53+s18+$0x0], $0xffff;
	[tilespmem:s29+$0xFFFFFEF0] =	vst v2  }
0x162: {  	v2 =	vor.u32 v12, v42;
	v49 =	vld.idx.msk [tilespmem:v49+s18+$0x0], $0xffff;
	[tilespmem:s29+$0xFFFFFF70] =	vst v56  }
0x163: {  	v53 =	vor.u32 v12, v41;
	v51 =	vld.idx.msk [tilespmem:v51+s18+$0x0], $0xffff;
	[tilespmem:s29+$0xFFFFFFF0] =	vst v50  }
0x164: {  	v50 =	vld.idx.msk [tilespmem:v52+s18+$0x0], $0xffff;
	v52 =	vor.u32 v17, v48;
	[tilespmem:s29+$0x70] =	vst v54  }
0x165: {  	v54 =	vor.u32 v17, v47;
	v55 =	vld.idx.msk [tilespmem:v55+s18+$0x0], $0xffff;
	[tilespmem:s29+$0xF0] =	vst v44  }
0x166: {  	v44 =	vor.u32 v17, v46;
	v56 =	vld.idx.msk [tilespmem:v58+s18+$0x0], $0xffff;
	[tilespmem:s29+$0x170] =	vst v57  }
0x167: {  	v57 =	vor.u32 v17, v45;
	v2 =	vld.idx.msk [tilespmem:v2+s18+$0x0], $0xffff;
	[tilespmem:s29+$0xFFFFFE70] =	vst v1;
	s29 =	sadd.s32 $0x400, s29  }
0x168: {  	v1 =	vor.u32 v17, v43;
	v53 =	vld.idx.msk [tilespmem:v53+s18+$0x0], $0xffff;
	[tilespmem:s29+$0x180] =	vst v49  }
0x169: {  	v49 =	vor.u32 v17, v42;
	[tilespmem:s29+$0xFFFFFE80] =	vst v51;
	v51 =	vld.idx.msk [tilespmem:v52+s18+$0x0], $0xffff  }
0x16a: {  	v52 =	vld.idx.msk [tilespmem:v54+s18+$0x0], $0xffff;
	[tilespmem:s29+$0xFFFFFF00] =	vst v50;
	v50 =	vor.u32 v17, v41  }
0x16b: {  	v54 =	vor.u32 v18, v48;
	v44 =	vld.idx.msk [tilespmem:v44+s18+$0x0], $0xffff;
	[tilespmem:s29+$0xFFFFFF80] =	vst v55  }
0x16c: {  	v55 =	vor.u32 v17, v40;
	v57 =	vld.idx.msk [tilespmem:v57+s18+$0x0], $0xffff;
	[tilespmem:s29+$0x0] =	vst v56  }
0x16d: {  	v56 =	vor.u32 v18, v47;
	v1 =	vld.idx.msk [tilespmem:v1+s18+$0x0], $0xffff;
	[tilespmem:s29+$0x80] =	vst v2  }
0x16e: {  	v2 =	vor.u32 v18, v46;
	v49 =	vld.idx.msk [tilespmem:v49+s18+$0x0], $0xffff;
	[tilespmem:s29+$0x100] =	vst v53  }
0x16f: {  	v53 =	vor.u32 v18, v45;
	v50 =	vld.idx.msk [tilespmem:v50+s18+$0x0], $0xffff;
	[tilespmem:s29+$0x190] =	vst v51  }
0x170: {  	v51 =	vor.u32 v18, v43;
	[tilespmem:s29+$0xFFFFFE00] =	vst v59;
	v54 =	vld.idx.msk [tilespmem:v54+s18+$0x0], $0xffff  }
0x171: {  	v55 =	vld.idx.msk [tilespmem:v55+s18+$0x0], $0xffff;
	[tilespmem:s29+$0xFFFFFE90] =	vst v52;
	v52 =	vor.u32 v18, v42  }
0x172: {  	v56 =	vld.idx.msk [tilespmem:v56+s18+$0x0], $0xffff;
	[tilespmem:s29+$0xFFFFFF10] =	vst v44;
	v44 =	vor.u32 v19, v48  }
0x173: {  	v2 =	vld.idx.msk [tilespmem:v2+s18+$0x0], $0xffff;
	[tilespmem:s29+$0xFFFFFF90] =	vst v57;
	v57 =	vor.u32 v18, v41  }
0x174: {  	v58 =	vor.u32 v18, v40;
	v53 =	vld.idx.msk [tilespmem:v53+s18+$0x0], $0xffff;
	[tilespmem:s29+$0x10] =	vst v1  }
0x175: {  	v1 =	vor.u32 v19, v47;
	v51 =	vld.idx.msk [tilespmem:v51+s18+$0x0], $0xffff;
	[tilespmem:s29+$0x90] =	vst v49  }
0x176: {  	v49 =	vor.u32 v19, v46;
	v52 =	vld.idx.msk [tilespmem:v52+s18+$0x0], $0xffff;
	[tilespmem:s29+$0x1A0] =	vst v54  }
0x177: {  	v54 =	vor.u32 v19, v45;
	[tilespmem:s29+$0x110] =	vst v50;
	v44 =	vld.idx.msk [tilespmem:v44+s18+$0x0], $0xffff  }
0x178: {  	v50 =	vor.u32 v19, v43;
	[tilespmem:s29+$0xFFFFFE10] =	vst v55;
	v55 =	vld.idx.msk [tilespmem:v57+s18+$0x0], $0xffff  }
0x179: {  	v57 =	vld.idx.msk [tilespmem:v58+s18+$0x0], $0xffff;
	[tilespmem:s29+$0xFFFFFEA0] =	vst v56;
	v56 =	vor.u32 v20, v48  }
0x17a: {  	v1 =	vld.idx.msk [tilespmem:v1+s18+$0x0], $0xffff;
	[tilespmem:s29+$0xFFFFFF20] =	vst v2;
	v2 =	vor.u32 v19, v42  }
0x17b: {  	v49 =	vld.idx.msk [tilespmem:v49+s18+$0x0], $0xffff;
	[tilespmem:s29+$0xFFFFFFA0] =	vst v53;
	v53 =	vor.u32 v19, v41  }
0x17c: {  	v58 =	vor.u32 v19, v40;
	v54 =	vld.idx.msk [tilespmem:v54+s18+$0x0], $0xffff;
	[tilespmem:s29+$0x20] =	vst v51  }
0x17d: {  	v51 =	vor.u32 v20, v47;
	v50 =	vld.idx.msk [tilespmem:v50+s18+$0x0], $0xffff;
	[tilespmem:s29+$0x1B0] =	vst v44  }
0x17e: {  	v44 =	vor.u32 v20, v46;
	[tilespmem:s29+$0xA0] =	vst v52;
	v52 =	vld.idx.msk [tilespmem:v56+s18+$0x0], $0xffff  }
0x17f: {  	v56 =	vor.u32 v20, v45;
	v2 =	vld.idx.msk [tilespmem:v2+s18+$0x0], $0xffff;
	[tilespmem:s29+$0x120] =	vst v55  }
0x180: {  	v55 =	vor.u32 v21, v48;
	[tilespmem:s29+$0xFFFFFE20] =	vst v57;
	v53 =	vld.idx.msk [tilespmem:v53+s18+$0x0], $0xffff  }
0x181: {  	v57 =	vld.idx.msk [tilespmem:v58+s18+$0x0], $0xffff;
	[tilespmem:s29+$0xFFFFFEB0] =	vst v1;
	v1 =	vor.u32 v20, v43  }
0x182: {  	v51 =	vld.idx.msk [tilespmem:v51+s18+$0x0], $0xffff;
	[tilespmem:s29+$0xFFFFFF30] =	vst v49;
	v49 =	vor.u32 v20, v42  }
0x183: {  	v44 =	vld.idx.msk [tilespmem:v44+s18+$0x0], $0xffff;
	[tilespmem:s29+$0xFFFFFFB0] =	vst v54;
	v54 =	vor.u32 v20, v41  }
0x184: {  	v58 =	vor.u32 v20, v40;
	v56 =	vld.idx.msk [tilespmem:v56+s18+$0x0], $0xffff;
	[tilespmem:s29+$0x1C0] =	vst v52  }
0x185: {  	v52 =	vor.u32 v21, v47;
	[tilespmem:s29+$0x30] =	vst v50;
	v50 =	vld.idx.msk [tilespmem:v55+s18+$0x0], $0xffff  }
0x186: {  	v55 =	vor.u32 v21, v46;
	v1 =	vld.idx.msk [tilespmem:v1+s18+$0x0], $0xffff;
	[tilespmem:s29+$0xB0] =	vst v2  }
0x187: {  	v2 =	vld.idx.msk [tilespmem:v49+s18+$0x0], $0xffff;
	[tilespmem:s29+$0x130] =	vst v53;
	v49 =	vor.u32 v22, v48  }
0x188: {  	v53 =	vor.u32 v21, v45;
	[tilespmem:s29+$0xFFFFFE30] =	vst v57;
	v54 =	vld.idx.msk [tilespmem:v54+s18+$0x0], $0xffff  }
0x189: {  	v57 =	vld.idx.msk [tilespmem:v58+s18+$0x0], $0xffff;
	[tilespmem:s29+$0xFFFFFEC0] =	vst v51;
	v51 =	vor.u32 v21, v43  }
0x18a: {  	v52 =	vld.idx.msk [tilespmem:v52+s18+$0x0], $0xffff;
	[tilespmem:s29+$0xFFFFFF40] =	vst v44;
	v44 =	vor.u32 v21, v42  }
0x18b: {  	v58 =	vor.u32 v21, v41;
	v55 =	vld.idx.msk [tilespmem:v55+s18+$0x0], $0xffff;
	[tilespmem:s29+$0x1D0] =	vst v50  }
0x18c: {  	v50 =	vor.u32 v21, v40;
	[tilespmem:s29+$0xFFFFFFC0] =	vst v56;
	v56 =	vld.idx.msk [tilespmem:v49+s18+$0x0], $0xffff  }
0x18d: {  	v49 =	vor.u32 v22, v47;
	v61 =	vld.idx.msk [tilespmem:v53+s18+$0x0], $0xffff;
	[tilespmem:s29+$0x40] =	vst v1  }
0x18e: {  	v1 =	vld.idx.msk [tilespmem:v51+s18+$0x0], $0xffff;
	[tilespmem:s29+$0xC0] =	vst v2;
	v2 =	vor.u32 v23, v48  }
0x18f: {  	v48 =	vor.u32 v22, v46;
	v62 =	vld.idx.msk [tilespmem:v44+s18+$0x0], $0xffff;
	[tilespmem:s29+$0x140] =	vst v54  }
0x190: {  	v51 =	vor.u32 v22, v45;
	[tilespmem:s29+$0xFFFFFE40] =	vst v57;
	v54 =	vld.idx.msk [tilespmem:v58+s18+$0x0], $0xffff  }
0x191: {  	v44 =	vmov s0;
	v63 =	vld.idx.msk [tilespmem:v50+s18+$0x0], $0xffff;
	[tilespmem:s29+$0xFFFFFED0] =	vst v52;
	v52 =	vor.u32 v22, v43  }
0x192: {  	v44 =	vand.u32 $0x78, v44;
	v58 =	vor.u32 v22, v42;
	v49 =	vld.idx.msk [tilespmem:v49+s18+$0x0], $0xffff;
	[tilespmem:s29+$0x1E0] =	vst v56  }
0x193: {  	v44 =	vbroadcast v44, $0x0;
	[tilespmem:s29+$0xFFFFFF50] =	vst v55;
	v55 =	vor.u32 v22, v41;
	v59 =	vld.idx.msk [tilespmem:v2+s18+$0x0], $0xffff  }
.Ltmp1:
0x194: {  	v60 =	vor.u32 v22, v40;
	v53 =	vld.idx.msk [tilespmem:v48+s18+$0x0], $0xffff;
	[tilespmem:s29+$0xFFFFFFD0] =	vst v61;
	(pc) =	sbr.rel @p0 .LBB2_4-.Ltmp1, $4  }
0x195: {  	v48 =	vor.u32 v12, v44;
	v50 =	vld.idx.msk [tilespmem:v51+s18+$0x0], $0xffff;
	[tilespmem:s29+$0x50] =	vst v1  }
0x196: {  	s7 =	sadd.s32 $0x1, s0;
	s9 =	sadd.s32 $0x2, s0;
	v56 =	vor.u32 v23, v47;
	v51 =	vld.idx.msk [tilespmem:v52+s18+$0x0], $0xffff;
	[tilespmem:s29+$0xD0] =	vst v62  }
0x197: {  	v46 =	vor.u32 v23, v46;
	v57 =	vmov s9;
	s9 =	sadd.s32 $0x4, s0;
	v47 =	vmov s7;
	s7 =	sadd.s32 $0x3, s0;
	v52 =	vld.idx.msk [tilespmem:v58+s18+$0x0], $0xffff;
	[tilespmem:s29+$0x150] =	vst v54  }
0x198: {  	v45 =	vor.u32 v23, v45;
	s0 =	sadd.s32 $0x8, s0;
	v58 =	vmov s7;
	v54 =	vmov s9;
	s9 =	sadd.s32 $0x5, s1;
	s7 =	sadd.s32 $0x7, s1;
	[tilespmem:s29+$0xFFFFFE50] =	vst v63;
	v55 =	vld.idx.msk [tilespmem:v55+s18+$0x0], $0xffff  }
0x199: {  	_ =	sdelay $0x1  }
0x19a: {  	[tilespmem:s29+$0x1F0] =	vst v59  }
0x19b: {  	[tilespmem:s29+$0xFFFFFEE0] =	vst v49  }
0x19c: {  	v1 =	vmov s9;
	v2 =	vmov s7;
	v43 =	vor.u32 v23, v43;
	v49 =	vld.idx.msk [tilespmem:v60+s18+$0x0], $0xffff;
	[tilespmem:s29+$0xFFFFFF60] =	vst v53  }
0x19d: {  	v60 =	vor.u32 v23, v42;
	v62 =	vand.u32 $0x79, v47;
	v48 =	vld.idx.msk [tilespmem:v48+s18+$0x0], $0xffff;
	v2 =	vand.u32 $0x7F, v2;
	[tilespmem:s29+$0xFFFFFFE0] =	vst v50  }
0x19e: {  	v53 =	vor.u32 v23, v41;
	v41 =	vbroadcast v62, $0x0;
	v47 =	vbroadcast v2, $0x0;
	v2 =	vld.idx.msk [tilespmem:v56+s18+$0x0], $0xffff;
	[tilespmem:s29+$0x60] =	vst v51  }
0x19f: {  	v63 =	vand.u32 $0x7A, v57;
	v61 =	vand.u32 $0x7B, v58;
	v50 =	vor.u32 v23, v40;
	v56 =	vld.idx.msk [tilespmem:v46+s18+$0x0], $0xffff;
	[tilespmem:s29+$0xE0] =	vst v52  }
0x1a0: {  	v40 =	vbroadcast v63, $0x0;
	v42 =	vbroadcast v61, $0x0;
	v57 =	vld.idx.msk [tilespmem:v45+s18+$0x0], $0xffff;
	v52 =	vor.u32 v12, v41;
	[tilespmem:s29+$0x160] =	vst v55  }
0x1a1: {  	s0 =	sadd.s32 $0x6, s1;
	s31 =	sadd.s32 $0x400, s29;
	v62 =	vand.u32 $0x7C, v54;
	v1 =	vand.u32 $0x7D, v1;
	v51 =	vor.u32 v12, v47;
	v54 =	vld.idx.msk [tilespmem:v43+s18+$0x0], $0xffff;
	[tilespmem:s29+$0xFFFFFE60] =	vst v49  }
0x1a2: {  	v59 =	vmov s0;
	v45 =	vbroadcast v1, $0x0;
	v63 =	vor.u32 v12, v40;
	v58 =	vld.idx.msk [tilespmem:v60+s18+$0x0], $0xffff;
	[tilespmem:s31+$0xFFFFFE00] =	vst v48  }
0x1a3: {  	v1 =	vand.u32 $0x7E, v59;
	v43 =	vbroadcast v62, $0x0;
	v60 =	vor.u32 v12, v42;
	v53 =	vld.idx.msk [tilespmem:v53+s18+$0x0], $0xffff;
	[tilespmem:s29+$0xFFFFFEF0] =	vst v2  }
0x1a4: {  	v46 =	vbroadcast v1, $0x0;
	v61 =	vor.u32 v12, v45;
	v1 =	vld.idx.msk [tilespmem:v50+s18+$0x0], $0xffff;
	[tilespmem:s29+$0xFFFFFF70] =	vst v56  }
0x1a5: {  	v2 =	vor.u32 v12, v43;
	[tilespmem:s29+$0xFFFFFFF0] =	vst v57;
	v52 =	vld.idx.msk [tilespmem:v52+s18+$0x0], $0xffff  }
0x1a6: {  	v62 =	vor.u32 v12, v46;
	v51 =	vld.idx.msk [tilespmem:v51+s18+$0x0], $0xffff;
	[tilespmem:s29+$0x70] =	vst v54  }
0x1a7: {  	v54 =	vld.idx.msk [tilespmem:v63+s18+$0x0], $0xffff;
	v63 =	vor.u32 v17, v47;
	[tilespmem:s29+$0xF0] =	vst v58  }
0x1a8: {  	v49 =	vld.idx.msk [tilespmem:v60+s18+$0x0], $0xffff;
	[tilespmem:s29+$0x170] =	vst v53;
	v60 =	vor.u32 v17, v41  }
0x1a9: {  	v50 =	vld.idx.msk [tilespmem:v61+s18+$0x0], $0xffff;
	[tilespmem:s29+$0xFFFFFE70] =	vst v1;
	v1 =	vor.u32 v17, v40  }
0x1aa: {  	v61 =	vor.u32 v17, v42;
	v2 =	vld.idx.msk [tilespmem:v2+s18+$0x0], $0xffff;
	[tilespmem:s31+$0xFFFFFE80] =	vst v52  }
0x1ab: {  	v56 =	vld.idx.msk [tilespmem:v62+s18+$0x0], $0xffff;
	v62 =	vor.u32 v17, v43;
	[tilespmem:s31+$0x180] =	vst v51  }
0x1ac: {  	v55 =	vld.idx.msk [tilespmem:v63+s18+$0x0], $0xffff;
	[tilespmem:s31+$0xFFFFFF00] =	vst v54;
	v63 =	vor.u32 v17, v45  }
0x1ad: {  	v53 =	vor.u32 v18, v47;
	[tilespmem:s31+$0xFFFFFF80] =	vst v49;
	v49 =	vld.idx.msk [tilespmem:v60+s18+$0x0], $0xffff  }
0x1ae: {  	[tilespmem:s31+$0x80] =	vst v50;
	v60 =	vor.u32 v17, v44;
	v1 =	vld.idx.msk [tilespmem:v1+s18+$0x0], $0xffff  }
0x1af: {  	v51 =	vld.idx.msk [tilespmem:v61+s18+$0x0], $0xffff;
	v61 =	vor.u32 v18, v41;
	[tilespmem:s31+$0x0] =	vst v2  }
0x1b0: {  	[tilespmem:s31+$0x100] =	vst v56;
	v2 =	vor.u32 v17, v46;
	v52 =	vld.idx.msk [tilespmem:v62+s18+$0x0], $0xffff  }
0x1b1: {  	v62 =	vor.u32 v18, v40;
	[tilespmem:s31+$0x190] =	vst v55;
	v54 =	vld.idx.msk [tilespmem:v63+s18+$0x0], $0xffff  }
0x1b2: {  	v63 =	vor.u32 v18, v42;
	[tilespmem:s31+$0xFFFFFE90] =	vst v49;
	v53 =	vld.idx.msk [tilespmem:v53+s18+$0x0], $0xffff  }
0x1b3: {  	v49 =	vor.u32 v18, v43;
	[tilespmem:s31+$0xFFFFFF10] =	vst v1;
	v1 =	vld.idx.msk [tilespmem:v60+s18+$0x0], $0xffff  }
0x1b4: {  	[tilespmem:s31+$0xFFFFFF90] =	vst v51;
	v51 =	vor.u32 v18, v45;
	v56 =	vld.idx.msk [tilespmem:v61+s18+$0x0], $0xffff  }
0x1b5: {  	v50 =	vor.u32 v19, v47;
	v2 =	vld.idx.msk [tilespmem:v2+s18+$0x0], $0xffff;
	[tilespmem:s31+$0x10] =	vst v52  }
0x1b6: {  	v61 =	vor.u32 v18, v46;
	v60 =	vld.idx.msk [tilespmem:v62+s18+$0x0], $0xffff;
	[tilespmem:s31+$0x90] =	vst v54  }
0x1b7: {  	v62 =	vor.u32 v18, v44;
	v48 =	vld.idx.msk [tilespmem:v63+s18+$0x0], $0xffff;
	[tilespmem:s31+$0x1A0] =	vst v53  }
0x1b8: {  	v63 =	vor.u32 v19, v41;
	v49 =	vld.idx.msk [tilespmem:v49+s18+$0x0], $0xffff;
	[tilespmem:s31+$0xFFFFFE10] =	vst v1  }
0x1b9: {  	v1 =	vld.idx.msk [tilespmem:v51+s18+$0x0], $0xffff;
	v51 =	vor.u32 v19, v42;
	[tilespmem:s31+$0xFFFFFEA0] =	vst v56  }
0x1ba: {  	[tilespmem:s31+$0x110] =	vst v2;
	v2 =	vor.u32 v19, v40;
	v50 =	vld.idx.msk [tilespmem:v50+s18+$0x0], $0xffff  }
0x1bb: {  	v56 =	vor.u32 v20, v47;
	v55 =	vld.idx.msk [tilespmem:v61+s18+$0x0], $0xffff;
	[tilespmem:s31+$0xFFFFFF20] =	vst v60  }
0x1bc: {  	v60 =	vor.u32 v19, v43;
	v54 =	vld.idx.msk [tilespmem:v62+s18+$0x0], $0xffff;
	[tilespmem:s31+$0xFFFFFFA0] =	vst v48  }
0x1bd: {  	v61 =	vor.u32 v19, v45;
	v48 =	vld.idx.msk [tilespmem:v63+s18+$0x0], $0xffff;
	[tilespmem:s31+$0x20] =	vst v49  }
0x1be: {  	v62 =	vor.u32 v19, v46;
	v51 =	vld.idx.msk [tilespmem:v51+s18+$0x0], $0xffff;
	[tilespmem:s31+$0xA0] =	vst v1  }
0x1bf: {  	v1 =	vor.u32 v20, v41;
	v2 =	vld.idx.msk [tilespmem:v2+s18+$0x0], $0xffff;
	[tilespmem:s31+$0x1B0] =	vst v50  }
0x1c0: {  	v63 =	vor.u32 v19, v44;
	v56 =	vld.idx.msk [tilespmem:v56+s18+$0x0], $0xffff;
	[tilespmem:s31+$0x120] =	vst v55  }
0x1c1: {  	v59 =	vor.u32 v20, v40;
	v52 =	vld.idx.msk [tilespmem:v60+s18+$0x0], $0xffff;
	[tilespmem:s31+$0xFFFFFE20] =	vst v54  }
0x1c2: {  	v53 =	vld.idx.msk [tilespmem:v61+s18+$0x0], $0xffff;
	v61 =	vor.u32 v20, v42;
	[tilespmem:s31+$0xFFFFFEB0] =	vst v48  }
0x1c3: {  	v60 =	vor.u32 v21, v47;
	v49 =	vld.idx.msk [tilespmem:v62+s18+$0x0], $0xffff;
	[tilespmem:s31+$0xFFFFFFB0] =	vst v51  }
0x1c4: {  	v62 =	vor.u32 v20, v43;
	v1 =	vld.idx.msk [tilespmem:v1+s18+$0x0], $0xffff;
	[tilespmem:s31+$0xFFFFFF30] =	vst v2  }
0x1c5: {  	v51 =	vor.u32 v20, v45;
	v2 =	vld.idx.msk [tilespmem:v63+s18+$0x0], $0xffff;
	[tilespmem:s31+$0x1C0] =	vst v56  }
0x1c6: {  	v55 =	vld.idx.msk [tilespmem:v59+s18+$0x0], $0xffff;
	v56 =	vor.u32 v20, v46;
	[tilespmem:s31+$0x30] =	vst v52  }
0x1c7: {  	v63 =	vor.u32 v20, v44;
	[tilespmem:s31+$0xB0] =	vst v53;
	v48 =	vld.idx.msk [tilespmem:v61+s18+$0x0], $0xffff  }
0x1c8: {  	v54 =	vld.idx.msk [tilespmem:v60+s18+$0x0], $0xffff;
	v60 =	vor.u32 v21, v41;
	[tilespmem:s31+$0x130] =	vst v49  }
0x1c9: {  	v61 =	vld.idx.msk [tilespmem:v62+s18+$0x0], $0xffff;
	v62 =	vor.u32 v22, v47;
	[tilespmem:s31+$0xFFFFFEC0] =	vst v1  }
0x1ca: {  	v51 =	vld.idx.msk [tilespmem:v51+s18+$0x0], $0xffff;
	v1 =	vor.u32 v21, v42;
	[tilespmem:s31+$0xFFFFFE30] =	vst v2  }
0x1cb: {  	v2 =	vor.u32 v21, v40;
	v56 =	vld.idx.msk [tilespmem:v56+s18+$0x0], $0xffff;
	[tilespmem:s31+$0xFFFFFF40] =	vst v55  }
0x1cc: {  	v57 =	vor.u32 v21, v45;
	v52 =	vld.idx.msk [tilespmem:v63+s18+$0x0], $0xffff;
	[tilespmem:s31+$0xFFFFFFC0] =	vst v48  }
0x1cd: {  	v63 =	vor.u32 v21, v43;
	[tilespmem:s31+$0x1D0] =	vst v54;
	v53 =	vld.idx.msk [tilespmem:v60+s18+$0x0], $0xffff  }
0x1ce: {  	v58 =	vor.u32 v21, v46;
	[tilespmem:s31+$0x40] =	vst v61;
	v50 =	vld.idx.msk [tilespmem:v62+s18+$0x0], $0xffff  }
0x1cf: {  	v59 =	vor.u32 v21, v44;
	[tilespmem:s31+$0xC0] =	vst v51;
	v1 =	vld.idx.msk [tilespmem:v1+s18+$0x0], $0xffff  }
0x1d0: {  	v47 =	vor.u32 v23, v47;
	v2 =	vld.idx.msk [tilespmem:v2+s18+$0x0], $0xffff;
	[tilespmem:s31+$0x140] =	vst v56  }
0x1d1: {  	v60 =	vor.u32 v22, v41;
	v54 =	vld.idx.msk [tilespmem:v57+s18+$0x0], $0xffff;
	[tilespmem:s31+$0xFFFFFE40] =	vst v52  }
0x1d2: {  	v62 =	vor.u32 v22, v42;
	v55 =	vld.idx.msk [tilespmem:v63+s18+$0x0], $0xffff;
	[tilespmem:s31+$0xFFFFFED0] =	vst v53  }
0x1d3: {  	v61 =	vor.u32 v22, v40;
	v48 =	vld.idx.msk [tilespmem:v58+s18+$0x0], $0xffff;
	[tilespmem:s31+$0x1E0] =	vst v50  }
0x1d4: {  	v63 =	vor.u32 v22, v43;
	v49 =	vld.idx.msk [tilespmem:v59+s18+$0x0], $0xffff;
	[tilespmem:s31+$0xFFFFFFD0] =	vst v1  }
0x1d5: {  	v57 =	vor.u32 v22, v46;
	v47 =	vld.idx.msk [tilespmem:v47+s18+$0x0], $0xffff;
	[tilespmem:s31+$0xFFFFFF50] =	vst v2  }
0x1d6: {  	v58 =	vor.u32 v22, v44;
	v1 =	vld.idx.msk [tilespmem:v60+s18+$0x0], $0xffff;
	[tilespmem:s31+$0xD0] =	vst v54  }
0x1d7: {  	v2 =	vor.u32 v22, v45;
	v53 =	vld.idx.msk [tilespmem:v62+s18+$0x0], $0xffff;
	[tilespmem:s31+$0x50] =	vst v55  }
0x1d8: {  	v41 =	vor.u32 v23, v41;
	v52 =	vld.idx.msk [tilespmem:v61+s18+$0x0], $0xffff;
	[tilespmem:s31+$0x150] =	vst v48  }
0x1d9: {  	v42 =	vor.u32 v23, v42;
	v59 =	vld.idx.msk [tilespmem:v63+s18+$0x0], $0xffff;
	[tilespmem:s31+$0xFFFFFE50] =	vst v49  }
0x1da: {  	v40 =	vor.u32 v23, v40;
	v60 =	vld.idx.msk [tilespmem:v57+s18+$0x0], $0xffff;
	[tilespmem:s31+$0x1F0] =	vst v47  }
0x1db: {  	v46 =	vor.u32 v23, v46;
	[tilespmem:s31+$0xFFFFFEE0] =	vst v1;
	v1 =	vld.idx.msk [tilespmem:v58+s18+$0x0], $0xffff  }
0x1dc: {  	v43 =	vor.u32 v23, v43;
	v2 =	vld.idx.msk [tilespmem:v2+s18+$0x0], $0xffff;
	[tilespmem:s31+$0xFFFFFFE0] =	vst v53  }
0x1dd: {  	v61 =	vor.u32 v23, v44;
	v41 =	vld.idx.msk [tilespmem:v41+s18+$0x0], $0xffff;
	[tilespmem:s31+$0xFFFFFF60] =	vst v52  }
0x1de: {  	v45 =	vor.u32 v23, v45;
	v42 =	vld.idx.msk [tilespmem:v42+s18+$0x0], $0xffff;
	[tilespmem:s31+$0x60] =	vst v59  }
0x1df: {  	v40 =	vld.idx.msk [tilespmem:v40+s18+$0x0], $0xffff;
	[tilespmem:s31+$0x160] =	vst v60  }
0x1e0: {  	[tilespmem:s31+$0xFFFFFE60] =	vst v1;
	v1 =	vld.idx.msk [tilespmem:v46+s18+$0x0], $0xffff  }
0x1e1: {  	[tilespmem:s31+$0xE0] =	vst v2;
	v2 =	vld.idx.msk [tilespmem:v43+s18+$0x0], $0xffff  }
0x1e2: {  	[tilespmem:s31+$0xFFFFFEF0] =	vst v41;
	v63 =	vld.idx.msk [tilespmem:v61+s18+$0x0], $0xffff  }
0x1e3: {  	v62 =	vld.idx.msk [tilespmem:v45+s18+$0x0], $0xffff;
	[tilespmem:s31+$0xFFFFFFF0] =	vst v42  }
0x1e4: {  	[tilespmem:s31+$0xFFFFFF70] =	vst v40  }
0x1e5: {  	[tilespmem:s31+$0x170] =	vst v1  }
0x1e6: {  	[tilespmem:s31+$0x70] =	vst v2  }
0x1e7: {  	[tilespmem:s31+$0xFFFFFE70] =	vst v63  }
0x1e8: {  	[tilespmem:s31+$0xF0] =	vst v62  }
0x1e9: {  	s0 =	rddreg [dreg:$0x4]  }
0x1ea: {  	[hbm4b:s0+s20] =	stream.strided.scatter [tilespmem:s24], [sflag:$0x4], $0x2000, s21, s20, $0x38;
	[tilespmem:$0xDA00] =	vst v63  }
0x1eb: {  	v1 =	vld.idx.msk [tilespmem:v32+s3+$0x0], $0xffff;
	_ =	sdelay $0x4  }
0x1ec: {  	[tilespmem:$0x1980] =	vst v1  }
0x1ed: {  	v1 =	vld.idx.msk [tilespmem:v33+s3+$0x0], $0xffff;
	_ =	sdelay $0x4  }
0x1ee: {  	[tilespmem:$0x1990] =	vst v1  }
0x1ef: {  	v1 =	vld.idx.msk [tilespmem:v34+s3+$0x0], $0xffff;
	_ =	sdelay $0x4  }
0x1f0: {  	[tilespmem:$0x19A0] =	vst v1  }
0x1f1: {  	v1 =	vld.idx.msk [tilespmem:v35+s3+$0x0], $0xffff;
	_ =	sdelay $0x4  }
0x1f2: {  	[tilespmem:$0x19B0] =	vst v1  }
0x1f3: {  	v1 =	vld.idx.msk [tilespmem:v36+s3+$0x0], $0xffff;
	_ =	sdelay $0x4  }
0x1f4: {  	[tilespmem:$0x19C0] =	vst v1  }
0x1f5: {  	v1 =	vld.idx.msk [tilespmem:v37+s3+$0x0], $0xffff;
	_ =	sdelay $0x4  }
0x1f6: {  	[tilespmem:$0x19D0] =	vst v1  }
0x1f7: {  	v1 =	vld.idx.msk [tilespmem:v38+s3+$0x0], $0xffff;
	_ =	sdelay $0x4  }
0x1f8: {  	[tilespmem:$0x19E0] =	vst v1  }
0x1f9: {  	v1 =	vld.idx.msk [tilespmem:v39+s3+$0x0], $0xffff;
	_ =	sdelay $0x4  }
0x1fa: {  	s29 =	simm.s32 $0x1;
	[tilespmem:$0x19F0] =	vst v1  }
0x1fb: {  	[tilespmem:s18], [sflag:$0x2] =	stream.indirect.gather [hbm4b:s4+s14], $0x80, s17, s14, $0xb8;
	[tilespmem:$0xDA00] =	vst v63  }
.LBB2_6:
0x1fc: {  	s0 =	simm.s32 $0x0  }
0x1fd: {  	s31 =	simm.s32 $0x1;
	s1 =	simm.s32 $0x2;
	s7 =	simm.s32 $0x7;
	v1 =	vmov s0  }
0x1fe: {  	s9 =	simm.s32 $0x3;
	s10 =	simm.s32 $0x4;
	v2 =	vmov s31;
	v41 =	vmov s1;
	v42 =	vmov s7  }
0x1ff: {  	v43 =	vmov s9;
	v48 =	vmov s10;
	s31 =	simm.s32 $0x5;
	v1 =	vand.u32 $0x78, v1  }
0x200: {  	s1 =	simm.s32 $0x6;
	v42 =	vand.u32 $0x7F, v42;
	v49 =	vmov s31;
	v40 =	vbroadcast v1, $0x0  }
0x201: {  	_ =	swait.ge [sflag:s19], $0x4000;
	v2 =	vand.u32 $0x79, v2;
	v50 =	vmov s1;
	v44 =	vbroadcast v42, $0x0  }
0x202: {  	[sflag:s19] =	ssyncset.done $0x0;
	v47 =	vbroadcast v2, $0x0;
	v2 =	vand.u32 $0x7A, v41;
	v1 =	vor.u32 v12, v40  }
0x203: {  	[sflag:s19] =	ssyncadd.s32 $0xFFFFC000;
	v46 =	vbroadcast v2, $0x0;
	v2 =	vand.u32 $0x7B, v43;
	v51 =	vor.u32 v12, v44  }
0x204: {  	_ =	swait.ge [sflag:s25], $0x2000;
	v52 =	vor.u32 v12, v47;
	v45 =	vbroadcast v2, $0x0;
	v2 =	vand.u32 $0x7C, v48  }
0x205: {  	[sflag:s25] =	ssyncset.done $0x0;
	v59 =	vor.u32 v12, v46;
	v43 =	vbroadcast v2, $0x0;
	v2 =	vand.u32 $0x7D, v49  }
0x206: {  	[sflag:s25] =	ssyncadd.s32 $0xFFFFE000;
	v60 =	vor.u32 v12, v45;
	v42 =	vbroadcast v2, $0x0;
	v2 =	vand.u32 $0x7E, v50  }
0x207: {  	v61 =	vor.u32 v12, v43;
	v41 =	vbroadcast v2, $0x0;
	v1 =	vld.idx.msk [tilespmem:v1+s16+$0x0], $0xffff  }
0x208: {  	v2 =	vor.u32 v12, v42;
	v51 =	vld.idx.msk [tilespmem:v51+s16+$0x0], $0xffff  }
0x209: {  	v52 =	vld.idx.msk [tilespmem:v52+s16+$0x0], $0xffff;
	v53 =	vor.u32 v12, v41  }
0x20a: {  	v54 =	vor.u32 v17, v44;
	v48 =	vld.idx.msk [tilespmem:v59+s16+$0x0], $0xffff  }
0x20b: {  	v55 =	vor.u32 v17, v47;
	v49 =	vld.idx.msk [tilespmem:v60+s16+$0x0], $0xffff  }
0x20c: {  	s30 =	simm.s32 $0x9C00;
	v56 =	vor.u32 v17, v46;
	v50 =	vld.idx.msk [tilespmem:v61+s16+$0x0], $0xffff  }
0x20d: {  	v57 =	vor.u32 v17, v45;
	v2 =	vld.idx.msk [tilespmem:v2+s16+$0x0], $0xffff;
	[tilespmem:s30+$0x180] =	vst v51  }
0x20e: {  	v58 =	vor.u32 v17, v43;
	v53 =	vld.idx.msk [tilespmem:v53+s16+$0x0], $0xffff;
	[tilespmem:s30+$0xFFFFFE80] =	vst v52  }
0x20f: {  	v62 =	vor.u32 v17, v42;
	[tilespmem:s30+$0xFFFFFE00] =	vst v1;
	v52 =	vld.idx.msk [tilespmem:v54+s16+$0x0], $0xffff  }
0x210: {  	v54 =	vld.idx.msk [tilespmem:v55+s16+$0x0], $0xffff;
	[tilespmem:s30+$0xFFFFFF00] =	vst v48;
	v48 =	vor.u32 v17, v41  }
0x211: {  	v60 =	vor.u32 v17, v40;
	v55 =	vld.idx.msk [tilespmem:v56+s16+$0x0], $0xffff;
	[tilespmem:s30+$0xFFFFFF80] =	vst v49  }
0x212: {  	v63 =	vor.u32 v18, v44;
	v57 =	vld.idx.msk [tilespmem:v57+s16+$0x0], $0xffff;
	[tilespmem:s30+$0x0] =	vst v50  }
0x213: {  	v61 =	vor.u32 v18, v47;
	v58 =	vld.idx.msk [tilespmem:v58+s16+$0x0], $0xffff;
	[tilespmem:s30+$0x80] =	vst v2  }
0x214: {  	v2 =	vor.u32 v18, v46;
	v51 =	vld.idx.msk [tilespmem:v62+s16+$0x0], $0xffff;
	[tilespmem:s30+$0x100] =	vst v53  }
0x215: {  	v62 =	vor.u32 v18, v45;
	v48 =	vld.idx.msk [tilespmem:v48+s16+$0x0], $0xffff;
	[tilespmem:s30+$0x190] =	vst v52  }
0x216: {  	v1 =	vor.u32 v18, v43;
	v52 =	vld.idx.msk [tilespmem:v60+s16+$0x0], $0xffff;
	[tilespmem:s30+$0xFFFFFE90] =	vst v54  }
0x217: {  	v54 =	vor.u32 v18, v42;
	v49 =	vld.idx.msk [tilespmem:v63+s16+$0x0], $0xffff;
	[tilespmem:s30+$0xFFFFFF10] =	vst v55  }
0x218: {  	v56 =	vor.u32 v18, v41;
	v50 =	vld.idx.msk [tilespmem:v61+s16+$0x0], $0xffff;
	[tilespmem:s30+$0xFFFFFF90] =	vst v57  }
0x219: {  	v63 =	vor.u32 v19, v44;
	v2 =	vld.idx.msk [tilespmem:v2+s16+$0x0], $0xffff;
	[tilespmem:s30+$0x10] =	vst v58  }
0x21a: {  	v61 =	vor.u32 v19, v47;
	v53 =	vld.idx.msk [tilespmem:v62+s16+$0x0], $0xffff;
	[tilespmem:s30+$0x90] =	vst v51  }
0x21b: {  	v60 =	vor.u32 v18, v40;
	v1 =	vld.idx.msk [tilespmem:v1+s16+$0x0], $0xffff;
	[tilespmem:s30+$0x110] =	vst v48  }
0x21c: {  	v62 =	vor.u32 v19, v46;
	v54 =	vld.idx.msk [tilespmem:v54+s16+$0x0], $0xffff;
	[tilespmem:s30+$0xFFFFFE10] =	vst v52  }
0x21d: {  	[tilespmem:s30+$0x1A0] =	vst v49;
	v49 =	vor.u32 v19, v45;
	v55 =	vld.idx.msk [tilespmem:v56+s16+$0x0], $0xffff  }
0x21e: {  	[tilespmem:s30+$0xFFFFFEA0] =	vst v50;
	v48 =	vld.idx.msk [tilespmem:v63+s16+$0x0], $0xffff;
	v63 =	vor.u32 v19, v43  }
0x21f: {  	v57 =	vld.idx.msk [tilespmem:v61+s16+$0x0], $0xffff;
	v61 =	vor.u32 v19, v41;
	[tilespmem:s30+$0xFFFFFF20] =	vst v2  }
0x220: {  	v56 =	vld.idx.msk [tilespmem:v60+s16+$0x0], $0xffff;
	v60 =	vor.u32 v20, v44;
	[tilespmem:s30+$0xFFFFFFA0] =	vst v53  }
0x221: {  	v2 =	vor.u32 v19, v42;
	v51 =	vld.idx.msk [tilespmem:v62+s16+$0x0], $0xffff;
	[tilespmem:s30+$0x20] =	vst v1  }
0x222: {  	v62 =	vor.u32 v19, v40;
	[tilespmem:s30+$0xA0] =	vst v54;
	v49 =	vld.idx.msk [tilespmem:v49+s16+$0x0], $0xffff  }
0x223: {  	v1 =	vor.u32 v20, v47;
	[tilespmem:s30+$0x120] =	vst v55;
	v52 =	vld.idx.msk [tilespmem:v63+s16+$0x0], $0xffff  }
0x224: {  	[tilespmem:s30+$0x1B0] =	vst v48;
	v48 =	vor.u32 v20, v46;
	v53 =	vld.idx.msk [tilespmem:v61+s16+$0x0], $0xffff  }
0x225: {  	[tilespmem:s30+$0xFFFFFE20] =	vst v56;
	v63 =	vor.u32 v20, v45;
	v50 =	vld.idx.msk [tilespmem:v60+s16+$0x0], $0xffff  }
0x226: {  	[tilespmem:s30+$0xFFFFFEB0] =	vst v57;
	v61 =	vor.u32 v20, v43;
	v2 =	vld.idx.msk [tilespmem:v2+s16+$0x0], $0xffff  }
0x227: {  	v60 =	vor.u32 v21, v44;
	v56 =	vld.idx.msk [tilespmem:v62+s16+$0x0], $0xffff;
	[tilespmem:s30+$0xFFFFFF30] =	vst v51  }
0x228: {  	v1 =	vld.idx.msk [tilespmem:v1+s16+$0x0], $0xffff;
	v62 =	vor.u32 v20, v42;
	[tilespmem:s30+$0xFFFFFFB0] =	vst v49  }
0x229: {  	v58 =	vor.u32 v20, v40;
	v48 =	vld.idx.msk [tilespmem:v48+s16+$0x0], $0xffff;
	[tilespmem:s30+$0x30] =	vst v52  }
0x22a: {  	v49 =	vor.u32 v20, v41;
	v54 =	vld.idx.msk [tilespmem:v63+s16+$0x0], $0xffff;
	[tilespmem:s30+$0x130] =	vst v53  }
0x22b: {  	[tilespmem:s30+$0x1C0] =	vst v50;
	v50 =	vor.u32 v21, v47;
	v57 =	vld.idx.msk [tilespmem:v61+s16+$0x0], $0xffff  }
0x22c: {  	[tilespmem:s30+$0xB0] =	vst v2;
	v63 =	vld.idx.msk [tilespmem:v60+s16+$0x0], $0xffff;
	v60 =	vor.u32 v21, v46  }
0x22d: {  	v2 =	vld.idx.msk [tilespmem:v62+s16+$0x0], $0xffff;
	[tilespmem:s30+$0xFFFFFE30] =	vst v56;
	v62 =	vor.u32 v21, v45  }
0x22e: {  	[tilespmem:s30+$0xFFFFFEC0] =	vst v1;
	v1 =	vor.u32 v21, v43;
	v56 =	vld.idx.msk [tilespmem:v58+s16+$0x0], $0xffff  }
0x22f: {  	v61 =	vor.u32 v22, v44;
	v49 =	vld.idx.msk [tilespmem:v49+s16+$0x0], $0xffff;
	[tilespmem:s30+$0xFFFFFF40] =	vst v48  }
0x230: {  	v52 =	vor.u32 v21, v40;
	[tilespmem:s30+$0xFFFFFFC0] =	vst v54;
	v50 =	vld.idx.msk [tilespmem:v50+s16+$0x0], $0xffff  }
0x231: {  	v48 =	vor.u32 v21, v42;
	[tilespmem:s30+$0x40] =	vst v57;
	v55 =	vld.idx.msk [tilespmem:v60+s16+$0x0], $0xffff  }
0x232: {  	v58 =	vor.u32 v21, v41;
	[tilespmem:s30+$0x1D0] =	vst v63;
	v60 =	vld.idx.msk [tilespmem:v62+s16+$0x0], $0xffff  }
0x233: {  	v54 =	vor.u32 v22, v47;
	v1 =	vld.idx.msk [tilespmem:v1+s16+$0x0], $0xffff;
	[tilespmem:s30+$0xC0] =	vst v2  }
0x234: {  	v53 =	vor.u32 v22, v46;
	v51 =	vld.idx.msk [tilespmem:v61+s16+$0x0], $0xffff;
	[tilespmem:s30+$0xFFFFFE40] =	vst v56  }
0x235: {  	v2 =	vor.u32 v23, v44;
	[tilespmem:s30+$0x140] =	vst v49;
	v61 =	vld.idx.msk [tilespmem:v52+s16+$0x0], $0xffff  }
0x236: {  	s1 =	simm.s32 $0x8;
	v57 =	vld.idx.msk [tilespmem:v48+s16+$0x0], $0xffff;
	v48 =	vor.u32 v22, v45;
	[tilespmem:s30+$0xFFFFFED0] =	vst v50  }
0x237: {  	v63 =	vmov s1;
	v52 =	vor.u32 v22, v43;
	v58 =	vld.idx.msk [tilespmem:v58+s16+$0x0], $0xffff;
	[tilespmem:s30+$0xFFFFFF50] =	vst v55  }
0x238: {  	v44 =	vand.u32 $0x78, v63;
	v49 =	vld.idx.msk [tilespmem:v54+s16+$0x0], $0xffff;
	v54 =	vor.u32 v22, v42;
	[tilespmem:s30+$0xFFFFFFD0] =	vst v60  }
0x239: {  	v44 =	vbroadcast v44, $0x0;
	v55 =	vor.u32 v22, v41;
	[tilespmem:s30+$0x1E0] =	vst v51;
	v53 =	vld.idx.msk [tilespmem:v53+s16+$0x0], $0xffff  }
0x23a: {  	v60 =	vor.u32 v22, v40;
	[tilespmem:s30+$0x50] =	vst v1;
	v59 =	vld.idx.msk [tilespmem:v2+s16+$0x0], $0xffff  }
0x23b: {  	[tilespmem:s30+$0xFFFFFE50] =	vst v61;
	v50 =	vld.idx.msk [tilespmem:v48+s16+$0x0], $0xffff;
	v48 =	vor.u32 v12, v44  }
0x23c: {  	s7 =	simm.s32 $0x9;
	v56 =	vor.u32 v23, v47;
	v51 =	vld.idx.msk [tilespmem:v52+s16+$0x0], $0xffff;
	[tilespmem:s30+$0xD0] =	vst v57  }
0x23d: {  	s9 =	simm.s32 $0xA;
	s10 =	simm.s32 $0xB;
	s31 =	simm.s32 $0xC;
	v46 =	vor.u32 v23, v46;
	v47 =	vmov s7;
	v45 =	vor.u32 v23, v45;
	[tilespmem:s30+$0x150] =	vst v58;
	v52 =	vld.idx.msk [tilespmem:v54+s16+$0x0], $0xffff  }
0x23e: {  	s0 =	simm.s32 $0x10;
	s7 =	simm.s32 $0xF;
	v57 =	vmov s9;
	v58 =	vmov s10;
	s9 =	simm.s32 $0xD;
	v54 =	vmov s31;
	v55 =	vld.idx.msk [tilespmem:v55+s16+$0x0], $0xffff  }
.LBB2_7:
0x23f: {  	p0 =	slt.u32 s0, $0x38;
	v1 =	vmov s9;
	s9 =	sadd.s32 $0x6, s1;
	v2 =	vmov s7;
	v60 =	vld.idx.msk [tilespmem:v60+s16+$0x0], $0xffff;
	v43 =	vor.u32 v23, v43;
	[tilespmem:s30+$0x1F0] =	vst v59;
	s1 =	smov.u32 s0  }
0x240: {  	v42 =	vor.u32 v23, v42;
	v59 =	vld.idx.msk [tilespmem:v48+s16+$0x0], $0xffff;
	v61 =	vmov s9;
	v2 =	vand.u32 $0x7F, v2;
	[tilespmem:s30+$0xFFFFFEE0] =	vst v49  }
0x241: {  	v47 =	vand.u32 $0x79, v47;
	v41 =	vor.u32 v23, v41;
	v48 =	vbroadcast v2, $0x0;
	v2 =	vld.idx.msk [tilespmem:v56+s16+$0x0], $0xffff;
	[tilespmem:s30+$0xFFFFFF60] =	vst v53  }
0x242: {  	v47 =	vbroadcast v47, $0x0;
	v49 =	vand.u32 $0x7A, v57;
	v53 =	vor.u32 v23, v40;
	v40 =	vmovc v44;
	v56 =	vld.idx.msk [tilespmem:v46+s16+$0x0], $0xffff;
	[tilespmem:s30+$0xFFFFFFE0] =	vst v50  }
0x243: {  	v44 =	vand.u32 $0x7B, v58;
	v46 =	vbroadcast v49, $0x0;
	v49 =	vor.u32 v12, v48;
	v50 =	vld.idx.msk [tilespmem:v45+s16+$0x0], $0xffff;
	[tilespmem:s30+$0x60] =	vst v51  }
0x244: {  	v51 =	vor.u32 v12, v47;
	v45 =	vbroadcast v44, $0x0;
	v44 =	vand.u32 $0x7C, v54;
	v54 =	vld.idx.msk [tilespmem:v43+s16+$0x0], $0xffff;
	[tilespmem:s30+$0xE0] =	vst v52  }
0x245: {  	v1 =	vand.u32 $0x7D, v1;
	v52 =	vor.u32 v12, v46;
	v43 =	vbroadcast v44, $0x0;
	v44 =	vld.idx.msk [tilespmem:v42+s16+$0x0], $0xffff;
	[tilespmem:s30+$0x160] =	vst v55  }
0x246: {  	v55 =	vor.u32 v12, v45;
	v42 =	vbroadcast v1, $0x0;
	v1 =	vand.u32 $0x7E, v61;
	[tilespmem:s30+$0xFFFFFE60] =	vst v60;
	v57 =	vld.idx.msk [tilespmem:v41+s16+$0x0], $0xffff  }
0x247: {  	v58 =	vor.u32 v12, v43;
	v41 =	vbroadcast v1, $0x0;
	v1 =	vld.idx.msk [tilespmem:v53+s16+$0x0], $0xffff;
	[tilespmem:s30+$0xFFFFFEF0] =	vst v2  }
0x248: {  	v2 =	vor.u32 v12, v42;
	v49 =	vld.idx.msk [tilespmem:v49+s16+$0x0], $0xffff;
	[tilespmem:s30+$0xFFFFFF70] =	vst v56  }
0x249: {  	v53 =	vor.u32 v12, v41;
	v51 =	vld.idx.msk [tilespmem:v51+s16+$0x0], $0xffff;
	[tilespmem:s30+$0xFFFFFFF0] =	vst v50  }
0x24a: {  	v50 =	vld.idx.msk [tilespmem:v52+s16+$0x0], $0xffff;
	v52 =	vor.u32 v17, v48;
	[tilespmem:s30+$0x70] =	vst v54  }
0x24b: {  	v54 =	vor.u32 v17, v47;
	v55 =	vld.idx.msk [tilespmem:v55+s16+$0x0], $0xffff;
	[tilespmem:s30+$0xF0] =	vst v44  }
0x24c: {  	v44 =	vor.u32 v17, v46;
	v56 =	vld.idx.msk [tilespmem:v58+s16+$0x0], $0xffff;
	[tilespmem:s30+$0x170] =	vst v57  }
0x24d: {  	v57 =	vor.u32 v17, v45;
	v2 =	vld.idx.msk [tilespmem:v2+s16+$0x0], $0xffff;
	[tilespmem:s30+$0xFFFFFE70] =	vst v1;
	s30 =	sadd.s32 $0x400, s30  }
0x24e: {  	v1 =	vor.u32 v17, v43;
	v53 =	vld.idx.msk [tilespmem:v53+s16+$0x0], $0xffff;
	[tilespmem:s30+$0x180] =	vst v49  }
0x24f: {  	v49 =	vor.u32 v17, v42;
	[tilespmem:s30+$0xFFFFFE80] =	vst v51;
	v51 =	vld.idx.msk [tilespmem:v52+s16+$0x0], $0xffff  }
0x250: {  	v52 =	vld.idx.msk [tilespmem:v54+s16+$0x0], $0xffff;
	[tilespmem:s30+$0xFFFFFF00] =	vst v50;
	v50 =	vor.u32 v17, v41  }
0x251: {  	v54 =	vor.u32 v18, v48;
	v44 =	vld.idx.msk [tilespmem:v44+s16+$0x0], $0xffff;
	[tilespmem:s30+$0xFFFFFF80] =	vst v55  }
0x252: {  	v55 =	vor.u32 v17, v40;
	v57 =	vld.idx.msk [tilespmem:v57+s16+$0x0], $0xffff;
	[tilespmem:s30+$0x0] =	vst v56  }
0x253: {  	v56 =	vor.u32 v18, v47;
	v1 =	vld.idx.msk [tilespmem:v1+s16+$0x0], $0xffff;
	[tilespmem:s30+$0x80] =	vst v2  }
0x254: {  	v2 =	vor.u32 v18, v46;
	v49 =	vld.idx.msk [tilespmem:v49+s16+$0x0], $0xffff;
	[tilespmem:s30+$0x100] =	vst v53  }
0x255: {  	v53 =	vor.u32 v18, v45;
	v50 =	vld.idx.msk [tilespmem:v50+s16+$0x0], $0xffff;
	[tilespmem:s30+$0x190] =	vst v51  }
0x256: {  	v51 =	vor.u32 v18, v43;
	[tilespmem:s30+$0xFFFFFE00] =	vst v59;
	v54 =	vld.idx.msk [tilespmem:v54+s16+$0x0], $0xffff  }
0x257: {  	v55 =	vld.idx.msk [tilespmem:v55+s16+$0x0], $0xffff;
	[tilespmem:s30+$0xFFFFFE90] =	vst v52;
	v52 =	vor.u32 v18, v42  }
0x258: {  	v56 =	vld.idx.msk [tilespmem:v56+s16+$0x0], $0xffff;
	[tilespmem:s30+$0xFFFFFF10] =	vst v44;
	v44 =	vor.u32 v19, v48  }
0x259: {  	v2 =	vld.idx.msk [tilespmem:v2+s16+$0x0], $0xffff;
	[tilespmem:s30+$0xFFFFFF90] =	vst v57;
	v57 =	vor.u32 v18, v41  }
0x25a: {  	v58 =	vor.u32 v18, v40;
	v53 =	vld.idx.msk [tilespmem:v53+s16+$0x0], $0xffff;
	[tilespmem:s30+$0x10] =	vst v1  }
0x25b: {  	v1 =	vor.u32 v19, v47;
	v51 =	vld.idx.msk [tilespmem:v51+s16+$0x0], $0xffff;
	[tilespmem:s30+$0x90] =	vst v49  }
0x25c: {  	v49 =	vor.u32 v19, v46;
	v52 =	vld.idx.msk [tilespmem:v52+s16+$0x0], $0xffff;
	[tilespmem:s30+$0x1A0] =	vst v54  }
0x25d: {  	v54 =	vor.u32 v19, v45;
	[tilespmem:s30+$0x110] =	vst v50;
	v44 =	vld.idx.msk [tilespmem:v44+s16+$0x0], $0xffff  }
0x25e: {  	v50 =	vor.u32 v19, v43;
	[tilespmem:s30+$0xFFFFFE10] =	vst v55;
	v55 =	vld.idx.msk [tilespmem:v57+s16+$0x0], $0xffff  }
0x25f: {  	v57 =	vld.idx.msk [tilespmem:v58+s16+$0x0], $0xffff;
	[tilespmem:s30+$0xFFFFFEA0] =	vst v56;
	v56 =	vor.u32 v20, v48  }
0x260: {  	v1 =	vld.idx.msk [tilespmem:v1+s16+$0x0], $0xffff;
	[tilespmem:s30+$0xFFFFFF20] =	vst v2;
	v2 =	vor.u32 v19, v42  }
0x261: {  	v49 =	vld.idx.msk [tilespmem:v49+s16+$0x0], $0xffff;
	[tilespmem:s30+$0xFFFFFFA0] =	vst v53;
	v53 =	vor.u32 v19, v41  }
0x262: {  	v58 =	vor.u32 v19, v40;
	v54 =	vld.idx.msk [tilespmem:v54+s16+$0x0], $0xffff;
	[tilespmem:s30+$0x20] =	vst v51  }
0x263: {  	v51 =	vor.u32 v20, v47;
	v50 =	vld.idx.msk [tilespmem:v50+s16+$0x0], $0xffff;
	[tilespmem:s30+$0x1B0] =	vst v44  }
0x264: {  	v44 =	vor.u32 v20, v46;
	[tilespmem:s30+$0xA0] =	vst v52;
	v52 =	vld.idx.msk [tilespmem:v56+s16+$0x0], $0xffff  }
0x265: {  	v56 =	vor.u32 v20, v45;
	v2 =	vld.idx.msk [tilespmem:v2+s16+$0x0], $0xffff;
	[tilespmem:s30+$0x120] =	vst v55  }
0x266: {  	v55 =	vor.u32 v21, v48;
	[tilespmem:s30+$0xFFFFFE20] =	vst v57;
	v53 =	vld.idx.msk [tilespmem:v53+s16+$0x0], $0xffff  }
0x267: {  	v57 =	vld.idx.msk [tilespmem:v58+s16+$0x0], $0xffff;
	[tilespmem:s30+$0xFFFFFEB0] =	vst v1;
	v1 =	vor.u32 v20, v43  }
0x268: {  	v51 =	vld.idx.msk [tilespmem:v51+s16+$0x0], $0xffff;
	[tilespmem:s30+$0xFFFFFF30] =	vst v49;
	v49 =	vor.u32 v20, v42  }
0x269: {  	v44 =	vld.idx.msk [tilespmem:v44+s16+$0x0], $0xffff;
	[tilespmem:s30+$0xFFFFFFB0] =	vst v54;
	v54 =	vor.u32 v20, v41  }
0x26a: {  	v58 =	vor.u32 v20, v40;
	v56 =	vld.idx.msk [tilespmem:v56+s16+$0x0], $0xffff;
	[tilespmem:s30+$0x1C0] =	vst v52  }
0x26b: {  	v52 =	vor.u32 v21, v47;
	[tilespmem:s30+$0x30] =	vst v50;
	v50 =	vld.idx.msk [tilespmem:v55+s16+$0x0], $0xffff  }
0x26c: {  	v55 =	vor.u32 v21, v46;
	v1 =	vld.idx.msk [tilespmem:v1+s16+$0x0], $0xffff;
	[tilespmem:s30+$0xB0] =	vst v2  }
0x26d: {  	v2 =	vld.idx.msk [tilespmem:v49+s16+$0x0], $0xffff;
	[tilespmem:s30+$0x130] =	vst v53;
	v49 =	vor.u32 v22, v48  }
0x26e: {  	v53 =	vor.u32 v21, v45;
	[tilespmem:s30+$0xFFFFFE30] =	vst v57;
	v54 =	vld.idx.msk [tilespmem:v54+s16+$0x0], $0xffff  }
0x26f: {  	v57 =	vld.idx.msk [tilespmem:v58+s16+$0x0], $0xffff;
	[tilespmem:s30+$0xFFFFFEC0] =	vst v51;
	v51 =	vor.u32 v21, v43  }
0x270: {  	v52 =	vld.idx.msk [tilespmem:v52+s16+$0x0], $0xffff;
	[tilespmem:s30+$0xFFFFFF40] =	vst v44;
	v44 =	vor.u32 v21, v42  }
0x271: {  	v58 =	vor.u32 v21, v41;
	v55 =	vld.idx.msk [tilespmem:v55+s16+$0x0], $0xffff;
	[tilespmem:s30+$0x1D0] =	vst v50  }
0x272: {  	v50 =	vor.u32 v21, v40;
	[tilespmem:s30+$0xFFFFFFC0] =	vst v56;
	v56 =	vld.idx.msk [tilespmem:v49+s16+$0x0], $0xffff  }
0x273: {  	v49 =	vor.u32 v22, v47;
	v61 =	vld.idx.msk [tilespmem:v53+s16+$0x0], $0xffff;
	[tilespmem:s30+$0x40] =	vst v1  }
0x274: {  	v1 =	vld.idx.msk [tilespmem:v51+s16+$0x0], $0xffff;
	[tilespmem:s30+$0xC0] =	vst v2;
	v2 =	vor.u32 v23, v48  }
0x275: {  	v48 =	vor.u32 v22, v46;
	v62 =	vld.idx.msk [tilespmem:v44+s16+$0x0], $0xffff;
	[tilespmem:s30+$0x140] =	vst v54  }
0x276: {  	v51 =	vor.u32 v22, v45;
	[tilespmem:s30+$0xFFFFFE40] =	vst v57;
	v54 =	vld.idx.msk [tilespmem:v58+s16+$0x0], $0xffff  }
0x277: {  	v44 =	vmov s0;
	v63 =	vld.idx.msk [tilespmem:v50+s16+$0x0], $0xffff;
	[tilespmem:s30+$0xFFFFFED0] =	vst v52;
	v52 =	vor.u32 v22, v43  }
0x278: {  	v44 =	vand.u32 $0x78, v44;
	v58 =	vor.u32 v22, v42;
	v49 =	vld.idx.msk [tilespmem:v49+s16+$0x0], $0xffff;
	[tilespmem:s30+$0x1E0] =	vst v56  }
0x279: {  	v44 =	vbroadcast v44, $0x0;
	[tilespmem:s30+$0xFFFFFF50] =	vst v55;
	v55 =	vor.u32 v22, v41;
	v59 =	vld.idx.msk [tilespmem:v2+s16+$0x0], $0xffff  }
.Ltmp2:
0x27a: {  	v60 =	vor.u32 v22, v40;
	v53 =	vld.idx.msk [tilespmem:v48+s16+$0x0], $0xffff;
	[tilespmem:s30+$0xFFFFFFD0] =	vst v61;
	(pc) =	sbr.rel @p0 .LBB2_7-.Ltmp2, $4  }
0x27b: {  	v48 =	vor.u32 v12, v44;
	v50 =	vld.idx.msk [tilespmem:v51+s16+$0x0], $0xffff;
	[tilespmem:s30+$0x50] =	vst v1  }
0x27c: {  	s7 =	sadd.s32 $0x1, s0;
	s9 =	sadd.s32 $0x2, s0;
	v56 =	vor.u32 v23, v47;
	v51 =	vld.idx.msk [tilespmem:v52+s16+$0x0], $0xffff;
	[tilespmem:s30+$0xD0] =	vst v62  }
0x27d: {  	v46 =	vor.u32 v23, v46;
	v57 =	vmov s9;
	s9 =	sadd.s32 $0x4, s0;
	v47 =	vmov s7;
	s7 =	sadd.s32 $0x3, s0;
	v52 =	vld.idx.msk [tilespmem:v58+s16+$0x0], $0xffff;
	[tilespmem:s30+$0x150] =	vst v54  }
0x27e: {  	v45 =	vor.u32 v23, v45;
	s0 =	sadd.s32 $0x8, s0;
	v58 =	vmov s7;
	v54 =	vmov s9;
	s9 =	sadd.s32 $0x5, s1;
	s7 =	sadd.s32 $0x7, s1;
	[tilespmem:s30+$0xFFFFFE50] =	vst v63;
	v55 =	vld.idx.msk [tilespmem:v55+s16+$0x0], $0xffff  }
0x27f: {  	_ =	sdelay $0x2  }
0x280: {  	[tilespmem:s30+$0x1F0] =	vst v59;
	v1 =	vmov s9  }
0x281: {  	v2 =	vmov s7;
	v43 =	vor.u32 v23, v43;
	[tilespmem:s30+$0xFFFFFEE0] =	vst v49;
	v49 =	vld.idx.msk [tilespmem:v60+s16+$0x0], $0xffff;
	v60 =	vor.u32 v23, v42  }
0x282: {  	[tilespmem:s30+$0xFFFFFF60] =	vst v53;
	v63 =	vand.u32 $0x79, v47;
	v53 =	vor.u32 v23, v41;
	v48 =	vld.idx.msk [tilespmem:v48+s16+$0x0], $0xffff;
	v2 =	vand.u32 $0x7F, v2  }
0x283: {  	v62 =	vand.u32 $0x7B, v58;
	[tilespmem:s30+$0xFFFFFFE0] =	vst v50;
	v41 =	vbroadcast v63, $0x0;
	v47 =	vbroadcast v2, $0x0;
	v2 =	vld.idx.msk [tilespmem:v56+s16+$0x0], $0xffff  }
0x284: {  	v61 =	vand.u32 $0x7A, v57;
	v50 =	vor.u32 v23, v40;
	v42 =	vbroadcast v62, $0x0;
	v56 =	vld.idx.msk [tilespmem:v46+s16+$0x0], $0xffff;
	[tilespmem:s30+$0x60] =	vst v51  }
0x285: {  	v58 =	vand.u32 $0x7C, v54;
	v1 =	vand.u32 $0x7D, v1;
	v57 =	vld.idx.msk [tilespmem:v45+s16+$0x0], $0xffff;
	[tilespmem:s30+$0xE0] =	vst v52;
	v63 =	vor.u32 v12, v41  }
0x286: {  	s0 =	sadd.s32 $0x6, s1;
	v40 =	vbroadcast v61, $0x0;
	v45 =	vbroadcast v1, $0x0;
	v61 =	vor.u32 v12, v42;
	[tilespmem:s30+$0x160] =	vst v55;
	v54 =	vld.idx.msk [tilespmem:v43+s16+$0x0], $0xffff  }
0x287: {  	v59 =	vmov s0;
	s0 =	sadd.s32 $0x400, s30;
	v51 =	vor.u32 v12, v47;
	v43 =	vbroadcast v58, $0x0;
	v58 =	vld.idx.msk [tilespmem:v60+s16+$0x0], $0xffff;
	[tilespmem:s30+$0xFFFFFE60] =	vst v49  }
0x288: {  	v1 =	vand.u32 $0x7E, v59;
	v62 =	vor.u32 v12, v45;
	v53 =	vld.idx.msk [tilespmem:v53+s16+$0x0], $0xffff;
	[tilespmem:s0+$0xFFFFFE00] =	vst v48  }
0x289: {  	v46 =	vbroadcast v1, $0x0;
	v55 =	vor.u32 v12, v40;
	v1 =	vld.idx.msk [tilespmem:v50+s16+$0x0], $0xffff;
	[tilespmem:s30+$0xFFFFFEF0] =	vst v2  }
0x28a: {  	v2 =	vor.u32 v12, v43;
	[tilespmem:s30+$0xFFFFFF70] =	vst v56;
	v52 =	vld.idx.msk [tilespmem:v63+s16+$0x0], $0xffff  }
0x28b: {  	[tilespmem:s30+$0xFFFFFFF0] =	vst v57;
	v63 =	vor.u32 v12, v46;
	v49 =	vld.idx.msk [tilespmem:v61+s16+$0x0], $0xffff  }
0x28c: {  	v61 =	vor.u32 v17, v41;
	v51 =	vld.idx.msk [tilespmem:v51+s16+$0x0], $0xffff;
	[tilespmem:s30+$0x70] =	vst v54  }
0x28d: {  	v60 =	vor.u32 v17, v47;
	v50 =	vld.idx.msk [tilespmem:v62+s16+$0x0], $0xffff;
	[tilespmem:s30+$0xF0] =	vst v58  }
0x28e: {  	v62 =	vor.u32 v17, v42;
	v54 =	vld.idx.msk [tilespmem:v55+s16+$0x0], $0xffff;
	[tilespmem:s30+$0xFFFFFE70] =	vst v1  }
0x28f: {  	v2 =	vld.idx.msk [tilespmem:v2+s16+$0x0], $0xffff;
	[tilespmem:s0+$0xFFFFFE80] =	vst v52  }
0x290: {  	v1 =	vor.u32 v17, v40;
	v56 =	vld.idx.msk [tilespmem:v63+s16+$0x0], $0xffff;
	[tilespmem:s0+$0xFFFFFF80] =	vst v49  }
0x291: {  	v63 =	vor.u32 v17, v43;
	[tilespmem:s0+$0x180] =	vst v51;
	v49 =	vld.idx.msk [tilespmem:v61+s16+$0x0], $0xffff  }
0x292: {  	[tilespmem:s30+$0x170] =	vst v53;
	v55 =	vld.idx.msk [tilespmem:v60+s16+$0x0], $0xffff;
	v60 =	vor.u32 v17, v45  }
0x293: {  	[tilespmem:s0+$0x80] =	vst v50;
	v51 =	vld.idx.msk [tilespmem:v62+s16+$0x0], $0xffff;
	v62 =	vor.u32 v18, v41  }
0x294: {  	v53 =	vor.u32 v18, v47;
	[tilespmem:s0+$0xFFFFFF00] =	vst v54  }
0x295: {  	v61 =	vor.u32 v17, v44;
	v1 =	vld.idx.msk [tilespmem:v1+s16+$0x0], $0xffff;
	[tilespmem:s0+$0x0] =	vst v2  }
0x296: {  	v2 =	vor.u32 v17, v46;
	[tilespmem:s0+$0x100] =	vst v56;
	v52 =	vld.idx.msk [tilespmem:v63+s16+$0x0], $0xffff  }
0x297: {  	v63 =	vor.u32 v18, v40;
	[tilespmem:s0+$0xFFFFFE90] =	vst v49;
	v54 =	vld.idx.msk [tilespmem:v60+s16+$0x0], $0xffff  }
0x298: {  	v49 =	vor.u32 v18, v43;
	[tilespmem:s0+$0x190] =	vst v55;
	v56 =	vld.idx.msk [tilespmem:v62+s16+$0x0], $0xffff  }
0x299: {  	[tilespmem:s0+$0xFFFFFF90] =	vst v51;
	v60 =	vor.u32 v18, v42;
	v53 =	vld.idx.msk [tilespmem:v53+s16+$0x0], $0xffff  }
0x29a: {  	v51 =	vor.u32 v18, v45;
	[tilespmem:s0+$0xFFFFFF10] =	vst v1;
	v1 =	vld.idx.msk [tilespmem:v61+s16+$0x0], $0xffff  }
0x29b: {  	v50 =	vor.u32 v19, v47;
	v2 =	vld.idx.msk [tilespmem:v2+s16+$0x0], $0xffff;
	[tilespmem:s0+$0x10] =	vst v52  }
0x29c: {  	v62 =	vor.u32 v18, v46;
	v61 =	vld.idx.msk [tilespmem:v63+s16+$0x0], $0xffff;
	[tilespmem:s0+$0x90] =	vst v54  }
0x29d: {  	v63 =	vor.u32 v18, v44;
	v49 =	vld.idx.msk [tilespmem:v49+s16+$0x0], $0xffff;
	[tilespmem:s0+$0xFFFFFEA0] =	vst v56  }
0x29e: {  	v48 =	vld.idx.msk [tilespmem:v60+s16+$0x0], $0xffff;
	v60 =	vor.u32 v19, v41;
	[tilespmem:s0+$0x1A0] =	vst v53  }
0x29f: {  	[tilespmem:s0+$0xFFFFFE10] =	vst v1;
	v1 =	vld.idx.msk [tilespmem:v51+s16+$0x0], $0xffff;
	v51 =	vor.u32 v19, v42  }
0x2a0: {  	[tilespmem:s0+$0x110] =	vst v2;
	v2 =	vor.u32 v19, v40;
	v50 =	vld.idx.msk [tilespmem:v50+s16+$0x0], $0xffff  }
0x2a1: {  	v56 =	vor.u32 v20, v47;
	v55 =	vld.idx.msk [tilespmem:v62+s16+$0x0], $0xffff;
	[tilespmem:s0+$0xFFFFFF20] =	vst v61  }
0x2a2: {  	v61 =	vor.u32 v19, v43;
	v54 =	vld.idx.msk [tilespmem:v63+s16+$0x0], $0xffff;
	[tilespmem:s0+$0x20] =	vst v49  }
0x2a3: {  	v62 =	vor.u32 v19, v45;
	[tilespmem:s0+$0xFFFFFFA0] =	vst v48;
	v48 =	vld.idx.msk [tilespmem:v60+s16+$0x0], $0xffff  }
0x2a4: {  	v63 =	vor.u32 v19, v46;
	v51 =	vld.idx.msk [tilespmem:v51+s16+$0x0], $0xffff;
	[tilespmem:s0+$0xA0] =	vst v1  }
0x2a5: {  	v1 =	vor.u32 v20, v41;
	v2 =	vld.idx.msk [tilespmem:v2+s16+$0x0], $0xffff;
	[tilespmem:s0+$0x1B0] =	vst v50  }
0x2a6: {  	v60 =	vor.u32 v19, v44;
	v56 =	vld.idx.msk [tilespmem:v56+s16+$0x0], $0xffff;
	[tilespmem:s0+$0x120] =	vst v55  }
0x2a7: {  	v52 =	vld.idx.msk [tilespmem:v61+s16+$0x0], $0xffff;
	v61 =	vor.u32 v20, v40;
	[tilespmem:s0+$0xFFFFFE20] =	vst v54  }
0x2a8: {  	v53 =	vld.idx.msk [tilespmem:v62+s16+$0x0], $0xffff;
	v62 =	vor.u32 v20, v42;
	[tilespmem:s0+$0xFFFFFEB0] =	vst v48  }
0x2a9: {  	v54 =	vor.u32 v21, v47;
	v49 =	vld.idx.msk [tilespmem:v63+s16+$0x0], $0xffff;
	[tilespmem:s0+$0xFFFFFFB0] =	vst v51  }
0x2aa: {  	v63 =	vor.u32 v20, v43;
	v1 =	vld.idx.msk [tilespmem:v1+s16+$0x0], $0xffff;
	[tilespmem:s0+$0xFFFFFF30] =	vst v2  }
0x2ab: {  	v51 =	vor.u32 v20, v45;
	v2 =	vld.idx.msk [tilespmem:v60+s16+$0x0], $0xffff;
	[tilespmem:s0+$0x1C0] =	vst v56  }
0x2ac: {  	v60 =	vor.u32 v20, v46;
	v55 =	vld.idx.msk [tilespmem:v61+s16+$0x0], $0xffff;
	[tilespmem:s0+$0x30] =	vst v52  }
0x2ad: {  	v61 =	vor.u32 v20, v44;
	[tilespmem:s0+$0xB0] =	vst v53;
	v48 =	vld.idx.msk [tilespmem:v62+s16+$0x0], $0xffff  }
0x2ae: {  	v62 =	vor.u32 v21, v41;
	v54 =	vld.idx.msk [tilespmem:v54+s16+$0x0], $0xffff;
	[tilespmem:s0+$0x130] =	vst v49  }
0x2af: {  	v49 =	vld.idx.msk [tilespmem:v63+s16+$0x0], $0xffff;
	v63 =	vor.u32 v22, v47;
	[tilespmem:s0+$0xFFFFFEC0] =	vst v1  }
0x2b0: {  	v51 =	vld.idx.msk [tilespmem:v51+s16+$0x0], $0xffff;
	v1 =	vor.u32 v21, v42;
	[tilespmem:s0+$0xFFFFFE30] =	vst v2  }
0x2b1: {  	v2 =	vor.u32 v21, v40;
	v56 =	vld.idx.msk [tilespmem:v60+s16+$0x0], $0xffff;
	[tilespmem:s0+$0xFFFFFF40] =	vst v55  }
0x2b2: {  	v60 =	vor.u32 v21, v43;
	v52 =	vld.idx.msk [tilespmem:v61+s16+$0x0], $0xffff;
	[tilespmem:s0+$0xFFFFFFC0] =	vst v48  }
0x2b3: {  	v53 =	vld.idx.msk [tilespmem:v62+s16+$0x0], $0xffff;
	v61 =	vor.u32 v21, v45;
	[tilespmem:s0+$0x1D0] =	vst v54  }
0x2b4: {  	v62 =	vor.u32 v21, v46;
	[tilespmem:s0+$0x40] =	vst v49;
	v50 =	vld.idx.msk [tilespmem:v63+s16+$0x0], $0xffff  }
0x2b5: {  	v63 =	vor.u32 v21, v44;
	[tilespmem:s0+$0xC0] =	vst v51;
	v1 =	vld.idx.msk [tilespmem:v1+s16+$0x0], $0xffff  }
0x2b6: {  	v47 =	vor.u32 v23, v47;
	v2 =	vld.idx.msk [tilespmem:v2+s16+$0x0], $0xffff;
	[tilespmem:s0+$0x140] =	vst v56  }
0x2b7: {  	v57 =	vor.u32 v22, v41;
	v55 =	vld.idx.msk [tilespmem:v60+s16+$0x0], $0xffff;
	[tilespmem:s0+$0xFFFFFE40] =	vst v52  }
0x2b8: {  	v59 =	vor.u32 v22, v42;
	v54 =	vld.idx.msk [tilespmem:v61+s16+$0x0], $0xffff;
	[tilespmem:s0+$0xFFFFFED0] =	vst v53  }
0x2b9: {  	v58 =	vor.u32 v22, v40;
	v48 =	vld.idx.msk [tilespmem:v62+s16+$0x0], $0xffff;
	[tilespmem:s0+$0x1E0] =	vst v50  }
0x2ba: {  	v60 =	vor.u32 v22, v43;
	v49 =	vld.idx.msk [tilespmem:v63+s16+$0x0], $0xffff;
	[tilespmem:s0+$0xFFFFFFD0] =	vst v1  }
0x2bb: {  	v61 =	vor.u32 v22, v46;
	v47 =	vld.idx.msk [tilespmem:v47+s16+$0x0], $0xffff;
	[tilespmem:s0+$0xFFFFFF50] =	vst v2  }
0x2bc: {  	v1 =	vld.idx.msk [tilespmem:v57+s16+$0x0], $0xffff;
	v2 =	vor.u32 v22, v45;
	[tilespmem:s0+$0x50] =	vst v55  }
0x2bd: {  	v62 =	vor.u32 v22, v44;
	v53 =	vld.idx.msk [tilespmem:v59+s16+$0x0], $0xffff;
	[tilespmem:s0+$0xD0] =	vst v54  }
0x2be: {  	v41 =	vor.u32 v23, v41;
	v52 =	vld.idx.msk [tilespmem:v58+s16+$0x0], $0xffff;
	[tilespmem:s0+$0x150] =	vst v48  }
0x2bf: {  	v42 =	vor.u32 v23, v42;
	v63 =	vld.idx.msk [tilespmem:v60+s16+$0x0], $0xffff;
	[tilespmem:s0+$0xFFFFFE50] =	vst v49  }
0x2c0: {  	v40 =	vor.u32 v23, v40;
	v54 =	vld.idx.msk [tilespmem:v61+s16+$0x0], $0xffff;
	[tilespmem:s0+$0x1F0] =	vst v47  }
0x2c1: {  	v43 =	vor.u32 v23, v43;
	[tilespmem:s0+$0xFFFFFEE0] =	vst v1;
	v2 =	vld.idx.msk [tilespmem:v2+s16+$0x0], $0xffff  }
0x2c2: {  	v46 =	vor.u32 v23, v46;
	v1 =	vld.idx.msk [tilespmem:v62+s16+$0x0], $0xffff;
	[tilespmem:s0+$0xFFFFFFE0] =	vst v53  }
0x2c3: {  	v56 =	vor.u32 v23, v44;
	v41 =	vld.idx.msk [tilespmem:v41+s16+$0x0], $0xffff;
	[tilespmem:s0+$0xFFFFFF60] =	vst v52  }
0x2c4: {  	v45 =	vor.u32 v23, v45;
	[tilespmem:s0+$0x60] =	vst v63;
	v42 =	vld.idx.msk [tilespmem:v42+s16+$0x0], $0xffff  }
0x2c5: {  	v40 =	vld.idx.msk [tilespmem:v40+s16+$0x0], $0xffff;
	[tilespmem:s0+$0x160] =	vst v54  }
0x2c6: {  	[tilespmem:s0+$0xE0] =	vst v2;
	v2 =	vld.idx.msk [tilespmem:v43+s16+$0x0], $0xffff  }
0x2c7: {  	[tilespmem:s0+$0xFFFFFE60] =	vst v1;
	v1 =	vld.idx.msk [tilespmem:v46+s16+$0x0], $0xffff  }
0x2c8: {  	[tilespmem:s0+$0xFFFFFEF0] =	vst v41;
	v58 =	vld.idx.msk [tilespmem:v56+s16+$0x0], $0xffff  }
0x2c9: {  	s30 =	sshll.u32 s29, $0x1;
	v57 =	vld.idx.msk [tilespmem:v45+s16+$0x0], $0xffff;
	[tilespmem:s0+$0xFFFFFFF0] =	vst v42  }
0x2ca: {  	s9 =	sadd.s32 $0x2, s30;
	[tilespmem:s0+$0xFFFFFF70] =	vst v40  }
0x2cb: {  	[tilespmem:s0+$0x70] =	vst v2;
	v2 =	vadd.s32 s9, v0  }
0x2cc: {  	s10 =	sshll.u32 s29, $0x10;
	[tilespmem:s0+$0x170] =	vst v1  }
0x2cd: {  	s31 =	sor.u32 s5, s10;
	[tilespmem:s0+$0xFFFFFE70] =	vst v58  }
0x2ce: {  	s1 =	sadd.s32 s2, s31;
	[tilespmem:s0+$0xF0] =	vst v57;
	s0 =	simm.s32 $0x0  }
0x2cf: {  	[hbm4b:s1+s20] =	stream.strided.scatter [tilespmem:s22], [sflag:$0x3], $0x2000, s21, s20, $0x38;
	[tilespmem:$0xDA00] =	vst v63  }
0x2d0: {  	s7 =	sadd.s32 $0x322, s30;
	v1 =	vld.idx.msk [tilespmem:v2+s0+$0x0], $0xffff  }
0x2d1: {  	v2 =	vadd.s32 s7, v0;
	_ =	sdelay $0x3  }
0x2d2: {  	[tilespmem:$0x1900] =	vst v1  }
0x2d3: {  	s9 =	sadd.s32 $0x642, s30;
	v1 =	vld.idx.msk [tilespmem:v2+s0+$0x0], $0xffff  }
0x2d4: {  	v2 =	vadd.s32 s9, v0;
	_ =	sdelay $0x3  }
0x2d5: {  	[tilespmem:$0x1910] =	vst v1  }
0x2d6: {  	s10 =	sadd.s32 $0x962, s30;
	v1 =	vld.idx.msk [tilespmem:v2+s0+$0x0], $0xffff  }
0x2d7: {  	v2 =	vadd.s32 s10, v0;
	_ =	sdelay $0x3  }
0x2d8: {  	[tilespmem:$0x1920] =	vst v1  }
0x2d9: {  	s7 =	sadd.s32 $0xC82, s30;
	v1 =	vld.idx.msk [tilespmem:v2+s0+$0x0], $0xffff  }
0x2da: {  	v2 =	vadd.s32 s7, v0;
	_ =	sdelay $0x3  }
0x2db: {  	[tilespmem:$0x1930] =	vst v1  }
0x2dc: {  	s9 =	sadd.s32 $0xFA2, s30;
	v1 =	vld.idx.msk [tilespmem:v2+s0+$0x0], $0xffff  }
0x2dd: {  	v2 =	vadd.s32 s9, v0;
	_ =	sdelay $0x3  }
0x2de: {  	[tilespmem:$0x1940] =	vst v1  }
0x2df: {  	s10 =	sadd.s32 $0x12C2, s30;
	v1 =	vld.idx.msk [tilespmem:v2+s0+$0x0], $0xffff  }
0x2e0: {  	v2 =	vadd.s32 s10, v0;
	_ =	sdelay $0x3  }
0x2e1: {  	[tilespmem:$0x1950] =	vst v1  }
0x2e2: {  	s7 =	sadd.s32 $0x15E2, s30;
	v1 =	vld.idx.msk [tilespmem:v2+s0+$0x0], $0xffff  }
0x2e3: {  	v2 =	vadd.s32 s7, v0;
	_ =	sdelay $0x3  }
0x2e4: {  	[tilespmem:$0x1960] =	vst v1  }
0x2e5: {  	v1 =	vld.idx.msk [tilespmem:v2+s0+$0x0], $0xffff;
	_ =	sdelay $0x2  }
0x2e6: {  	s1 =	simm.s32 $0x5;
	s10 =	simm.s32 $0x2;
	v2 =	vmov s0  }
0x2e7: {  	v63 =	vmov s1;
	s9 =	simm.s32 $0x1;
	v59 =	vmov s10;
	s7 =	simm.s32 $0x7;
	v2 =	vand.u32 $0x78, v2  }
0x2e8: {  	s10 =	simm.s32 $0x4;
	v60 =	vmov s7;
	s7 =	simm.s32 $0x6;
	v40 =	vbroadcast v2, $0x0;
	v2 =	vmov s9;
	s9 =	simm.s32 $0x3;
	[tilespmem:$0x1970] =	vst v1  }
0x2e9: {  	v62 =	vmov s10;
	v42 =	vand.u32 $0x7F, v60;
	v56 =	vmov s7;
	[tilespmem:s16], [sflag:$0x1] =	stream.indirect.gather [hbm4b:s4+s14], $0x80, s15, s14, $0xb8;
	[tilespmem:$0xDA00] =	vst v63  }
0x2ea: {  	v44 =	vbroadcast v42, $0x0;
	v61 =	vmov s9;
	v2 =	vand.u32 $0x79, v2;
	_ =	swait.ge [sflag:s23], $0x4000  }
0x2eb: {  	v47 =	vbroadcast v2, $0x0;
	v2 =	vand.u32 $0x7A, v59;
	v1 =	vor.u32 v12, v40;
	[sflag:s23] =	ssyncset.done $0x0  }
0x2ec: {  	v57 =	vor.u32 v12, v44;
	v46 =	vbroadcast v2, $0x0;
	v2 =	vand.u32 $0x7B, v61;
	[sflag:s23] =	ssyncadd.s32 $0xFFFFC000  }
0x2ed: {  	v58 =	vor.u32 v12, v47;
	v45 =	vbroadcast v2, $0x0;
	v2 =	vand.u32 $0x7C, v62;
	_ =	swait.ge [sflag:s26], $0x2000  }
0x2ee: {  	v59 =	vor.u32 v12, v46;
	v43 =	vbroadcast v2, $0x0;
	v2 =	vand.u32 $0x7D, v63;
	[sflag:s26] =	ssyncset.done $0x0  }
0x2ef: {  	v60 =	vor.u32 v12, v45;
	v42 =	vbroadcast v2, $0x0;
	v2 =	vand.u32 $0x7E, v56;
	[sflag:s26] =	ssyncadd.s32 $0xFFFFE000  }
0x2f0: {  	v61 =	vor.u32 v12, v43;
	v41 =	vbroadcast v2, $0x0;
	v1 =	vld.idx.msk [tilespmem:v1+s18+$0x0], $0xffff  }
0x2f1: {  	v2 =	vor.u32 v12, v42;
	v51 =	vld.idx.msk [tilespmem:v57+s18+$0x0], $0xffff  }
0x2f2: {  	v62 =	vor.u32 v12, v41;
	v52 =	vld.idx.msk [tilespmem:v58+s18+$0x0], $0xffff  }
0x2f3: {  	v54 =	vor.u32 v17, v44;
	v48 =	vld.idx.msk [tilespmem:v59+s18+$0x0], $0xffff  }
0x2f4: {  	v63 =	vor.u32 v17, v47;
	v49 =	vld.idx.msk [tilespmem:v60+s18+$0x0], $0xffff  }
0x2f5: {  	s1 =	simm.s32 $0xBC00;
	v60 =	vor.u32 v17, v46;
	v50 =	vld.idx.msk [tilespmem:v61+s18+$0x0], $0xffff  }
0x2f6: {  	v61 =	vor.u32 v17, v45;
	v2 =	vld.idx.msk [tilespmem:v2+s18+$0x0], $0xffff;
	[tilespmem:s1+$0x180] =	vst v51  }
0x2f7: {  	v58 =	vor.u32 v17, v43;
	v53 =	vld.idx.msk [tilespmem:v62+s18+$0x0], $0xffff;
	[tilespmem:s1+$0xFFFFFE80] =	vst v52  }
0x2f8: {  	v62 =	vor.u32 v17, v42;
	[tilespmem:s1+$0xFFFFFF00] =	vst v48;
	v52 =	vld.idx.msk [tilespmem:v54+s18+$0x0], $0xffff  }
0x2f9: {  	v48 =	vor.u32 v17, v41;
	[tilespmem:s1+$0xFFFFFF80] =	vst v49;
	v54 =	vld.idx.msk [tilespmem:v63+s18+$0x0], $0xffff  }
0x2fa: {  	[tilespmem:s1+$0xFFFFFE00] =	vst v1;
	v55 =	vld.idx.msk [tilespmem:v60+s18+$0x0], $0xffff;
	v60 =	vor.u32 v17, v40  }
0x2fb: {  	v63 =	vor.u32 v18, v44;
	v57 =	vld.idx.msk [tilespmem:v61+s18+$0x0], $0xffff;
	[tilespmem:s1+$0x0] =	vst v50  }
0x2fc: {  	v61 =	vor.u32 v18, v47;
	v58 =	vld.idx.msk [tilespmem:v58+s18+$0x0], $0xffff;
	[tilespmem:s1+$0x80] =	vst v2  }
0x2fd: {  	v2 =	vor.u32 v18, v46;
	v51 =	vld.idx.msk [tilespmem:v62+s18+$0x0], $0xffff;
	[tilespmem:s1+$0x100] =	vst v53  }
0x2fe: {  	v62 =	vor.u32 v18, v45;
	v48 =	vld.idx.msk [tilespmem:v48+s18+$0x0], $0xffff;
	[tilespmem:s1+$0x190] =	vst v52  }
0x2ff: {  	v1 =	vor.u32 v18, v43;
	v52 =	vld.idx.msk [tilespmem:v60+s18+$0x0], $0xffff;
	[tilespmem:s1+$0xFFFFFE90] =	vst v54  }
0x300: {  	v54 =	vor.u32 v18, v42;
	[tilespmem:s1+$0xFFFFFF10] =	vst v55;
	v49 =	vld.idx.msk [tilespmem:v63+s18+$0x0], $0xffff  }
0x301: {  	v56 =	vor.u32 v18, v41;
	[tilespmem:s1+$0xFFFFFF90] =	vst v57;
	v50 =	vld.idx.msk [tilespmem:v61+s18+$0x0], $0xffff  }
0x302: {  	v60 =	vor.u32 v18, v40;
	v2 =	vld.idx.msk [tilespmem:v2+s18+$0x0], $0xffff;
	[tilespmem:s1+$0x10] =	vst v58  }
0x303: {  	v63 =	vor.u32 v19, v44;
	v53 =	vld.idx.msk [tilespmem:v62+s18+$0x0], $0xffff;
	[tilespmem:s1+$0x90] =	vst v51  }
0x304: {  	v1 =	vld.idx.msk [tilespmem:v1+s18+$0x0], $0xffff;
	v62 =	vor.u32 v19, v46;
	[tilespmem:s1+$0x110] =	vst v48  }
0x305: {  	v61 =	vor.u32 v19, v47;
	v54 =	vld.idx.msk [tilespmem:v54+s18+$0x0], $0xffff;
	[tilespmem:s1+$0xFFFFFE10] =	vst v52  }
0x306: {  	v55 =	vld.idx.msk [tilespmem:v56+s18+$0x0], $0xffff;
	[tilespmem:s1+$0x1A0] =	vst v49;
	v49 =	vor.u32 v19, v45  }
0x307: {  	v56 =	vld.idx.msk [tilespmem:v60+s18+$0x0], $0xffff;
	[tilespmem:s1+$0xFFFFFF20] =	vst v2;
	v2 =	vor.u32 v19, v42  }
0x308: {  	[tilespmem:s1+$0xFFFFFEA0] =	vst v50;
	v48 =	vld.idx.msk [tilespmem:v63+s18+$0x0], $0xffff;
	v63 =	vor.u32 v19, v43  }
0x309: {  	v51 =	vld.idx.msk [tilespmem:v62+s18+$0x0], $0xffff;
	[tilespmem:s1+$0xFFFFFFA0] =	vst v53;
	v62 =	vor.u32 v19, v40  }
0x30a: {  	v60 =	vor.u32 v20, v44;
	v57 =	vld.idx.msk [tilespmem:v61+s18+$0x0], $0xffff;
	[tilespmem:s1+$0x20] =	vst v1  }
0x30b: {  	v61 =	vor.u32 v19, v41;
	[tilespmem:s1+$0xA0] =	vst v54;
	v49 =	vld.idx.msk [tilespmem:v49+s18+$0x0], $0xffff  }
0x30c: {  	v1 =	vor.u32 v20, v47;
	v2 =	vld.idx.msk [tilespmem:v2+s18+$0x0], $0xffff;
	[tilespmem:s1+$0xFFFFFE20] =	vst v56  }
0x30d: {  	v52 =	vld.idx.msk [tilespmem:v63+s18+$0x0], $0xffff;
	[tilespmem:s1+$0x1B0] =	vst v48;
	v48 =	vor.u32 v20, v46  }
0x30e: {  	[tilespmem:s1+$0x120] =	vst v55;
	v63 =	vor.u32 v20, v45;
	v56 =	vld.idx.msk [tilespmem:v62+s18+$0x0], $0xffff  }
0x30f: {  	[tilespmem:s1+$0xFFFFFEB0] =	vst v57;
	v62 =	vor.u32 v20, v42;
	v50 =	vld.idx.msk [tilespmem:v60+s18+$0x0], $0xffff  }
0x310: {  	v53 =	vld.idx.msk [tilespmem:v61+s18+$0x0], $0xffff;
	[tilespmem:s1+$0xFFFFFF30] =	vst v51;
	v60 =	vor.u32 v21, v44  }
0x311: {  	v61 =	vor.u32 v20, v43;
	v1 =	vld.idx.msk [tilespmem:v1+s18+$0x0], $0xffff;
	[tilespmem:s1+$0xFFFFFFB0] =	vst v49  }
0x312: {  	v58 =	vor.u32 v20, v40;
	[tilespmem:s1+$0xB0] =	vst v2;
	v48 =	vld.idx.msk [tilespmem:v48+s18+$0x0], $0xffff  }
0x313: {  	v49 =	vor.u32 v20, v41;
	v54 =	vld.idx.msk [tilespmem:v63+s18+$0x0], $0xffff;
	[tilespmem:s1+$0x30] =	vst v52  }
0x314: {  	v2 =	vld.idx.msk [tilespmem:v62+s18+$0x0], $0xffff;
	[tilespmem:s1+$0x1C0] =	vst v50;
	v50 =	vor.u32 v21, v47  }
0x315: {  	[tilespmem:s1+$0x130] =	vst v53;
	v63 =	vld.idx.msk [tilespmem:v60+s18+$0x0], $0xffff;
	v60 =	vor.u32 v21, v46  }
0x316: {  	[tilespmem:s1+$0xFFFFFE30] =	vst v56;
	v62 =	vor.u32 v21, v45;
	v57 =	vld.idx.msk [tilespmem:v61+s18+$0x0], $0xffff  }
0x317: {  	v56 =	vld.idx.msk [tilespmem:v58+s18+$0x0], $0xffff;
	[tilespmem:s1+$0xFFFFFEC0] =	vst v1;
	v1 =	vor.u32 v21, v43  }
0x318: {  	v61 =	vor.u32 v22, v44;
	v49 =	vld.idx.msk [tilespmem:v49+s18+$0x0], $0xffff  }
0x319: {  	v52 =	vor.u32 v21, v40;
	[tilespmem:s1+$0xFFFFFF40] =	vst v48;
	v50 =	vld.idx.msk [tilespmem:v50+s18+$0x0], $0xffff  }
0x31a: {  	v48 =	vor.u32 v21, v42;
	[tilespmem:s1+$0xFFFFFFC0] =	vst v54;
	v55 =	vld.idx.msk [tilespmem:v60+s18+$0x0], $0xffff  }
0x31b: {  	v58 =	vor.u32 v21, v41;
	[tilespmem:s1+$0x40] =	vst v57;
	v60 =	vld.idx.msk [tilespmem:v62+s18+$0x0], $0xffff  }
0x31c: {  	v54 =	vor.u32 v22, v47;
	[tilespmem:s1+$0x1D0] =	vst v63;
	v1 =	vld.idx.msk [tilespmem:v1+s18+$0x0], $0xffff  }
0x31d: {  	v53 =	vor.u32 v22, v46;
	[tilespmem:s1+$0xFFFFFE40] =	vst v56;
	v51 =	vld.idx.msk [tilespmem:v61+s18+$0x0], $0xffff  }
0x31e: {  	[tilespmem:s1+$0xC0] =	vst v2;
	v2 =	vor.u32 v23, v44;
	v61 =	vld.idx.msk [tilespmem:v52+s18+$0x0], $0xffff  }
0x31f: {  	s0 =	simm.s32 $0x8;
	[tilespmem:s1+$0x140] =	vst v49;
	v57 =	vld.idx.msk [tilespmem:v48+s18+$0x0], $0xffff;
	v48 =	vor.u32 v22, v45  }
0x320: {  	v63 =	vmov s0;
	v52 =	vor.u32 v22, v43;
	v58 =	vld.idx.msk [tilespmem:v58+s18+$0x0], $0xffff;
	[tilespmem:s1+$0xFFFFFED0] =	vst v50  }
0x321: {  	v44 =	vand.u32 $0x78, v63;
	v49 =	vld.idx.msk [tilespmem:v54+s18+$0x0], $0xffff;
	v54 =	vor.u32 v22, v42;
	[tilespmem:s1+$0xFFFFFF50] =	vst v55  }
0x322: {  	v44 =	vbroadcast v44, $0x0;
	v55 =	vor.u32 v22, v41;
	[tilespmem:s1+$0x1E0] =	vst v51;
	v53 =	vld.idx.msk [tilespmem:v53+s18+$0x0], $0xffff  }
0x323: {  	[tilespmem:s1+$0xFFFFFFD0] =	vst v60;
	v60 =	vor.u32 v22, v40;
	v59 =	vld.idx.msk [tilespmem:v2+s18+$0x0], $0xffff  }
0x324: {  	[tilespmem:s1+$0x50] =	vst v1;
	v50 =	vld.idx.msk [tilespmem:v48+s18+$0x0], $0xffff;
	v48 =	vor.u32 v12, v44  }
0x325: {  	s10 =	simm.s32 $0xA;
	s9 =	simm.s32 $0x9;
	v56 =	vor.u32 v23, v47;
	v51 =	vld.idx.msk [tilespmem:v52+s18+$0x0], $0xffff;
	[tilespmem:s1+$0xD0] =	vst v57  }
0x326: {  	v46 =	vor.u32 v23, v46;
	v47 =	vmov s9;
	s9 =	simm.s32 $0xB;
	v57 =	vmov s10;
	s10 =	simm.s32 $0xC;
	[tilespmem:s1+$0x150] =	vst v58;
	v52 =	vld.idx.msk [tilespmem:v54+s18+$0x0], $0xffff  }
0x327: {  	s7 =	simm.s32 $0x10;
	v45 =	vor.u32 v23, v45;
	[tilespmem:s1+$0xFFFFFE50] =	vst v61;
	v58 =	vmov s9;
	s9 =	simm.s32 $0xF;
	v54 =	vmov s10;
	s10 =	simm.s32 $0xD;
	v55 =	vld.idx.msk [tilespmem:v55+s18+$0x0], $0xffff  }
.LBB2_9:
0x328: {  	p0 =	slt.u32 s7, $0x38;
	v1 =	vmov s10;
	s10 =	sadd.s32 $0x6, s0;
	v2 =	vmov s9;
	v60 =	vld.idx.msk [tilespmem:v60+s18+$0x0], $0xffff;
	v43 =	vor.u32 v23, v43;
	[tilespmem:s1+$0x1F0] =	vst v59;
	s0 =	smov.u32 s7  }
0x329: {  	v42 =	vor.u32 v23, v42;
	v59 =	vld.idx.msk [tilespmem:v48+s18+$0x0], $0xffff;
	v61 =	vmov s10;
	v2 =	vand.u32 $0x7F, v2;
	[tilespmem:s1+$0xFFFFFEE0] =	vst v49  }
0x32a: {  	v47 =	vand.u32 $0x79, v47;
	v41 =	vor.u32 v23, v41;
	v48 =	vbroadcast v2, $0x0;
	v2 =	vld.idx.msk [tilespmem:v56+s18+$0x0], $0xffff;
	[tilespmem:s1+$0xFFFFFF60] =	vst v53  }
0x32b: {  	v47 =	vbroadcast v47, $0x0;
	v49 =	vand.u32 $0x7A, v57;
	v53 =	vor.u32 v23, v40;
	v40 =	vmovc v44;
	v56 =	vld.idx.msk [tilespmem:v46+s18+$0x0], $0xffff;
	[tilespmem:s1+$0xFFFFFFE0] =	vst v50  }
0x32c: {  	v44 =	vand.u32 $0x7B, v58;
	v46 =	vbroadcast v49, $0x0;
	v49 =	vor.u32 v12, v48;
	v50 =	vld.idx.msk [tilespmem:v45+s18+$0x0], $0xffff;
	[tilespmem:s1+$0x60] =	vst v51  }
0x32d: {  	v51 =	vor.u32 v12, v47;
	v45 =	vbroadcast v44, $0x0;
	v44 =	vand.u32 $0x7C, v54;
	v54 =	vld.idx.msk [tilespmem:v43+s18+$0x0], $0xffff;
	[tilespmem:s1+$0xE0] =	vst v52  }
0x32e: {  	v1 =	vand.u32 $0x7D, v1;
	v52 =	vor.u32 v12, v46;
	v43 =	vbroadcast v44, $0x0;
	v44 =	vld.idx.msk [tilespmem:v42+s18+$0x0], $0xffff;
	[tilespmem:s1+$0x160] =	vst v55  }
0x32f: {  	v55 =	vor.u32 v12, v45;
	v42 =	vbroadcast v1, $0x0;
	v1 =	vand.u32 $0x7E, v61;
	[tilespmem:s1+$0xFFFFFE60] =	vst v60;
	v57 =	vld.idx.msk [tilespmem:v41+s18+$0x0], $0xffff  }
0x330: {  	v58 =	vor.u32 v12, v43;
	v41 =	vbroadcast v1, $0x0;
	v1 =	vld.idx.msk [tilespmem:v53+s18+$0x0], $0xffff;
	[tilespmem:s1+$0xFFFFFEF0] =	vst v2  }
0x331: {  	v2 =	vor.u32 v12, v42;
	v49 =	vld.idx.msk [tilespmem:v49+s18+$0x0], $0xffff;
	[tilespmem:s1+$0xFFFFFF70] =	vst v56  }
0x332: {  	v53 =	vor.u32 v12, v41;
	v51 =	vld.idx.msk [tilespmem:v51+s18+$0x0], $0xffff;
	[tilespmem:s1+$0xFFFFFFF0] =	vst v50  }
0x333: {  	v50 =	vld.idx.msk [tilespmem:v52+s18+$0x0], $0xffff;
	v52 =	vor.u32 v17, v48;
	[tilespmem:s1+$0x70] =	vst v54  }
0x334: {  	v54 =	vor.u32 v17, v47;
	v55 =	vld.idx.msk [tilespmem:v55+s18+$0x0], $0xffff;
	[tilespmem:s1+$0xF0] =	vst v44  }
0x335: {  	v44 =	vor.u32 v17, v46;
	v56 =	vld.idx.msk [tilespmem:v58+s18+$0x0], $0xffff;
	[tilespmem:s1+$0x170] =	vst v57  }
0x336: {  	v57 =	vor.u32 v17, v45;
	v2 =	vld.idx.msk [tilespmem:v2+s18+$0x0], $0xffff;
	[tilespmem:s1+$0xFFFFFE70] =	vst v1;
	s1 =	sadd.s32 $0x400, s1  }
0x337: {  	v1 =	vor.u32 v17, v43;
	v53 =	vld.idx.msk [tilespmem:v53+s18+$0x0], $0xffff;
	[tilespmem:s1+$0x180] =	vst v49  }
0x338: {  	v49 =	vor.u32 v17, v42;
	[tilespmem:s1+$0xFFFFFE80] =	vst v51;
	v51 =	vld.idx.msk [tilespmem:v52+s18+$0x0], $0xffff  }
0x339: {  	v52 =	vld.idx.msk [tilespmem:v54+s18+$0x0], $0xffff;
	[tilespmem:s1+$0xFFFFFF00] =	vst v50;
	v50 =	vor.u32 v17, v41  }
0x33a: {  	v54 =	vor.u32 v18, v48;
	v44 =	vld.idx.msk [tilespmem:v44+s18+$0x0], $0xffff;
	[tilespmem:s1+$0xFFFFFF80] =	vst v55  }
0x33b: {  	v55 =	vor.u32 v17, v40;
	v57 =	vld.idx.msk [tilespmem:v57+s18+$0x0], $0xffff;
	[tilespmem:s1+$0x0] =	vst v56  }
0x33c: {  	v56 =	vor.u32 v18, v47;
	v1 =	vld.idx.msk [tilespmem:v1+s18+$0x0], $0xffff;
	[tilespmem:s1+$0x80] =	vst v2  }
0x33d: {  	v2 =	vor.u32 v18, v46;
	v49 =	vld.idx.msk [tilespmem:v49+s18+$0x0], $0xffff;
	[tilespmem:s1+$0x100] =	vst v53  }
0x33e: {  	v53 =	vor.u32 v18, v45;
	v50 =	vld.idx.msk [tilespmem:v50+s18+$0x0], $0xffff;
	[tilespmem:s1+$0x190] =	vst v51  }
0x33f: {  	v51 =	vor.u32 v18, v43;
	[tilespmem:s1+$0xFFFFFE00] =	vst v59;
	v54 =	vld.idx.msk [tilespmem:v54+s18+$0x0], $0xffff  }
0x340: {  	v55 =	vld.idx.msk [tilespmem:v55+s18+$0x0], $0xffff;
	[tilespmem:s1+$0xFFFFFE90] =	vst v52;
	v52 =	vor.u32 v18, v42  }
0x341: {  	v56 =	vld.idx.msk [tilespmem:v56+s18+$0x0], $0xffff;
	[tilespmem:s1+$0xFFFFFF10] =	vst v44;
	v44 =	vor.u32 v19, v48  }
0x342: {  	v2 =	vld.idx.msk [tilespmem:v2+s18+$0x0], $0xffff;
	[tilespmem:s1+$0xFFFFFF90] =	vst v57;
	v57 =	vor.u32 v18, v41  }
0x343: {  	v58 =	vor.u32 v18, v40;
	v53 =	vld.idx.msk [tilespmem:v53+s18+$0x0], $0xffff;
	[tilespmem:s1+$0x10] =	vst v1  }
0x344: {  	v1 =	vor.u32 v19, v47;
	v51 =	vld.idx.msk [tilespmem:v51+s18+$0x0], $0xffff;
	[tilespmem:s1+$0x90] =	vst v49  }
0x345: {  	v49 =	vor.u32 v19, v46;
	v52 =	vld.idx.msk [tilespmem:v52+s18+$0x0], $0xffff;
	[tilespmem:s1+$0x1A0] =	vst v54  }
0x346: {  	v54 =	vor.u32 v19, v45;
	[tilespmem:s1+$0x110] =	vst v50;
	v44 =	vld.idx.msk [tilespmem:v44+s18+$0x0], $0xffff  }
0x347: {  	v50 =	vor.u32 v19, v43;
	[tilespmem:s1+$0xFFFFFE10] =	vst v55;
	v55 =	vld.idx.msk [tilespmem:v57+s18+$0x0], $0xffff  }
0x348: {  	v57 =	vld.idx.msk [tilespmem:v58+s18+$0x0], $0xffff;
	[tilespmem:s1+$0xFFFFFEA0] =	vst v56;
	v56 =	vor.u32 v20, v48  }
0x349: {  	v1 =	vld.idx.msk [tilespmem:v1+s18+$0x0], $0xffff;
	[tilespmem:s1+$0xFFFFFF20] =	vst v2;
	v2 =	vor.u32 v19, v42  }
0x34a: {  	v49 =	vld.idx.msk [tilespmem:v49+s18+$0x0], $0xffff;
	[tilespmem:s1+$0xFFFFFFA0] =	vst v53;
	v53 =	vor.u32 v19, v41  }
0x34b: {  	v58 =	vor.u32 v19, v40;
	v54 =	vld.idx.msk [tilespmem:v54+s18+$0x0], $0xffff;
	[tilespmem:s1+$0x20] =	vst v51  }
0x34c: {  	v51 =	vor.u32 v20, v47;
	v50 =	vld.idx.msk [tilespmem:v50+s18+$0x0], $0xffff;
	[tilespmem:s1+$0x1B0] =	vst v44  }
0x34d: {  	v44 =	vor.u32 v20, v46;
	[tilespmem:s1+$0xA0] =	vst v52;
	v52 =	vld.idx.msk [tilespmem:v56+s18+$0x0], $0xffff  }
0x34e: {  	v56 =	vor.u32 v20, v45;
	v2 =	vld.idx.msk [tilespmem:v2+s18+$0x0], $0xffff;
	[tilespmem:s1+$0x120] =	vst v55  }
0x34f: {  	v55 =	vor.u32 v21, v48;
	[tilespmem:s1+$0xFFFFFE20] =	vst v57;
	v53 =	vld.idx.msk [tilespmem:v53+s18+$0x0], $0xffff  }
0x350: {  	v57 =	vld.idx.msk [tilespmem:v58+s18+$0x0], $0xffff;
	[tilespmem:s1+$0xFFFFFEB0] =	vst v1;
	v1 =	vor.u32 v20, v43  }
0x351: {  	v51 =	vld.idx.msk [tilespmem:v51+s18+$0x0], $0xffff;
	[tilespmem:s1+$0xFFFFFF30] =	vst v49;
	v49 =	vor.u32 v20, v42  }
0x352: {  	v44 =	vld.idx.msk [tilespmem:v44+s18+$0x0], $0xffff;
	[tilespmem:s1+$0xFFFFFFB0] =	vst v54;
	v54 =	vor.u32 v20, v41  }
0x353: {  	v58 =	vor.u32 v20, v40;
	v56 =	vld.idx.msk [tilespmem:v56+s18+$0x0], $0xffff;
	[tilespmem:s1+$0x1C0] =	vst v52  }
0x354: {  	v52 =	vor.u32 v21, v47;
	[tilespmem:s1+$0x30] =	vst v50;
	v50 =	vld.idx.msk [tilespmem:v55+s18+$0x0], $0xffff  }
0x355: {  	v55 =	vor.u32 v21, v46;
	v1 =	vld.idx.msk [tilespmem:v1+s18+$0x0], $0xffff;
	[tilespmem:s1+$0xB0] =	vst v2  }
0x356: {  	v2 =	vld.idx.msk [tilespmem:v49+s18+$0x0], $0xffff;
	[tilespmem:s1+$0x130] =	vst v53;
	v49 =	vor.u32 v22, v48  }
0x357: {  	v53 =	vor.u32 v21, v45;
	[tilespmem:s1+$0xFFFFFE30] =	vst v57;
	v54 =	vld.idx.msk [tilespmem:v54+s18+$0x0], $0xffff  }
0x358: {  	v57 =	vld.idx.msk [tilespmem:v58+s18+$0x0], $0xffff;
	[tilespmem:s1+$0xFFFFFEC0] =	vst v51;
	v51 =	vor.u32 v21, v43  }
0x359: {  	v52 =	vld.idx.msk [tilespmem:v52+s18+$0x0], $0xffff;
	[tilespmem:s1+$0xFFFFFF40] =	vst v44;
	v44 =	vor.u32 v21, v42  }
0x35a: {  	v58 =	vor.u32 v21, v41;
	v55 =	vld.idx.msk [tilespmem:v55+s18+$0x0], $0xffff;
	[tilespmem:s1+$0x1D0] =	vst v50  }
0x35b: {  	v50 =	vor.u32 v21, v40;
	[tilespmem:s1+$0xFFFFFFC0] =	vst v56;
	v56 =	vld.idx.msk [tilespmem:v49+s18+$0x0], $0xffff  }
0x35c: {  	v49 =	vor.u32 v22, v47;
	v61 =	vld.idx.msk [tilespmem:v53+s18+$0x0], $0xffff;
	[tilespmem:s1+$0x40] =	vst v1  }
0x35d: {  	v1 =	vld.idx.msk [tilespmem:v51+s18+$0x0], $0xffff;
	[tilespmem:s1+$0xC0] =	vst v2;
	v2 =	vor.u32 v23, v48  }
0x35e: {  	v48 =	vor.u32 v22, v46;
	v62 =	vld.idx.msk [tilespmem:v44+s18+$0x0], $0xffff;
	[tilespmem:s1+$0x140] =	vst v54  }
0x35f: {  	v51 =	vor.u32 v22, v45;
	[tilespmem:s1+$0xFFFFFE40] =	vst v57;
	v54 =	vld.idx.msk [tilespmem:v58+s18+$0x0], $0xffff  }
0x360: {  	v44 =	vmov s7;
	v63 =	vld.idx.msk [tilespmem:v50+s18+$0x0], $0xffff;
	[tilespmem:s1+$0xFFFFFED0] =	vst v52;
	v52 =	vor.u32 v22, v43  }
0x361: {  	v44 =	vand.u32 $0x78, v44;
	v58 =	vor.u32 v22, v42;
	v49 =	vld.idx.msk [tilespmem:v49+s18+$0x0], $0xffff;
	[tilespmem:s1+$0x1E0] =	vst v56  }
0x362: {  	v44 =	vbroadcast v44, $0x0;
	[tilespmem:s1+$0xFFFFFF50] =	vst v55;
	v55 =	vor.u32 v22, v41;
	v59 =	vld.idx.msk [tilespmem:v2+s18+$0x0], $0xffff  }
.Ltmp3:
0x363: {  	v60 =	vor.u32 v22, v40;
	v53 =	vld.idx.msk [tilespmem:v48+s18+$0x0], $0xffff;
	[tilespmem:s1+$0xFFFFFFD0] =	vst v61;
	(pc) =	sbr.rel @p0 .LBB2_9-.Ltmp3, $4  }
0x364: {  	v48 =	vor.u32 v12, v44;
	v50 =	vld.idx.msk [tilespmem:v51+s18+$0x0], $0xffff;
	[tilespmem:s1+$0x50] =	vst v1  }
0x365: {  	s9 =	sadd.s32 $0x1, s7;
	s10 =	sadd.s32 $0x2, s7;
	v56 =	vor.u32 v23, v47;
	v51 =	vld.idx.msk [tilespmem:v52+s18+$0x0], $0xffff;
	[tilespmem:s1+$0xD0] =	vst v62  }
0x366: {  	v46 =	vor.u32 v23, v46;
	v57 =	vmov s10;
	s10 =	sadd.s32 $0x4, s7;
	v47 =	vmov s9;
	s9 =	sadd.s32 $0x3, s7;
	v52 =	vld.idx.msk [tilespmem:v58+s18+$0x0], $0xffff;
	[tilespmem:s1+$0x150] =	vst v54  }
0x367: {  	v45 =	vor.u32 v23, v45;
	s7 =	sadd.s32 $0x8, s7;
	v58 =	vmov s9;
	v54 =	vmov s10;
	s10 =	sadd.s32 $0x5, s0;
	s9 =	sadd.s32 $0x7, s0;
	[tilespmem:s1+$0xFFFFFE50] =	vst v63;
	v55 =	vld.idx.msk [tilespmem:v55+s18+$0x0], $0xffff  }
0x368: {  	_ =	sdelay $0x1  }
0x369: {  	[tilespmem:s1+$0x1F0] =	vst v59  }
0x36a: {  	[tilespmem:s1+$0xFFFFFEE0] =	vst v49  }
0x36b: {  	v1 =	vmov s10;
	v2 =	vmov s9;
	v43 =	vor.u32 v23, v43;
	v49 =	vld.idx.msk [tilespmem:v60+s18+$0x0], $0xffff;
	[tilespmem:s1+$0xFFFFFF60] =	vst v53  }
0x36c: {  	v60 =	vor.u32 v23, v42;
	v62 =	vand.u32 $0x79, v47;
	v48 =	vld.idx.msk [tilespmem:v48+s18+$0x0], $0xffff;
	v2 =	vand.u32 $0x7F, v2;
	[tilespmem:s1+$0xFFFFFFE0] =	vst v50  }
0x36d: {  	v53 =	vor.u32 v23, v41;
	v41 =	vbroadcast v62, $0x0;
	v47 =	vbroadcast v2, $0x0;
	v2 =	vld.idx.msk [tilespmem:v56+s18+$0x0], $0xffff;
	[tilespmem:s1+$0x60] =	vst v51  }
0x36e: {  	v63 =	vand.u32 $0x7A, v57;
	v61 =	vand.u32 $0x7B, v58;
	v50 =	vor.u32 v23, v40;
	v56 =	vld.idx.msk [tilespmem:v46+s18+$0x0], $0xffff;
	[tilespmem:s1+$0xE0] =	vst v52  }
0x36f: {  	v40 =	vbroadcast v63, $0x0;
	v42 =	vbroadcast v61, $0x0;
	v57 =	vld.idx.msk [tilespmem:v45+s18+$0x0], $0xffff;
	v52 =	vor.u32 v12, v41;
	[tilespmem:s1+$0x160] =	vst v55  }
0x370: {  	s0 =	sadd.s32 $0x6, s0;
	s10 =	sadd.s32 $0x400, s1;
	v62 =	vand.u32 $0x7C, v54;
	v1 =	vand.u32 $0x7D, v1;
	v51 =	vor.u32 v12, v47;
	v54 =	vld.idx.msk [tilespmem:v43+s18+$0x0], $0xffff;
	[tilespmem:s1+$0xFFFFFE60] =	vst v49  }
0x371: {  	v59 =	vmov s0;
	v45 =	vbroadcast v1, $0x0;
	v63 =	vor.u32 v12, v40;
	v58 =	vld.idx.msk [tilespmem:v60+s18+$0x0], $0xffff;
	[tilespmem:s10+$0xFFFFFE00] =	vst v48  }
0x372: {  	v1 =	vand.u32 $0x7E, v59;
	v43 =	vbroadcast v62, $0x0;
	v60 =	vor.u32 v12, v42;
	v53 =	vld.idx.msk [tilespmem:v53+s18+$0x0], $0xffff;
	[tilespmem:s1+$0xFFFFFEF0] =	vst v2  }
0x373: {  	v46 =	vbroadcast v1, $0x0;
	v61 =	vor.u32 v12, v45;
	v1 =	vld.idx.msk [tilespmem:v50+s18+$0x0], $0xffff;
	[tilespmem:s1+$0xFFFFFF70] =	vst v56  }
0x374: {  	v2 =	vor.u32 v12, v43;
	[tilespmem:s1+$0xFFFFFFF0] =	vst v57;
	v52 =	vld.idx.msk [tilespmem:v52+s18+$0x0], $0xffff  }
0x375: {  	v62 =	vor.u32 v12, v46;
	v51 =	vld.idx.msk [tilespmem:v51+s18+$0x0], $0xffff;
	[tilespmem:s1+$0x70] =	vst v54  }
0x376: {  	v54 =	vld.idx.msk [tilespmem:v63+s18+$0x0], $0xffff;
	v63 =	vor.u32 v17, v47;
	[tilespmem:s1+$0xF0] =	vst v58  }
0x377: {  	v49 =	vld.idx.msk [tilespmem:v60+s18+$0x0], $0xffff;
	[tilespmem:s1+$0x170] =	vst v53;
	v60 =	vor.u32 v17, v41  }
0x378: {  	v50 =	vld.idx.msk [tilespmem:v61+s18+$0x0], $0xffff;
	[tilespmem:s1+$0xFFFFFE70] =	vst v1;
	v1 =	vor.u32 v17, v40  }
0x379: {  	v61 =	vor.u32 v17, v42;
	v2 =	vld.idx.msk [tilespmem:v2+s18+$0x0], $0xffff;
	[tilespmem:s10+$0xFFFFFE80] =	vst v52  }
0x37a: {  	v56 =	vld.idx.msk [tilespmem:v62+s18+$0x0], $0xffff;
	v62 =	vor.u32 v17, v43;
	[tilespmem:s10+$0x180] =	vst v51  }
0x37b: {  	v55 =	vld.idx.msk [tilespmem:v63+s18+$0x0], $0xffff;
	[tilespmem:s10+$0xFFFFFF00] =	vst v54;
	v63 =	vor.u32 v17, v45  }
0x37c: {  	v53 =	vor.u32 v18, v47;
	[tilespmem:s10+$0xFFFFFF80] =	vst v49;
	v49 =	vld.idx.msk [tilespmem:v60+s18+$0x0], $0xffff  }
0x37d: {  	[tilespmem:s10+$0x80] =	vst v50;
	v60 =	vor.u32 v17, v44;
	v1 =	vld.idx.msk [tilespmem:v1+s18+$0x0], $0xffff  }
0x37e: {  	v51 =	vld.idx.msk [tilespmem:v61+s18+$0x0], $0xffff;
	v61 =	vor.u32 v18, v41;
	[tilespmem:s10+$0x0] =	vst v2  }
0x37f: {  	[tilespmem:s10+$0x100] =	vst v56;
	v2 =	vor.u32 v17, v46;
	v52 =	vld.idx.msk [tilespmem:v62+s18+$0x0], $0xffff  }
0x380: {  	v62 =	vor.u32 v18, v40;
	[tilespmem:s10+$0x190] =	vst v55;
	v54 =	vld.idx.msk [tilespmem:v63+s18+$0x0], $0xffff  }
0x381: {  	v63 =	vor.u32 v18, v42;
	[tilespmem:s10+$0xFFFFFE90] =	vst v49;
	v53 =	vld.idx.msk [tilespmem:v53+s18+$0x0], $0xffff  }
0x382: {  	v49 =	vor.u32 v18, v43;
	[tilespmem:s10+$0xFFFFFF10] =	vst v1;
	v1 =	vld.idx.msk [tilespmem:v60+s18+$0x0], $0xffff  }
0x383: {  	[tilespmem:s10+$0xFFFFFF90] =	vst v51;
	v51 =	vor.u32 v18, v45;
	v56 =	vld.idx.msk [tilespmem:v61+s18+$0x0], $0xffff  }
0x384: {  	v50 =	vor.u32 v19, v47;
	v2 =	vld.idx.msk [tilespmem:v2+s18+$0x0], $0xffff;
	[tilespmem:s10+$0x10] =	vst v52  }
0x385: {  	v61 =	vor.u32 v18, v46;
	v60 =	vld.idx.msk [tilespmem:v62+s18+$0x0], $0xffff;
	[tilespmem:s10+$0x90] =	vst v54  }
0x386: {  	v62 =	vor.u32 v18, v44;
	v48 =	vld.idx.msk [tilespmem:v63+s18+$0x0], $0xffff;
	[tilespmem:s10+$0x1A0] =	vst v53  }
0x387: {  	v63 =	vor.u32 v19, v41;
	v49 =	vld.idx.msk [tilespmem:v49+s18+$0x0], $0xffff;
	[tilespmem:s10+$0xFFFFFE10] =	vst v1  }
0x388: {  	v1 =	vld.idx.msk [tilespmem:v51+s18+$0x0], $0xffff;
	v51 =	vor.u32 v19, v42;
	[tilespmem:s10+$0xFFFFFEA0] =	vst v56  }
0x389: {  	[tilespmem:s10+$0x110] =	vst v2;
	v2 =	vor.u32 v19, v40;
	v50 =	vld.idx.msk [tilespmem:v50+s18+$0x0], $0xffff  }
0x38a: {  	v56 =	vor.u32 v20, v47;
	v55 =	vld.idx.msk [tilespmem:v61+s18+$0x0], $0xffff;
	[tilespmem:s10+$0xFFFFFF20] =	vst v60  }
0x38b: {  	v60 =	vor.u32 v19, v43;
	v54 =	vld.idx.msk [tilespmem:v62+s18+$0x0], $0xffff;
	[tilespmem:s10+$0xFFFFFFA0] =	vst v48  }
0x38c: {  	v61 =	vor.u32 v19, v45;
	v48 =	vld.idx.msk [tilespmem:v63+s18+$0x0], $0xffff;
	[tilespmem:s10+$0x20] =	vst v49  }
0x38d: {  	v62 =	vor.u32 v19, v46;
	v51 =	vld.idx.msk [tilespmem:v51+s18+$0x0], $0xffff;
	[tilespmem:s10+$0xA0] =	vst v1  }
0x38e: {  	v1 =	vor.u32 v20, v41;
	v2 =	vld.idx.msk [tilespmem:v2+s18+$0x0], $0xffff;
	[tilespmem:s10+$0x1B0] =	vst v50  }
0x38f: {  	v63 =	vor.u32 v19, v44;
	v56 =	vld.idx.msk [tilespmem:v56+s18+$0x0], $0xffff;
	[tilespmem:s10+$0x120] =	vst v55  }
0x390: {  	v59 =	vor.u32 v20, v40;
	v52 =	vld.idx.msk [tilespmem:v60+s18+$0x0], $0xffff;
	[tilespmem:s10+$0xFFFFFE20] =	vst v54  }
0x391: {  	v53 =	vld.idx.msk [tilespmem:v61+s18+$0x0], $0xffff;
	v61 =	vor.u32 v20, v42;
	[tilespmem:s10+$0xFFFFFEB0] =	vst v48  }
0x392: {  	v60 =	vor.u32 v21, v47;
	v49 =	vld.idx.msk [tilespmem:v62+s18+$0x0], $0xffff;
	[tilespmem:s10+$0xFFFFFFB0] =	vst v51  }
0x393: {  	v62 =	vor.u32 v20, v43;
	v1 =	vld.idx.msk [tilespmem:v1+s18+$0x0], $0xffff;
	[tilespmem:s10+$0xFFFFFF30] =	vst v2  }
0x394: {  	v51 =	vor.u32 v20, v45;
	v2 =	vld.idx.msk [tilespmem:v63+s18+$0x0], $0xffff;
	[tilespmem:s10+$0x1C0] =	vst v56  }
0x395: {  	v55 =	vld.idx.msk [tilespmem:v59+s18+$0x0], $0xffff;
	v56 =	vor.u32 v20, v46;
	[tilespmem:s10+$0x30] =	vst v52  }
0x396: {  	v63 =	vor.u32 v20, v44;
	[tilespmem:s10+$0xB0] =	vst v53;
	v48 =	vld.idx.msk [tilespmem:v61+s18+$0x0], $0xffff  }
0x397: {  	v54 =	vld.idx.msk [tilespmem:v60+s18+$0x0], $0xffff;
	v60 =	vor.u32 v21, v41;
	[tilespmem:s10+$0x130] =	vst v49  }
0x398: {  	v61 =	vld.idx.msk [tilespmem:v62+s18+$0x0], $0xffff;
	v62 =	vor.u32 v22, v47;
	[tilespmem:s10+$0xFFFFFEC0] =	vst v1  }
0x399: {  	v51 =	vld.idx.msk [tilespmem:v51+s18+$0x0], $0xffff;
	v1 =	vor.u32 v21, v42;
	[tilespmem:s10+$0xFFFFFE30] =	vst v2  }
0x39a: {  	v2 =	vor.u32 v21, v40;
	v56 =	vld.idx.msk [tilespmem:v56+s18+$0x0], $0xffff;
	[tilespmem:s10+$0xFFFFFF40] =	vst v55  }
0x39b: {  	v57 =	vor.u32 v21, v45;
	v52 =	vld.idx.msk [tilespmem:v63+s18+$0x0], $0xffff;
	[tilespmem:s10+$0xFFFFFFC0] =	vst v48  }
0x39c: {  	v63 =	vor.u32 v21, v43;
	[tilespmem:s10+$0x1D0] =	vst v54;
	v53 =	vld.idx.msk [tilespmem:v60+s18+$0x0], $0xffff  }
0x39d: {  	v58 =	vor.u32 v21, v46;
	[tilespmem:s10+$0x40] =	vst v61;
	v50 =	vld.idx.msk [tilespmem:v62+s18+$0x0], $0xffff  }
0x39e: {  	v59 =	vor.u32 v21, v44;
	[tilespmem:s10+$0xC0] =	vst v51;
	v1 =	vld.idx.msk [tilespmem:v1+s18+$0x0], $0xffff  }
0x39f: {  	v47 =	vor.u32 v23, v47;
	v2 =	vld.idx.msk [tilespmem:v2+s18+$0x0], $0xffff;
	[tilespmem:s10+$0x140] =	vst v56  }
0x3a0: {  	v60 =	vor.u32 v22, v41;
	v54 =	vld.idx.msk [tilespmem:v57+s18+$0x0], $0xffff;
	[tilespmem:s10+$0xFFFFFE40] =	vst v52  }
0x3a1: {  	v62 =	vor.u32 v22, v42;
	v55 =	vld.idx.msk [tilespmem:v63+s18+$0x0], $0xffff;
	[tilespmem:s10+$0xFFFFFED0] =	vst v53  }
0x3a2: {  	v61 =	vor.u32 v22, v40;
	v48 =	vld.idx.msk [tilespmem:v58+s18+$0x0], $0xffff;
	[tilespmem:s10+$0x1E0] =	vst v50  }
0x3a3: {  	v63 =	vor.u32 v22, v43;
	v49 =	vld.idx.msk [tilespmem:v59+s18+$0x0], $0xffff;
	[tilespmem:s10+$0xFFFFFFD0] =	vst v1  }
0x3a4: {  	v57 =	vor.u32 v22, v46;
	v47 =	vld.idx.msk [tilespmem:v47+s18+$0x0], $0xffff;
	[tilespmem:s10+$0xFFFFFF50] =	vst v2  }
0x3a5: {  	v1 =	vld.idx.msk [tilespmem:v60+s18+$0x0], $0xffff;
	v2 =	vor.u32 v22, v45;
	[tilespmem:s10+$0xD0] =	vst v54  }
0x3a6: {  	v58 =	vor.u32 v22, v44;
	v53 =	vld.idx.msk [tilespmem:v62+s18+$0x0], $0xffff;
	[tilespmem:s10+$0x50] =	vst v55  }
0x3a7: {  	v41 =	vor.u32 v23, v41;
	v52 =	vld.idx.msk [tilespmem:v61+s18+$0x0], $0xffff;
	[tilespmem:s10+$0x150] =	vst v48  }
0x3a8: {  	v42 =	vor.u32 v23, v42;
	v59 =	vld.idx.msk [tilespmem:v63+s18+$0x0], $0xffff;
	[tilespmem:s10+$0xFFFFFE50] =	vst v49  }
0x3a9: {  	v40 =	vor.u32 v23, v40;
	v60 =	vld.idx.msk [tilespmem:v57+s18+$0x0], $0xffff;
	[tilespmem:s10+$0x1F0] =	vst v47  }
0x3aa: {  	v43 =	vor.u32 v23, v43;
	[tilespmem:s10+$0xFFFFFEE0] =	vst v1;
	v2 =	vld.idx.msk [tilespmem:v2+s18+$0x0], $0xffff  }
0x3ab: {  	v46 =	vor.u32 v23, v46;
	v1 =	vld.idx.msk [tilespmem:v58+s18+$0x0], $0xffff;
	[tilespmem:s10+$0xFFFFFFE0] =	vst v53  }
0x3ac: {  	v61 =	vor.u32 v23, v44;
	v41 =	vld.idx.msk [tilespmem:v41+s18+$0x0], $0xffff;
	[tilespmem:s10+$0xFFFFFF60] =	vst v52  }
0x3ad: {  	v45 =	vor.u32 v23, v45;
	v42 =	vld.idx.msk [tilespmem:v42+s18+$0x0], $0xffff;
	[tilespmem:s10+$0x60] =	vst v59  }
0x3ae: {  	v40 =	vld.idx.msk [tilespmem:v40+s18+$0x0], $0xffff;
	[tilespmem:s10+$0x160] =	vst v60  }
0x3af: {  	[tilespmem:s10+$0xE0] =	vst v2;
	v2 =	vld.idx.msk [tilespmem:v43+s18+$0x0], $0xffff  }
0x3b0: {  	[tilespmem:s10+$0xFFFFFE60] =	vst v1;
	v1 =	vld.idx.msk [tilespmem:v46+s18+$0x0], $0xffff  }
0x3b1: {  	[tilespmem:s10+$0xFFFFFEF0] =	vst v41;
	v63 =	vld.idx.msk [tilespmem:v61+s18+$0x0], $0xffff  }
0x3b2: {  	v62 =	vld.idx.msk [tilespmem:v45+s18+$0x0], $0xffff;
	[tilespmem:s10+$0xFFFFFFF0] =	vst v42  }
0x3b3: {  	s7 =	sadd.s32 $0x3, s30;
	[tilespmem:s10+$0xFFFFFF70] =	vst v40  }
0x3b4: {  	[tilespmem:s10+$0x70] =	vst v2;
	v2 =	vadd.s32 s7, v0  }
0x3b5: {  	[tilespmem:s10+$0x170] =	vst v1  }
0x3b6: {  	[tilespmem:s10+$0xFFFFFE70] =	vst v63  }
0x3b7: {  	s9 =	sadd.s32 s31, s6;
	[tilespmem:s10+$0xF0] =	vst v62  }
0x3b8: {  	[hbm4b:s9+s20] =	stream.strided.scatter [tilespmem:s24], [sflag:$0x4], $0x2000, s21, s20, $0x38;
	[tilespmem:$0xDA00] =	vst v63  }
0x3b9: {  	s10 =	sadd.s32 $0x323, s30;
	v1 =	vld.idx.msk [tilespmem:v2+s3+$0x0], $0xffff  }
0x3ba: {  	v2 =	vadd.s32 s10, v0;
	_ =	sdelay $0x3  }
0x3bb: {  	[tilespmem:$0x1980] =	vst v1  }
0x3bc: {  	s31 =	sadd.s32 $0x643, s30;
	v1 =	vld.idx.msk [tilespmem:v2+s3+$0x0], $0xffff  }
0x3bd: {  	v2 =	vadd.s32 s31, v0;
	_ =	sdelay $0x3  }
0x3be: {  	[tilespmem:$0x1990] =	vst v1  }
0x3bf: {  	s1 =	sadd.s32 $0x963, s30;
	v1 =	vld.idx.msk [tilespmem:v2+s3+$0x0], $0xffff  }
0x3c0: {  	v2 =	vadd.s32 s1, v0;
	_ =	sdelay $0x3  }
0x3c1: {  	[tilespmem:$0x19A0] =	vst v1  }
0x3c2: {  	s7 =	sadd.s32 $0xC83, s30;
	v1 =	vld.idx.msk [tilespmem:v2+s3+$0x0], $0xffff  }
0x3c3: {  	v2 =	vadd.s32 s7, v0;
	_ =	sdelay $0x3  }
0x3c4: {  	[tilespmem:$0x19B0] =	vst v1  }
0x3c5: {  	s9 =	sadd.s32 $0xFA3, s30;
	v1 =	vld.idx.msk [tilespmem:v2+s3+$0x0], $0xffff  }
0x3c6: {  	v2 =	vadd.s32 s9, v0;
	_ =	sdelay $0x3  }
0x3c7: {  	[tilespmem:$0x19C0] =	vst v1  }
0x3c8: {  	s10 =	sadd.s32 $0x12C3, s30;
	v1 =	vld.idx.msk [tilespmem:v2+s3+$0x0], $0xffff  }
0x3c9: {  	v2 =	vadd.s32 s10, v0;
	_ =	sdelay $0x3  }
0x3ca: {  	[tilespmem:$0x19D0] =	vst v1  }
0x3cb: {  	s31 =	sadd.s32 $0x15E3, s30;
	v1 =	vld.idx.msk [tilespmem:v2+s3+$0x0], $0xffff  }
0x3cc: {  	v2 =	vadd.s32 s31, v0;
	_ =	sdelay $0x3  }
0x3cd: {  	[tilespmem:$0x19E0] =	vst v1  }
0x3ce: {  	s29 =	sadd.s32 $0x1, s29;
	v1 =	vld.idx.msk [tilespmem:v2+s3+$0x0], $0xffff  }
0x3cf: {  	p0 =	sne.s32 s29, $0x18  }
.Ltmp4:
0x3d0: {  	_ = 	snop;
	(pc) =	sbr.rel @p0 .LBB2_6-.Ltmp4, $3  }
0x3d1: {  	_ =	sdelay $0x1  }
0x3d2: {  	[tilespmem:$0x19F0] =	vst v1  }
0x3d3: {  	[tilespmem:s18], [sflag:$0x2] =	stream.indirect.gather [hbm4b:s4+s14], $0x80, s17, s14, $0xb8;
	[tilespmem:$0xDA00] =	vst v63  }
0x3d4: {  	s0 =	simm.s32 $0x0  }
0x3d5: {  	s29 =	simm.s32 $0x1;
	s1 =	simm.s32 $0x2;
	s7 =	simm.s32 $0x7;
	v1 =	vmov s0  }
0x3d6: {  	s30 =	simm.s32 $0x3;
	s31 =	simm.s32 $0x4;
	v2 =	vmov s29;
	v41 =	vmov s1;
	v42 =	vmov s7  }
0x3d7: {  	s9 =	simm.s32 $0x5;
	v43 =	vmov s30;
	v48 =	vmov s31;
	v1 =	vand.u32 $0x78, v1  }
0x3d8: {  	s10 =	simm.s32 $0x6;
	v49 =	vmov s9;
	v42 =	vand.u32 $0x7F, v42;
	v40 =	vbroadcast v1, $0x0  }
0x3d9: {  	_ =	swait.ge [sflag:s19], $0x4000;
	v50 =	vmov s10;
	v2 =	vand.u32 $0x79, v2;
	v44 =	vbroadcast v42, $0x0  }
0x3da: {  	[sflag:s19] =	ssyncset.done $0x0;
	v47 =	vbroadcast v2, $0x0;
	v2 =	vand.u32 $0x7A, v41;
	v1 =	vor.u32 v12, v40  }
0x3db: {  	[sflag:s19] =	ssyncadd.s32 $0xFFFFC000;
	v46 =	vbroadcast v2, $0x0;
	v2 =	vand.u32 $0x7B, v43;
	v51 =	vor.u32 v12, v44  }
0x3dc: {  	_ =	swait.ge [sflag:s25], $0x2000;
	v52 =	vor.u32 v12, v47;
	v45 =	vbroadcast v2, $0x0;
	v2 =	vand.u32 $0x7C, v48  }
0x3dd: {  	[sflag:s25] =	ssyncset.done $0x0;
	v59 =	vor.u32 v12, v46;
	v43 =	vbroadcast v2, $0x0;
	v2 =	vand.u32 $0x7D, v49  }
0x3de: {  	[sflag:s25] =	ssyncadd.s32 $0xFFFFE000;
	v60 =	vor.u32 v12, v45;
	v42 =	vbroadcast v2, $0x0;
	v2 =	vand.u32 $0x7E, v50  }
0x3df: {  	v61 =	vor.u32 v12, v43;
	v41 =	vbroadcast v2, $0x0;
	v1 =	vld.idx.msk [tilespmem:v1+s16+$0x0], $0xffff  }
0x3e0: {  	v2 =	vor.u32 v12, v42;
	v51 =	vld.idx.msk [tilespmem:v51+s16+$0x0], $0xffff  }
0x3e1: {  	v52 =	vld.idx.msk [tilespmem:v52+s16+$0x0], $0xffff;
	v53 =	vor.u32 v12, v41  }
0x3e2: {  	v54 =	vor.u32 v17, v44;
	v48 =	vld.idx.msk [tilespmem:v59+s16+$0x0], $0xffff  }
0x3e3: {  	v55 =	vor.u32 v17, v47;
	v49 =	vld.idx.msk [tilespmem:v60+s16+$0x0], $0xffff  }
0x3e4: {  	s1 =	simm.s32 $0x9C00;
	v56 =	vor.u32 v17, v46;
	v50 =	vld.idx.msk [tilespmem:v61+s16+$0x0], $0xffff  }
0x3e5: {  	v57 =	vor.u32 v17, v45;
	v2 =	vld.idx.msk [tilespmem:v2+s16+$0x0], $0xffff;
	[tilespmem:s1+$0x180] =	vst v51  }
0x3e6: {  	v58 =	vor.u32 v17, v43;
	v53 =	vld.idx.msk [tilespmem:v53+s16+$0x0], $0xffff;
	[tilespmem:s1+$0xFFFFFE80] =	vst v52  }
0x3e7: {  	v62 =	vor.u32 v17, v42;
	[tilespmem:s1+$0xFFFFFE00] =	vst v1;
	v52 =	vld.idx.msk [tilespmem:v54+s16+$0x0], $0xffff  }
0x3e8: {  	v54 =	vld.idx.msk [tilespmem:v55+s16+$0x0], $0xffff;
	[tilespmem:s1+$0xFFFFFF00] =	vst v48;
	v48 =	vor.u32 v17, v41  }
0x3e9: {  	v60 =	vor.u32 v17, v40;
	v55 =	vld.idx.msk [tilespmem:v56+s16+$0x0], $0xffff;
	[tilespmem:s1+$0xFFFFFF80] =	vst v49  }
0x3ea: {  	v63 =	vor.u32 v18, v44;
	v57 =	vld.idx.msk [tilespmem:v57+s16+$0x0], $0xffff;
	[tilespmem:s1+$0x0] =	vst v50  }
0x3eb: {  	v61 =	vor.u32 v18, v47;
	v58 =	vld.idx.msk [tilespmem:v58+s16+$0x0], $0xffff;
	[tilespmem:s1+$0x80] =	vst v2  }
0x3ec: {  	v2 =	vor.u32 v18, v46;
	v51 =	vld.idx.msk [tilespmem:v62+s16+$0x0], $0xffff;
	[tilespmem:s1+$0x100] =	vst v53  }
0x3ed: {  	v62 =	vor.u32 v18, v45;
	v48 =	vld.idx.msk [tilespmem:v48+s16+$0x0], $0xffff;
	[tilespmem:s1+$0x190] =	vst v52  }
0x3ee: {  	v1 =	vor.u32 v18, v43;
	v52 =	vld.idx.msk [tilespmem:v60+s16+$0x0], $0xffff;
	[tilespmem:s1+$0xFFFFFE90] =	vst v54  }
0x3ef: {  	v54 =	vor.u32 v18, v42;
	v49 =	vld.idx.msk [tilespmem:v63+s16+$0x0], $0xffff;
	[tilespmem:s1+$0xFFFFFF10] =	vst v55  }
0x3f0: {  	v56 =	vor.u32 v18, v41;
	v50 =	vld.idx.msk [tilespmem:v61+s16+$0x0], $0xffff;
	[tilespmem:s1+$0xFFFFFF90] =	vst v57  }
0x3f1: {  	v63 =	vor.u32 v19, v44;
	v2 =	vld.idx.msk [tilespmem:v2+s16+$0x0], $0xffff;
	[tilespmem:s1+$0x10] =	vst v58  }
0x3f2: {  	v61 =	vor.u32 v19, v47;
	v53 =	vld.idx.msk [tilespmem:v62+s16+$0x0], $0xffff;
	[tilespmem:s1+$0x90] =	vst v51  }
0x3f3: {  	v60 =	vor.u32 v18, v40;
	v1 =	vld.idx.msk [tilespmem:v1+s16+$0x0], $0xffff;
	[tilespmem:s1+$0x110] =	vst v48  }
0x3f4: {  	v62 =	vor.u32 v19, v46;
	v54 =	vld.idx.msk [tilespmem:v54+s16+$0x0], $0xffff;
	[tilespmem:s1+$0xFFFFFE10] =	vst v52  }
0x3f5: {  	[tilespmem:s1+$0x1A0] =	vst v49;
	v49 =	vor.u32 v19, v45;
	v55 =	vld.idx.msk [tilespmem:v56+s16+$0x0], $0xffff  }
0x3f6: {  	[tilespmem:s1+$0xFFFFFEA0] =	vst v50;
	v48 =	vld.idx.msk [tilespmem:v63+s16+$0x0], $0xffff;
	v63 =	vor.u32 v19, v43  }
0x3f7: {  	v57 =	vld.idx.msk [tilespmem:v61+s16+$0x0], $0xffff;
	v61 =	vor.u32 v19, v41;
	[tilespmem:s1+$0xFFFFFF20] =	vst v2  }
0x3f8: {  	v56 =	vld.idx.msk [tilespmem:v60+s16+$0x0], $0xffff;
	v60 =	vor.u32 v20, v44;
	[tilespmem:s1+$0xFFFFFFA0] =	vst v53  }
0x3f9: {  	v2 =	vor.u32 v19, v42;
	v51 =	vld.idx.msk [tilespmem:v62+s16+$0x0], $0xffff;
	[tilespmem:s1+$0x20] =	vst v1  }
0x3fa: {  	v62 =	vor.u32 v19, v40;
	[tilespmem:s1+$0xA0] =	vst v54;
	v49 =	vld.idx.msk [tilespmem:v49+s16+$0x0], $0xffff  }
0x3fb: {  	v1 =	vor.u32 v20, v47;
	[tilespmem:s1+$0x120] =	vst v55;
	v52 =	vld.idx.msk [tilespmem:v63+s16+$0x0], $0xffff  }
0x3fc: {  	[tilespmem:s1+$0x1B0] =	vst v48;
	v48 =	vor.u32 v20, v46;
	v53 =	vld.idx.msk [tilespmem:v61+s16+$0x0], $0xffff  }
0x3fd: {  	[tilespmem:s1+$0xFFFFFE20] =	vst v56;
	v63 =	vor.u32 v20, v45;
	v50 =	vld.idx.msk [tilespmem:v60+s16+$0x0], $0xffff  }
0x3fe: {  	[tilespmem:s1+$0xFFFFFEB0] =	vst v57;
	v61 =	vor.u32 v20, v43;
	v2 =	vld.idx.msk [tilespmem:v2+s16+$0x0], $0xffff  }
0x3ff: {  	v60 =	vor.u32 v21, v44;
	v56 =	vld.idx.msk [tilespmem:v62+s16+$0x0], $0xffff;
	[tilespmem:s1+$0xFFFFFF30] =	vst v51  }
0x400: {  	v1 =	vld.idx.msk [tilespmem:v1+s16+$0x0], $0xffff;
	v62 =	vor.u32 v20, v42;
	[tilespmem:s1+$0xFFFFFFB0] =	vst v49  }
0x401: {  	v58 =	vor.u32 v20, v40;
	v48 =	vld.idx.msk [tilespmem:v48+s16+$0x0], $0xffff;
	[tilespmem:s1+$0x30] =	vst v52  }
0x402: {  	v49 =	vor.u32 v20, v41;
	v54 =	vld.idx.msk [tilespmem:v63+s16+$0x0], $0xffff;
	[tilespmem:s1+$0x130] =	vst v53  }
0x403: {  	[tilespmem:s1+$0x1C0] =	vst v50;
	v50 =	vor.u32 v21, v47;
	v57 =	vld.idx.msk [tilespmem:v61+s16+$0x0], $0xffff  }
0x404: {  	[tilespmem:s1+$0xB0] =	vst v2;
	v63 =	vld.idx.msk [tilespmem:v60+s16+$0x0], $0xffff;
	v60 =	vor.u32 v21, v46  }
0x405: {  	v2 =	vld.idx.msk [tilespmem:v62+s16+$0x0], $0xffff;
	[tilespmem:s1+$0xFFFFFE30] =	vst v56;
	v62 =	vor.u32 v21, v45  }
0x406: {  	[tilespmem:s1+$0xFFFFFEC0] =	vst v1;
	v1 =	vor.u32 v21, v43;
	v56 =	vld.idx.msk [tilespmem:v58+s16+$0x0], $0xffff  }
0x407: {  	v61 =	vor.u32 v22, v44;
	v49 =	vld.idx.msk [tilespmem:v49+s16+$0x0], $0xffff;
	[tilespmem:s1+$0xFFFFFF40] =	vst v48  }
0x408: {  	v52 =	vor.u32 v21, v40;
	[tilespmem:s1+$0xFFFFFFC0] =	vst v54;
	v50 =	vld.idx.msk [tilespmem:v50+s16+$0x0], $0xffff  }
0x409: {  	v48 =	vor.u32 v21, v42;
	[tilespmem:s1+$0x40] =	vst v57;
	v55 =	vld.idx.msk [tilespmem:v60+s16+$0x0], $0xffff  }
0x40a: {  	v58 =	vor.u32 v21, v41;
	[tilespmem:s1+$0x1D0] =	vst v63;
	v60 =	vld.idx.msk [tilespmem:v62+s16+$0x0], $0xffff  }
0x40b: {  	v54 =	vor.u32 v22, v47;
	v1 =	vld.idx.msk [tilespmem:v1+s16+$0x0], $0xffff;
	[tilespmem:s1+$0xC0] =	vst v2  }
0x40c: {  	v53 =	vor.u32 v22, v46;
	v51 =	vld.idx.msk [tilespmem:v61+s16+$0x0], $0xffff;
	[tilespmem:s1+$0xFFFFFE40] =	vst v56  }
0x40d: {  	v2 =	vor.u32 v23, v44;
	[tilespmem:s1+$0x140] =	vst v49;
	v61 =	vld.idx.msk [tilespmem:v52+s16+$0x0], $0xffff  }
0x40e: {  	s0 =	simm.s32 $0x8;
	v57 =	vld.idx.msk [tilespmem:v48+s16+$0x0], $0xffff;
	v48 =	vor.u32 v22, v45;
	[tilespmem:s1+$0xFFFFFED0] =	vst v50  }
0x40f: {  	v63 =	vmov s0;
	v52 =	vor.u32 v22, v43;
	v58 =	vld.idx.msk [tilespmem:v58+s16+$0x0], $0xffff;
	[tilespmem:s1+$0xFFFFFF50] =	vst v55  }
0x410: {  	v44 =	vand.u32 $0x78, v63;
	v49 =	vld.idx.msk [tilespmem:v54+s16+$0x0], $0xffff;
	v54 =	vor.u32 v22, v42;
	[tilespmem:s1+$0xFFFFFFD0] =	vst v60  }
0x411: {  	v44 =	vbroadcast v44, $0x0;
	v55 =	vor.u32 v22, v41;
	[tilespmem:s1+$0x1E0] =	vst v51;
	v53 =	vld.idx.msk [tilespmem:v53+s16+$0x0], $0xffff  }
0x412: {  	v60 =	vor.u32 v22, v40;
	[tilespmem:s1+$0x50] =	vst v1;
	v59 =	vld.idx.msk [tilespmem:v2+s16+$0x0], $0xffff  }
0x413: {  	[tilespmem:s1+$0xFFFFFE50] =	vst v61;
	v50 =	vld.idx.msk [tilespmem:v48+s16+$0x0], $0xffff;
	v48 =	vor.u32 v12, v44  }
0x414: {  	s29 =	simm.s32 $0x9;
	v56 =	vor.u32 v23, v47;
	v51 =	vld.idx.msk [tilespmem:v52+s16+$0x0], $0xffff;
	[tilespmem:s1+$0xD0] =	vst v57  }
0x415: {  	s9 =	simm.s32 $0xA;
	s30 =	simm.s32 $0xB;
	s31 =	simm.s32 $0xC;
	v46 =	vor.u32 v23, v46;
	v47 =	vmov s29;
	v45 =	vor.u32 v23, v45;
	[tilespmem:s1+$0x150] =	vst v58;
	v52 =	vld.idx.msk [tilespmem:v54+s16+$0x0], $0xffff  }
0x416: {  	s10 =	simm.s32 $0xD;
	s7 =	simm.s32 $0x10;
	v57 =	vmov s9;
	v58 =	vmov s30;
	s9 =	simm.s32 $0xF;
	v54 =	vmov s31;
	v55 =	vld.idx.msk [tilespmem:v55+s16+$0x0], $0xffff  }
.LBB2_12:
0x417: {  	p0 =	slt.u32 s7, $0x38;
	v1 =	vmov s10;
	s10 =	sadd.s32 $0x6, s0;
	v2 =	vmov s9;
	v60 =	vld.idx.msk [tilespmem:v60+s16+$0x0], $0xffff;
	v43 =	vor.u32 v23, v43;
	[tilespmem:s1+$0x1F0] =	vst v59;
	s0 =	smov.u32 s7  }
0x418: {  	v42 =	vor.u32 v23, v42;
	v59 =	vld.idx.msk [tilespmem:v48+s16+$0x0], $0xffff;
	v61 =	vmov s10;
	v2 =	vand.u32 $0x7F, v2;
	[tilespmem:s1+$0xFFFFFEE0] =	vst v49  }
0x419: {  	v47 =	vand.u32 $0x79, v47;
	v41 =	vor.u32 v23, v41;
	v48 =	vbroadcast v2, $0x0;
	v2 =	vld.idx.msk [tilespmem:v56+s16+$0x0], $0xffff;
	[tilespmem:s1+$0xFFFFFF60] =	vst v53  }
0x41a: {  	v47 =	vbroadcast v47, $0x0;
	v49 =	vand.u32 $0x7A, v57;
	v53 =	vor.u32 v23, v40;
	v40 =	vmovc v44;
	v56 =	vld.idx.msk [tilespmem:v46+s16+$0x0], $0xffff;
	[tilespmem:s1+$0xFFFFFFE0] =	vst v50  }
0x41b: {  	v44 =	vand.u32 $0x7B, v58;
	v46 =	vbroadcast v49, $0x0;
	v49 =	vor.u32 v12, v48;
	v50 =	vld.idx.msk [tilespmem:v45+s16+$0x0], $0xffff;
	[tilespmem:s1+$0x60] =	vst v51  }
0x41c: {  	v51 =	vor.u32 v12, v47;
	v45 =	vbroadcast v44, $0x0;
	v44 =	vand.u32 $0x7C, v54;
	v54 =	vld.idx.msk [tilespmem:v43+s16+$0x0], $0xffff;
	[tilespmem:s1+$0xE0] =	vst v52  }
0x41d: {  	v1 =	vand.u32 $0x7D, v1;
	v52 =	vor.u32 v12, v46;
	v43 =	vbroadcast v44, $0x0;
	v44 =	vld.idx.msk [tilespmem:v42+s16+$0x0], $0xffff;
	[tilespmem:s1+$0x160] =	vst v55  }
0x41e: {  	v55 =	vor.u32 v12, v45;
	v42 =	vbroadcast v1, $0x0;
	v1 =	vand.u32 $0x7E, v61;
	[tilespmem:s1+$0xFFFFFE60] =	vst v60;
	v57 =	vld.idx.msk [tilespmem:v41+s16+$0x0], $0xffff  }
0x41f: {  	v58 =	vor.u32 v12, v43;
	v41 =	vbroadcast v1, $0x0;
	v1 =	vld.idx.msk [tilespmem:v53+s16+$0x0], $0xffff;
	[tilespmem:s1+$0xFFFFFEF0] =	vst v2  }
0x420: {  	v2 =	vor.u32 v12, v42;
	v49 =	vld.idx.msk [tilespmem:v49+s16+$0x0], $0xffff;
	[tilespmem:s1+$0xFFFFFF70] =	vst v56  }
0x421: {  	v53 =	vor.u32 v12, v41;
	v51 =	vld.idx.msk [tilespmem:v51+s16+$0x0], $0xffff;
	[tilespmem:s1+$0xFFFFFFF0] =	vst v50  }
0x422: {  	v50 =	vld.idx.msk [tilespmem:v52+s16+$0x0], $0xffff;
	v52 =	vor.u32 v17, v48;
	[tilespmem:s1+$0x70] =	vst v54  }
0x423: {  	v54 =	vor.u32 v17, v47;
	v55 =	vld.idx.msk [tilespmem:v55+s16+$0x0], $0xffff;
	[tilespmem:s1+$0xF0] =	vst v44  }
0x424: {  	v44 =	vor.u32 v17, v46;
	v56 =	vld.idx.msk [tilespmem:v58+s16+$0x0], $0xffff;
	[tilespmem:s1+$0x170] =	vst v57  }
0x425: {  	v57 =	vor.u32 v17, v45;
	v2 =	vld.idx.msk [tilespmem:v2+s16+$0x0], $0xffff;
	[tilespmem:s1+$0xFFFFFE70] =	vst v1;
	s1 =	sadd.s32 $0x400, s1  }
0x426: {  	v1 =	vor.u32 v17, v43;
	v53 =	vld.idx.msk [tilespmem:v53+s16+$0x0], $0xffff;
	[tilespmem:s1+$0x180] =	vst v49  }
0x427: {  	v49 =	vor.u32 v17, v42;
	[tilespmem:s1+$0xFFFFFE80] =	vst v51;
	v51 =	vld.idx.msk [tilespmem:v52+s16+$0x0], $0xffff  }
0x428: {  	v52 =	vld.idx.msk [tilespmem:v54+s16+$0x0], $0xffff;
	[tilespmem:s1+$0xFFFFFF00] =	vst v50;
	v50 =	vor.u32 v17, v41  }
0x429: {  	v54 =	vor.u32 v18, v48;
	v44 =	vld.idx.msk [tilespmem:v44+s16+$0x0], $0xffff;
	[tilespmem:s1+$0xFFFFFF80] =	vst v55  }
0x42a: {  	v55 =	vor.u32 v17, v40;
	v57 =	vld.idx.msk [tilespmem:v57+s16+$0x0], $0xffff;
	[tilespmem:s1+$0x0] =	vst v56  }
0x42b: {  	v56 =	vor.u32 v18, v47;
	v1 =	vld.idx.msk [tilespmem:v1+s16+$0x0], $0xffff;
	[tilespmem:s1+$0x80] =	vst v2  }
0x42c: {  	v2 =	vor.u32 v18, v46;
	v49 =	vld.idx.msk [tilespmem:v49+s16+$0x0], $0xffff;
	[tilespmem:s1+$0x100] =	vst v53  }
0x42d: {  	v53 =	vor.u32 v18, v45;
	v50 =	vld.idx.msk [tilespmem:v50+s16+$0x0], $0xffff;
	[tilespmem:s1+$0x190] =	vst v51  }
0x42e: {  	v51 =	vor.u32 v18, v43;
	[tilespmem:s1+$0xFFFFFE00] =	vst v59;
	v54 =	vld.idx.msk [tilespmem:v54+s16+$0x0], $0xffff  }
0x42f: {  	v55 =	vld.idx.msk [tilespmem:v55+s16+$0x0], $0xffff;
	[tilespmem:s1+$0xFFFFFE90] =	vst v52;
	v52 =	vor.u32 v18, v42  }
0x430: {  	v56 =	vld.idx.msk [tilespmem:v56+s16+$0x0], $0xffff;
	[tilespmem:s1+$0xFFFFFF10] =	vst v44;
	v44 =	vor.u32 v19, v48  }
0x431: {  	v2 =	vld.idx.msk [tilespmem:v2+s16+$0x0], $0xffff;
	[tilespmem:s1+$0xFFFFFF90] =	vst v57;
	v57 =	vor.u32 v18, v41  }
0x432: {  	v58 =	vor.u32 v18, v40;
	v53 =	vld.idx.msk [tilespmem:v53+s16+$0x0], $0xffff;
	[tilespmem:s1+$0x10] =	vst v1  }
0x433: {  	v1 =	vor.u32 v19, v47;
	v51 =	vld.idx.msk [tilespmem:v51+s16+$0x0], $0xffff;
	[tilespmem:s1+$0x90] =	vst v49  }
0x434: {  	v49 =	vor.u32 v19, v46;
	v52 =	vld.idx.msk [tilespmem:v52+s16+$0x0], $0xffff;
	[tilespmem:s1+$0x1A0] =	vst v54  }
0x435: {  	v54 =	vor.u32 v19, v45;
	[tilespmem:s1+$0x110] =	vst v50;
	v44 =	vld.idx.msk [tilespmem:v44+s16+$0x0], $0xffff  }
0x436: {  	v50 =	vor.u32 v19, v43;
	[tilespmem:s1+$0xFFFFFE10] =	vst v55;
	v55 =	vld.idx.msk [tilespmem:v57+s16+$0x0], $0xffff  }
0x437: {  	v57 =	vld.idx.msk [tilespmem:v58+s16+$0x0], $0xffff;
	[tilespmem:s1+$0xFFFFFEA0] =	vst v56;
	v56 =	vor.u32 v20, v48  }
0x438: {  	v1 =	vld.idx.msk [tilespmem:v1+s16+$0x0], $0xffff;
	[tilespmem:s1+$0xFFFFFF20] =	vst v2;
	v2 =	vor.u32 v19, v42  }
0x439: {  	v49 =	vld.idx.msk [tilespmem:v49+s16+$0x0], $0xffff;
	[tilespmem:s1+$0xFFFFFFA0] =	vst v53;
	v53 =	vor.u32 v19, v41  }
0x43a: {  	v58 =	vor.u32 v19, v40;
	v54 =	vld.idx.msk [tilespmem:v54+s16+$0x0], $0xffff;
	[tilespmem:s1+$0x20] =	vst v51  }
0x43b: {  	v51 =	vor.u32 v20, v47;
	v50 =	vld.idx.msk [tilespmem:v50+s16+$0x0], $0xffff;
	[tilespmem:s1+$0x1B0] =	vst v44  }
0x43c: {  	v44 =	vor.u32 v20, v46;
	[tilespmem:s1+$0xA0] =	vst v52;
	v52 =	vld.idx.msk [tilespmem:v56+s16+$0x0], $0xffff  }
0x43d: {  	v56 =	vor.u32 v20, v45;
	v2 =	vld.idx.msk [tilespmem:v2+s16+$0x0], $0xffff;
	[tilespmem:s1+$0x120] =	vst v55  }
0x43e: {  	v55 =	vor.u32 v21, v48;
	[tilespmem:s1+$0xFFFFFE20] =	vst v57;
	v53 =	vld.idx.msk [tilespmem:v53+s16+$0x0], $0xffff  }
0x43f: {  	v57 =	vld.idx.msk [tilespmem:v58+s16+$0x0], $0xffff;
	[tilespmem:s1+$0xFFFFFEB0] =	vst v1;
	v1 =	vor.u32 v20, v43  }
0x440: {  	v51 =	vld.idx.msk [tilespmem:v51+s16+$0x0], $0xffff;
	[tilespmem:s1+$0xFFFFFF30] =	vst v49;
	v49 =	vor.u32 v20, v42  }
0x441: {  	v44 =	vld.idx.msk [tilespmem:v44+s16+$0x0], $0xffff;
	[tilespmem:s1+$0xFFFFFFB0] =	vst v54;
	v54 =	vor.u32 v20, v41  }
0x442: {  	v58 =	vor.u32 v20, v40;
	v56 =	vld.idx.msk [tilespmem:v56+s16+$0x0], $0xffff;
	[tilespmem:s1+$0x1C0] =	vst v52  }
0x443: {  	v52 =	vor.u32 v21, v47;
	[tilespmem:s1+$0x30] =	vst v50;
	v50 =	vld.idx.msk [tilespmem:v55+s16+$0x0], $0xffff  }
0x444: {  	v55 =	vor.u32 v21, v46;
	v1 =	vld.idx.msk [tilespmem:v1+s16+$0x0], $0xffff;
	[tilespmem:s1+$0xB0] =	vst v2  }
0x445: {  	v2 =	vld.idx.msk [tilespmem:v49+s16+$0x0], $0xffff;
	[tilespmem:s1+$0x130] =	vst v53;
	v49 =	vor.u32 v22, v48  }
0x446: {  	v53 =	vor.u32 v21, v45;
	[tilespmem:s1+$0xFFFFFE30] =	vst v57;
	v54 =	vld.idx.msk [tilespmem:v54+s16+$0x0], $0xffff  }
0x447: {  	v57 =	vld.idx.msk [tilespmem:v58+s16+$0x0], $0xffff;
	[tilespmem:s1+$0xFFFFFEC0] =	vst v51;
	v51 =	vor.u32 v21, v43  }
0x448: {  	v52 =	vld.idx.msk [tilespmem:v52+s16+$0x0], $0xffff;
	[tilespmem:s1+$0xFFFFFF40] =	vst v44;
	v44 =	vor.u32 v21, v42  }
0x449: {  	v58 =	vor.u32 v21, v41;
	v55 =	vld.idx.msk [tilespmem:v55+s16+$0x0], $0xffff;
	[tilespmem:s1+$0x1D0] =	vst v50  }
0x44a: {  	v50 =	vor.u32 v21, v40;
	[tilespmem:s1+$0xFFFFFFC0] =	vst v56;
	v56 =	vld.idx.msk [tilespmem:v49+s16+$0x0], $0xffff  }
0x44b: {  	v49 =	vor.u32 v22, v47;
	v61 =	vld.idx.msk [tilespmem:v53+s16+$0x0], $0xffff;
	[tilespmem:s1+$0x40] =	vst v1  }
0x44c: {  	v1 =	vld.idx.msk [tilespmem:v51+s16+$0x0], $0xffff;
	[tilespmem:s1+$0xC0] =	vst v2;
	v2 =	vor.u32 v23, v48  }
0x44d: {  	v48 =	vor.u32 v22, v46;
	v62 =	vld.idx.msk [tilespmem:v44+s16+$0x0], $0xffff;
	[tilespmem:s1+$0x140] =	vst v54  }
0x44e: {  	v51 =	vor.u32 v22, v45;
	[tilespmem:s1+$0xFFFFFE40] =	vst v57;
	v54 =	vld.idx.msk [tilespmem:v58+s16+$0x0], $0xffff  }
0x44f: {  	v44 =	vmov s7;
	v63 =	vld.idx.msk [tilespmem:v50+s16+$0x0], $0xffff;
	[tilespmem:s1+$0xFFFFFED0] =	vst v52;
	v52 =	vor.u32 v22, v43  }
0x450: {  	v44 =	vand.u32 $0x78, v44;
	v58 =	vor.u32 v22, v42;
	v49 =	vld.idx.msk [tilespmem:v49+s16+$0x0], $0xffff;
	[tilespmem:s1+$0x1E0] =	vst v56  }
0x451: {  	v44 =	vbroadcast v44, $0x0;
	[tilespmem:s1+$0xFFFFFF50] =	vst v55;
	v55 =	vor.u32 v22, v41;
	v59 =	vld.idx.msk [tilespmem:v2+s16+$0x0], $0xffff  }
.Ltmp5:
0x452: {  	v60 =	vor.u32 v22, v40;
	v53 =	vld.idx.msk [tilespmem:v48+s16+$0x0], $0xffff;
	[tilespmem:s1+$0xFFFFFFD0] =	vst v61;
	(pc) =	sbr.rel @p0 .LBB2_12-.Ltmp5, $4  }
0x453: {  	v48 =	vor.u32 v12, v44;
	v50 =	vld.idx.msk [tilespmem:v51+s16+$0x0], $0xffff;
	[tilespmem:s1+$0x50] =	vst v1  }
0x454: {  	s9 =	sadd.s32 $0x1, s7;
	s10 =	sadd.s32 $0x2, s7;
	v56 =	vor.u32 v23, v47;
	v51 =	vld.idx.msk [tilespmem:v52+s16+$0x0], $0xffff;
	[tilespmem:s1+$0xD0] =	vst v62  }
0x455: {  	v46 =	vor.u32 v23, v46;
	v57 =	vmov s10;
	s10 =	sadd.s32 $0x4, s7;
	v47 =	vmov s9;
	s9 =	sadd.s32 $0x3, s7;
	v52 =	vld.idx.msk [tilespmem:v58+s16+$0x0], $0xffff;
	[tilespmem:s1+$0x150] =	vst v54  }
0x456: {  	v45 =	vor.u32 v23, v45;
	s7 =	sadd.s32 $0x8, s7;
	v58 =	vmov s9;
	v54 =	vmov s10;
	s10 =	sadd.s32 $0x5, s0;
	s9 =	sadd.s32 $0x7, s0;
	[tilespmem:s1+$0xFFFFFE50] =	vst v63;
	v55 =	vld.idx.msk [tilespmem:v55+s16+$0x0], $0xffff  }
0x457: {  	_ =	sdelay $0x2  }
0x458: {  	[tilespmem:s1+$0x1F0] =	vst v59;
	v1 =	vmov s10  }
0x459: {  	v2 =	vmov s9;
	v43 =	vor.u32 v23, v43;
	[tilespmem:s1+$0xFFFFFEE0] =	vst v49;
	v49 =	vld.idx.msk [tilespmem:v60+s16+$0x0], $0xffff;
	v60 =	vor.u32 v23, v42  }
0x45a: {  	[tilespmem:s1+$0xFFFFFF60] =	vst v53;
	v63 =	vand.u32 $0x79, v47;
	v53 =	vor.u32 v23, v41;
	v48 =	vld.idx.msk [tilespmem:v48+s16+$0x0], $0xffff;
	v2 =	vand.u32 $0x7F, v2  }
0x45b: {  	v62 =	vand.u32 $0x7B, v58;
	[tilespmem:s1+$0xFFFFFFE0] =	vst v50;
	v41 =	vbroadcast v63, $0x0;
	v47 =	vbroadcast v2, $0x0;
	v2 =	vld.idx.msk [tilespmem:v56+s16+$0x0], $0xffff  }
0x45c: {  	v61 =	vand.u32 $0x7A, v57;
	v50 =	vor.u32 v23, v40;
	v42 =	vbroadcast v62, $0x0;
	v56 =	vld.idx.msk [tilespmem:v46+s16+$0x0], $0xffff;
	[tilespmem:s1+$0x60] =	vst v51  }
0x45d: {  	v58 =	vand.u32 $0x7C, v54;
	v1 =	vand.u32 $0x7D, v1;
	v57 =	vld.idx.msk [tilespmem:v45+s16+$0x0], $0xffff;
	[tilespmem:s1+$0xE0] =	vst v52;
	v63 =	vor.u32 v12, v41  }
0x45e: {  	s0 =	sadd.s32 $0x6, s0;
	v40 =	vbroadcast v61, $0x0;
	v45 =	vbroadcast v1, $0x0;
	v61 =	vor.u32 v12, v42;
	[tilespmem:s1+$0x160] =	vst v55;
	v54 =	vld.idx.msk [tilespmem:v43+s16+$0x0], $0xffff  }
0x45f: {  	s7 =	sadd.s32 $0x400, s1;
	v59 =	vmov s0;
	v51 =	vor.u32 v12, v47;
	v43 =	vbroadcast v58, $0x0;
	v58 =	vld.idx.msk [tilespmem:v60+s16+$0x0], $0xffff;
	[tilespmem:s1+$0xFFFFFE60] =	vst v49  }
0x460: {  	v1 =	vand.u32 $0x7E, v59;
	v62 =	vor.u32 v12, v45;
	v53 =	vld.idx.msk [tilespmem:v53+s16+$0x0], $0xffff;
	[tilespmem:s7+$0xFFFFFE00] =	vst v48  }
0x461: {  	v46 =	vbroadcast v1, $0x0;
	v55 =	vor.u32 v12, v40;
	v1 =	vld.idx.msk [tilespmem:v50+s16+$0x0], $0xffff;
	[tilespmem:s1+$0xFFFFFEF0] =	vst v2  }
0x462: {  	v2 =	vor.u32 v12, v43;
	[tilespmem:s1+$0xFFFFFF70] =	vst v56;
	v52 =	vld.idx.msk [tilespmem:v63+s16+$0x0], $0xffff  }
0x463: {  	[tilespmem:s1+$0xFFFFFFF0] =	vst v57;
	v63 =	vor.u32 v12, v46;
	v49 =	vld.idx.msk [tilespmem:v61+s16+$0x0], $0xffff  }
0x464: {  	v61 =	vor.u32 v17, v41;
	v51 =	vld.idx.msk [tilespmem:v51+s16+$0x0], $0xffff;
	[tilespmem:s1+$0x70] =	vst v54  }
0x465: {  	v60 =	vor.u32 v17, v47;
	v50 =	vld.idx.msk [tilespmem:v62+s16+$0x0], $0xffff;
	[tilespmem:s1+$0xF0] =	vst v58  }
0x466: {  	v62 =	vor.u32 v17, v42;
	v54 =	vld.idx.msk [tilespmem:v55+s16+$0x0], $0xffff;
	[tilespmem:s1+$0xFFFFFE70] =	vst v1  }
0x467: {  	v2 =	vld.idx.msk [tilespmem:v2+s16+$0x0], $0xffff;
	[tilespmem:s7+$0xFFFFFE80] =	vst v52  }
0x468: {  	v1 =	vor.u32 v17, v40;
	v56 =	vld.idx.msk [tilespmem:v63+s16+$0x0], $0xffff;
	[tilespmem:s7+$0xFFFFFF80] =	vst v49  }
0x469: {  	v63 =	vor.u32 v17, v43;
	[tilespmem:s7+$0x180] =	vst v51;
	v49 =	vld.idx.msk [tilespmem:v61+s16+$0x0], $0xffff  }
0x46a: {  	[tilespmem:s1+$0x170] =	vst v53;
	v55 =	vld.idx.msk [tilespmem:v60+s16+$0x0], $0xffff;
	v60 =	vor.u32 v17, v45  }
0x46b: {  	[tilespmem:s7+$0x80] =	vst v50;
	v51 =	vld.idx.msk [tilespmem:v62+s16+$0x0], $0xffff;
	v62 =	vor.u32 v18, v41  }
0x46c: {  	v53 =	vor.u32 v18, v47;
	[tilespmem:s7+$0xFFFFFF00] =	vst v54  }
0x46d: {  	v61 =	vor.u32 v17, v44;
	v1 =	vld.idx.msk [tilespmem:v1+s16+$0x0], $0xffff;
	[tilespmem:s7+$0x0] =	vst v2  }
0x46e: {  	v2 =	vor.u32 v17, v46;
	[tilespmem:s7+$0x100] =	vst v56;
	v52 =	vld.idx.msk [tilespmem:v63+s16+$0x0], $0xffff  }
0x46f: {  	v63 =	vor.u32 v18, v40;
	[tilespmem:s7+$0xFFFFFE90] =	vst v49;
	v54 =	vld.idx.msk [tilespmem:v60+s16+$0x0], $0xffff  }
0x470: {  	v49 =	vor.u32 v18, v43;
	[tilespmem:s7+$0x190] =	vst v55;
	v56 =	vld.idx.msk [tilespmem:v62+s16+$0x0], $0xffff  }
0x471: {  	[tilespmem:s7+$0xFFFFFF90] =	vst v51;
	v60 =	vor.u32 v18, v42;
	v53 =	vld.idx.msk [tilespmem:v53+s16+$0x0], $0xffff  }
0x472: {  	v51 =	vor.u32 v18, v45;
	[tilespmem:s7+$0xFFFFFF10] =	vst v1;
	v1 =	vld.idx.msk [tilespmem:v61+s16+$0x0], $0xffff  }
0x473: {  	v50 =	vor.u32 v19, v47;
	v2 =	vld.idx.msk [tilespmem:v2+s16+$0x0], $0xffff;
	[tilespmem:s7+$0x10] =	vst v52  }
0x474: {  	v62 =	vor.u32 v18, v46;
	v61 =	vld.idx.msk [tilespmem:v63+s16+$0x0], $0xffff;
	[tilespmem:s7+$0x90] =	vst v54  }
0x475: {  	v63 =	vor.u32 v18, v44;
	v49 =	vld.idx.msk [tilespmem:v49+s16+$0x0], $0xffff;
	[tilespmem:s7+$0xFFFFFEA0] =	vst v56  }
0x476: {  	v48 =	vld.idx.msk [tilespmem:v60+s16+$0x0], $0xffff;
	v60 =	vor.u32 v19, v41;
	[tilespmem:s7+$0x1A0] =	vst v53  }
0x477: {  	[tilespmem:s7+$0xFFFFFE10] =	vst v1;
	v1 =	vld.idx.msk [tilespmem:v51+s16+$0x0], $0xffff;
	v51 =	vor.u32 v19, v42  }
0x478: {  	[tilespmem:s7+$0x110] =	vst v2;
	v2 =	vor.u32 v19, v40;
	v50 =	vld.idx.msk [tilespmem:v50+s16+$0x0], $0xffff  }
0x479: {  	v56 =	vor.u32 v20, v47;
	v55 =	vld.idx.msk [tilespmem:v62+s16+$0x0], $0xffff;
	[tilespmem:s7+$0xFFFFFF20] =	vst v61  }
0x47a: {  	v61 =	vor.u32 v19, v43;
	v54 =	vld.idx.msk [tilespmem:v63+s16+$0x0], $0xffff;
	[tilespmem:s7+$0x20] =	vst v49  }
0x47b: {  	v62 =	vor.u32 v19, v45;
	[tilespmem:s7+$0xFFFFFFA0] =	vst v48;
	v48 =	vld.idx.msk [tilespmem:v60+s16+$0x0], $0xffff  }
0x47c: {  	v63 =	vor.u32 v19, v46;
	v51 =	vld.idx.msk [tilespmem:v51+s16+$0x0], $0xffff;
	[tilespmem:s7+$0xA0] =	vst v1  }
0x47d: {  	v1 =	vor.u32 v20, v41;
	v2 =	vld.idx.msk [tilespmem:v2+s16+$0x0], $0xffff;
	[tilespmem:s7+$0x1B0] =	vst v50  }
0x47e: {  	v60 =	vor.u32 v19, v44;
	v56 =	vld.idx.msk [tilespmem:v56+s16+$0x0], $0xffff;
	[tilespmem:s7+$0x120] =	vst v55  }
0x47f: {  	v52 =	vld.idx.msk [tilespmem:v61+s16+$0x0], $0xffff;
	v61 =	vor.u32 v20, v40;
	[tilespmem:s7+$0xFFFFFE20] =	vst v54  }
0x480: {  	v53 =	vld.idx.msk [tilespmem:v62+s16+$0x0], $0xffff;
	v62 =	vor.u32 v20, v42;
	[tilespmem:s7+$0xFFFFFEB0] =	vst v48  }
0x481: {  	v54 =	vor.u32 v21, v47;
	v49 =	vld.idx.msk [tilespmem:v63+s16+$0x0], $0xffff;
	[tilespmem:s7+$0xFFFFFFB0] =	vst v51  }
0x482: {  	v63 =	vor.u32 v20, v43;
	v1 =	vld.idx.msk [tilespmem:v1+s16+$0x0], $0xffff;
	[tilespmem:s7+$0xFFFFFF30] =	vst v2  }
0x483: {  	v51 =	vor.u32 v20, v45;
	v2 =	vld.idx.msk [tilespmem:v60+s16+$0x0], $0xffff;
	[tilespmem:s7+$0x1C0] =	vst v56  }
0x484: {  	v60 =	vor.u32 v20, v46;
	v55 =	vld.idx.msk [tilespmem:v61+s16+$0x0], $0xffff;
	[tilespmem:s7+$0x30] =	vst v52  }
0x485: {  	v61 =	vor.u32 v20, v44;
	[tilespmem:s7+$0xB0] =	vst v53;
	v48 =	vld.idx.msk [tilespmem:v62+s16+$0x0], $0xffff  }
0x486: {  	v62 =	vor.u32 v21, v41;
	v54 =	vld.idx.msk [tilespmem:v54+s16+$0x0], $0xffff;
	[tilespmem:s7+$0x130] =	vst v49  }
0x487: {  	v49 =	vld.idx.msk [tilespmem:v63+s16+$0x0], $0xffff;
	v63 =	vor.u32 v22, v47;
	[tilespmem:s7+$0xFFFFFEC0] =	vst v1  }
0x488: {  	v51 =	vld.idx.msk [tilespmem:v51+s16+$0x0], $0xffff;
	v1 =	vor.u32 v21, v42;
	[tilespmem:s7+$0xFFFFFE30] =	vst v2  }
0x489: {  	v2 =	vor.u32 v21, v40;
	v56 =	vld.idx.msk [tilespmem:v60+s16+$0x0], $0xffff;
	[tilespmem:s7+$0xFFFFFF40] =	vst v55  }
0x48a: {  	v60 =	vor.u32 v21, v43;
	v52 =	vld.idx.msk [tilespmem:v61+s16+$0x0], $0xffff;
	[tilespmem:s7+$0xFFFFFFC0] =	vst v48  }
0x48b: {  	v53 =	vld.idx.msk [tilespmem:v62+s16+$0x0], $0xffff;
	v61 =	vor.u32 v21, v45;
	[tilespmem:s7+$0x1D0] =	vst v54  }
0x48c: {  	v62 =	vor.u32 v21, v46;
	[tilespmem:s7+$0x40] =	vst v49;
	v50 =	vld.idx.msk [tilespmem:v63+s16+$0x0], $0xffff  }
0x48d: {  	v63 =	vor.u32 v21, v44;
	[tilespmem:s7+$0xC0] =	vst v51;
	v1 =	vld.idx.msk [tilespmem:v1+s16+$0x0], $0xffff  }
0x48e: {  	v47 =	vor.u32 v23, v47;
	v2 =	vld.idx.msk [tilespmem:v2+s16+$0x0], $0xffff;
	[tilespmem:s7+$0x140] =	vst v56  }
0x48f: {  	v57 =	vor.u32 v22, v41;
	v55 =	vld.idx.msk [tilespmem:v60+s16+$0x0], $0xffff;
	[tilespmem:s7+$0xFFFFFE40] =	vst v52  }
0x490: {  	v59 =	vor.u32 v22, v42;
	v54 =	vld.idx.msk [tilespmem:v61+s16+$0x0], $0xffff;
	[tilespmem:s7+$0xFFFFFED0] =	vst v53  }
0x491: {  	v58 =	vor.u32 v22, v40;
	v48 =	vld.idx.msk [tilespmem:v62+s16+$0x0], $0xffff;
	[tilespmem:s7+$0x1E0] =	vst v50  }
0x492: {  	v60 =	vor.u32 v22, v43;
	v49 =	vld.idx.msk [tilespmem:v63+s16+$0x0], $0xffff;
	[tilespmem:s7+$0xFFFFFFD0] =	vst v1  }
0x493: {  	v61 =	vor.u32 v22, v46;
	v47 =	vld.idx.msk [tilespmem:v47+s16+$0x0], $0xffff;
	[tilespmem:s7+$0xFFFFFF50] =	vst v2  }
0x494: {  	v62 =	vor.u32 v22, v44;
	v1 =	vld.idx.msk [tilespmem:v57+s16+$0x0], $0xffff;
	[tilespmem:s7+$0x50] =	vst v55  }
0x495: {  	v2 =	vor.u32 v22, v45;
	v53 =	vld.idx.msk [tilespmem:v59+s16+$0x0], $0xffff;
	[tilespmem:s7+$0xD0] =	vst v54  }
0x496: {  	v41 =	vor.u32 v23, v41;
	v52 =	vld.idx.msk [tilespmem:v58+s16+$0x0], $0xffff;
	[tilespmem:s7+$0x150] =	vst v48  }
0x497: {  	v42 =	vor.u32 v23, v42;
	v63 =	vld.idx.msk [tilespmem:v60+s16+$0x0], $0xffff;
	[tilespmem:s7+$0xFFFFFE50] =	vst v49  }
0x498: {  	v40 =	vor.u32 v23, v40;
	v54 =	vld.idx.msk [tilespmem:v61+s16+$0x0], $0xffff;
	[tilespmem:s7+$0x1F0] =	vst v47  }
0x499: {  	v46 =	vor.u32 v23, v46;
	[tilespmem:s7+$0xFFFFFEE0] =	vst v1;
	v1 =	vld.idx.msk [tilespmem:v62+s16+$0x0], $0xffff  }
0x49a: {  	v43 =	vor.u32 v23, v43;
	v2 =	vld.idx.msk [tilespmem:v2+s16+$0x0], $0xffff;
	[tilespmem:s7+$0xFFFFFFE0] =	vst v53  }
0x49b: {  	v56 =	vor.u32 v23, v44;
	v41 =	vld.idx.msk [tilespmem:v41+s16+$0x0], $0xffff;
	[tilespmem:s7+$0xFFFFFF60] =	vst v52  }
0x49c: {  	v45 =	vor.u32 v23, v45;
	[tilespmem:s7+$0x60] =	vst v63;
	v42 =	vld.idx.msk [tilespmem:v42+s16+$0x0], $0xffff  }
0x49d: {  	v40 =	vld.idx.msk [tilespmem:v40+s16+$0x0], $0xffff;
	[tilespmem:s7+$0x160] =	vst v54  }
0x49e: {  	[tilespmem:s7+$0xFFFFFE60] =	vst v1;
	v1 =	vld.idx.msk [tilespmem:v46+s16+$0x0], $0xffff  }
0x49f: {  	[tilespmem:s7+$0xE0] =	vst v2;
	v2 =	vld.idx.msk [tilespmem:v43+s16+$0x0], $0xffff  }
0x4a0: {  	[tilespmem:s7+$0xFFFFFEF0] =	vst v41;
	v58 =	vld.idx.msk [tilespmem:v56+s16+$0x0], $0xffff  }
0x4a1: {  	v57 =	vld.idx.msk [tilespmem:v45+s16+$0x0], $0xffff;
	[tilespmem:s7+$0xFFFFFFF0] =	vst v42  }
0x4a2: {  	[tilespmem:s7+$0xFFFFFF70] =	vst v40  }
0x4a3: {  	[tilespmem:s7+$0x170] =	vst v1  }
0x4a4: {  	s29 =	simm.s32 $0x2;
	[tilespmem:s7+$0x70] =	vst v2  }
0x4a5: {  	s9 =	simm.s32 $0x0;
	s30 =	simm.s32 $0x3;
	s31 =	simm.s32 $0x4;
	v59 =	vmov s29;
	[tilespmem:s7+$0xFFFFFE70] =	vst v58  }
0x4a6: {  	s10 =	simm.s32 $0x1;
	v61 =	vmov s30;
	v62 =	vmov s31;
	v2 =	vmov s9;
	[tilespmem:s7+$0xF0] =	vst v57;
	s7 =	simm.s32 $0x7  }
0x4a7: {  	s9 =	simm.s32 $0x6;
	v1 =	vand.u32 $0x78, v2;
	v2 =	vmov s10;
	s0 =	rddreg [dreg:$0x5];
	v60 =	vmov s7;
	s7 =	simm.s32 $0x5  }
0x4a8: {  	v56 =	vmov s9;
	v40 =	vbroadcast v1, $0x0;
	v2 =	vand.u32 $0x79, v2;
	[hbm4b:s0+s20] =	stream.strided.scatter [tilespmem:s22], [sflag:$0x3], $0x2000, s21, s20, $0x38;
	[tilespmem:$0xDA00] =	vst v63  }
0x4a9: {  	v42 =	vand.u32 $0x7F, v60;
	v63 =	vmov s7;
	v47 =	vbroadcast v2, $0x0;
	_ =	swait.ge [sflag:s23], $0x4000  }
0x4aa: {  	v2 =	vand.u32 $0x7A, v59;
	v1 =	vor.u32 v12, v40;
	v44 =	vbroadcast v42, $0x0;
	[sflag:s23] =	ssyncset.done $0x0  }
0x4ab: {  	v46 =	vbroadcast v2, $0x0;
	v2 =	vand.u32 $0x7B, v61;
	v58 =	vor.u32 v12, v47;
	[sflag:s23] =	ssyncadd.s32 $0xFFFFC000  }
0x4ac: {  	v45 =	vbroadcast v2, $0x0;
	v2 =	vand.u32 $0x7C, v62;
	v57 =	vor.u32 v12, v44;
	_ =	swait.ge [sflag:s26], $0x2000  }
0x4ad: {  	v59 =	vor.u32 v12, v46;
	v43 =	vbroadcast v2, $0x0;
	v2 =	vand.u32 $0x7D, v63;
	[sflag:s26] =	ssyncset.done $0x0  }
0x4ae: {  	v60 =	vor.u32 v12, v45;
	v42 =	vbroadcast v2, $0x0;
	v2 =	vand.u32 $0x7E, v56;
	[sflag:s26] =	ssyncadd.s32 $0xFFFFE000  }
0x4af: {  	v61 =	vor.u32 v12, v43;
	v41 =	vbroadcast v2, $0x0;
	v1 =	vld.idx.msk [tilespmem:v1+s18+$0x0], $0xffff  }
0x4b0: {  	v2 =	vor.u32 v12, v42;
	v52 =	vld.idx.msk [tilespmem:v58+s18+$0x0], $0xffff  }
0x4b1: {  	v62 =	vor.u32 v12, v41;
	v51 =	vld.idx.msk [tilespmem:v57+s18+$0x0], $0xffff  }
0x4b2: {  	v54 =	vor.u32 v17, v44;
	v48 =	vld.idx.msk [tilespmem:v59+s18+$0x0], $0xffff  }
0x4b3: {  	v63 =	vor.u32 v17, v47;
	v49 =	vld.idx.msk [tilespmem:v60+s18+$0x0], $0xffff  }
0x4b4: {  	s1 =	simm.s32 $0xBC00;
	v60 =	vor.u32 v17, v46;
	v50 =	vld.idx.msk [tilespmem:v61+s18+$0x0], $0xffff  }
0x4b5: {  	v61 =	vor.u32 v17, v45;
	v2 =	vld.idx.msk [tilespmem:v2+s18+$0x0], $0xffff;
	[tilespmem:s1+$0xFFFFFE80] =	vst v52  }
0x4b6: {  	v58 =	vor.u32 v17, v43;
	v53 =	vld.idx.msk [tilespmem:v62+s18+$0x0], $0xffff;
	[tilespmem:s1+$0x180] =	vst v51  }
0x4b7: {  	v62 =	vor.u32 v17, v42;
	[tilespmem:s1+$0xFFFFFE00] =	vst v1;
	v52 =	vld.idx.msk [tilespmem:v54+s18+$0x0], $0xffff  }
0x4b8: {  	[tilespmem:s1+$0xFFFFFF00] =	vst v48;
	v48 =	vor.u32 v17, v41;
	v54 =	vld.idx.msk [tilespmem:v63+s18+$0x0], $0xffff  }
0x4b9: {  	v55 =	vld.idx.msk [tilespmem:v60+s18+$0x0], $0xffff;
	[tilespmem:s1+$0xFFFFFF80] =	vst v49;
	v60 =	vor.u32 v17, v40  }
0x4ba: {  	v63 =	vor.u32 v18, v44;
	v57 =	vld.idx.msk [tilespmem:v61+s18+$0x0], $0xffff;
	[tilespmem:s1+$0x0] =	vst v50  }
0x4bb: {  	v61 =	vor.u32 v18, v47;
	v58 =	vld.idx.msk [tilespmem:v58+s18+$0x0], $0xffff;
	[tilespmem:s1+$0x80] =	vst v2  }
0x4bc: {  	v2 =	vor.u32 v18, v46;
	v51 =	vld.idx.msk [tilespmem:v62+s18+$0x0], $0xffff;
	[tilespmem:s1+$0x100] =	vst v53  }
0x4bd: {  	v62 =	vor.u32 v18, v45;
	v48 =	vld.idx.msk [tilespmem:v48+s18+$0x0], $0xffff;
	[tilespmem:s1+$0x190] =	vst v52  }
0x4be: {  	v1 =	vor.u32 v18, v43;
	v52 =	vld.idx.msk [tilespmem:v60+s18+$0x0], $0xffff;
	[tilespmem:s1+$0xFFFFFE90] =	vst v54  }
0x4bf: {  	v54 =	vor.u32 v18, v42;
	[tilespmem:s1+$0xFFFFFF10] =	vst v55;
	v49 =	vld.idx.msk [tilespmem:v63+s18+$0x0], $0xffff  }
0x4c0: {  	v56 =	vor.u32 v18, v41;
	v50 =	vld.idx.msk [tilespmem:v61+s18+$0x0], $0xffff;
	[tilespmem:s1+$0xFFFFFF90] =	vst v57  }
0x4c1: {  	v63 =	vor.u32 v19, v44;
	v2 =	vld.idx.msk [tilespmem:v2+s18+$0x0], $0xffff;
	[tilespmem:s1+$0x10] =	vst v58  }
0x4c2: {  	v60 =	vor.u32 v18, v40;
	v53 =	vld.idx.msk [tilespmem:v62+s18+$0x0], $0xffff;
	[tilespmem:s1+$0x90] =	vst v51  }
0x4c3: {  	v61 =	vor.u32 v19, v47;
	v1 =	vld.idx.msk [tilespmem:v1+s18+$0x0], $0xffff;
	[tilespmem:s1+$0x110] =	vst v48  }
0x4c4: {  	v62 =	vor.u32 v19, v46;
	v54 =	vld.idx.msk [tilespmem:v54+s18+$0x0], $0xffff;
	[tilespmem:s1+$0xFFFFFE10] =	vst v52  }
0x4c5: {  	v55 =	vld.idx.msk [tilespmem:v56+s18+$0x0], $0xffff;
	[tilespmem:s1+$0x1A0] =	vst v49;
	v49 =	vor.u32 v19, v45  }
0x4c6: {  	[tilespmem:s1+$0xFFFFFEA0] =	vst v50;
	v48 =	vld.idx.msk [tilespmem:v63+s18+$0x0], $0xffff;
	v63 =	vor.u32 v19, v43  }
0x4c7: {  	v56 =	vld.idx.msk [tilespmem:v60+s18+$0x0], $0xffff;
	[tilespmem:s1+$0xFFFFFF20] =	vst v2;
	v2 =	vor.u32 v19, v42  }
0x4c8: {  	v57 =	vld.idx.msk [tilespmem:v61+s18+$0x0], $0xffff;
	v61 =	vor.u32 v19, v41;
	[tilespmem:s1+$0xFFFFFFA0] =	vst v53  }
0x4c9: {  	v60 =	vor.u32 v20, v44;
	v51 =	vld.idx.msk [tilespmem:v62+s18+$0x0], $0xffff;
	[tilespmem:s1+$0x20] =	vst v1  }
0x4ca: {  	v62 =	vor.u32 v19, v40;
	[tilespmem:s1+$0xA0] =	vst v54;
	v49 =	vld.idx.msk [tilespmem:v49+s18+$0x0], $0xffff  }
0x4cb: {  	v1 =	vor.u32 v20, v47;
	[tilespmem:s1+$0x120] =	vst v55;
	v52 =	vld.idx.msk [tilespmem:v63+s18+$0x0], $0xffff  }
0x4cc: {  	[tilespmem:s1+$0x1B0] =	vst v48;
	v48 =	vor.u32 v20, v46;
	v2 =	vld.idx.msk [tilespmem:v2+s18+$0x0], $0xffff  }
0x4cd: {  	[tilespmem:s1+$0xFFFFFE20] =	vst v56;
	v63 =	vor.u32 v20, v45;
	v53 =	vld.idx.msk [tilespmem:v61+s18+$0x0], $0xffff  }
0x4ce: {  	[tilespmem:s1+$0xFFFFFEB0] =	vst v57;
	v61 =	vor.u32 v20, v43;
	v50 =	vld.idx.msk [tilespmem:v60+s18+$0x0], $0xffff  }
0x4cf: {  	v60 =	vor.u32 v21, v44;
	v56 =	vld.idx.msk [tilespmem:v62+s18+$0x0], $0xffff;
	[tilespmem:s1+$0xFFFFFF30] =	vst v51  }
0x4d0: {  	v1 =	vld.idx.msk [tilespmem:v1+s18+$0x0], $0xffff;
	v62 =	vor.u32 v20, v42;
	[tilespmem:s1+$0xFFFFFFB0] =	vst v49  }
0x4d1: {  	v58 =	vor.u32 v20, v40;
	v48 =	vld.idx.msk [tilespmem:v48+s18+$0x0], $0xffff;
	[tilespmem:s1+$0x30] =	vst v52  }
0x4d2: {  	v49 =	vor.u32 v20, v41;
	v54 =	vld.idx.msk [tilespmem:v63+s18+$0x0], $0xffff;
	[tilespmem:s1+$0xB0] =	vst v2  }
0x4d3: {  	[tilespmem:s1+$0x1C0] =	vst v50;
	v50 =	vor.u32 v21, v47;
	v57 =	vld.idx.msk [tilespmem:v61+s18+$0x0], $0xffff  }
0x4d4: {  	[tilespmem:s1+$0x130] =	vst v53;
	v63 =	vld.idx.msk [tilespmem:v60+s18+$0x0], $0xffff;
	v60 =	vor.u32 v21, v46  }
0x4d5: {  	v2 =	vld.idx.msk [tilespmem:v62+s18+$0x0], $0xffff;
	[tilespmem:s1+$0xFFFFFE30] =	vst v56;
	v62 =	vor.u32 v21, v45  }
0x4d6: {  	[tilespmem:s1+$0xFFFFFEC0] =	vst v1;
	v1 =	vor.u32 v21, v43;
	v56 =	vld.idx.msk [tilespmem:v58+s18+$0x0], $0xffff  }
0x4d7: {  	v61 =	vor.u32 v22, v44;
	v49 =	vld.idx.msk [tilespmem:v49+s18+$0x0], $0xffff;
	[tilespmem:s1+$0xFFFFFF40] =	vst v48  }
0x4d8: {  	v52 =	vor.u32 v21, v40;
	[tilespmem:s1+$0xFFFFFFC0] =	vst v54;
	v50 =	vld.idx.msk [tilespmem:v50+s18+$0x0], $0xffff  }
0x4d9: {  	v48 =	vor.u32 v21, v42;
	[tilespmem:s1+$0x40] =	vst v57;
	v55 =	vld.idx.msk [tilespmem:v60+s18+$0x0], $0xffff  }
0x4da: {  	v58 =	vor.u32 v21, v41;
	[tilespmem:s1+$0xC0] =	vst v2;
	v60 =	vld.idx.msk [tilespmem:v62+s18+$0x0], $0xffff  }
0x4db: {  	v54 =	vor.u32 v22, v47;
	[tilespmem:s1+$0x1D0] =	vst v63;
	v1 =	vld.idx.msk [tilespmem:v1+s18+$0x0], $0xffff  }
0x4dc: {  	v53 =	vor.u32 v22, v46;
	[tilespmem:s1+$0xFFFFFE40] =	vst v56;
	v51 =	vld.idx.msk [tilespmem:v61+s18+$0x0], $0xffff  }
0x4dd: {  	v2 =	vor.u32 v23, v44;
	v61 =	vld.idx.msk [tilespmem:v52+s18+$0x0], $0xffff;
	[tilespmem:s1+$0x140] =	vst v49  }
0x4de: {  	s0 =	simm.s32 $0x8;
	v57 =	vld.idx.msk [tilespmem:v48+s18+$0x0], $0xffff;
	v48 =	vor.u32 v22, v45;
	[tilespmem:s1+$0xFFFFFED0] =	vst v50  }
0x4df: {  	v63 =	vmov s0;
	v52 =	vor.u32 v22, v43;
	v58 =	vld.idx.msk [tilespmem:v58+s18+$0x0], $0xffff;
	[tilespmem:s1+$0xFFFFFF50] =	vst v55  }
0x4e0: {  	v44 =	vand.u32 $0x78, v63;
	v49 =	vld.idx.msk [tilespmem:v54+s18+$0x0], $0xffff;
	v54 =	vor.u32 v22, v42;
	[tilespmem:s1+$0xFFFFFFD0] =	vst v60  }
0x4e1: {  	v44 =	vbroadcast v44, $0x0;
	v55 =	vor.u32 v22, v41;
	[tilespmem:s1+$0x1E0] =	vst v51;
	v53 =	vld.idx.msk [tilespmem:v53+s18+$0x0], $0xffff  }
0x4e2: {  	v60 =	vor.u32 v22, v40;
	[tilespmem:s1+$0x50] =	vst v1;
	v59 =	vld.idx.msk [tilespmem:v2+s18+$0x0], $0xffff  }
0x4e3: {  	[tilespmem:s1+$0xFFFFFE50] =	vst v61;
	v50 =	vld.idx.msk [tilespmem:v48+s18+$0x0], $0xffff;
	v48 =	vor.u32 v12, v44  }
0x4e4: {  	s10 =	simm.s32 $0x9;
	v56 =	vor.u32 v23, v47;
	v51 =	vld.idx.msk [tilespmem:v52+s18+$0x0], $0xffff;
	[tilespmem:s1+$0xD0] =	vst v57  }
0x4e5: {  	s29 =	simm.s32 $0xA;
	s30 =	simm.s32 $0xB;
	s31 =	simm.s32 $0xC;
	v46 =	vor.u32 v23, v46;
	v47 =	vmov s10;
	v45 =	vor.u32 v23, v45;
	[tilespmem:s1+$0x150] =	vst v58;
	v52 =	vld.idx.msk [tilespmem:v54+s18+$0x0], $0xffff  }
0x4e6: {  	s9 =	simm.s32 $0xF;
	s7 =	simm.s32 $0x10;
	s10 =	simm.s32 $0xD;
	v57 =	vmov s29;
	v58 =	vmov s30;
	v54 =	vmov s31;
	v55 =	vld.idx.msk [tilespmem:v55+s18+$0x0], $0xffff  }
.LBB2_14:
0x4e7: {  	p0 =	slt.u32 s7, $0x38;
	v1 =	vmov s10;
	s10 =	sadd.s32 $0x6, s0;
	v2 =	vmov s9;
	v60 =	vld.idx.msk [tilespmem:v60+s18+$0x0], $0xffff;
	v43 =	vor.u32 v23, v43;
	[tilespmem:s1+$0x1F0] =	vst v59;
	s0 =	smov.u32 s7  }
0x4e8: {  	v42 =	vor.u32 v23, v42;
	v59 =	vld.idx.msk [tilespmem:v48+s18+$0x0], $0xffff;
	v61 =	vmov s10;
	v2 =	vand.u32 $0x7F, v2;
	[tilespmem:s1+$0xFFFFFEE0] =	vst v49  }
0x4e9: {  	v47 =	vand.u32 $0x79, v47;
	v41 =	vor.u32 v23, v41;
	v48 =	vbroadcast v2, $0x0;
	v2 =	vld.idx.msk [tilespmem:v56+s18+$0x0], $0xffff;
	[tilespmem:s1+$0xFFFFFF60] =	vst v53  }
0x4ea: {  	v47 =	vbroadcast v47, $0x0;
	v49 =	vand.u32 $0x7A, v57;
	v53 =	vor.u32 v23, v40;
	v40 =	vmovc v44;
	v56 =	vld.idx.msk [tilespmem:v46+s18+$0x0], $0xffff;
	[tilespmem:s1+$0xFFFFFFE0] =	vst v50  }
0x4eb: {  	v44 =	vand.u32 $0x7B, v58;
	v46 =	vbroadcast v49, $0x0;
	v49 =	vor.u32 v12, v48;
	v50 =	vld.idx.msk [tilespmem:v45+s18+$0x0], $0xffff;
	[tilespmem:s1+$0x60] =	vst v51  }
0x4ec: {  	v51 =	vor.u32 v12, v47;
	v45 =	vbroadcast v44, $0x0;
	v44 =	vand.u32 $0x7C, v54;
	v54 =	vld.idx.msk [tilespmem:v43+s18+$0x0], $0xffff;
	[tilespmem:s1+$0xE0] =	vst v52  }
0x4ed: {  	v1 =	vand.u32 $0x7D, v1;
	v52 =	vor.u32 v12, v46;
	v43 =	vbroadcast v44, $0x0;
	v44 =	vld.idx.msk [tilespmem:v42+s18+$0x0], $0xffff;
	[tilespmem:s1+$0x160] =	vst v55  }
0x4ee: {  	v55 =	vor.u32 v12, v45;
	v42 =	vbroadcast v1, $0x0;
	v1 =	vand.u32 $0x7E, v61;
	[tilespmem:s1+$0xFFFFFE60] =	vst v60;
	v57 =	vld.idx.msk [tilespmem:v41+s18+$0x0], $0xffff  }
0x4ef: {  	v58 =	vor.u32 v12, v43;
	v41 =	vbroadcast v1, $0x0;
	v1 =	vld.idx.msk [tilespmem:v53+s18+$0x0], $0xffff;
	[tilespmem:s1+$0xFFFFFEF0] =	vst v2  }
0x4f0: {  	v2 =	vor.u32 v12, v42;
	v49 =	vld.idx.msk [tilespmem:v49+s18+$0x0], $0xffff;
	[tilespmem:s1+$0xFFFFFF70] =	vst v56  }
0x4f1: {  	v53 =	vor.u32 v12, v41;
	v51 =	vld.idx.msk [tilespmem:v51+s18+$0x0], $0xffff;
	[tilespmem:s1+$0xFFFFFFF0] =	vst v50  }
0x4f2: {  	v50 =	vld.idx.msk [tilespmem:v52+s18+$0x0], $0xffff;
	v52 =	vor.u32 v17, v48;
	[tilespmem:s1+$0x70] =	vst v54  }
0x4f3: {  	v54 =	vor.u32 v17, v47;
	v55 =	vld.idx.msk [tilespmem:v55+s18+$0x0], $0xffff;
	[tilespmem:s1+$0xF0] =	vst v44  }
0x4f4: {  	v44 =	vor.u32 v17, v46;
	v56 =	vld.idx.msk [tilespmem:v58+s18+$0x0], $0xffff;
	[tilespmem:s1+$0x170] =	vst v57  }
0x4f5: {  	v57 =	vor.u32 v17, v45;
	v2 =	vld.idx.msk [tilespmem:v2+s18+$0x0], $0xffff;
	[tilespmem:s1+$0xFFFFFE70] =	vst v1;
	s1 =	sadd.s32 $0x400, s1  }
0x4f6: {  	v1 =	vor.u32 v17, v43;
	v53 =	vld.idx.msk [tilespmem:v53+s18+$0x0], $0xffff;
	[tilespmem:s1+$0x180] =	vst v49  }
0x4f7: {  	v49 =	vor.u32 v17, v42;
	[tilespmem:s1+$0xFFFFFE80] =	vst v51;
	v51 =	vld.idx.msk [tilespmem:v52+s18+$0x0], $0xffff  }
0x4f8: {  	v52 =	vld.idx.msk [tilespmem:v54+s18+$0x0], $0xffff;
	[tilespmem:s1+$0xFFFFFF00] =	vst v50;
	v50 =	vor.u32 v17, v41  }
0x4f9: {  	v54 =	vor.u32 v18, v48;
	v44 =	vld.idx.msk [tilespmem:v44+s18+$0x0], $0xffff;
	[tilespmem:s1+$0xFFFFFF80] =	vst v55  }
0x4fa: {  	v55 =	vor.u32 v17, v40;
	v57 =	vld.idx.msk [tilespmem:v57+s18+$0x0], $0xffff;
	[tilespmem:s1+$0x0] =	vst v56  }
0x4fb: {  	v56 =	vor.u32 v18, v47;
	v1 =	vld.idx.msk [tilespmem:v1+s18+$0x0], $0xffff;
	[tilespmem:s1+$0x80] =	vst v2  }
0x4fc: {  	v2 =	vor.u32 v18, v46;
	v49 =	vld.idx.msk [tilespmem:v49+s18+$0x0], $0xffff;
	[tilespmem:s1+$0x100] =	vst v53  }
0x4fd: {  	v53 =	vor.u32 v18, v45;
	v50 =	vld.idx.msk [tilespmem:v50+s18+$0x0], $0xffff;
	[tilespmem:s1+$0x190] =	vst v51  }
0x4fe: {  	v51 =	vor.u32 v18, v43;
	[tilespmem:s1+$0xFFFFFE00] =	vst v59;
	v54 =	vld.idx.msk [tilespmem:v54+s18+$0x0], $0xffff  }
0x4ff: {  	v55 =	vld.idx.msk [tilespmem:v55+s18+$0x0], $0xffff;
	[tilespmem:s1+$0xFFFFFE90] =	vst v52;
	v52 =	vor.u32 v18, v42  }
0x500: {  	v56 =	vld.idx.msk [tilespmem:v56+s18+$0x0], $0xffff;
	[tilespmem:s1+$0xFFFFFF10] =	vst v44;
	v44 =	vor.u32 v19, v48  }
0x501: {  	v2 =	vld.idx.msk [tilespmem:v2+s18+$0x0], $0xffff;
	[tilespmem:s1+$0xFFFFFF90] =	vst v57;
	v57 =	vor.u32 v18, v41  }
0x502: {  	v58 =	vor.u32 v18, v40;
	v53 =	vld.idx.msk [tilespmem:v53+s18+$0x0], $0xffff;
	[tilespmem:s1+$0x10] =	vst v1  }
0x503: {  	v1 =	vor.u32 v19, v47;
	v51 =	vld.idx.msk [tilespmem:v51+s18+$0x0], $0xffff;
	[tilespmem:s1+$0x90] =	vst v49  }
0x504: {  	v49 =	vor.u32 v19, v46;
	v52 =	vld.idx.msk [tilespmem:v52+s18+$0x0], $0xffff;
	[tilespmem:s1+$0x1A0] =	vst v54  }
0x505: {  	v54 =	vor.u32 v19, v45;
	[tilespmem:s1+$0x110] =	vst v50;
	v44 =	vld.idx.msk [tilespmem:v44+s18+$0x0], $0xffff  }
0x506: {  	v50 =	vor.u32 v19, v43;
	[tilespmem:s1+$0xFFFFFE10] =	vst v55;
	v55 =	vld.idx.msk [tilespmem:v57+s18+$0x0], $0xffff  }
0x507: {  	v57 =	vld.idx.msk [tilespmem:v58+s18+$0x0], $0xffff;
	[tilespmem:s1+$0xFFFFFEA0] =	vst v56;
	v56 =	vor.u32 v20, v48  }
0x508: {  	v1 =	vld.idx.msk [tilespmem:v1+s18+$0x0], $0xffff;
	[tilespmem:s1+$0xFFFFFF20] =	vst v2;
	v2 =	vor.u32 v19, v42  }
0x509: {  	v49 =	vld.idx.msk [tilespmem:v49+s18+$0x0], $0xffff;
	[tilespmem:s1+$0xFFFFFFA0] =	vst v53;
	v53 =	vor.u32 v19, v41  }
0x50a: {  	v58 =	vor.u32 v19, v40;
	v54 =	vld.idx.msk [tilespmem:v54+s18+$0x0], $0xffff;
	[tilespmem:s1+$0x20] =	vst v51  }
0x50b: {  	v51 =	vor.u32 v20, v47;
	v50 =	vld.idx.msk [tilespmem:v50+s18+$0x0], $0xffff;
	[tilespmem:s1+$0x1B0] =	vst v44  }
0x50c: {  	v44 =	vor.u32 v20, v46;
	[tilespmem:s1+$0xA0] =	vst v52;
	v52 =	vld.idx.msk [tilespmem:v56+s18+$0x0], $0xffff  }
0x50d: {  	v56 =	vor.u32 v20, v45;
	v2 =	vld.idx.msk [tilespmem:v2+s18+$0x0], $0xffff;
	[tilespmem:s1+$0x120] =	vst v55  }
0x50e: {  	v55 =	vor.u32 v21, v48;
	[tilespmem:s1+$0xFFFFFE20] =	vst v57;
	v53 =	vld.idx.msk [tilespmem:v53+s18+$0x0], $0xffff  }
0x50f: {  	v57 =	vld.idx.msk [tilespmem:v58+s18+$0x0], $0xffff;
	[tilespmem:s1+$0xFFFFFEB0] =	vst v1;
	v1 =	vor.u32 v20, v43  }
0x510: {  	v51 =	vld.idx.msk [tilespmem:v51+s18+$0x0], $0xffff;
	[tilespmem:s1+$0xFFFFFF30] =	vst v49;
	v49 =	vor.u32 v20, v42  }
0x511: {  	v44 =	vld.idx.msk [tilespmem:v44+s18+$0x0], $0xffff;
	[tilespmem:s1+$0xFFFFFFB0] =	vst v54;
	v54 =	vor.u32 v20, v41  }
0x512: {  	v58 =	vor.u32 v20, v40;
	v56 =	vld.idx.msk [tilespmem:v56+s18+$0x0], $0xffff;
	[tilespmem:s1+$0x1C0] =	vst v52  }
0x513: {  	v52 =	vor.u32 v21, v47;
	[tilespmem:s1+$0x30] =	vst v50;
	v50 =	vld.idx.msk [tilespmem:v55+s18+$0x0], $0xffff  }
0x514: {  	v55 =	vor.u32 v21, v46;
	v1 =	vld.idx.msk [tilespmem:v1+s18+$0x0], $0xffff;
	[tilespmem:s1+$0xB0] =	vst v2  }
0x515: {  	v2 =	vld.idx.msk [tilespmem:v49+s18+$0x0], $0xffff;
	[tilespmem:s1+$0x130] =	vst v53;
	v49 =	vor.u32 v22, v48  }
0x516: {  	v53 =	vor.u32 v21, v45;
	[tilespmem:s1+$0xFFFFFE30] =	vst v57;
	v54 =	vld.idx.msk [tilespmem:v54+s18+$0x0], $0xffff  }
0x517: {  	v57 =	vld.idx.msk [tilespmem:v58+s18+$0x0], $0xffff;
	[tilespmem:s1+$0xFFFFFEC0] =	vst v51;
	v51 =	vor.u32 v21, v43  }
0x518: {  	v52 =	vld.idx.msk [tilespmem:v52+s18+$0x0], $0xffff;
	[tilespmem:s1+$0xFFFFFF40] =	vst v44;
	v44 =	vor.u32 v21, v42  }
0x519: {  	v58 =	vor.u32 v21, v41;
	v55 =	vld.idx.msk [tilespmem:v55+s18+$0x0], $0xffff;
	[tilespmem:s1+$0x1D0] =	vst v50  }
0x51a: {  	v50 =	vor.u32 v21, v40;
	[tilespmem:s1+$0xFFFFFFC0] =	vst v56;
	v56 =	vld.idx.msk [tilespmem:v49+s18+$0x0], $0xffff  }
0x51b: {  	v49 =	vor.u32 v22, v47;
	v61 =	vld.idx.msk [tilespmem:v53+s18+$0x0], $0xffff;
	[tilespmem:s1+$0x40] =	vst v1  }
0x51c: {  	v1 =	vld.idx.msk [tilespmem:v51+s18+$0x0], $0xffff;
	[tilespmem:s1+$0xC0] =	vst v2;
	v2 =	vor.u32 v23, v48  }
0x51d: {  	v48 =	vor.u32 v22, v46;
	v62 =	vld.idx.msk [tilespmem:v44+s18+$0x0], $0xffff;
	[tilespmem:s1+$0x140] =	vst v54  }
0x51e: {  	v51 =	vor.u32 v22, v45;
	[tilespmem:s1+$0xFFFFFE40] =	vst v57;
	v54 =	vld.idx.msk [tilespmem:v58+s18+$0x0], $0xffff  }
0x51f: {  	v44 =	vmov s7;
	v63 =	vld.idx.msk [tilespmem:v50+s18+$0x0], $0xffff;
	[tilespmem:s1+$0xFFFFFED0] =	vst v52;
	v52 =	vor.u32 v22, v43  }
0x520: {  	v44 =	vand.u32 $0x78, v44;
	v58 =	vor.u32 v22, v42;
	v49 =	vld.idx.msk [tilespmem:v49+s18+$0x0], $0xffff;
	[tilespmem:s1+$0x1E0] =	vst v56  }
0x521: {  	v44 =	vbroadcast v44, $0x0;
	[tilespmem:s1+$0xFFFFFF50] =	vst v55;
	v55 =	vor.u32 v22, v41;
	v59 =	vld.idx.msk [tilespmem:v2+s18+$0x0], $0xffff  }
.Ltmp6:
0x522: {  	v60 =	vor.u32 v22, v40;
	v53 =	vld.idx.msk [tilespmem:v48+s18+$0x0], $0xffff;
	[tilespmem:s1+$0xFFFFFFD0] =	vst v61;
	(pc) =	sbr.rel @p0 .LBB2_14-.Ltmp6, $4  }
0x523: {  	v48 =	vor.u32 v12, v44;
	v50 =	vld.idx.msk [tilespmem:v51+s18+$0x0], $0xffff;
	[tilespmem:s1+$0x50] =	vst v1  }
0x524: {  	s9 =	sadd.s32 $0x1, s7;
	s10 =	sadd.s32 $0x2, s7;
	v56 =	vor.u32 v23, v47;
	v51 =	vld.idx.msk [tilespmem:v52+s18+$0x0], $0xffff;
	[tilespmem:s1+$0xD0] =	vst v62  }
0x525: {  	v46 =	vor.u32 v23, v46;
	v57 =	vmov s10;
	s10 =	sadd.s32 $0x4, s7;
	v47 =	vmov s9;
	s9 =	sadd.s32 $0x3, s7;
	v52 =	vld.idx.msk [tilespmem:v58+s18+$0x0], $0xffff;
	[tilespmem:s1+$0x150] =	vst v54  }
0x526: {  	v45 =	vor.u32 v23, v45;
	s7 =	sadd.s32 $0x8, s7;
	v58 =	vmov s9;
	v54 =	vmov s10;
	s10 =	sadd.s32 $0x5, s0;
	s9 =	sadd.s32 $0x7, s0;
	[tilespmem:s1+$0xFFFFFE50] =	vst v63;
	v55 =	vld.idx.msk [tilespmem:v55+s18+$0x0], $0xffff  }
0x527: {  	_ =	sdelay $0x1  }
0x528: {  	[tilespmem:s1+$0x1F0] =	vst v59  }
0x529: {  	[tilespmem:s1+$0xFFFFFEE0] =	vst v49  }
0x52a: {  	v1 =	vmov s10;
	v2 =	vmov s9;
	v43 =	vor.u32 v23, v43;
	v49 =	vld.idx.msk [tilespmem:v60+s18+$0x0], $0xffff;
	[tilespmem:s1+$0xFFFFFF60] =	vst v53  }
0x52b: {  	v60 =	vor.u32 v23, v42;
	v62 =	vand.u32 $0x79, v47;
	v48 =	vld.idx.msk [tilespmem:v48+s18+$0x0], $0xffff;
	v2 =	vand.u32 $0x7F, v2;
	[tilespmem:s1+$0xFFFFFFE0] =	vst v50  }
0x52c: {  	v53 =	vor.u32 v23, v41;
	v41 =	vbroadcast v62, $0x0;
	v47 =	vbroadcast v2, $0x0;
	v2 =	vld.idx.msk [tilespmem:v56+s18+$0x0], $0xffff;
	[tilespmem:s1+$0x60] =	vst v51  }
0x52d: {  	v63 =	vand.u32 $0x7A, v57;
	v61 =	vand.u32 $0x7B, v58;
	v50 =	vor.u32 v23, v40;
	v56 =	vld.idx.msk [tilespmem:v46+s18+$0x0], $0xffff;
	[tilespmem:s1+$0xE0] =	vst v52  }
0x52e: {  	v40 =	vbroadcast v63, $0x0;
	v42 =	vbroadcast v61, $0x0;
	v57 =	vld.idx.msk [tilespmem:v45+s18+$0x0], $0xffff;
	v52 =	vor.u32 v12, v41;
	[tilespmem:s1+$0x160] =	vst v55  }
0x52f: {  	s0 =	sadd.s32 $0x6, s0;
	s31 =	sadd.s32 $0x400, s1;
	v62 =	vand.u32 $0x7C, v54;
	v1 =	vand.u32 $0x7D, v1;
	v51 =	vor.u32 v12, v47;
	v54 =	vld.idx.msk [tilespmem:v43+s18+$0x0], $0xffff;
	[tilespmem:s1+$0xFFFFFE60] =	vst v49  }
0x530: {  	v59 =	vmov s0;
	v45 =	vbroadcast v1, $0x0;
	v63 =	vor.u32 v12, v40;
	v58 =	vld.idx.msk [tilespmem:v60+s18+$0x0], $0xffff;
	[tilespmem:s31+$0xFFFFFE00] =	vst v48  }
0x531: {  	v1 =	vand.u32 $0x7E, v59;
	v43 =	vbroadcast v62, $0x0;
	v60 =	vor.u32 v12, v42;
	v53 =	vld.idx.msk [tilespmem:v53+s18+$0x0], $0xffff;
	[tilespmem:s1+$0xFFFFFEF0] =	vst v2  }
0x532: {  	v46 =	vbroadcast v1, $0x0;
	v61 =	vor.u32 v12, v45;
	v1 =	vld.idx.msk [tilespmem:v50+s18+$0x0], $0xffff;
	[tilespmem:s1+$0xFFFFFF70] =	vst v56  }
0x533: {  	v2 =	vor.u32 v12, v43;
	[tilespmem:s1+$0xFFFFFFF0] =	vst v57;
	v52 =	vld.idx.msk [tilespmem:v52+s18+$0x0], $0xffff  }
0x534: {  	v62 =	vor.u32 v12, v46;
	v51 =	vld.idx.msk [tilespmem:v51+s18+$0x0], $0xffff;
	[tilespmem:s1+$0x70] =	vst v54  }
0x535: {  	v54 =	vld.idx.msk [tilespmem:v63+s18+$0x0], $0xffff;
	v63 =	vor.u32 v17, v47;
	[tilespmem:s1+$0xF0] =	vst v58  }
0x536: {  	v49 =	vld.idx.msk [tilespmem:v60+s18+$0x0], $0xffff;
	[tilespmem:s1+$0x170] =	vst v53;
	v60 =	vor.u32 v17, v41  }
0x537: {  	v50 =	vld.idx.msk [tilespmem:v61+s18+$0x0], $0xffff;
	[tilespmem:s1+$0xFFFFFE70] =	vst v1;
	v1 =	vor.u32 v17, v40  }
0x538: {  	v61 =	vor.u32 v17, v42;
	v2 =	vld.idx.msk [tilespmem:v2+s18+$0x0], $0xffff;
	[tilespmem:s31+$0xFFFFFE80] =	vst v52  }
0x539: {  	v56 =	vld.idx.msk [tilespmem:v62+s18+$0x0], $0xffff;
	v62 =	vor.u32 v17, v43;
	[tilespmem:s31+$0x180] =	vst v51  }
0x53a: {  	v55 =	vld.idx.msk [tilespmem:v63+s18+$0x0], $0xffff;
	[tilespmem:s31+$0xFFFFFF00] =	vst v54;
	v63 =	vor.u32 v17, v45  }
0x53b: {  	v53 =	vor.u32 v18, v47;
	[tilespmem:s31+$0xFFFFFF80] =	vst v49;
	v49 =	vld.idx.msk [tilespmem:v60+s18+$0x0], $0xffff  }
0x53c: {  	[tilespmem:s31+$0x80] =	vst v50;
	v60 =	vor.u32 v17, v44;
	v1 =	vld.idx.msk [tilespmem:v1+s18+$0x0], $0xffff  }
0x53d: {  	v51 =	vld.idx.msk [tilespmem:v61+s18+$0x0], $0xffff;
	v61 =	vor.u32 v18, v41;
	[tilespmem:s31+$0x0] =	vst v2  }
0x53e: {  	[tilespmem:s31+$0x100] =	vst v56;
	v2 =	vor.u32 v17, v46;
	v52 =	vld.idx.msk [tilespmem:v62+s18+$0x0], $0xffff  }
0x53f: {  	v62 =	vor.u32 v18, v40;
	[tilespmem:s31+$0x190] =	vst v55;
	v54 =	vld.idx.msk [tilespmem:v63+s18+$0x0], $0xffff  }
0x540: {  	v63 =	vor.u32 v18, v42;
	[tilespmem:s31+$0xFFFFFE90] =	vst v49;
	v53 =	vld.idx.msk [tilespmem:v53+s18+$0x0], $0xffff  }
0x541: {  	v49 =	vor.u32 v18, v43;
	[tilespmem:s31+$0xFFFFFF10] =	vst v1;
	v1 =	vld.idx.msk [tilespmem:v60+s18+$0x0], $0xffff  }
0x542: {  	[tilespmem:s31+$0xFFFFFF90] =	vst v51;
	v51 =	vor.u32 v18, v45;
	v56 =	vld.idx.msk [tilespmem:v61+s18+$0x0], $0xffff  }
0x543: {  	v50 =	vor.u32 v19, v47;
	v2 =	vld.idx.msk [tilespmem:v2+s18+$0x0], $0xffff;
	[tilespmem:s31+$0x10] =	vst v52  }
0x544: {  	v61 =	vor.u32 v18, v46;
	v60 =	vld.idx.msk [tilespmem:v62+s18+$0x0], $0xffff;
	[tilespmem:s31+$0x90] =	vst v54  }
0x545: {  	v62 =	vor.u32 v18, v44;
	v48 =	vld.idx.msk [tilespmem:v63+s18+$0x0], $0xffff;
	[tilespmem:s31+$0x1A0] =	vst v53  }
0x546: {  	v63 =	vor.u32 v19, v41;
	v49 =	vld.idx.msk [tilespmem:v49+s18+$0x0], $0xffff;
	[tilespmem:s31+$0xFFFFFE10] =	vst v1  }
0x547: {  	v1 =	vld.idx.msk [tilespmem:v51+s18+$0x0], $0xffff;
	v51 =	vor.u32 v19, v42;
	[tilespmem:s31+$0xFFFFFEA0] =	vst v56  }
0x548: {  	[tilespmem:s31+$0x110] =	vst v2;
	v2 =	vor.u32 v19, v40;
	v50 =	vld.idx.msk [tilespmem:v50+s18+$0x0], $0xffff  }
0x549: {  	v56 =	vor.u32 v20, v47;
	v55 =	vld.idx.msk [tilespmem:v61+s18+$0x0], $0xffff;
	[tilespmem:s31+$0xFFFFFF20] =	vst v60  }
0x54a: {  	v60 =	vor.u32 v19, v43;
	v54 =	vld.idx.msk [tilespmem:v62+s18+$0x0], $0xffff;
	[tilespmem:s31+$0xFFFFFFA0] =	vst v48  }
0x54b: {  	v61 =	vor.u32 v19, v45;
	v48 =	vld.idx.msk [tilespmem:v63+s18+$0x0], $0xffff;
	[tilespmem:s31+$0x20] =	vst v49  }
0x54c: {  	v62 =	vor.u32 v19, v46;
	v51 =	vld.idx.msk [tilespmem:v51+s18+$0x0], $0xffff;
	[tilespmem:s31+$0xA0] =	vst v1  }
0x54d: {  	v1 =	vor.u32 v20, v41;
	v2 =	vld.idx.msk [tilespmem:v2+s18+$0x0], $0xffff;
	[tilespmem:s31+$0x1B0] =	vst v50  }
0x54e: {  	v63 =	vor.u32 v19, v44;
	v56 =	vld.idx.msk [tilespmem:v56+s18+$0x0], $0xffff;
	[tilespmem:s31+$0x120] =	vst v55  }
0x54f: {  	v59 =	vor.u32 v20, v40;
	v52 =	vld.idx.msk [tilespmem:v60+s18+$0x0], $0xffff;
	[tilespmem:s31+$0xFFFFFE20] =	vst v54  }
0x550: {  	v53 =	vld.idx.msk [tilespmem:v61+s18+$0x0], $0xffff;
	v61 =	vor.u32 v20, v42;
	[tilespmem:s31+$0xFFFFFEB0] =	vst v48  }
0x551: {  	v60 =	vor.u32 v21, v47;
	v49 =	vld.idx.msk [tilespmem:v62+s18+$0x0], $0xffff;
	[tilespmem:s31+$0xFFFFFFB0] =	vst v51  }
0x552: {  	v62 =	vor.u32 v20, v43;
	v1 =	vld.idx.msk [tilespmem:v1+s18+$0x0], $0xffff;
	[tilespmem:s31+$0xFFFFFF30] =	vst v2  }
0x553: {  	v51 =	vor.u32 v20, v45;
	v2 =	vld.idx.msk [tilespmem:v63+s18+$0x0], $0xffff;
	[tilespmem:s31+$0x1C0] =	vst v56  }
0x554: {  	v55 =	vld.idx.msk [tilespmem:v59+s18+$0x0], $0xffff;
	v56 =	vor.u32 v20, v46;
	[tilespmem:s31+$0x30] =	vst v52  }
0x555: {  	v63 =	vor.u32 v20, v44;
	[tilespmem:s31+$0xB0] =	vst v53;
	v48 =	vld.idx.msk [tilespmem:v61+s18+$0x0], $0xffff  }
0x556: {  	v54 =	vld.idx.msk [tilespmem:v60+s18+$0x0], $0xffff;
	v60 =	vor.u32 v21, v41;
	[tilespmem:s31+$0x130] =	vst v49  }
0x557: {  	v61 =	vld.idx.msk [tilespmem:v62+s18+$0x0], $0xffff;
	v62 =	vor.u32 v22, v47;
	[tilespmem:s31+$0xFFFFFEC0] =	vst v1  }
0x558: {  	v51 =	vld.idx.msk [tilespmem:v51+s18+$0x0], $0xffff;
	v1 =	vor.u32 v21, v42;
	[tilespmem:s31+$0xFFFFFE30] =	vst v2  }
0x559: {  	v2 =	vor.u32 v21, v40;
	v56 =	vld.idx.msk [tilespmem:v56+s18+$0x0], $0xffff;
	[tilespmem:s31+$0xFFFFFF40] =	vst v55  }
0x55a: {  	v57 =	vor.u32 v21, v45;
	v52 =	vld.idx.msk [tilespmem:v63+s18+$0x0], $0xffff;
	[tilespmem:s31+$0xFFFFFFC0] =	vst v48  }
0x55b: {  	v63 =	vor.u32 v21, v43;
	[tilespmem:s31+$0x1D0] =	vst v54;
	v53 =	vld.idx.msk [tilespmem:v60+s18+$0x0], $0xffff  }
0x55c: {  	v58 =	vor.u32 v21, v46;
	[tilespmem:s31+$0x40] =	vst v61;
	v50 =	vld.idx.msk [tilespmem:v62+s18+$0x0], $0xffff  }
0x55d: {  	v59 =	vor.u32 v21, v44;
	[tilespmem:s31+$0xC0] =	vst v51;
	v1 =	vld.idx.msk [tilespmem:v1+s18+$0x0], $0xffff  }
0x55e: {  	v47 =	vor.u32 v23, v47;
	v2 =	vld.idx.msk [tilespmem:v2+s18+$0x0], $0xffff;
	[tilespmem:s31+$0x140] =	vst v56  }
0x55f: {  	v60 =	vor.u32 v22, v41;
	v54 =	vld.idx.msk [tilespmem:v57+s18+$0x0], $0xffff;
	[tilespmem:s31+$0xFFFFFE40] =	vst v52  }
0x560: {  	v62 =	vor.u32 v22, v42;
	v55 =	vld.idx.msk [tilespmem:v63+s18+$0x0], $0xffff;
	[tilespmem:s31+$0xFFFFFED0] =	vst v53  }
0x561: {  	v61 =	vor.u32 v22, v40;
	v48 =	vld.idx.msk [tilespmem:v58+s18+$0x0], $0xffff;
	[tilespmem:s31+$0x1E0] =	vst v50  }
0x562: {  	v63 =	vor.u32 v22, v43;
	v49 =	vld.idx.msk [tilespmem:v59+s18+$0x0], $0xffff;
	[tilespmem:s31+$0xFFFFFFD0] =	vst v1  }
0x563: {  	v57 =	vor.u32 v22, v46;
	v47 =	vld.idx.msk [tilespmem:v47+s18+$0x0], $0xffff;
	[tilespmem:s31+$0xFFFFFF50] =	vst v2  }
0x564: {  	v58 =	vor.u32 v22, v44;
	v1 =	vld.idx.msk [tilespmem:v60+s18+$0x0], $0xffff;
	[tilespmem:s31+$0xD0] =	vst v54  }
0x565: {  	v2 =	vor.u32 v22, v45;
	v53 =	vld.idx.msk [tilespmem:v62+s18+$0x0], $0xffff;
	[tilespmem:s31+$0x50] =	vst v55  }
0x566: {  	v41 =	vor.u32 v23, v41;
	v52 =	vld.idx.msk [tilespmem:v61+s18+$0x0], $0xffff;
	[tilespmem:s31+$0x150] =	vst v48  }
0x567: {  	v42 =	vor.u32 v23, v42;
	v59 =	vld.idx.msk [tilespmem:v63+s18+$0x0], $0xffff;
	[tilespmem:s31+$0xFFFFFE50] =	vst v49  }
0x568: {  	v40 =	vor.u32 v23, v40;
	v60 =	vld.idx.msk [tilespmem:v57+s18+$0x0], $0xffff;
	[tilespmem:s31+$0x1F0] =	vst v47  }
0x569: {  	v46 =	vor.u32 v23, v46;
	[tilespmem:s31+$0xFFFFFEE0] =	vst v1;
	v1 =	vld.idx.msk [tilespmem:v58+s18+$0x0], $0xffff  }
0x56a: {  	v43 =	vor.u32 v23, v43;
	v2 =	vld.idx.msk [tilespmem:v2+s18+$0x0], $0xffff;
	[tilespmem:s31+$0xFFFFFFE0] =	vst v53  }
0x56b: {  	v61 =	vor.u32 v23, v44;
	v41 =	vld.idx.msk [tilespmem:v41+s18+$0x0], $0xffff;
	[tilespmem:s31+$0xFFFFFF60] =	vst v52  }
0x56c: {  	v45 =	vor.u32 v23, v45;
	v42 =	vld.idx.msk [tilespmem:v42+s18+$0x0], $0xffff;
	[tilespmem:s31+$0x60] =	vst v59  }
0x56d: {  	v40 =	vld.idx.msk [tilespmem:v40+s18+$0x0], $0xffff;
	[tilespmem:s31+$0x160] =	vst v60  }
0x56e: {  	[tilespmem:s31+$0xFFFFFE60] =	vst v1;
	v1 =	vld.idx.msk [tilespmem:v46+s18+$0x0], $0xffff  }
0x56f: {  	[tilespmem:s31+$0xE0] =	vst v2;
	v2 =	vld.idx.msk [tilespmem:v43+s18+$0x0], $0xffff  }
0x570: {  	[tilespmem:s31+$0xFFFFFEF0] =	vst v41;
	v63 =	vld.idx.msk [tilespmem:v61+s18+$0x0], $0xffff  }
0x571: {  	v62 =	vld.idx.msk [tilespmem:v45+s18+$0x0], $0xffff;
	[tilespmem:s31+$0xFFFFFFF0] =	vst v42  }
0x572: {  	[tilespmem:s31+$0xFFFFFF70] =	vst v40  }
0x573: {  	[tilespmem:s31+$0x170] =	vst v1  }
0x574: {  	[tilespmem:s31+$0x70] =	vst v2  }
0x575: {  	[tilespmem:s31+$0xFFFFFE70] =	vst v63  }
0x576: {  	s28 =	sadd.s32 $0x1, s28;
	[tilespmem:s31+$0xF0] =	vst v62  }
0x577: {  	[hbm4b:s11+s20] =	stream.strided.scatter [tilespmem:s24], [sflag:$0x4], $0x2000, s21, s20, $0x38;
	[tilespmem:$0xDA00] =	vst v63  }
0x578: {  	p0 =	sne.s32 s28, s12;
	_ =	swait.ge [sflag:s25], $0x2000  }
.Ltmp7:
0x579: {  	[sflag:s25] =	ssyncset.done $0x0;
	(pc) =	sbr.rel @p0 .LBB2_1-.Ltmp7, $4  }
0x57a: {  	[sflag:s25] =	ssyncadd.s32 $0xFFFFE000  }
0x57b: {  	_ =	swait.ge [sflag:s26], $0x2000  }
0x57c: {  	[sflag:s26] =	ssyncset.done $0x0  }
0x57d: {  	[sflag:s26] =	ssyncadd.s32 $0xFFFFE000  }
0x57e: {  	_ =	sfence.sel $0x180000  }
0x57f: {  	[bflag:$0x0] =	sbarrier.arrive $0xFFFF  }
0x580: {  	_ =	strace $0x90000047  }
0x581: {  	s0 =	stileid.u32;
	[bflag:$0x2] =	sbarrier.arrive $0xFFFF  }
0x582: {  	p0 =	sne.s32 s0, $0x0;
	s0 =	rddreg [dreg:$0x2]  }
0x583: {  	s0 =	sadd.s32 @!p0 $0x100000, s0  }
0x584: {  	[sflag:s0] =	ssyncadd.tile.s32 @!p0 $0x1;
	_ =	shalt  }
.Lfunc_end2:
_tile_overlayer_lowered:
.L_overlay_start_2:
0x585: {  	(tag) =	ssettag $0x2  }
0x586: {  	s0 =	rddreg [dreg:$0x0];
	s2 =	stileid.u32  }
0x587: {  	s1 =	rddreg [dreg:$0x1];
	p0 =	sne.s32 s2, $0x0  }
0x588: {  	s3 =	rddreg [dreg:$0x2];
	[bflag:$0x3] =	sbarrier.arrive $0xFFFF;
	s2 =	simm.s32 @!p0 $0x1C05  }
0x589: {  	[timem:s3], [sflag:s2] =	dma.local @!p0 [hbm:s0], s1  }
0x58a: {  	s0 =	simm.s32 @!p0 $0x5  }
0x58b: {  	_ =	swait.ge @!p0 [sflag:s0], s1  }
0x58c: {  	s1 =	ssub.s32 @!p0 $0x0, s1;
	[sflag:s0] =	ssyncset.done @!p0 $0x0  }
0x58d: {  	[sflag:s0] =	ssyncadd.s32 @!p0 s1  }
0x58e: {  	[bflag:$0x3] =	sbarrier.arrive $0xFFFF  }
0x58f: {  	_ =	shalt  }

</sc_bundles>
